<compile_context>
chip_gen: v7x
topology: tpu7x:2x2x1
jax: 0.10.2.dev20260603
libtpu: 0.0.44.dev20260713+nightly
codegen_flags: <defaults>
</compile_context>

<pallas_src>
import functools

import jax
import jax.numpy as jnp
from jax import lax
from jax.experimental import pallas as pl
from jax.experimental.pallas import tpu as pltpu
from jax.experimental.pallas import tpu_sc as plsc

_NW = 32


def _pick_block(n, cands=(1024, 1000, 800, 640, 400, 200, 80, 40, 16, 8)):
    for b in cands:
        if n % b == 0 and b <= n:
            return b
    raise ValueError(f"no block for {n}")


def _silu(z):
    return z * (1.0 / (1.0 + jnp.exp(-z)))


def _combine(big, a, b, D):
    A = a.shape[1]
    z = b + a[:, 0:1] * big[:, 0:D]
    for j in range(1, A):
        z = z + a[:, j : j + 1] * big[:, j * D : (j + 1) * D]
    return z


def _row_spec(B, cols):
    return pl.BlockSpec((B, cols), lambda i: (i, 0))


def _full_spec(shape):
    return pl.BlockSpec(shape, lambda i: (0,) * len(shape))



def _tc_embed(x, na, Wf, b):
    N, D = x.shape
    A = na.shape[1]
    B = _pick_block(N)
    body = functools.partial(_embed_body, D=D)
    return pl.pallas_call(
        body,
        grid=(N // B,),
        in_specs=[
            _row_spec(B, D),
            _row_spec(B, A),
            _full_spec(Wf.shape),
            _full_spec(b.shape),
        ],
        out_specs=_row_spec(B, D),
        out_shape=jax.ShapeDtypeStruct((N, D), jnp.float32),
    )(x, na, Wf, b)


def _embed_body(x_ref, na_ref, w_ref, b_ref, o_ref, *, D):
    big = jnp.dot(x_ref[...], w_ref[...], preferred_element_type=jnp.float32)
    o_ref[...] = _combine(big, na_ref[...], b_ref[...], D)


def _tc_edge_mlp(xi, xj, ea, W1a, W1b, b1, W2, b2):
    E, D = xi.shape
    A = ea.shape[1]
    B = _pick_block(E)
    body = functools.partial(_edge_body, D=D)
    return pl.pallas_call(
        body,
        grid=(E // B,),
        in_specs=[
            _row_spec(B, D),
            _row_spec(B, D),
            _row_spec(B, A),
            _full_spec(W1a.shape),
            _full_spec(W1b.shape),
            _full_spec(b1.shape),
            _full_spec(W2.shape),
            _full_spec(b2.shape),
        ],
        out_specs=_row_spec(B, D),
        out_shape=jax.ShapeDtypeStruct((E, D), jnp.float32),
    )(xi, xj, ea, W1a, W1b, b1, W2, b2)


def _edge_body(xi_ref, xj_ref, ea_ref, w1a_ref, w1b_ref, b1_ref, w2_ref,
               b2_ref, o_ref, *, D):
    ea = ea_ref[...]
    big = jnp.dot(xi_ref[...].astype(jnp.bfloat16), w1a_ref[...],
                  preferred_element_type=jnp.float32)
    big = big + jnp.dot(xj_ref[...].astype(jnp.bfloat16), w1b_ref[...],
                        preferred_element_type=jnp.float32)
    m = _silu(_combine(big, ea, b1_ref[...], D)).astype(jnp.bfloat16)
    big2 = jnp.dot(m, w2_ref[...], preferred_element_type=jnp.float32)
    o_ref[...] = _silu(_combine(big2, ea, b2_ref[...], D))


def _tc_update(h, g0, g1, na, W1a, W1b, b1, W2, b2):
    N, D = h.shape
    A = na.shape[1]
    B = _pick_block(N)
    body = functools.partial(_update_body, D=D)
    return pl.pallas_call(
        body,
        grid=(N // B,),
        in_specs=[
            _row_spec(B, D),
            _row_spec(B, D),
            _row_spec(B, D),
            _row_spec(B, A),
            _full_spec(W1a.shape),
            _full_spec(W1b.shape),
            _full_spec(b1.shape),
            _full_spec(W2.shape),
            _full_spec(b2.shape),
        ],
        out_specs=_row_spec(B, D),
        out_shape=jax.ShapeDtypeStruct((N, D), jnp.float32),
    )(h, g0, g1, na, W1a, W1b, b1, W2, b2)


def _update_body(h_ref, g0_ref, g1_ref, na_ref, w1a_ref, w1b_ref, b1_ref,
                 w2_ref, b2_ref, o_ref, *, D):
    h = h_ref[...]
    agg = g0_ref[...] + g1_ref[...]
    na = na_ref[...]
    big = jnp.dot(h, w1a_ref[...], preferred_element_type=jnp.float32)
    big = big + jnp.dot(agg, w1b_ref[...], preferred_element_type=jnp.float32)
    u = _silu(_combine(big, na, b1_ref[...], D))
    big2 = jnp.dot(u, w2_ref[...], preferred_element_type=jnp.float32)
    o_ref[...] = h + _combine(big2, na, b2_ref[...], D)


def _tc_head(h, na, W1, b1, W2, b2):
    N, D = h.shape
    A = na.shape[1]
    OUT = W2.shape[1] // A
    B = _pick_block(N)
    body = functools.partial(_head_body, D=D, OUT=OUT)
    return pl.pallas_call(
        body,
        grid=(N // B,),
        in_specs=[
            _row_spec(B, D),
            _row_spec(B, A),
            _full_spec(W1.shape),
            _full_spec(b1.shape),
            _full_spec(W2.shape),
            _full_spec(b2.shape),
        ],
        out_specs=_row_spec(B, OUT),
        out_shape=jax.ShapeDtypeStruct((N, OUT), jnp.float32),
    )(h, na, W1, b1, W2, b2)


def _head_body(h_ref, na_ref, w1_ref, b1_ref, w2_ref, b2_ref, o_ref, *, D, OUT):
    na = na_ref[...]
    big = jnp.dot(h_ref[...], w1_ref[...], preferred_element_type=jnp.float32)
    t = _silu(_combine(big, na, b1_ref[...], D))
    big2 = jnp.dot(t, w2_ref[...], preferred_element_type=jnp.float32)
    o_ref[...] = _combine(big2, na, b2_ref[...], OUT)



def _sc_gather(h, dst, src):
    N, D = h.shape
    E = dst.shape[0]
    EW = E // _NW
    CH = 40
    RB = 200
    nch = RB // CH
    pairs = EW // (2 * RB)
    mesh = plsc.VectorSubcoreMesh(core_axis_name="c", subcore_axis_name="s", num_cores=2, num_subcores=16)

    @functools.partial(
        pl.kernel,
        out_type=(
            jax.ShapeDtypeStruct((E, D), jnp.float32),
            jax.ShapeDtypeStruct((E, D), jnp.float32),
        ),
        mesh=mesh,
        scratch_types=[
            pltpu.VMEM((EW,), jnp.int32),
            pltpu.VMEM((EW,), jnp.int32),
            pltpu.VMEM((RB, D), jnp.float32),
            pltpu.VMEM((RB, D), jnp.float32),
            pltpu.VMEM((RB, D), jnp.float32),
            pltpu.VMEM((RB, D), jnp.float32),
            pltpu.SemaphoreType.DMA,
            pltpu.SemaphoreType.DMA,
        ],
    )
    def gk(h_hbm, d_hbm, s_hbm, xi_hbm, xj_hbm, dv, sv, ri0, rj0, ri1, rj1,
           sem_g, sem_o):
        wid = lax.axis_index("s") * 2 + lax.axis_index("c")
        base = wid * EW
        pltpu.sync_copy(d_hbm.at[pl.ds(base, EW)], dv)
        pltpu.sync_copy(s_hbm.at[pl.ds(base, EW)], sv)

        def fire_gathers(off, ri, rj):
            descs = []
            for k in range(nch):
                descs.append(pltpu.async_copy(
                    h_hbm.at[dv.at[pl.ds(off + k * CH, CH)]],
                    ri.at[pl.ds(k * CH, CH)], sem_g))
                descs.append(pltpu.async_copy(
                    h_hbm.at[sv.at[pl.ds(off + k * CH, CH)]],
                    rj.at[pl.ds(k * CH, CH)], sem_g))
            return descs

        def body(t, carry):
            offa = (2 * t) * RB
            offb = offa + RB
            da = fire_gathers(offa, ri0, rj0)
            db = fire_gathers(offb, ri1, rj1)
            for dsc in da:
                dsc.wait()
            oa = [pltpu.async_copy(ri0, xi_hbm.at[pl.ds(base + offa, RB)],
                                   sem_o),
                  pltpu.async_copy(rj0, xj_hbm.at[pl.ds(base + offa, RB)],
                                   sem_o)]
            for dsc in db:
                dsc.wait()
            ob = [pltpu.async_copy(ri1, xi_hbm.at[pl.ds(base + offb, RB)],
                                   sem_o),
                  pltpu.async_copy(rj1, xj_hbm.at[pl.ds(base + offb, RB)],
                                   sem_o)]
            for dsc in oa + ob:
                dsc.wait()
            return carry

        lax.fori_loop(0, pairs, body, 0)

    return gk(h, dst, src)


def _sc_scatter(m2, dst, zeros):
    E, D = m2.shape
    NP = zeros.shape[0]
    EW = E // _NW
    NR = NP // 16
    CH = 40
    NB = 5
    steps = EW // (NB * CH)
    mesh = plsc.VectorSubcoreMesh(core_axis_name="c", subcore_axis_name="s", num_cores=2, num_subcores=16)

    @functools.partial(
        pl.kernel,
        out_type=jax.ShapeDtypeStruct((2, NP, D), jnp.float32),
        mesh=mesh,
        scratch_types=(
            [pltpu.VMEM((CH,), jnp.int32) for _ in range(NB)]
            + [pltpu.VMEM((CH, D), jnp.float32) for _ in range(NB)]
            + [
                pltpu.VMEM_SHARED((NP, D), jnp.float32),
                pltpu.SemaphoreType.DMA,
                pltpu.SemaphoreType.DMA,
            ]
        ),
    )
    def sk(m2_hbm, d_hbm, z_hbm, out_hbm, *rest):
        dvcs = rest[:NB]
        rows = rest[NB:2 * NB]
        acc, sem_l, sem_s = rest[2 * NB:]
        c = lax.axis_index("c")
        s = lax.axis_index("s")
        wid = s * 2 + c
        pltpu.sync_copy(z_hbm.at[pl.ds(s * NR, NR)], acc.at[pl.ds(s * NR, NR)])
        plsc.subcore_barrier()
        base = wid * EW

        def body(t, carry):
            off0 = base + NB * CH * t
            loads = []
            for b in range(NB):
                off = off0 + b * CH
                loads.append([
                    pltpu.async_copy(d_hbm.at[pl.ds(off, CH)], dvcs[b], sem_l),
                    pltpu.async_copy(m2_hbm.at[pl.ds(off, CH)], rows[b],
                                     sem_l)])
            scats = []
            for b in range(NB):
                for dsc in loads[b]:
                    dsc.wait()
                scats.append(pltpu.async_copy(rows[b], acc.at[dvcs[b]], sem_s,
                                              add=True))
            for dsc in scats:
                dsc.wait()
            return carry

        lax.fori_loop(0, steps, body, 0)
        plsc.subcore_barrier()
        pltpu.sync_copy(acc.at[pl.ds(s * NR, NR)],
                        out_hbm.at[c, pl.ds(s * NR, NR)])

    return sk(m2, dst, zeros)



def kernel(x, edge_index, edge_attr, node_attr, batch, W_emb, b_emb, Wm1, bm1,
           Wm2, bm2, Wu1, bu1, Wu2, bu2, Wp1, bp1, Wp2, bp2):
    N, D = x.shape
    A = node_attr.shape[1]
    E = edge_index.shape[1]
    L = Wm1.shape[0]
    OUT = Wp2.shape[2]

    na = node_attr.at[:, 0].set(1.0)
    src = edge_index[0]
    dst = edge_index[1]
    NP = ((N + 127) // 128) * 128
    zeros = jnp.zeros((NP, D), jnp.float32)

    h = _tc_embed(x, na, W_emb.reshape(D, A * D), b_emb.reshape(1, D))

    for l in range(L):
        xi, xj = _sc_gather(h, dst, src)
        m2 = _tc_edge_mlp(
            xi, xj, edge_attr,
            Wm1[l][:D].reshape(D, A * D).astype(jnp.bfloat16),
            Wm1[l][D:].reshape(D, A * D).astype(jnp.bfloat16),
            bm1[l].reshape(1, D),
            Wm2[l].reshape(D, A * D).astype(jnp.bfloat16),
            bm2[l].reshape(1, D))
        aggp = _sc_scatter(m2, dst, zeros)
        h = _tc_update(
            h, aggp[0, :N], aggp[1, :N], na,
            Wu1[l][:D].reshape(D, A * D), Wu1[l][D:].reshape(D, A * D),
            bu1[l].reshape(1, D),
            Wu2[l].reshape(D, A * D), bu2[l].reshape(1, D))

    out = _tc_head(
        h, na,
        Wp1.reshape(D, A * D), bp1.reshape(1, D),
        Wp2.reshape(D, A * OUT), bp2.reshape(1, OUT))
    return out

# --- scband reference (transcript-rebuilt; emitter-appended) ---
"""Pipeline reference for scband-segnn-22110491640397 (READ-ONLY COPY).

The authoritative reference and input builder live on the scoring server;
editing this copy changes nothing except your own understanding.
"""

import jax, jax.numpy as jnp
import numpy as np

# All irreps are chosen as multiplicities of scalar (0e) irreps, so the e3nn
# O3TensorProduct(in1, out, in2) reduces EXACTLY to a learned fully-connected
# bilinear map: out = ((x outer attr) flattened) @ W + b. The SwishGate on
# pure-scalar irreps is exactly SiLU.

def _tp(x, attr, W, b):
    n = x.shape[0]
    i, j, o = W.shape
    xa = (x[:, :, None] * attr[:, None, :]).reshape(n, i * j)
    return xa @ W.reshape(i * j, o) + b


def setup_inputs(seed: int = 0):
    key = jax.random.key(seed)
    ks = jax.random.split(key, 24)
    N, E, D, A, L, OUT = 10000, 320000, 128, 4, 2, 128
    s = 0.05
    inp = {}
    inp['x'] = jax.random.normal(ks[0], (N, D), dtype=jnp.float32)
    inp['edge_index'] = jax.random.randint(ks[1], (2, E), 0, N)
    inp['edge_attr'] = jax.random.normal(ks[2], (E, A), dtype=jnp.float32)
    inp['node_attr'] = jax.random.normal(ks[3], (N, A), dtype=jnp.float32)
    inp['batch'] = jnp.zeros((N,), dtype=jnp.int32)
    # learned parameters (embedding, L message-passing layers, pre-pool head)
    inp['W_emb'] = jax.random.normal(ks[4], (D, A, D), dtype=jnp.float32) * s
    inp['b_emb'] = jnp.zeros((D,), dtype=jnp.float32)
    inp['Wm1'] = jax.random.normal(ks[5], (L, 2 * D, A, D), dtype=jnp.float32) * s
    inp['bm1'] = jnp.zeros((L, D), dtype=jnp.float32)
    inp['Wm2'] = jax.random.normal(ks[6], (L, D, A, D), dtype=jnp.float32) * s
    inp['bm2'] = jnp.zeros((L, D), dtype=jnp.float32)
    inp['Wu1'] = jax.random.normal(ks[7], (L, 2 * D, A, D), dtype=jnp.float32) * s
    inp['bu1'] = jnp.zeros((L, D), dtype=jnp.float32)
    inp['Wu2'] = jax.random.normal(ks[8], (L, D, A, D), dtype=jnp.float32) * s
    inp['bu2'] = jnp.zeros((L, D), dtype=jnp.float32)
    inp['Wp1'] = jax.random.normal(ks[9], (D, A, D), dtype=jnp.float32) * s
    inp['bp1'] = jnp.zeros((D,), dtype=jnp.float32)
    inp['Wp2'] = jax.random.normal(ks[10], (D, A, OUT), dtype=jnp.float32) * s
    inp['bp2'] = jnp.zeros((OUT,), dtype=jnp.float32)
    return inp


def reference(x, edge_index, edge_attr, node_attr, batch, W_emb, b_emb, Wm1, bm1, Wm2, bm2, Wu1, bu1, Wu2, bu2, Wp1, bp1, Wp2, bp2):
    N = x.shape[0]
    # catch_isolated_nodes sets node_attr[:, 0] = 1.0
    node_attr = node_attr.at[:, 0].set(1.0)
    src = edge_index[0]
    dst = edge_index[1]
    # embedding layer: O3TensorProduct(x, node_attr)
    h = _tp(x, node_attr, W_emb, b_emb)
    L = Wm1.shape[0]
    for l in range(L):
        # message: gather endpoint features (PyG: x_i = x[dst], x_j = x[src])
        x_i = h[dst]
        x_j = h[src]
        minp = jnp.concatenate([x_i, x_j], axis=-1)
        m = jax.nn.silu(_tp(minp, edge_attr, Wm1[l], bm1[l]))
        m = jax.nn.silu(_tp(m, edge_attr, Wm2[l], bm2[l]))
        # aggregate with 'add' to destination nodes
        agg = jax.ops.segment_sum(m, dst, num_segments=N)
        # update
        uinp = jnp.concatenate([h, agg], axis=-1)
        u = jax.nn.silu(_tp(uinp, node_attr, Wu1[l], bu1[l]))
        u = _tp(u, node_attr, Wu2[l], bu2[l])
        h = h + u
    # node task head: pre_pool1 (swish-gated TP) then pre_pool2 (plain TP)
    out = jax.nn.silu(_tp(h, node_attr, Wp1, bp1))
    out = _tp(out, node_attr, Wp2, bp2)
    return out

if __name__ == "__main__":
    import jax
    _d = setup_inputs()
    print(jax.jit(kernel)(*tuple(_d.values())))

</pallas_src>

<mosaic_0001>
#map = affine_map<(d0, d1) -> (0, 0)>
#map1 = affine_map<(d0, d1) -> (0)>
module attributes {stable_mosaic.version = 14 : i64} {
  func.func @gk(%arg0: i32, %arg1: i32, %arg2: memref<10000x128xf32, #tpu.memory_space<hbm>>, %arg3: memref<320000xi32, #tpu.memory_space<hbm>>, %arg4: memref<320000xi32, #tpu.memory_space<hbm>>, %arg5: memref<320000x128xf32, #tpu.memory_space<hbm>>, %arg6: memref<320000x128xf32, #tpu.memory_space<hbm>>, %arg7: memref<10000xi32, #tpu.memory_space<vmem>>, %arg8: memref<10000xi32, #tpu.memory_space<vmem>>, %arg9: memref<200x128xf32, #tpu.memory_space<vmem>>, %arg10: memref<200x128xf32, #tpu.memory_space<vmem>>, %arg11: memref<200x128xf32, #tpu.memory_space<vmem>>, %arg12: memref<200x128xf32, #tpu.memory_space<vmem>>, %arg13: memref<!tpu.dma_semaphore, #tpu.memory_space<semaphore_mem>>, %arg14: memref<!tpu.dma_semaphore, #tpu.memory_space<semaphore_mem>>) attributes {dimension_semantics = [#tpu.dimension_semantics<core_parallel>, #tpu.dimension_semantics<subcore_parallel>], iteration_bounds = array<i64: 2, 16>, scalar_prefetch = 0 : i64, scratch_operands = 8 : i64, tpu.core_type = #tpu.core_type<sc_vector_subcore>, window_params = [{transform_indices = #map}, {transform_indices = #map1}, {transform_indices = #map1}, {transform_indices = #map}, {transform_indices = #map}]} {
    %mul3A = arith.constant 2 : i32
    %mul3A_0 = arith.muli %arg1, %mul3A : i32
    %add3A = arith.addi %mul3A_0, %arg0 : i32
    %mul3A_1 = arith.constant 10000 : i32
    %mul3A_2 = arith.muli %add3A, %mul3A_1 : i32
    "tpu.region"() ({
      %run_scoped3A = tpu.sem_alloc : memref<!tpu.dma_semaphore, #tpu.memory_space<semaphore_mem>>
      %dma_start3A = tpu.memref_slice %arg3[%mul3A_2] : memref<320000xi32, #tpu.memory_space<hbm>> -> memref<10000xi32, #tpu.memory_space<hbm>>
      %dma_start3A_8 = tpu.memref_slice %arg3[%mul3A_2] : memref<320000xi32, #tpu.memory_space<hbm>> -> memref<10000xi32, #tpu.memory_space<hbm>>
      tpu.enqueue_dma source(%dma_start3A_8 : memref<10000xi32, #tpu.memory_space<hbm>>) target(%arg7 : memref<10000xi32, #tpu.memory_space<vmem>>) target_semaphore(%run_scoped3A : memref<!tpu.dma_semaphore, #tpu.memory_space<semaphore_mem>>)
      %dma_wait3A = tpu.memref_slice %arg3[%mul3A_2] : memref<320000xi32, #tpu.memory_space<hbm>> -> memref<10000xi32, #tpu.memory_space<hbm>>
      %dma_wait3A_9 = tpu.memref_slice %arg3[%mul3A_2] : memref<320000xi32, #tpu.memory_space<hbm>> -> memref<10000xi32, #tpu.memory_space<hbm>>
      tpu.wait_dma2 semaphore(%run_scoped3A : memref<!tpu.dma_semaphore, #tpu.memory_space<semaphore_mem>>) src(%dma_wait3A_9 : memref<10000xi32, #tpu.memory_space<hbm>>) dst(%arg7 : memref<10000xi32, #tpu.memory_space<vmem>>)
      tpu.yield
    }) : () -> ()
    "tpu.region"() ({
      %run_scoped3A = tpu.sem_alloc : memref<!tpu.dma_semaphore, #tpu.memory_space<semaphore_mem>>
      %dma_start3A = tpu.memref_slice %arg4[%mul3A_2] : memref<320000xi32, #tpu.memory_space<hbm>> -> memref<10000xi32, #tpu.memory_space<hbm>>
      %dma_start3A_8 = tpu.memref_slice %arg4[%mul3A_2] : memref<320000xi32, #tpu.memory_space<hbm>> -> memref<10000xi32, #tpu.memory_space<hbm>>
      tpu.enqueue_dma source(%dma_start3A_8 : memref<10000xi32, #tpu.memory_space<hbm>>) target(%arg8 : memref<10000xi32, #tpu.memory_space<vmem>>) target_semaphore(%run_scoped3A : memref<!tpu.dma_semaphore, #tpu.memory_space<semaphore_mem>>)
      %dma_wait3A = tpu.memref_slice %arg4[%mul3A_2] : memref<320000xi32, #tpu.memory_space<hbm>> -> memref<10000xi32, #tpu.memory_space<hbm>>
      %dma_wait3A_9 = tpu.memref_slice %arg4[%mul3A_2] : memref<320000xi32, #tpu.memory_space<hbm>> -> memref<10000xi32, #tpu.memory_space<hbm>>
      tpu.wait_dma2 semaphore(%run_scoped3A : memref<!tpu.dma_semaphore, #tpu.memory_space<semaphore_mem>>) src(%dma_wait3A_9 : memref<10000xi32, #tpu.memory_space<hbm>>) dst(%arg8 : memref<10000xi32, #tpu.memory_space<vmem>>)
      tpu.yield
    }) : () -> ()
    %scan3A = arith.constant 0 : i32
    %scan3A_3 = arith.constant 0 : i32
    %scan3A_4 = arith.constant 25 : i32
    %scan3A_5 = arith.addi %scan3A_3, %scan3A_4 : i32
    %scan3A_6 = arith.constant 1 : i32
    scf.for %scan3A_8 = %scan3A_3 to %scan3A_5 step %scan3A_6  : i32 {
      %mul3A_9 = arith.constant 2 : i32
      %mul3A_10 = arith.muli %mul3A_9, %scan3A_8 : i32
      %mul3A_11 = arith.constant 200 : i32
      %mul3A_12 = arith.muli %mul3A_10, %mul3A_11 : i32
      %add3A_13 = arith.constant 200 : i32
      %add3A_14 = arith.addi %mul3A_12, %add3A_13 : i32
      %add3A_15 = arith.constant 0 : i32
      %add3A_16 = arith.addi %mul3A_12, %add3A_15 : i32
      %dma_start3A = arith.constant 0 : i32
      %dma_start3A_17 = arith.constant 0 : i32
      %dma_start3A_18 = tpu.memref_slice %arg9[%dma_start3A, %dma_start3A_17] : memref<200x128xf32, #tpu.memory_space<vmem>> -> memref<40x128xf32, #tpu.memory_space<vmem>>
      %dma_start3A_19 = tpu.memref_slice %arg7[%add3A_16] : memref<10000xi32, #tpu.memory_space<vmem>> -> memref<40xi32, #tpu.memory_space<vmem>>
      %dma_start3A_20 = arith.constant 0 : i32
      %dma_start3A_21 = arith.constant 0 : i32
      %dma_start3A_22 = tpu.memref_slice %arg2[%dma_start3A_20, %dma_start3A_21] : memref<10000x128xf32, #tpu.memory_space<hbm>> -> memref<10000x128xf32, #tpu.memory_space<hbm>>
      tpu.enqueue_indirect_dma source(%dma_start3A_22 : memref<10000x128xf32, #tpu.memory_space<hbm>>) target(%dma_start3A_18 : memref<40x128xf32, #tpu.memory_space<vmem>>) offsets(%dma_start3A_19 : memref<40xi32, #tpu.memory_space<vmem>>) semaphore(%arg13 : memref<!tpu.dma_semaphore, #tpu.memory_space<semaphore_mem>>)
      %add3A_23 = arith.constant 0 : i32
      %add3A_24 = arith.addi %mul3A_12, %add3A_23 : i32
      %dma_start3A_25 = arith.constant 0 : i32
      %dma_start3A_26 = arith.constant 0 : i32
      %dma_start3A_27 = tpu.memref_slice %arg10[%dma_start3A_25, %dma_start3A_26] : memref<200x128xf32, #tpu.memory_space<vmem>> -> memref<40x128xf32, #tpu.memory_space<vmem>>
      %dma_start3A_28 = tpu.memref_slice %arg8[%add3A_24] : memref<10000xi32, #tpu.memory_space<vmem>> -> memref<40xi32, #tpu.memory_space<vmem>>
      %dma_start3A_29 = arith.constant 0 : i32
      %dma_start3A_30 = arith.constant 0 : i32
      %dma_start3A_31 = tpu.memref_slice %arg2[%dma_start3A_29, %dma_start3A_30] : memref<10000x128xf32, #tpu.memory_space<hbm>> -> memref<10000x128xf32, #tpu.memory_space<hbm>>
      tpu.enqueue_indirect_dma source(%dma_start3A_31 : memref<10000x128xf32, #tpu.memory_space<hbm>>) target(%dma_start3A_27 : memref<40x128xf32, #tpu.memory_space<vmem>>) offsets(%dma_start3A_28 : memref<40xi32, #tpu.memory_space<vmem>>) semaphore(%arg13 : memref<!tpu.dma_semaphore, #tpu.memory_space<semaphore_mem>>)
      %add3A_32 = arith.constant 40 : i32
      %add3A_33 = arith.addi %mul3A_12, %add3A_32 : i32
      %dma_start3A_34 = arith.constant 40 : i32
      %dma_start3A_35 = arith.constant 0 : i32
      %dma_start3A_36 = tpu.memref_slice %arg9[%dma_start3A_34, %dma_start3A_35] : memref<200x128xf32, #tpu.memory_space<vmem>> -> memref<40x128xf32, #tpu.memory_space<vmem>>
      %dma_start3A_37 = tpu.memref_slice %arg7[%add3A_33] : memref<10000xi32, #tpu.memory_space<vmem>> -> memref<40xi32, #tpu.memory_space<vmem>>
      %dma_start3A_38 = arith.constant 0 : i32
      %dma_start3A_39 = arith.constant 0 : i32
      %dma_start3A_40 = tpu.memref_slice %arg2[%dma_start3A_38, %dma_start3A_39] : memref<10000x128xf32, #tpu.memory_space<hbm>> -> memref<10000x128xf32, #tpu.memory_space<hbm>>
      tpu.enqueue_indirect_dma source(%dma_start3A_40 : memref<10000x128xf32, #tpu.memory_space<hbm>>) target(%dma_start3A_36 : memref<40x128xf32, #tpu.memory_space<vmem>>) offsets(%dma_start3A_37 : memref<40xi32, #tpu.memory_space<vmem>>) semaphore(%arg13 : memref<!tpu.dma_semaphore, #tpu.memory_space<semaphore_mem>>)
      %add3A_41 = arith.constant 40 : i32
      %add3A_42 = arith.addi %mul3A_12, %add3A_41 : i32
      %dma_start3A_43 = arith.constant 40 : i32
      %dma_start3A_44 = arith.constant 0 : i32
      %dma_start3A_45 = tpu.memref_slice %arg10[%dma_start3A_43, %dma_start3A_44] : memref<200x128xf32, #tpu.memory_space<vmem>> -> memref<40x128xf32, #tpu.memory_space<vmem>>
      %dma_start3A_46 = tpu.memref_slice %arg8[%add3A_42] : memref<10000xi32, #tpu.memory_space<vmem>> -> memref<40xi32, #tpu.memory_space<vmem>>
      %dma_start3A_47 = arith.constant 0 : i32
      %dma_start3A_48 = arith.constant 0 : i32
      %dma_start3A_49 = tpu.memref_slice %arg2[%dma_start3A_47, %dma_start3A_48] : memref<10000x128xf32, #tpu.memory_space<hbm>> -> memref<10000x128xf32, #tpu.memory_space<hbm>>
      tpu.enqueue_indirect_dma source(%dma_start3A_49 : memref<10000x128xf32, #tpu.memory_space<hbm>>) target(%dma_start3A_45 : memref<40x128xf32, #tpu.memory_space<vmem>>) offsets(%dma_start3A_46 : memref<40xi32, #tpu.memory_space<vmem>>) semaphore(%arg13 : memref<!tpu.dma_semaphore, #tpu.memory_space<semaphore_mem>>)
      %add3A_50 = arith.constant 80 : i32
      %add3A_51 = arith.addi %mul3A_12, %add3A_50 : i32
      %dma_start3A_52 = arith.constant 80 : i32
      %dma_start3A_53 = arith.constant 0 : i32
      %dma_start3A_54 = tpu.memref_slice %arg9[%dma_start3A_52, %dma_start3A_53] : memref<200x128xf32, #tpu.memory_space<vmem>> -> memref<40x128xf32, #tpu.memory_space<vmem>>
      %dma_start3A_55 = tpu.memref_slice %arg7[%add3A_51] : memref<10000xi32, #tpu.memory_space<vmem>> -> memref<40xi32, #tpu.memory_space<vmem>>
      %dma_start3A_56 = arith.constant 0 : i32
      %dma_start3A_57 = arith.constant 0 : i32
      %dma_start3A_58 = tpu.memref_slice %arg2[%dma_start3A_56, %dma_start3A_57] : memref<10000x128xf32, #tpu.memory_space<hbm>> -> memref<10000x128xf32, #tpu.memory_space<hbm>>
      tpu.enqueue_indirect_dma source(%dma_start3A_58 : memref<10000x128xf32, #tpu.memory_space<hbm>>) target(%dma_start3A_54 : memref<40x128xf32, #tpu.memory_space<vmem>>) offsets(%dma_start3A_55 : memref<40xi32, #tpu.memory_space<vmem>>) semaphore(%arg13 : memref<!tpu.dma_semaphore, #tpu.memory_space<semaphore_mem>>)
      %add3A_59 = arith.constant 80 : i32
      %add3A_60 = arith.addi %mul3A_12, %add3A_59 : i32
      %dma_start3A_61 = arith.constant 80 : i32
      %dma_start3A_62 = arith.constant 0 : i32
      %dma_start3A_63 = tpu.memref_slice %arg10[%dma_start3A_61, %dma_start3A_62] : memref<200x128xf32, #tpu.memory_space<vmem>> -> memref<40x128xf32, #tpu.memory_space<vmem>>
      %dma_start3A_64 = tpu.memref_slice %arg8[%add3A_60] : memref<10000xi32, #tpu.memory_space<vmem>> -> memref<40xi32, #tpu.memory_space<vmem>>
      %dma_start3A_65 = arith.constant 0 : i32
      %dma_start3A_66 = arith.constant 0 : i32
      %dma_start3A_67 = tpu.memref_slice %arg2[%dma_start3A_65, %dma_start3A_66] : memref<10000x128xf32, #tpu.memory_space<hbm>> -> memref<10000x128xf32, #tpu.memory_space<hbm>>
      tpu.enqueue_indirect_dma source(%dma_start3A_67 : memref<10000x128xf32, #tpu.memory_space<hbm>>) target(%dma_start3A_63 : memref<40x128xf32, #tpu.memory_space<vmem>>) offsets(%dma_start3A_64 : memref<40xi32, #tpu.memory_space<vmem>>) semaphore(%arg13 : memref<!tpu.dma_semaphore, #tpu.memory_space<semaphore_mem>>)
      %add3A_68 = arith.constant 120 : i32
      %add3A_69 = arith.addi %mul3A_12, %add3A_68 : i32
      %dma_start3A_70 = arith.constant 120 : i32
      %dma_start3A_71 = arith.constant 0 : i32
      %dma_start3A_72 = tpu.memref_slice %arg9[%dma_start3A_70, %dma_start3A_71] : memref<200x128xf32, #tpu.memory_space<vmem>> -> memref<40x128xf32, #tpu.memory_space<vmem>>
      %dma_start3A_73 = tpu.memref_slice %arg7[%add3A_69] : memref<10000xi32, #tpu.memory_space<vmem>> -> memref<40xi32, #tpu.memory_space<vmem>>
      %dma_start3A_74 = arith.constant 0 : i32
      %dma_start3A_75 = arith.constant 0 : i32
      %dma_start3A_76 = tpu.memref_slice %arg2[%dma_start3A_74, %dma_start3A_75] : memref<10000x128xf32, #tpu.memory_space<hbm>> -> memref<10000x128xf32, #tpu.memory_space<hbm>>
      tpu.enqueue_indirect_dma source(%dma_start3A_76 : memref<10000x128xf32, #tpu.memory_space<hbm>>) target(%dma_start3A_72 : memref<40x128xf32, #tpu.memory_space<vmem>>) offsets(%dma_start3A_73 : memref<40xi32, #tpu.memory_space<vmem>>) semaphore(%arg13 : memref<!tpu.dma_semaphore, #tpu.memory_space<semaphore_mem>>)
      %add3A_77 = arith.constant 120 : i32
      %add3A_78 = arith.addi %mul3A_12, %add3A_77 : i32
      %dma_start3A_79 = arith.constant 120 : i32
      %dma_start3A_80 = arith.constant 0 : i32
      %dma_start3A_81 = tpu.memref_slice %arg10[%dma_start3A_79, %dma_start3A_80] : memref<200x128xf32, #tpu.memory_space<vmem>> -> memref<40x128xf32, #tpu.memory_space<vmem>>
      %dma_start3A_82 = tpu.memref_slice %arg8[%add3A_78] : memref<10000xi32, #tpu.memory_space<vmem>> -> memref<40xi32, #tpu.memory_space<vmem>>
      %dma_start3A_83 = arith.constant 0 : i32
      %dma_start3A_84 = arith.constant 0 : i32
      %dma_start3A_85 = tpu.memref_slice %arg2[%dma_start3A_83, %dma_start3A_84] : memref<10000x128xf32, #tpu.memory_space<hbm>> -> memref<10000x128xf32, #tpu.memory_space<hbm>>
      tpu.enqueue_indirect_dma source(%dma_start3A_85 : memref<10000x128xf32, #tpu.memory_space<hbm>>) target(%dma_start3A_81 : memref<40x128xf32, #tpu.memory_space<vmem>>) offsets(%dma_start3A_82 : memref<40xi32, #tpu.memory_space<vmem>>) semaphore(%arg13 : memref<!tpu.dma_semaphore, #tpu.memory_space<semaphore_mem>>)
      %add3A_86 = arith.constant 160 : i32
      %add3A_87 = arith.addi %mul3A_12, %add3A_86 : i32
      %dma_start3A_88 = arith.constant 160 : i32
      %dma_start3A_89 = arith.constant 0 : i32
      %dma_start3A_90 = tpu.memref_slice %arg9[%dma_start3A_88, %dma_start3A_89] : memref<200x128xf32, #tpu.memory_space<vmem>> -> memref<40x128xf32, #tpu.memory_space<vmem>>
      %dma_start3A_91 = tpu.memref_slice %arg7[%add3A_87] : memref<10000xi32, #tpu.memory_space<vmem>> -> memref<40xi32, #tpu.memory_space<vmem>>
      %dma_start3A_92 = arith.constant 0 : i32
      %dma_start3A_93 = arith.constant 0 : i32
      %dma_start3A_94 = tpu.memref_slice %arg2[%dma_start3A_92, %dma_start3A_93] : memref<10000x128xf32, #tpu.memory_space<hbm>> -> memref<10000x128xf32, #tpu.memory_space<hbm>>
      tpu.enqueue_indirect_dma source(%dma_start3A_94 : memref<10000x128xf32, #tpu.memory_space<hbm>>) target(%dma_start3A_90 : memref<40x128xf32, #tpu.memory_space<vmem>>) offsets(%dma_start3A_91 : memref<40xi32, #tpu.memory_space<vmem>>) semaphore(%arg13 : memref<!tpu.dma_semaphore, #tpu.memory_space<semaphore_mem>>)
      %add3A_95 = arith.constant 160 : i32
      %add3A_96 = arith.addi %mul3A_12, %add3A_95 : i32
      %dma_start3A_97 = arith.constant 160 : i32
      %dma_start3A_98 = arith.constant 0 : i32
      %dma_start3A_99 = tpu.memref_slice %arg10[%dma_start3A_97, %dma_start3A_98] : memref<200x128xf32, #tpu.memory_space<vmem>> -> memref<40x128xf32, #tpu.memory_space<vmem>>
      %dma_start3A_100 = tpu.memref_slice %arg8[%add3A_96] : memref<10000xi32, #tpu.memory_space<vmem>> -> memref<40xi32, #tpu.memory_space<vmem>>
      %dma_start3A_101 = arith.constant 0 : i32
      %dma_start3A_102 = arith.constant 0 : i32
      %dma_start3A_103 = tpu.memref_slice %arg2[%dma_start3A_101, %dma_start3A_102] : memref<10000x128xf32, #tpu.memory_space<hbm>> -> memref<10000x128xf32, #tpu.memory_space<hbm>>
      tpu.enqueue_indirect_dma source(%dma_start3A_103 : memref<10000x128xf32, #tpu.memory_space<hbm>>) target(%dma_start3A_99 : memref<40x128xf32, #tpu.memory_space<vmem>>) offsets(%dma_start3A_100 : memref<40xi32, #tpu.memory_space<vmem>>) semaphore(%arg13 : memref<!tpu.dma_semaphore, #tpu.memory_space<semaphore_mem>>)
      %add3A_104 = arith.constant 0 : i32
      %add3A_105 = arith.addi %add3A_14, %add3A_104 : i32
      %dma_start3A_106 = arith.constant 0 : i32
      %dma_start3A_107 = arith.constant 0 : i32
      %dma_start3A_108 = tpu.memref_slice %arg11[%dma_start3A_106, %dma_start3A_107] : memref<200x128xf32, #tpu.memory_space<vmem>> -> memref<40x128xf32, #tpu.memory_space<vmem>>
      %dma_start3A_109 = tpu.memref_slice %arg7[%add3A_105] : memref<10000xi32, #tpu.memory_space<vmem>> -> memref<40xi32, #tpu.memory_space<vmem>>
      %dma_start3A_110 = arith.constant 0 : i32
      %dma_start3A_111 = arith.constant 0 : i32
      %dma_start3A_112 = tpu.memref_slice %arg2[%dma_start3A_110, %dma_start3A_111] : memref<10000x128xf32, #tpu.memory_space<hbm>> -> memref<10000x128xf32, #tpu.memory_space<hbm>>
      tpu.enqueue_indirect_dma source(%dma_start3A_112 : memref<10000x128xf32, #tpu.memory_space<hbm>>) target(%dma_start3A_108 : memref<40x128xf32, #tpu.memory_space<vmem>>) offsets(%dma_start3A_109 : memref<40xi32, #tpu.memory_space<vmem>>) semaphore(%arg13 : memref<!tpu.dma_semaphore, #tpu.memory_space<semaphore_mem>>)
      %add3A_113 = arith.constant 0 : i32
      %add3A_114 = arith.addi %add3A_14, %add3A_113 : i32
      %dma_start3A_115 = arith.constant 0 : i32
      %dma_start3A_116 = arith.constant 0 : i32
      %dma_start3A_117 = tpu.memref_slice %arg12[%dma_start3A_115, %dma_start3A_116] : memref<200x128xf32, #tpu.memory_space<vmem>> -> memref<40x128xf32, #tpu.memory_space<vmem>>
      %dma_start3A_118 = tpu.memref_slice %arg8[%add3A_114] : memref<10000xi32, #tpu.memory_space<vmem>> -> memref<40xi32, #tpu.memory_space<vmem>>
      %dma_start3A_119 = arith.constant 0 : i32
      %dma_start3A_120 = arith.constant 0 : i32
      %dma_start3A_121 = tpu.memref_slice %arg2[%dma_start3A_119, %dma_start3A_120] : memref<10000x128xf32, #tpu.memory_space<hbm>> -> memref<10000x128xf32, #tpu.memory_space<hbm>>
      tpu.enqueue_indirect_dma source(%dma_start3A_121 : memref<10000x128xf32, #tpu.memory_space<hbm>>) target(%dma_start3A_117 : memref<40x128xf32, #tpu.memory_space<vmem>>) offsets(%dma_start3A_118 : memref<40xi32, #tpu.memory_space<vmem>>) semaphore(%arg13 : memref<!tpu.dma_semaphore, #tpu.memory_space<semaphore_mem>>)
      %add3A_122 = arith.constant 40 : i32
      %add3A_123 = arith.addi %add3A_14, %add3A_122 : i32
      %dma_start3A_124 = arith.constant 40 : i32
      %dma_start3A_125 = arith.constant 0 : i32
      %dma_start3A_126 = tpu.memref_slice %arg11[%dma_start3A_124, %dma_start3A_125] : memref<200x128xf32, #tpu.memory_space<vmem>> -> memref<40x128xf32, #tpu.memory_space<vmem>>
      %dma_start3A_127 = tpu.memref_slice %arg7[%add3A_123] : memref<10000xi32, #tpu.memory_space<vmem>> -> memref<40xi32, #tpu.memory_space<vmem>>
      %dma_start3A_128 = arith.constant 0 : i32
      %dma_start3A_129 = arith.constant 0 : i32
      %dma_start3A_130 = tpu.memref_slice %arg2[%dma_start3A_128, %dma_start3A_129] : memref<10000x128xf32, #tpu.memory_space<hbm>> -> memref<10000x128xf32, #tpu.memory_space<hbm>>
      tpu.enqueue_indirect_dma source(%dma_start3A_130 : memref<10000x128xf32, #tpu.memory_space<hbm>>) target(%dma_start3A_126 : memref<40x128xf32, #tpu.memory_space<vmem>>) offsets(%dma_start3A_127 : memref<40xi32, #tpu.memory_space<vmem>>) semaphore(%arg13 : memref<!tpu.dma_semaphore, #tpu.memory_space<semaphore_mem>>)
      %add3A_131 = arith.constant 40 : i32
      %add3A_132 = arith.addi %add3A_14, %add3A_131 : i32
      %dma_start3A_133 = arith.constant 40 : i32
      %dma_start3A_134 = arith.constant 0 : i32
      %dma_start3A_135 = tpu.memref_slice %arg12[%dma_start3A_133, %dma_start3A_134] : memref<200x128xf32, #tpu.memory_space<vmem>> -> memref<40x128xf32, #tpu.memory_space<vmem>>
      %dma_start3A_136 = tpu.memref_slice %arg8[%add3A_132] : memref<10000xi32, #tpu.memory_space<vmem>> -> memref<40xi32, #tpu.memory_space<vmem>>
      %dma_start3A_137 = arith.constant 0 : i32
      %dma_start3A_138 = arith.constant 0 : i32
      %dma_start3A_139 = tpu.memref_slice %arg2[%dma_start3A_137, %dma_start3A_138] : memref<10000x128xf32, #tpu.memory_space<hbm>> -> memref<10000x128xf32, #tpu.memory_space<hbm>>
      tpu.enqueue_indirect_dma source(%dma_start3A_139 : memref<10000x128xf32, #tpu.memory_space<hbm>>) target(%dma_start3A_135 : memref<40x128xf32, #tpu.memory_space<vmem>>) offsets(%dma_start3A_136 : memref<40xi32, #tpu.memory_space<vmem>>) semaphore(%arg13 : memref<!tpu.dma_semaphore, #tpu.memory_space<semaphore_mem>>)
      %add3A_140 = arith.constant 80 : i32
      %add3A_141 = arith.addi %add3A_14, %add3A_140 : i32
      %dma_start3A_142 = arith.constant 80 : i32
      %dma_start3A_143 = arith.constant 0 : i32
      %dma_start3A_144 = tpu.memref_slice %arg11[%dma_start3A_142, %dma_start3A_143] : memref<200x128xf32, #tpu.memory_space<vmem>> -> memref<40x128xf32, #tpu.memory_space<vmem>>
      %dma_start3A_145 = tpu.memref_slice %arg7[%add3A_141] : memref<10000xi32, #tpu.memory_space<vmem>> -> memref<40xi32, #tpu.memory_space<vmem>>
      %dma_start3A_146 = arith.constant 0 : i32
      %dma_start3A_147 = arith.constant 0 : i32
      %dma_start3A_148 = tpu.memref_slice %arg2[%dma_start3A_146, %dma_start3A_147] : memref<10000x128xf32, #tpu.memory_space<hbm>> -> memref<10000x128xf32, #tpu.memory_space<hbm>>
      tpu.enqueue_indirect_dma source(%dma_start3A_148 : memref<10000x128xf32, #tpu.memory_space<hbm>>) target(%dma_start3A_144 : memref<40x128xf32, #tpu.memory_space<vmem>>) offsets(%dma_start3A_145 : memref<40xi32, #tpu.memory_space<vmem>>) semaphore(%arg13 : memref<!tpu.dma_semaphore, #tpu.memory_space<semaphore_mem>>)
      %add3A_149 = arith.constant 80 : i32
      %add3A_150 = arith.addi %add3A_14, %add3A_149 : i32
      %dma_start3A_151 = arith.constant 80 : i32
      %dma_start3A_152 = arith.constant 0 : i32
      %dma_start3A_153 = tpu.memref_slice %arg12[%dma_start3A_151, %dma_start3A_152] : memref<200x128xf32, #tpu.memory_space<vmem>> -> memref<40x128xf32, #tpu.memory_space<vmem>>
      %dma_start3A_154 = tpu.memref_slice %arg8[%add3A_150] : memref<10000xi32, #tpu.memory_space<vmem>> -> memref<40xi32, #tpu.memory_space<vmem>>
      %dma_start3A_155 = arith.constant 0 : i32
      %dma_start3A_156 = arith.constant 0 : i32
      %dma_start3A_157 = tpu.memref_slice %arg2[%dma_start3A_155, %dma_start3A_156] : memref<10000x128xf32, #tpu.memory_space<hbm>> -> memref<10000x128xf32, #tpu.memory_space<hbm>>
      tpu.enqueue_indirect_dma source(%dma_start3A_157 : memref<10000x128xf32, #tpu.memory_space<hbm>>) target(%dma_start3A_153 : memref<40x128xf32, #tpu.memory_space<vmem>>) offsets(%dma_start3A_154 : memref<40xi32, #tpu.memory_space<vmem>>) semaphore(%arg13 : memref<!tpu.dma_semaphore, #tpu.memory_space<semaphore_mem>>)
      %add3A_158 = arith.constant 120 : i32
      %add3A_159 = arith.addi %add3A_14, %add3A_158 : i32
      %dma_start3A_160 = arith.constant 120 : i32
      %dma_start3A_161 = arith.constant 0 : i32
      %dma_start3A_162 = tpu.memref_slice %arg11[%dma_start3A_160, %dma_start3A_161] : memref<200x128xf32, #tpu.memory_space<vmem>> -> memref<40x128xf32, #tpu.memory_space<vmem>>
      %dma_start3A_163 = tpu.memref_slice %arg7[%add3A_159] : memref<10000xi32, #tpu.memory_space<vmem>> -> memref<40xi32, #tpu.memory_space<vmem>>
      %dma_start3A_164 = arith.constant 0 : i32
      %dma_start3A_165 = arith.constant 0 : i32
      %dma_start3A_166 = tpu.memref_slice %arg2[%dma_start3A_164, %dma_start3A_165] : memref<10000x128xf32, #tpu.memory_space<hbm>> -> memref<10000x128xf32, #tpu.memory_space<hbm>>
      tpu.enqueue_indirect_dma source(%dma_start3A_166 : memref<10000x128xf32, #tpu.memory_space<hbm>>) target(%dma_start3A_162 : memref<40x128xf32, #tpu.memory_space<vmem>>) offsets(%dma_start3A_163 : memref<40xi32, #tpu.memory_space<vmem>>) semaphore(%arg13 : memref<!tpu.dma_semaphore, #tpu.memory_space<semaphore_mem>>)
      %add3A_167 = arith.constant 120 : i32
      %add3A_168 = arith.addi %add3A_14, %add3A_167 : i32
      %dma_start3A_169 = arith.constant 120 : i32
      %dma_start3A_170 = arith.constant 0 : i32
      %dma_start3A_171 = tpu.memref_slice %arg12[%dma_start3A_169, %dma_start3A_170] : memref<200x128xf32, #tpu.memory_space<vmem>> -> memref<40x128xf32, #tpu.memory_space<vmem>>
      %dma_start3A_172 = tpu.memref_slice %arg8[%add3A_168] : memref<10000xi32, #tpu.memory_space<vmem>> -> memref<40xi32, #tpu.memory_space<vmem>>
      %dma_start3A_173 = arith.constant 0 : i32
      %dma_start3A_174 = arith.constant 0 : i32
      %dma_start3A_175 = tpu.memref_slice %arg2[%dma_start3A_173, %dma_start3A_174] : memref<10000x128xf32, #tpu.memory_space<hbm>> -> memref<10000x128xf32, #tpu.memory_space<hbm>>
      tpu.enqueue_indirect_dma source(%dma_start3A_175 : memref<10000x128xf32, #tpu.memory_space<hbm>>) target(%dma_start3A_171 : memref<40x128xf32, #tpu.memory_space<vmem>>) offsets(%dma_start3A_172 : memref<40xi32, #tpu.memory_space<vmem>>) semaphore(%arg13 : memref<!tpu.dma_semaphore, #tpu.memory_space<semaphore_mem>>)
      %add3A_176 = arith.constant 160 : i32
      %add3A_177 = arith.addi %add3A_14, %add3A_176 : i32
      %dma_start3A_178 = arith.constant 160 : i32
      %dma_start3A_179 = arith.constant 0 : i32
      %dma_start3A_180 = tpu.memref_slice %arg11[%dma_start3A_178, %dma_start3A_179] : memref<200x128xf32, #tpu.memory_space<vmem>> -> memref<40x128xf32, #tpu.memory_space<vmem>>
      %dma_start3A_181 = tpu.memref_slice %arg7[%add3A_177] : memref<10000xi32, #tpu.memory_space<vmem>> -> memref<40xi32, #tpu.memory_space<vmem>>
      %dma_start3A_182 = arith.constant 0 : i32
      %dma_start3A_183 = arith.constant 0 : i32
      %dma_start3A_184 = tpu.memref_slice %arg2[%dma_start3A_182, %dma_start3A_183] : memref<10000x128xf32, #tpu.memory_space<hbm>> -> memref<10000x128xf32, #tpu.memory_space<hbm>>
      tpu.enqueue_indirect_dma source(%dma_start3A_184 : memref<10000x128xf32, #tpu.memory_space<hbm>>) target(%dma_start3A_180 : memref<40x128xf32, #tpu.memory_space<vmem>>) offsets(%dma_start3A_181 : memref<40xi32, #tpu.memory_space<vmem>>) semaphore(%arg13 : memref<!tpu.dma_semaphore, #tpu.memory_space<semaphore_mem>>)
      %add3A_185 = arith.constant 160 : i32
      %add3A_186 = arith.addi %add3A_14, %add3A_185 : i32
      %dma_start3A_187 = arith.constant 160 : i32
      %dma_start3A_188 = arith.constant 0 : i32
      %dma_start3A_189 = tpu.memref_slice %arg12[%dma_start3A_187, %dma_start3A_188] : memref<200x128xf32, #tpu.memory_space<vmem>> -> memref<40x128xf32, #tpu.memory_space<vmem>>
      %dma_start3A_190 = tpu.memref_slice %arg8[%add3A_186] : memref<10000xi32, #tpu.memory_space<vmem>> -> memref<40xi32, #tpu.memory_space<vmem>>
      %dma_start3A_191 = arith.constant 0 : i32
      %dma_start3A_192 = arith.constant 0 : i32
      %dma_start3A_193 = tpu.memref_slice %arg2[%dma_start3A_191, %dma_start3A_192] : memref<10000x128xf32, #tpu.memory_space<hbm>> -> memref<10000x128xf32, #tpu.memory_space<hbm>>
      tpu.enqueue_indirect_dma source(%dma_start3A_193 : memref<10000x128xf32, #tpu.memory_space<hbm>>) target(%dma_start3A_189 : memref<40x128xf32, #tpu.memory_space<vmem>>) offsets(%dma_start3A_190 : memref<40xi32, #tpu.memory_space<vmem>>) semaphore(%arg13 : memref<!tpu.dma_semaphore, #tpu.memory_space<semaphore_mem>>)
      %dma_wait3A = arith.constant 0 : i32
      %dma_wait3A_194 = arith.constant 0 : i32
      %dma_wait3A_195 = tpu.memref_slice %arg9[%dma_wait3A, %dma_wait3A_194] : memref<200x128xf32, #tpu.memory_space<vmem>> -> memref<40x128xf32, #tpu.memory_space<vmem>>
      %dma_wait3A_196 = tpu.memref_slice %arg7[%add3A_16] : memref<10000xi32, #tpu.memory_space<vmem>> -> memref<40xi32, #tpu.memory_space<vmem>>
      %dma_wait3A_197 = arith.constant 0 : i32
      %dma_wait3A_198 = arith.constant 0 : i32
      %dma_wait3A_199 = tpu.memref_slice %arg2[%dma_wait3A_197, %dma_wait3A_198] : memref<10000x128xf32, #tpu.memory_space<hbm>> -> memref<10000x128xf32, #tpu.memory_space<hbm>>
      tpu.wait_indirect_dma semaphore(%arg13 : memref<!tpu.dma_semaphore, #tpu.memory_space<semaphore_mem>>) src(%dma_wait3A_199 : memref<10000x128xf32, #tpu.memory_space<hbm>>) dst(%dma_wait3A_195 : memref<40x128xf32, #tpu.memory_space<vmem>>)
      %dma_wait3A_200 = arith.constant 0 : i32
      %dma_wait3A_201 = arith.constant 0 : i32
      %dma_wait3A_202 = tpu.memref_slice %arg10[%dma_wait3A_200, %dma_wait3A_201] : memref<200x128xf32, #tpu.memory_space<vmem>> -> memref<40x128xf32, #tpu.memory_space<vmem>>
      %dma_wait3A_203 = tpu.memref_slice %arg8[%add3A_24] : memref<10000xi32, #tpu.memory_space<vmem>> -> memref<40xi32, #tpu.memory_space<vmem>>
      %dma_wait3A_204 = arith.constant 0 : i32
      %dma_wait3A_205 = arith.constant 0 : i32
      %dma_wait3A_206 = tpu.memref_slice %arg2[%dma_wait3A_204, %dma_wait3A_205] : memref<10000x128xf32, #tpu.memory_space<hbm>> -> memref<10000x128xf32, #tpu.memory_space<hbm>>
      tpu.wait_indirect_dma semaphore(%arg13 : memref<!tpu.dma_semaphore, #tpu.memory_space<semaphore_mem>>) src(%dma_wait3A_206 : memref<10000x128xf32, #tpu.memory_space<hbm>>) dst(%dma_wait3A_202 : memref<40x128xf32, #tpu.memory_space<vmem>>)
      %dma_wait3A_207 = arith.constant 40 : i32
      %dma_wait3A_208 = arith.constant 0 : i32
      %dma_wait3A_209 = tpu.memref_slice %arg9[%dma_wait3A_207, %dma_wait3A_208] : memref<200x128xf32, #tpu.memory_space<vmem>> -> memref<40x128xf32, #tpu.memory_space<vmem>>
      %dma_wait3A_210 = tpu.memref_slice %arg7[%add3A_33] : memref<10000xi32, #tpu.memory_space<vmem>> -> memref<40xi32, #tpu.memory_space<vmem>>
      %dma_wait3A_211 = arith.constant 0 : i32
      %dma_wait3A_212 = arith.constant 0 : i32
      %dma_wait3A_213 = tpu.memref_slice %arg2[%dma_wait3A_211, %dma_wait3A_212] : memref<10000x128xf32, #tpu.memory_space<hbm>> -> memref<10000x128xf32, #tpu.memory_space<hbm>>
      tpu.wait_indirect_dma semaphore(%arg13 : memref<!tpu.dma_semaphore, #tpu.memory_space<semaphore_mem>>) src(%dma_wait3A_213 : memref<10000x128xf32, #tpu.memory_space<hbm>>) dst(%dma_wait3A_209 : memref<40x128xf32, #tpu.memory_space<vmem>>)
      %dma_wait3A_214 = arith.constant 40 : i32
      %dma_wait3A_215 = arith.constant 0 : i32
      %dma_wait3A_216 = tpu.memref_slice %arg10[%dma_wait3A_214, %dma_wait3A_215] : memref<200x128xf32, #tpu.memory_space<vmem>> -> memref<40x128xf32, #tpu.memory_space<vmem>>
      %dma_wait3A_217 = tpu.memref_slice %arg8[%add3A_42] : memref<10000xi32, #tpu.memory_space<vmem>> -> memref<40xi32, #tpu.memory_space<vmem>>
      %dma_wait3A_218 = arith.constant 0 : i32
      %dma_wait3A_219 = arith.constant 0 : i32
      %dma_wait3A_220 = tpu.memref_slice %arg2[%dma_wait3A_218, %dma_wait3A_219] : memref<10000x128xf32, #tpu.memory_space<hbm>> -> memref<10000x128xf32, #tpu.memory_space<hbm>>
      tpu.wait_indirect_dma semaphore(%arg13 : memref<!tpu.dma_semaphore, #tpu.memory_space<semaphore_mem>>) src(%dma_wait3A_220 : memref<10000x128xf32, #tpu.memory_space<hbm>>) dst(%dma_wait3A_216 : memref<40x128xf32, #tpu.memory_space<vmem>>)
      %dma_wait3A_221 = arith.constant 80 : i32
      %dma_wait3A_222 = arith.constant 0 : i32
      %dma_wait3A_223 = tpu.memref_slice %arg9[%dma_wait3A_221, %dma_wait3A_222] : memref<200x128xf32, #tpu.memory_space<vmem>> -> memref<40x128xf32, #tpu.memory_space<vmem>>
      %dma_wait3A_224 = tpu.memref_slice %arg7[%add3A_51] : memref<10000xi32, #tpu.memory_space<vmem>> -> memref<40xi32, #tpu.memory_space<vmem>>
      %dma_wait3A_225 = arith.constant 0 : i32
      %dma_wait3A_226 = arith.constant 0 : i32
      %dma_wait3A_227 = tpu.memref_slice %arg2[%dma_wait3A_225, %dma_wait3A_226] : memref<10000x128xf32, #tpu.memory_space<hbm>> -> memref<10000x128xf32, #tpu.memory_space<hbm>>
      tpu.wait_indirect_dma semaphore(%arg13 : memref<!tpu.dma_semaphore, #tpu.memory_space<semaphore_mem>>) src(%dma_wait3A_227 : memref<10000x128xf32, #tpu.memory_space<hbm>>) dst(%dma_wait3A_223 : memref<40x128xf32, #tpu.memory_space<vmem>>)
      %dma_wait3A_228 = arith.constant 80 : i32
      %dma_wait3A_229 = arith.constant 0 : i32
      %dma_wait3A_230 = tpu.memref_slice %arg10[%dma_wait3A_228, %dma_wait3A_229] : memref<200x128xf32, #tpu.memory_space<vmem>> -> memref<40x128xf32, #tpu.memory_space<vmem>>
      %dma_wait3A_231 = tpu.memref_slice %arg8[%add3A_60] : memref<10000xi32, #tpu.memory_space<vmem>> -> memref<40xi32, #tpu.memory_space<vmem>>
      %dma_wait3A_232 = arith.constant 0 : i32
      %dma_wait3A_233 = arith.constant 0 : i32
      %dma_wait3A_234 = tpu.memref_slice %arg2[%dma_wait3A_232, %dma_wait3A_233] : memref<10000x128xf32, #tpu.memory_space<hbm>> -> memref<10000x128xf32, #tpu.memory_space<hbm>>
      tpu.wait_indirect_dma semaphore(%arg13 : memref<!tpu.dma_semaphore, #tpu.memory_space<semaphore_mem>>) src(%dma_wait3A_234 : memref<10000x128xf32, #tpu.memory_space<hbm>>) dst(%dma_wait3A_230 : memref<40x128xf32, #tpu.memory_space<vmem>>)
      %dma_wait3A_235 = arith.constant 120 : i32
      %dma_wait3A_236 = arith.constant 0 : i32
      %dma_wait3A_237 = tpu.memref_slice %arg9[%dma_wait3A_235, %dma_wait3A_236] : memref<200x128xf32, #tpu.memory_space<vmem>> -> memref<40x128xf32, #tpu.memory_space<vmem>>
      %dma_wait3A_238 = tpu.memref_slice %arg7[%add3A_69] : memref<10000xi32, #tpu.memory_space<vmem>> -> memref<40xi32, #tpu.memory_space<vmem>>
      %dma_wait3A_239 = arith.constant 0 : i32
      %dma_wait3A_240 = arith.constant 0 : i32
      %dma_wait3A_241 = tpu.memref_slice %arg2[%dma_wait3A_239, %dma_wait3A_240] : memref<10000x128xf32, #tpu.memory_space<hbm>> -> memref<10000x128xf32, #tpu.memory_space<hbm>>
      tpu.wait_indirect_dma semaphore(%arg13 : memref<!tpu.dma_semaphore, #tpu.memory_space<semaphore_mem>>) src(%dma_wait3A_241 : memref<10000x128xf32, #tpu.memory_space<hbm>>) dst(%dma_wait3A_237 : memref<40x128xf32, #tpu.memory_space<vmem>>)
      %dma_wait3A_242 = arith.constant 120 : i32
      %dma_wait3A_243 = arith.constant 0 : i32
      %dma_wait3A_244 = tpu.memref_slice %arg10[%dma_wait3A_242, %dma_wait3A_243] : memref<200x128xf32, #tpu.memory_space<vmem>> -> memref<40x128xf32, #tpu.memory_space<vmem>>
      %dma_wait3A_245 = tpu.memref_slice %arg8[%add3A_78] : memref<10000xi32, #tpu.memory_space<vmem>> -> memref<40xi32, #tpu.memory_space<vmem>>
      %dma_wait3A_246 = arith.constant 0 : i32
      %dma_wait3A_247 = arith.constant 0 : i32
      %dma_wait3A_248 = tpu.memref_slice %arg2[%dma_wait3A_246, %dma_wait3A_247] : memref<10000x128xf32, #tpu.memory_space<hbm>> -> memref<10000x128xf32, #tpu.memory_space<hbm>>
      tpu.wait_indirect_dma semaphore(%arg13 : memref<!tpu.dma_semaphore, #tpu.memory_space<semaphore_mem>>) src(%dma_wait3A_248 : memref<10000x128xf32, #tpu.memory_space<hbm>>) dst(%dma_wait3A_244 : memref<40x128xf32, #tpu.memory_space<vmem>>)
      %dma_wait3A_249 = arith.constant 160 : i32
      %dma_wait3A_250 = arith.constant 0 : i32
      %dma_wait3A_251 = tpu.memref_slice %arg9[%dma_wait3A_249, %dma_wait3A_250] : memref<200x128xf32, #tpu.memory_space<vmem>> -> memref<40x128xf32, #tpu.memory_space<vmem>>
      %dma_wait3A_252 = tpu.memref_slice %arg7[%add3A_87] : memref<10000xi32, #tpu.memory_space<vmem>> -> memref<40xi32, #tpu.memory_space<vmem>>
      %dma_wait3A_253 = arith.constant 0 : i32
      %dma_wait3A_254 = arith.constant 0 : i32
      %dma_wait3A_255 = tpu.memref_slice %arg2[%dma_wait3A_253, %dma_wait3A_254] : memref<10000x128xf32, #tpu.memory_space<hbm>> -> memref<10000x128xf32, #tpu.memory_space<hbm>>
      tpu.wait_indirect_dma semaphore(%arg13 : memref<!tpu.dma_semaphore, #tpu.memory_space<semaphore_mem>>) src(%dma_wait3A_255 : memref<10000x128xf32, #tpu.memory_space<hbm>>) dst(%dma_wait3A_251 : memref<40x128xf32, #tpu.memory_space<vmem>>)
      %dma_wait3A_256 = arith.constant 160 : i32
      %dma_wait3A_257 = arith.constant 0 : i32
      %dma_wait3A_258 = tpu.memref_slice %arg10[%dma_wait3A_256, %dma_wait3A_257] : memref<200x128xf32, #tpu.memory_space<vmem>> -> memref<40x128xf32, #tpu.memory_space<vmem>>
      %dma_wait3A_259 = tpu.memref_slice %arg8[%add3A_96] : memref<10000xi32, #tpu.memory_space<vmem>> -> memref<40xi32, #tpu.memory_space<vmem>>
      %dma_wait3A_260 = arith.constant 0 : i32
      %dma_wait3A_261 = arith.constant 0 : i32
      %dma_wait3A_262 = tpu.memref_slice %arg2[%dma_wait3A_260, %dma_wait3A_261] : memref<10000x128xf32, #tpu.memory_space<hbm>> -> memref<10000x128xf32, #tpu.memory_space<hbm>>
      tpu.wait_indirect_dma semaphore(%arg13 : memref<!tpu.dma_semaphore, #tpu.memory_space<semaphore_mem>>) src(%dma_wait3A_262 : memref<10000x128xf32, #tpu.memory_space<hbm>>) dst(%dma_wait3A_258 : memref<40x128xf32, #tpu.memory_space<vmem>>)
      %add3A_263 = arith.addi %mul3A_2, %mul3A_12 : i32
      %dma_start3A_264 = arith.constant 0 : i32
      %dma_start3A_265 = tpu.memref_slice %arg5[%add3A_263, %dma_start3A_264] : memref<320000x128xf32, #tpu.memory_space<hbm>> -> memref<200x128xf32, #tpu.memory_space<hbm>>
      %dma_start3A_266 = arith.constant 0 : i32
      %dma_start3A_267 = tpu.memref_slice %arg5[%add3A_263, %dma_start3A_266] : memref<320000x128xf32, #tpu.memory_space<hbm>> -> memref<200x128xf32, #tpu.memory_space<hbm>>
      tpu.enqueue_dma source(%arg9 : memref<200x128xf32, #tpu.memory_space<vmem>>) target(%dma_start3A_267 : memref<200x128xf32, #tpu.memory_space<hbm>>) target_semaphore(%arg14 : memref<!tpu.dma_semaphore, #tpu.memory_space<semaphore_mem>>)
      %add3A_268 = arith.addi %mul3A_2, %mul3A_12 : i32
      %dma_start3A_269 = arith.constant 0 : i32
      %dma_start3A_270 = tpu.memref_slice %arg6[%add3A_268, %dma_start3A_269] : memref<320000x128xf32, #tpu.memory_space<hbm>> -> memref<200x128xf32, #tpu.memory_space<hbm>>
      %dma_start3A_271 = arith.constant 0 : i32
      %dma_start3A_272 = tpu.memref_slice %arg6[%add3A_268, %dma_start3A_271] : memref<320000x128xf32, #tpu.memory_space<hbm>> -> memref<200x128xf32, #tpu.memory_space<hbm>>
      tpu.enqueue_dma source(%arg10 : memref<200x128xf32, #tpu.memory_space<vmem>>) target(%dma_start3A_272 : memref<200x128xf32, #tpu.memory_space<hbm>>) target_semaphore(%arg14 : memref<!tpu.dma_semaphore, #tpu.memory_space<semaphore_mem>>)
      %dma_wait3A_273 = arith.constant 0 : i32
      %dma_wait3A_274 = arith.constant 0 : i32
      %dma_wait3A_275 = tpu.memref_slice %arg11[%dma_wait3A_273, %dma_wait3A_274] : memref<200x128xf32, #tpu.memory_space<vmem>> -> memref<40x128xf32, #tpu.memory_space<vmem>>
      %dma_wait3A_276 = tpu.memref_slice %arg7[%add3A_105] : memref<10000xi32, #tpu.memory_space<vmem>> -> memref<40xi32, #tpu.memory_space<vmem>>
      %dma_wait3A_277 = arith.constant 0 : i32
      %dma_wait3A_278 = arith.constant 0 : i32
      %dma_wait3A_279 = tpu.memref_slice %arg2[%dma_wait3A_277, %dma_wait3A_278] : memref<10000x128xf32, #tpu.memory_space<hbm>> -> memref<10000x128xf32, #tpu.memory_space<hbm>>
      tpu.wait_indirect_dma semaphore(%arg13 : memref<!tpu.dma_semaphore, #tpu.memory_space<semaphore_mem>>) src(%dma_wait3A_279 : memref<10000x128xf32, #tpu.memory_space<hbm>>) dst(%dma_wait3A_275 : memref<40x128xf32, #tpu.memory_space<vmem>>)
      %dma_wait3A_280 = arith.constant 0 : i32
      %dma_wait3A_281 = arith.constant 0 : i32
      %dma_wait3A_282 = tpu.memref_slice %arg12[%dma_wait3A_280, %dma_wait3A_281] : memref<200x128xf32, #tpu.memory_space<vmem>> -> memref<40x128xf32, #tpu.memory_space<vmem>>
      %dma_wait3A_283 = tpu.memref_slice %arg8[%add3A_114] : memref<10000xi32, #tpu.memory_space<vmem>> -> memref<40xi32, #tpu.memory_space<vmem>>
      %dma_wait3A_284 = arith.constant 0 : i32
      %dma_wait3A_285 = arith.constant 0 : i32
      %dma_wait3A_286 = tpu.memref_slice %arg2[%dma_wait3A_284, %dma_wait3A_285] : memref<10000x128xf32, #tpu.memory_space<hbm>> -> memref<10000x128xf32, #tpu.memory_space<hbm>>
      tpu.wait_indirect_dma semaphore(%arg13 : memref<!tpu.dma_semaphore, #tpu.memory_space<semaphore_mem>>) src(%dma_wait3A_286 : memref<10000x128xf32, #tpu.memory_space<hbm>>) dst(%dma_wait3A_282 : memref<40x128xf32, #tpu.memory_space<vmem>>)
      %dma_wait3A_287 = arith.constant 40 : i32
      %dma_wait3A_288 = arith.constant 0 : i32
      %dma_wait3A_289 = tpu.memref_slice %arg11[%dma_wait3A_287, %dma_wait3A_288] : memref<200x128xf32, #tpu.memory_space<vmem>> -> memref<40x128xf32, #tpu.memory_space<vmem>>
      %dma_wait3A_290 = tpu.memref_slice %arg7[%add3A_123] : memref<10000xi32, #tpu.memory_space<vmem>> -> memref<40xi32, #tpu.memory_space<vmem>>
      %dma_wait3A_291 = arith.constant 0 : i32
      %dma_wait3A_292 = arith.constant 0 : i32
      %dma_wait3A_293 = tpu.memref_slice %arg2[%dma_wait3A_291, %dma_wait3A_292] : memref<10000x128xf32, #tpu.memory_space<hbm>> -> memref<10000x128xf32, #tpu.memory_space<hbm>>
      tpu.wait_indirect_dma semaphore(%arg13 : memref<!tpu.dma_semaphore, #tpu.memory_space<semaphore_mem>>) src(%dma_wait3A_293 : memref<10000x128xf32, #tpu.memory_space<hbm>>) dst(%dma_wait3A_289 : memref<40x128xf32, #tpu.memory_space<vmem>>)
      %dma_wait3A_294 = arith.constant 40 : i32
      %dma_wait3A_295 = arith.constant 0 : i32
      %dma_wait3A_296 = tpu.memref_slice %arg12[%dma_wait3A_294, %dma_wait3A_295] : memref<200x128xf32, #tpu.memory_space<vmem>> -> memref<40x128xf32, #tpu.memory_space<vmem>>
      %dma_wait3A_297 = tpu.memref_slice %arg8[%add3A_132] : memref<10000xi32, #tpu.memory_space<vmem>> -> memref<40xi32, #tpu.memory_space<vmem>>
      %dma_wait3A_298 = arith.constant 0 : i32
      %dma_wait3A_299 = arith.constant 0 : i32
      %dma_wait3A_300 = tpu.memref_slice %arg2[%dma_wait3A_298, %dma_wait3A_299] : memref<10000x128xf32, #tpu.memory_space<hbm>> -> memref<10000x128xf32, #tpu.memory_space<hbm>>
      tpu.wait_indirect_dma semaphore(%arg13 : memref<!tpu.dma_semaphore, #tpu.memory_space<semaphore_mem>>) src(%dma_wait3A_300 : memref<10000x128xf32, #tpu.memory_space<hbm>>) dst(%dma_wait3A_296 : memref<40x128xf32, #tpu.memory_space<vmem>>)
      %dma_wait3A_301 = arith.constant 80 : i32
      %dma_wait3A_302 = arith.constant 0 : i32
      %dma_wait3A_303 = tpu.memref_slice %arg11[%dma_wait3A_301, %dma_wait3A_302] : memref<200x128xf32, #tpu.memory_space<vmem>> -> memref<40x128xf32, #tpu.memory_space<vmem>>
      %dma_wait3A_304 = tpu.memref_slice %arg7[%add3A_141] : memref<10000xi32, #tpu.memory_space<vmem>> -> memref<40xi32, #tpu.memory_space<vmem>>
      %dma_wait3A_305 = arith.constant 0 : i32
      %dma_wait3A_306 = arith.constant 0 : i32
      %dma_wait3A_307 = tpu.memref_slice %arg2[%dma_wait3A_305, %dma_wait3A_306] : memref<10000x128xf32, #tpu.memory_space<hbm>> -> memref<10000x128xf32, #tpu.memory_space<hbm>>
      tpu.wait_indirect_dma semaphore(%arg13 : memref<!tpu.dma_semaphore, #tpu.memory_space<semaphore_mem>>) src(%dma_wait3A_307 : memref<10000x128xf32, #tpu.memory_space<hbm>>) dst(%dma_wait3A_303 : memref<40x128xf32, #tpu.memory_space<vmem>>)
      %dma_wait3A_308 = arith.constant 80 : i32
      %dma_wait3A_309 = arith.constant 0 : i32
      %dma_wait3A_310 = tpu.memref_slice %arg12[%dma_wait3A_308, %dma_wait3A_309] : memref<200x128xf32, #tpu.memory_space<vmem>> -> memref<40x128xf32, #tpu.memory_space<vmem>>
      %dma_wait3A_311 = tpu.memref_slice %arg8[%add3A_150] : memref<10000xi32, #tpu.memory_space<vmem>> -> memref<40xi32, #tpu.memory_space<vmem>>
      %dma_wait3A_312 = arith.constant 0 : i32
      %dma_wait3A_313 = arith.constant 0 : i32
      %dma_wait3A_314 = tpu.memref_slice %arg2[%dma_wait3A_312, %dma_wait3A_313] : memref<10000x128xf32, #tpu.memory_space<hbm>> -> memref<10000x128xf32, #tpu.memory_space<hbm>>
      tpu.wait_indirect_dma semaphore(%arg13 : memref<!tpu.dma_semaphore, #tpu.memory_space<semaphore_mem>>) src(%dma_wait3A_314 : memref<10000x128xf32, #tpu.memory_space<hbm>>) dst(%dma_wait3A_310 : memref<40x128xf32, #tpu.memory_space<vmem>>)
      %dma_wait3A_315 = arith.constant 120 : i32
      %dma_wait3A_316 = arith.constant 0 : i32
      %dma_wait3A_317 = tpu.memref_slice %arg11[%dma_wait3A_315, %dma_wait3A_316] : memref<200x128xf32, #tpu.memory_space<vmem>> -> memref<40x128xf32, #tpu.memory_space<vmem>>
      %dma_wait3A_318 = tpu.memref_slice %arg7[%add3A_159] : memref<10000xi32, #tpu.memory_space<vmem>> -> memref<40xi32, #tpu.memory_space<vmem>>
      %dma_wait3A_319 = arith.constant 0 : i32
      %dma_wait3A_320 = arith.constant 0 : i32
      %dma_wait3A_321 = tpu.memref_slice %arg2[%dma_wait3A_319, %dma_wait3A_320] : memref<10000x128xf32, #tpu.memory_space<hbm>> -> memref<10000x128xf32, #tpu.memory_space<hbm>>
      tpu.wait_indirect_dma semaphore(%arg13 : memref<!tpu.dma_semaphore, #tpu.memory_space<semaphore_mem>>) src(%dma_wait3A_321 : memref<10000x128xf32, #tpu.memory_space<hbm>>) dst(%dma_wait3A_317 : memref<40x128xf32, #tpu.memory_space<vmem>>)
      %dma_wait3A_322 = arith.constant 120 : i32
      %dma_wait3A_323 = arith.constant 0 : i32
      %dma_wait3A_324 = tpu.memref_slice %arg12[%dma_wait3A_322, %dma_wait3A_323] : memref<200x128xf32, #tpu.memory_space<vmem>> -> memref<40x128xf32, #tpu.memory_space<vmem>>
      %dma_wait3A_325 = tpu.memref_slice %arg8[%add3A_168] : memref<10000xi32, #tpu.memory_space<vmem>> -> memref<40xi32, #tpu.memory_space<vmem>>
      %dma_wait3A_326 = arith.constant 0 : i32
      %dma_wait3A_327 = arith.constant 0 : i32
      %dma_wait3A_328 = tpu.memref_slice %arg2[%dma_wait3A_326, %dma_wait3A_327] : memref<10000x128xf32, #tpu.memory_space<hbm>> -> memref<10000x128xf32, #tpu.memory_space<hbm>>
      tpu.wait_indirect_dma semaphore(%arg13 : memref<!tpu.dma_semaphore, #tpu.memory_space<semaphore_mem>>) src(%dma_wait3A_328 : memref<10000x128xf32, #tpu.memory_space<hbm>>) dst(%dma_wait3A_324 : memref<40x128xf32, #tpu.memory_space<vmem>>)
      %dma_wait3A_329 = arith.constant 160 : i32
      %dma_wait3A_330 = arith.constant 0 : i32
      %dma_wait3A_331 = tpu.memref_slice %arg11[%dma_wait3A_329, %dma_wait3A_330] : memref<200x128xf32, #tpu.memory_space<vmem>> -> memref<40x128xf32, #tpu.memory_space<vmem>>
      %dma_wait3A_332 = tpu.memref_slice %arg7[%add3A_177] : memref<10000xi32, #tpu.memory_space<vmem>> -> memref<40xi32, #tpu.memory_space<vmem>>
      %dma_wait3A_333 = arith.constant 0 : i32
      %dma_wait3A_334 = arith.constant 0 : i32
      %dma_wait3A_335 = tpu.memref_slice %arg2[%dma_wait3A_333, %dma_wait3A_334] : memref<10000x128xf32, #tpu.memory_space<hbm>> -> memref<10000x128xf32, #tpu.memory_space<hbm>>
      tpu.wait_indirect_dma semaphore(%arg13 : memref<!tpu.dma_semaphore, #tpu.memory_space<semaphore_mem>>) src(%dma_wait3A_335 : memref<10000x128xf32, #tpu.memory_space<hbm>>) dst(%dma_wait3A_331 : memref<40x128xf32, #tpu.memory_space<vmem>>)
      %dma_wait3A_336 = arith.constant 160 : i32
      %dma_wait3A_337 = arith.constant 0 : i32
      %dma_wait3A_338 = tpu.memref_slice %arg12[%dma_wait3A_336, %dma_wait3A_337] : memref<200x128xf32, #tpu.memory_space<vmem>> -> memref<40x128xf32, #tpu.memory_space<vmem>>
      %dma_wait3A_339 = tpu.memref_slice %arg8[%add3A_186] : memref<10000xi32, #tpu.memory_space<vmem>> -> memref<40xi32, #tpu.memory_space<vmem>>
      %dma_wait3A_340 = arith.constant 0 : i32
      %dma_wait3A_341 = arith.constant 0 : i32
      %dma_wait3A_342 = tpu.memref_slice %arg2[%dma_wait3A_340, %dma_wait3A_341] : memref<10000x128xf32, #tpu.memory_space<hbm>> -> memref<10000x128xf32, #tpu.memory_space<hbm>>
      tpu.wait_indirect_dma semaphore(%arg13 : memref<!tpu.dma_semaphore, #tpu.memory_space<semaphore_mem>>) src(%dma_wait3A_342 : memref<10000x128xf32, #tpu.memory_space<hbm>>) dst(%dma_wait3A_338 : memref<40x128xf32, #tpu.memory_space<vmem>>)
      %add3A_343 = arith.addi %mul3A_2, %add3A_14 : i32
      %dma_start3A_344 = arith.constant 0 : i32
      %dma_start3A_345 = tpu.memref_slice %arg5[%add3A_343, %dma_start3A_344] : memref<320000x128xf32, #tpu.memory_space<hbm>> -> memref<200x128xf32, #tpu.memory_space<hbm>>
      %dma_start3A_346 = arith.constant 0 : i32
      %dma_start3A_347 = tpu.memref_slice %arg5[%add3A_343, %dma_start3A_346] : memref<320000x128xf32, #tpu.memory_space<hbm>> -> memref<200x128xf32, #tpu.memory_space<hbm>>
      tpu.enqueue_dma source(%arg11 : memref<200x128xf32, #tpu.memory_space<vmem>>) target(%dma_start3A_347 : memref<200x128xf32, #tpu.memory_space<hbm>>) target_semaphore(%arg14 : memref<!tpu.dma_semaphore, #tpu.memory_space<semaphore_mem>>)
      %add3A_348 = arith.addi %mul3A_2, %add3A_14 : i32
      %dma_start3A_349 = arith.constant 0 : i32
      %dma_start3A_350 = tpu.memref_slice %arg6[%add3A_348, %dma_start3A_349] : memref<320000x128xf32, #tpu.memory_space<hbm>> -> memref<200x128xf32, #tpu.memory_space<hbm>>
      %dma_start3A_351 = arith.constant 0 : i32
      %dma_start3A_352 = tpu.memref_slice %arg6[%add3A_348, %dma_start3A_351] : memref<320000x128xf32, #tpu.memory_space<hbm>> -> memref<200x128xf32, #tpu.memory_space<hbm>>
      tpu.enqueue_dma source(%arg12 : memref<200x128xf32, #tpu.memory_space<vmem>>) target(%dma_start3A_352 : memref<200x128xf32, #tpu.memory_space<hbm>>) target_semaphore(%arg14 : memref<!tpu.dma_semaphore, #tpu.memory_space<semaphore_mem>>)
      %dma_wait3A_353 = arith.constant 0 : i32
      %dma_wait3A_354 = tpu.memref_slice %arg5[%add3A_263, %dma_wait3A_353] : memref<320000x128xf32, #tpu.memory_space<hbm>> -> memref<200x128xf32, #tpu.memory_space<hbm>>
      %dma_wait3A_355 = arith.constant 0 : i32
      %dma_wait3A_356 = tpu.memref_slice %arg5[%add3A_263, %dma_wait3A_355] : memref<320000x128xf32, #tpu.memory_space<hbm>> -> memref<200x128xf32, #tpu.memory_space<hbm>>
      tpu.wait_dma2 semaphore(%arg14 : memref<!tpu.dma_semaphore, #tpu.memory_space<semaphore_mem>>) src(%arg9 : memref<200x128xf32, #tpu.memory_space<vmem>>) dst(%dma_wait3A_356 : memref<200x128xf32, #tpu.memory_space<hbm>>)
      %dma_wait3A_357 = arith.constant 0 : i32
      %dma_wait3A_358 = tpu.memref_slice %arg6[%add3A_268, %dma_wait3A_357] : memref<320000x128xf32, #tpu.memory_space<hbm>> -> memref<200x128xf32, #tpu.memory_space<hbm>>
      %dma_wait3A_359 = arith.constant 0 : i32
      %dma_wait3A_360 = tpu.memref_slice %arg6[%add3A_268, %dma_wait3A_359] : memref<320000x128xf32, #tpu.memory_space<hbm>> -> memref<200x128xf32, #tpu.memory_space<hbm>>
      tpu.wait_dma2 semaphore(%arg14 : memref<!tpu.dma_semaphore, #tpu.memory_space<semaphore_mem>>) src(%arg10 : memref<200x128xf32, #tpu.memory_space<vmem>>) dst(%dma_wait3A_360 : memref<200x128xf32, #tpu.memory_space<hbm>>)
      %dma_wait3A_361 = arith.constant 0 : i32
      %dma_wait3A_362 = tpu.memref_slice %arg5[%add3A_343, %dma_wait3A_361] : memref<320000x128xf32, #tpu.memory_space<hbm>> -> memref<200x128xf32, #tpu.memory_space<hbm>>
      %dma_wait3A_363 = arith.constant 0 : i32
      %dma_wait3A_364 = tpu.memref_slice %arg5[%add3A_343, %dma_wait3A_363] : memref<320000x128xf32, #tpu.memory_space<hbm>> -> memref<200x128xf32, #tpu.memory_space<hbm>>
      tpu.wait_dma2 semaphore(%arg14 : memref<!tpu.dma_semaphore, #tpu.memory_space<semaphore_mem>>) src(%arg11 : memref<200x128xf32, #tpu.memory_space<vmem>>) dst(%dma_wait3A_364 : memref<200x128xf32, #tpu.memory_space<hbm>>)
      %dma_wait3A_365 = arith.constant 0 : i32
      %dma_wait3A_366 = tpu.memref_slice %arg6[%add3A_348, %dma_wait3A_365] : memref<320000x128xf32, #tpu.memory_space<hbm>> -> memref<200x128xf32, #tpu.memory_space<hbm>>
      %dma_wait3A_367 = arith.constant 0 : i32
      %dma_wait3A_368 = tpu.memref_slice %arg6[%add3A_348, %dma_wait3A_367] : memref<320000x128xf32, #tpu.memory_space<hbm>> -> memref<200x128xf32, #tpu.memory_space<hbm>>
      tpu.wait_dma2 semaphore(%arg14 : memref<!tpu.dma_semaphore, #tpu.memory_space<semaphore_mem>>) src(%arg12 : memref<200x128xf32, #tpu.memory_space<vmem>>) dst(%dma_wait3A_368 : memref<200x128xf32, #tpu.memory_space<hbm>>)
    }
    %scan3A_7 = arith.constant 25 : i32
    return
  }
}

#map = affine_map<(d0, d1) -> (0, 0)>
#map1 = affine_map<(d0, d1) -> (0)>
#map2 = affine_map<(d0, d1) -> (0, 0, 0)>
module attributes {stable_mosaic.version = 14 : i64} {
  func.func @sk(%arg0: i32, %arg1: i32, %arg2: memref<320000x128xf32, #tpu.memory_space<hbm>>, %arg3: memref<320000xi32, #tpu.memory_space<hbm>>, %arg4: memref<10112x128xf32, #tpu.memory_space<hbm>>, %arg5: memref<2x10112x128xf32, #tpu.memory_space<hbm>>, %arg6: memref<40xi32, #tpu.memory_space<vmem>>, %arg7: memref<40xi32, #tpu.memory_space<vmem>>, %arg8: memref<40xi32, #tpu.memory_space<vmem>>, %arg9: memref<40xi32, #tpu.memory_space<vmem>>, %arg10: memref<40xi32, #tpu.memory_space<vmem>>, %arg11: memref<40x128xf32, #tpu.memory_space<vmem>>, %arg12: memref<40x128xf32, #tpu.memory_space<vmem>>, %arg13: memref<40x128xf32, #tpu.memory_space<vmem>>, %arg14: memref<40x128xf32, #tpu.memory_space<vmem>>, %arg15: memref<40x128xf32, #tpu.memory_space<vmem>>, %arg16: memref<10112x128xf32, #tpu.memory_space<vmem_shared>>, %arg17: memref<!tpu.dma_semaphore, #tpu.memory_space<semaphore_mem>>, %arg18: memref<!tpu.dma_semaphore, #tpu.memory_space<semaphore_mem>>) attributes {dimension_semantics = [#tpu.dimension_semantics<core_parallel>, #tpu.dimension_semantics<subcore_parallel>], iteration_bounds = array<i64: 2, 16>, scalar_prefetch = 0 : i64, scratch_operands = 13 : i64, tpu.core_type = #tpu.core_type<sc_vector_subcore>, window_params = [{transform_indices = #map}, {transform_indices = #map1}, {transform_indices = #map}, {transform_indices = #map2}]} {
    %mul3A = arith.constant 2 : i32
    %mul3A_0 = arith.muli %arg1, %mul3A : i32
    %add3A = arith.addi %mul3A_0, %arg0 : i32
    %mul3A_1 = arith.constant 632 : i32
    %mul3A_2 = arith.muli %arg1, %mul3A_1 : i32
    %mul3A_3 = arith.constant 632 : i32
    %mul3A_4 = arith.muli %arg1, %mul3A_3 : i32
    "tpu.region"() ({
      %run_scoped3A = tpu.sem_alloc : memref<!tpu.dma_semaphore, #tpu.memory_space<semaphore_mem>>
      %dma_start3A = arith.constant 0 : i32
      %dma_start3A_17 = tpu.memref_slice %arg16[%mul3A_4, %dma_start3A] : memref<10112x128xf32, #tpu.memory_space<vmem_shared>> -> memref<632x128xf32, #tpu.memory_space<vmem_shared>>
      %dma_start3A_18 = arith.constant 0 : i32
      %dma_start3A_19 = tpu.memref_slice %arg4[%mul3A_2, %dma_start3A_18] : memref<10112x128xf32, #tpu.memory_space<hbm>> -> memref<632x128xf32, #tpu.memory_space<hbm>>
      tpu.enqueue_dma source(%dma_start3A_19 : memref<632x128xf32, #tpu.memory_space<hbm>>) target(%dma_start3A_17 : memref<632x128xf32, #tpu.memory_space<vmem_shared>>) target_semaphore(%run_scoped3A : memref<!tpu.dma_semaphore, #tpu.memory_space<semaphore_mem>>)
      %dma_wait3A = arith.constant 0 : i32
      %dma_wait3A_20 = tpu.memref_slice %arg16[%mul3A_4, %dma_wait3A] : memref<10112x128xf32, #tpu.memory_space<vmem_shared>> -> memref<632x128xf32, #tpu.memory_space<vmem_shared>>
      %dma_wait3A_21 = arith.constant 0 : i32
      %dma_wait3A_22 = tpu.memref_slice %arg4[%mul3A_2, %dma_wait3A_21] : memref<10112x128xf32, #tpu.memory_space<hbm>> -> memref<632x128xf32, #tpu.memory_space<hbm>>
      tpu.wait_dma2 semaphore(%run_scoped3A : memref<!tpu.dma_semaphore, #tpu.memory_space<semaphore_mem>>) src(%dma_wait3A_22 : memref<632x128xf32, #tpu.memory_space<hbm>>) dst(%dma_wait3A_20 : memref<632x128xf32, #tpu.memory_space<vmem_shared>>)
      tpu.yield
    }) : () -> ()
    %barrier3A = arith.constant 0 : index
    tpu.barrier barrier_id(%barrier3A)
    %mul3A_5 = arith.constant 10000 : i32
    %mul3A_6 = arith.muli %add3A, %mul3A_5 : i32
    %scan3A = arith.constant 0 : i32
    %scan3A_7 = arith.constant 0 : i32
    %scan3A_8 = arith.constant 50 : i32
    %scan3A_9 = arith.addi %scan3A_7, %scan3A_8 : i32
    %scan3A_10 = arith.constant 1 : i32
    scf.for %scan3A_17 = %scan3A_7 to %scan3A_9 step %scan3A_10  : i32 {
      %mul3A_18 = arith.constant 200 : i32
      %mul3A_19 = arith.muli %mul3A_18, %scan3A_17 : i32
      %add3A_20 = arith.addi %mul3A_6, %mul3A_19 : i32
      %add3A_21 = arith.constant 0 : i32
      %add3A_22 = arith.addi %add3A_20, %add3A_21 : i32
      %dma_start3A = tpu.memref_slice %arg3[%add3A_22] : memref<320000xi32, #tpu.memory_space<hbm>> -> memref<40xi32, #tpu.memory_space<hbm>>
      %dma_start3A_23 = tpu.memref_slice %arg3[%add3A_22] : memref<320000xi32, #tpu.memory_space<hbm>> -> memref<40xi32, #tpu.memory_space<hbm>>
      tpu.enqueue_dma source(%dma_start3A_23 : memref<40xi32, #tpu.memory_space<hbm>>) target(%arg6 : memref<40xi32, #tpu.memory_space<vmem>>) target_semaphore(%arg17 : memref<!tpu.dma_semaphore, #tpu.memory_space<semaphore_mem>>)
      %dma_start3A_24 = arith.constant 0 : i32
      %dma_start3A_25 = tpu.memref_slice %arg2[%add3A_22, %dma_start3A_24] : memref<320000x128xf32, #tpu.memory_space<hbm>> -> memref<40x128xf32, #tpu.memory_space<hbm>>
      %dma_start3A_26 = arith.constant 0 : i32
      %dma_start3A_27 = tpu.memref_slice %arg2[%add3A_22, %dma_start3A_26] : memref<320000x128xf32, #tpu.memory_space<hbm>> -> memref<40x128xf32, #tpu.memory_space<hbm>>
      tpu.enqueue_dma source(%dma_start3A_27 : memref<40x128xf32, #tpu.memory_space<hbm>>) target(%arg11 : memref<40x128xf32, #tpu.memory_space<vmem>>) target_semaphore(%arg17 : memref<!tpu.dma_semaphore, #tpu.memory_space<semaphore_mem>>)
      %add3A_28 = arith.constant 40 : i32
      %add3A_29 = arith.addi %add3A_20, %add3A_28 : i32
      %dma_start3A_30 = tpu.memref_slice %arg3[%add3A_29] : memref<320000xi32, #tpu.memory_space<hbm>> -> memref<40xi32, #tpu.memory_space<hbm>>
      %dma_start3A_31 = tpu.memref_slice %arg3[%add3A_29] : memref<320000xi32, #tpu.memory_space<hbm>> -> memref<40xi32, #tpu.memory_space<hbm>>
      tpu.enqueue_dma source(%dma_start3A_31 : memref<40xi32, #tpu.memory_space<hbm>>) target(%arg7 : memref<40xi32, #tpu.memory_space<vmem>>) target_semaphore(%arg17 : memref<!tpu.dma_semaphore, #tpu.memory_space<semaphore_mem>>)
      %dma_start3A_32 = arith.constant 0 : i32
      %dma_start3A_33 = tpu.memref_slice %arg2[%add3A_29, %dma_start3A_32] : memref<320000x128xf32, #tpu.memory_space<hbm>> -> memref<40x128xf32, #tpu.memory_space<hbm>>
      %dma_start3A_34 = arith.constant 0 : i32
      %dma_start3A_35 = tpu.memref_slice %arg2[%add3A_29, %dma_start3A_34] : memref<320000x128xf32, #tpu.memory_space<hbm>> -> memref<40x128xf32, #tpu.memory_space<hbm>>
      tpu.enqueue_dma source(%dma_start3A_35 : memref<40x128xf32, #tpu.memory_space<hbm>>) target(%arg12 : memref<40x128xf32, #tpu.memory_space<vmem>>) target_semaphore(%arg17 : memref<!tpu.dma_semaphore, #tpu.memory_space<semaphore_mem>>)
      %add3A_36 = arith.constant 80 : i32
      %add3A_37 = arith.addi %add3A_20, %add3A_36 : i32
      %dma_start3A_38 = tpu.memref_slice %arg3[%add3A_37] : memref<320000xi32, #tpu.memory_space<hbm>> -> memref<40xi32, #tpu.memory_space<hbm>>
      %dma_start3A_39 = tpu.memref_slice %arg3[%add3A_37] : memref<320000xi32, #tpu.memory_space<hbm>> -> memref<40xi32, #tpu.memory_space<hbm>>
      tpu.enqueue_dma source(%dma_start3A_39 : memref<40xi32, #tpu.memory_space<hbm>>) target(%arg8 : memref<40xi32, #tpu.memory_space<vmem>>) target_semaphore(%arg17 : memref<!tpu.dma_semaphore, #tpu.memory_space<semaphore_mem>>)
      %dma_start3A_40 = arith.constant 0 : i32
      %dma_start3A_41 = tpu.memref_slice %arg2[%add3A_37, %dma_start3A_40] : memref<320000x128xf32, #tpu.memory_space<hbm>> -> memref<40x128xf32, #tpu.memory_space<hbm>>
      %dma_start3A_42 = arith.constant 0 : i32
      %dma_start3A_43 = tpu.memref_slice %arg2[%add3A_37, %dma_start3A_42] : memref<320000x128xf32, #tpu.memory_space<hbm>> -> memref<40x128xf32, #tpu.memory_space<hbm>>
      tpu.enqueue_dma source(%dma_start3A_43 : memref<40x128xf32, #tpu.memory_space<hbm>>) target(%arg13 : memref<40x128xf32, #tpu.memory_space<vmem>>) target_semaphore(%arg17 : memref<!tpu.dma_semaphore, #tpu.memory_space<semaphore_mem>>)
      %add3A_44 = arith.constant 120 : i32
      %add3A_45 = arith.addi %add3A_20, %add3A_44 : i32
      %dma_start3A_46 = tpu.memref_slice %arg3[%add3A_45] : memref<320000xi32, #tpu.memory_space<hbm>> -> memref<40xi32, #tpu.memory_space<hbm>>
      %dma_start3A_47 = tpu.memref_slice %arg3[%add3A_45] : memref<320000xi32, #tpu.memory_space<hbm>> -> memref<40xi32, #tpu.memory_space<hbm>>
      tpu.enqueue_dma source(%dma_start3A_47 : memref<40xi32, #tpu.memory_space<hbm>>) target(%arg9 : memref<40xi32, #tpu.memory_space<vmem>>) target_semaphore(%arg17 : memref<!tpu.dma_semaphore, #tpu.memory_space<semaphore_mem>>)
      %dma_start3A_48 = arith.constant 0 : i32
      %dma_start3A_49 = tpu.memref_slice %arg2[%add3A_45, %dma_start3A_48] : memref<320000x128xf32, #tpu.memory_space<hbm>> -> memref<40x128xf32, #tpu.memory_space<hbm>>
      %dma_start3A_50 = arith.constant 0 : i32
      %dma_start3A_51 = tpu.memref_slice %arg2[%add3A_45, %dma_start3A_50] : memref<320000x128xf32, #tpu.memory_space<hbm>> -> memref<40x128xf32, #tpu.memory_space<hbm>>
      tpu.enqueue_dma source(%dma_start3A_51 : memref<40x128xf32, #tpu.memory_space<hbm>>) target(%arg14 : memref<40x128xf32, #tpu.memory_space<vmem>>) target_semaphore(%arg17 : memref<!tpu.dma_semaphore, #tpu.memory_space<semaphore_mem>>)
      %add3A_52 = arith.constant 160 : i32
      %add3A_53 = arith.addi %add3A_20, %add3A_52 : i32
      %dma_start3A_54 = tpu.memref_slice %arg3[%add3A_53] : memref<320000xi32, #tpu.memory_space<hbm>> -> memref<40xi32, #tpu.memory_space<hbm>>
      %dma_start3A_55 = tpu.memref_slice %arg3[%add3A_53] : memref<320000xi32, #tpu.memory_space<hbm>> -> memref<40xi32, #tpu.memory_space<hbm>>
      tpu.enqueue_dma source(%dma_start3A_55 : memref<40xi32, #tpu.memory_space<hbm>>) target(%arg10 : memref<40xi32, #tpu.memory_space<vmem>>) target_semaphore(%arg17 : memref<!tpu.dma_semaphore, #tpu.memory_space<semaphore_mem>>)
      %dma_start3A_56 = arith.constant 0 : i32
      %dma_start3A_57 = tpu.memref_slice %arg2[%add3A_53, %dma_start3A_56] : memref<320000x128xf32, #tpu.memory_space<hbm>> -> memref<40x128xf32, #tpu.memory_space<hbm>>
      %dma_start3A_58 = arith.constant 0 : i32
      %dma_start3A_59 = tpu.memref_slice %arg2[%add3A_53, %dma_start3A_58] : memref<320000x128xf32, #tpu.memory_space<hbm>> -> memref<40x128xf32, #tpu.memory_space<hbm>>
      tpu.enqueue_dma source(%dma_start3A_59 : memref<40x128xf32, #tpu.memory_space<hbm>>) target(%arg15 : memref<40x128xf32, #tpu.memory_space<vmem>>) target_semaphore(%arg17 : memref<!tpu.dma_semaphore, #tpu.memory_space<semaphore_mem>>)
      %dma_wait3A = tpu.memref_slice %arg3[%add3A_22] : memref<320000xi32, #tpu.memory_space<hbm>> -> memref<40xi32, #tpu.memory_space<hbm>>
      %dma_wait3A_60 = tpu.memref_slice %arg3[%add3A_22] : memref<320000xi32, #tpu.memory_space<hbm>> -> memref<40xi32, #tpu.memory_space<hbm>>
      tpu.wait_dma2 semaphore(%arg17 : memref<!tpu.dma_semaphore, #tpu.memory_space<semaphore_mem>>) src(%dma_wait3A_60 : memref<40xi32, #tpu.memory_space<hbm>>) dst(%arg6 : memref<40xi32, #tpu.memory_space<vmem>>)
      %dma_wait3A_61 = arith.constant 0 : i32
      %dma_wait3A_62 = tpu.memref_slice %arg2[%add3A_22, %dma_wait3A_61] : memref<320000x128xf32, #tpu.memory_space<hbm>> -> memref<40x128xf32, #tpu.memory_space<hbm>>
      %dma_wait3A_63 = arith.constant 0 : i32
      %dma_wait3A_64 = tpu.memref_slice %arg2[%add3A_22, %dma_wait3A_63] : memref<320000x128xf32, #tpu.memory_space<hbm>> -> memref<40x128xf32, #tpu.memory_space<hbm>>
      tpu.wait_dma2 semaphore(%arg17 : memref<!tpu.dma_semaphore, #tpu.memory_space<semaphore_mem>>) src(%dma_wait3A_64 : memref<40x128xf32, #tpu.memory_space<hbm>>) dst(%arg11 : memref<40x128xf32, #tpu.memory_space<vmem>>)
      %dma_start3A_65 = arith.constant 0 : i32
      %dma_start3A_66 = arith.constant 0 : i32
      %dma_start3A_67 = tpu.memref_slice %arg16[%dma_start3A_65, %dma_start3A_66] : memref<10112x128xf32, #tpu.memory_space<vmem_shared>> -> memref<10112x128xf32, #tpu.memory_space<vmem_shared>>
      tpu.enqueue_indirect_dma source(%arg11 : memref<40x128xf32, #tpu.memory_space<vmem>>) target(%dma_start3A_67 : memref<10112x128xf32, #tpu.memory_space<vmem_shared>>) offsets(%arg6 : memref<40xi32, #tpu.memory_space<vmem>>) semaphore(%arg18 : memref<!tpu.dma_semaphore, #tpu.memory_space<semaphore_mem>>) {add = true}
      %dma_wait3A_68 = tpu.memref_slice %arg3[%add3A_29] : memref<320000xi32, #tpu.memory_space<hbm>> -> memref<40xi32, #tpu.memory_space<hbm>>
      %dma_wait3A_69 = tpu.memref_slice %arg3[%add3A_29] : memref<320000xi32, #tpu.memory_space<hbm>> -> memref<40xi32, #tpu.memory_space<hbm>>
      tpu.wait_dma2 semaphore(%arg17 : memref<!tpu.dma_semaphore, #tpu.memory_space<semaphore_mem>>) src(%dma_wait3A_69 : memref<40xi32, #tpu.memory_space<hbm>>) dst(%arg7 : memref<40xi32, #tpu.memory_space<vmem>>)
      %dma_wait3A_70 = arith.constant 0 : i32
      %dma_wait3A_71 = tpu.memref_slice %arg2[%add3A_29, %dma_wait3A_70] : memref<320000x128xf32, #tpu.memory_space<hbm>> -> memref<40x128xf32, #tpu.memory_space<hbm>>
      %dma_wait3A_72 = arith.constant 0 : i32
      %dma_wait3A_73 = tpu.memref_slice %arg2[%add3A_29, %dma_wait3A_72] : memref<320000x128xf32, #tpu.memory_space<hbm>> -> memref<40x128xf32, #tpu.memory_space<hbm>>
      tpu.wait_dma2 semaphore(%arg17 : memref<!tpu.dma_semaphore, #tpu.memory_space<semaphore_mem>>) src(%dma_wait3A_73 : memref<40x128xf32, #tpu.memory_space<hbm>>) dst(%arg12 : memref<40x128xf32, #tpu.memory_space<vmem>>)
      %dma_start3A_74 = arith.constant 0 : i32
      %dma_start3A_75 = arith.constant 0 : i32
      %dma_start3A_76 = tpu.memref_slice %arg16[%dma_start3A_74, %dma_start3A_75] : memref<10112x128xf32, #tpu.memory_space<vmem_shared>> -> memref<10112x128xf32, #tpu.memory_space<vmem_shared>>
      tpu.enqueue_indirect_dma source(%arg12 : memref<40x128xf32, #tpu.memory_space<vmem>>) target(%dma_start3A_76 : memref<10112x128xf32, #tpu.memory_space<vmem_shared>>) offsets(%arg7 : memref<40xi32, #tpu.memory_space<vmem>>) semaphore(%arg18 : memref<!tpu.dma_semaphore, #tpu.memory_space<semaphore_mem>>) {add = true}
      %dma_wait3A_77 = tpu.memref_slice %arg3[%add3A_37] : memref<320000xi32, #tpu.memory_space<hbm>> -> memref<40xi32, #tpu.memory_space<hbm>>
      %dma_wait3A_78 = tpu.memref_slice %arg3[%add3A_37] : memref<320000xi32, #tpu.memory_space<hbm>> -> memref<40xi32, #tpu.memory_space<hbm>>
      tpu.wait_dma2 semaphore(%arg17 : memref<!tpu.dma_semaphore, #tpu.memory_space<semaphore_mem>>) src(%dma_wait3A_78 : memref<40xi32, #tpu.memory_space<hbm>>) dst(%arg8 : memref<40xi32, #tpu.memory_space<vmem>>)
      %dma_wait3A_79 = arith.constant 0 : i32
      %dma_wait3A_80 = tpu.memref_slice %arg2[%add3A_37, %dma_wait3A_79] : memref<320000x128xf32, #tpu.memory_space<hbm>> -> memref<40x128xf32, #tpu.memory_space<hbm>>
      %dma_wait3A_81 = arith.constant 0 : i32
      %dma_wait3A_82 = tpu.memref_slice %arg2[%add3A_37, %dma_wait3A_81] : memref<320000x128xf32, #tpu.memory_space<hbm>> -> memref<40x128xf32, #tpu.memory_space<hbm>>
      tpu.wait_dma2 semaphore(%arg17 : memref<!tpu.dma_semaphore, #tpu.memory_space<semaphore_mem>>) src(%dma_wait3A_82 : memref<40x128xf32, #tpu.memory_space<hbm>>) dst(%arg13 : memref<40x128xf32, #tpu.memory_space<vmem>>)
      %dma_start3A_83 = arith.constant 0 : i32
      %dma_start3A_84 = arith.constant 0 : i32
      %dma_start3A_85 = tpu.memref_slice %arg16[%dma_start3A_83, %dma_start3A_84] : memref<10112x128xf32, #tpu.memory_space<vmem_shared>> -> memref<10112x128xf32, #tpu.memory_space<vmem_shared>>
      tpu.enqueue_indirect_dma source(%arg13 : memref<40x128xf32, #tpu.memory_space<vmem>>) target(%dma_start3A_85 : memref<10112x128xf32, #tpu.memory_space<vmem_shared>>) offsets(%arg8 : memref<40xi32, #tpu.memory_space<vmem>>) semaphore(%arg18 : memref<!tpu.dma_semaphore, #tpu.memory_space<semaphore_mem>>) {add = true}
      %dma_wait3A_86 = tpu.memref_slice %arg3[%add3A_45] : memref<320000xi32, #tpu.memory_space<hbm>> -> memref<40xi32, #tpu.memory_space<hbm>>
      %dma_wait3A_87 = tpu.memref_slice %arg3[%add3A_45] : memref<320000xi32, #tpu.memory_space<hbm>> -> memref<40xi32, #tpu.memory_space<hbm>>
      tpu.wait_dma2 semaphore(%arg17 : memref<!tpu.dma_semaphore, #tpu.memory_space<semaphore_mem>>) src(%dma_wait3A_87 : memref<40xi32, #tpu.memory_space<hbm>>) dst(%arg9 : memref<40xi32, #tpu.memory_space<vmem>>)
      %dma_wait3A_88 = arith.constant 0 : i32
      %dma_wait3A_89 = tpu.memref_slice %arg2[%add3A_45, %dma_wait3A_88] : memref<320000x128xf32, #tpu.memory_space<hbm>> -> memref<40x128xf32, #tpu.memory_space<hbm>>
      %dma_wait3A_90 = arith.constant 0 : i32
      %dma_wait3A_91 = tpu.memref_slice %arg2[%add3A_45, %dma_wait3A_90] : memref<320000x128xf32, #tpu.memory_space<hbm>> -> memref<40x128xf32, #tpu.memory_space<hbm>>
      tpu.wait_dma2 semaphore(%arg17 : memref<!tpu.dma_semaphore, #tpu.memory_space<semaphore_mem>>) src(%dma_wait3A_91 : memref<40x128xf32, #tpu.memory_space<hbm>>) dst(%arg14 : memref<40x128xf32, #tpu.memory_space<vmem>>)
      %dma_start3A_92 = arith.constant 0 : i32
      %dma_start3A_93 = arith.constant 0 : i32
      %dma_start3A_94 = tpu.memref_slice %arg16[%dma_start3A_92, %dma_start3A_93] : memref<10112x128xf32, #tpu.memory_space<vmem_shared>> -> memref<10112x128xf32, #tpu.memory_space<vmem_shared>>
      tpu.enqueue_indirect_dma source(%arg14 : memref<40x128xf32, #tpu.memory_space<vmem>>) target(%dma_start3A_94 : memref<10112x128xf32, #tpu.memory_space<vmem_shared>>) offsets(%arg9 : memref<40xi32, #tpu.memory_space<vmem>>) semaphore(%arg18 : memref<!tpu.dma_semaphore, #tpu.memory_space<semaphore_mem>>) {add = true}
      %dma_wait3A_95 = tpu.memref_slice %arg3[%add3A_53] : memref<320000xi32, #tpu.memory_space<hbm>> -> memref<40xi32, #tpu.memory_space<hbm>>
      %dma_wait3A_96 = tpu.memref_slice %arg3[%add3A_53] : memref<320000xi32, #tpu.memory_space<hbm>> -> memref<40xi32, #tpu.memory_space<hbm>>
      tpu.wait_dma2 semaphore(%arg17 : memref<!tpu.dma_semaphore, #tpu.memory_space<semaphore_mem>>) src(%dma_wait3A_96 : memref<40xi32, #tpu.memory_space<hbm>>) dst(%arg10 : memref<40xi32, #tpu.memory_space<vmem>>)
      %dma_wait3A_97 = arith.constant 0 : i32
      %dma_wait3A_98 = tpu.memref_slice %arg2[%add3A_53, %dma_wait3A_97] : memref<320000x128xf32, #tpu.memory_space<hbm>> -> memref<40x128xf32, #tpu.memory_space<hbm>>
      %dma_wait3A_99 = arith.constant 0 : i32
      %dma_wait3A_100 = tpu.memref_slice %arg2[%add3A_53, %dma_wait3A_99] : memref<320000x128xf32, #tpu.memory_space<hbm>> -> memref<40x128xf32, #tpu.memory_space<hbm>>
      tpu.wait_dma2 semaphore(%arg17 : memref<!tpu.dma_semaphore, #tpu.memory_space<semaphore_mem>>) src(%dma_wait3A_100 : memref<40x128xf32, #tpu.memory_space<hbm>>) dst(%arg15 : memref<40x128xf32, #tpu.memory_space<vmem>>)
      %dma_start3A_101 = arith.constant 0 : i32
      %dma_start3A_102 = arith.constant 0 : i32
      %dma_start3A_103 = tpu.memref_slice %arg16[%dma_start3A_101, %dma_start3A_102] : memref<10112x128xf32, #tpu.memory_space<vmem_shared>> -> memref<10112x128xf32, #tpu.memory_space<vmem_shared>>
      tpu.enqueue_indirect_dma source(%arg15 : memref<40x128xf32, #tpu.memory_space<vmem>>) target(%dma_start3A_103 : memref<10112x128xf32, #tpu.memory_space<vmem_shared>>) offsets(%arg10 : memref<40xi32, #tpu.memory_space<vmem>>) semaphore(%arg18 : memref<!tpu.dma_semaphore, #tpu.memory_space<semaphore_mem>>) {add = true}
      %dma_wait3A_104 = arith.constant 0 : i32
      %dma_wait3A_105 = arith.constant 0 : i32
      %dma_wait3A_106 = tpu.memref_slice %arg16[%dma_wait3A_104, %dma_wait3A_105] : memref<10112x128xf32, #tpu.memory_space<vmem_shared>> -> memref<10112x128xf32, #tpu.memory_space<vmem_shared>>
      tpu.wait_indirect_dma semaphore(%arg18 : memref<!tpu.dma_semaphore, #tpu.memory_space<semaphore_mem>>) src(%arg11 : memref<40x128xf32, #tpu.memory_space<vmem>>) dst(%dma_wait3A_106 : memref<10112x128xf32, #tpu.memory_space<vmem_shared>>)
      %dma_wait3A_107 = arith.constant 0 : i32
      %dma_wait3A_108 = arith.constant 0 : i32
      %dma_wait3A_109 = tpu.memref_slice %arg16[%dma_wait3A_107, %dma_wait3A_108] : memref<10112x128xf32, #tpu.memory_space<vmem_shared>> -> memref<10112x128xf32, #tpu.memory_space<vmem_shared>>
      tpu.wait_indirect_dma semaphore(%arg18 : memref<!tpu.dma_semaphore, #tpu.memory_space<semaphore_mem>>) src(%arg12 : memref<40x128xf32, #tpu.memory_space<vmem>>) dst(%dma_wait3A_109 : memref<10112x128xf32, #tpu.memory_space<vmem_shared>>)
      %dma_wait3A_110 = arith.constant 0 : i32
      %dma_wait3A_111 = arith.constant 0 : i32
      %dma_wait3A_112 = tpu.memref_slice %arg16[%dma_wait3A_110, %dma_wait3A_111] : memref<10112x128xf32, #tpu.memory_space<vmem_shared>> -> memref<10112x128xf32, #tpu.memory_space<vmem_shared>>
      tpu.wait_indirect_dma semaphore(%arg18 : memref<!tpu.dma_semaphore, #tpu.memory_space<semaphore_mem>>) src(%arg13 : memref<40x128xf32, #tpu.memory_space<vmem>>) dst(%dma_wait3A_112 : memref<10112x128xf32, #tpu.memory_space<vmem_shared>>)
      %dma_wait3A_113 = arith.constant 0 : i32
      %dma_wait3A_114 = arith.constant 0 : i32
      %dma_wait3A_115 = tpu.memref_slice %arg16[%dma_wait3A_113, %dma_wait3A_114] : memref<10112x128xf32, #tpu.memory_space<vmem_shared>> -> memref<10112x128xf32, #tpu.memory_space<vmem_shared>>
      tpu.wait_indirect_dma semaphore(%arg18 : memref<!tpu.dma_semaphore, #tpu.memory_space<semaphore_mem>>) src(%arg14 : memref<40x128xf32, #tpu.memory_space<vmem>>) dst(%dma_wait3A_115 : memref<10112x128xf32, #tpu.memory_space<vmem_shared>>)
      %dma_wait3A_116 = arith.constant 0 : i32
      %dma_wait3A_117 = arith.constant 0 : i32
      %dma_wait3A_118 = tpu.memref_slice %arg16[%dma_wait3A_116, %dma_wait3A_117] : memref<10112x128xf32, #tpu.memory_space<vmem_shared>> -> memref<10112x128xf32, #tpu.memory_space<vmem_shared>>
      tpu.wait_indirect_dma semaphore(%arg18 : memref<!tpu.dma_semaphore, #tpu.memory_space<semaphore_mem>>) src(%arg15 : memref<40x128xf32, #tpu.memory_space<vmem>>) dst(%dma_wait3A_118 : memref<10112x128xf32, #tpu.memory_space<vmem_shared>>)
    }
    %scan3A_11 = arith.constant 50 : i32
    %barrier3A_12 = arith.constant 0 : index
    tpu.barrier barrier_id(%barrier3A_12)
    %mul3A_13 = arith.constant 632 : i32
    %mul3A_14 = arith.muli %arg1, %mul3A_13 : i32
    %mul3A_15 = arith.constant 632 : i32
    %mul3A_16 = arith.muli %arg1, %mul3A_15 : i32
    "tpu.region"() ({
      %run_scoped3A = tpu.sem_alloc : memref<!tpu.dma_semaphore, #tpu.memory_space<semaphore_mem>>
      %dma_start3A = arith.constant 0 : i32
      %dma_start3A_17 = tpu.memref_slice %arg5[%arg0, %mul3A_16, %dma_start3A] : memref<2x10112x128xf32, #tpu.memory_space<hbm>> -> memref<1x632x128xf32, #tpu.memory_space<hbm>>
      %dma_start3A_18 = tpu.memref_squeeze %dma_start3A_17 : memref<1x632x128xf32, #tpu.memory_space<hbm>> -> memref<632x128xf32, #tpu.memory_space<hbm>>
      %dma_start3A_19 = arith.constant 0 : i32
      %dma_start3A_20 = tpu.memref_slice %arg16[%mul3A_14, %dma_start3A_19] : memref<10112x128xf32, #tpu.memory_space<vmem_shared>> -> memref<632x128xf32, #tpu.memory_space<vmem_shared>>
      tpu.enqueue_dma source(%dma_start3A_20 : memref<632x128xf32, #tpu.memory_space<vmem_shared>>) target(%dma_start3A_18 : memref<632x128xf32, #tpu.memory_space<hbm>>) target_semaphore(%run_scoped3A : memref<!tpu.dma_semaphore, #tpu.memory_space<semaphore_mem>>)
      %dma_wait3A = arith.constant 0 : i32
      %dma_wait3A_21 = tpu.memref_slice %arg5[%arg0, %mul3A_16, %dma_wait3A] : memref<2x10112x128xf32, #tpu.memory_space<hbm>> -> memref<1x632x128xf32, #tpu.memory_space<hbm>>
      %dma_wait3A_22 = tpu.memref_squeeze %dma_wait3A_21 : memref<1x632x128xf32, #tpu.memory_space<hbm>> -> memref<632x128xf32, #tpu.memory_space<hbm>>
      %dma_wait3A_23 = arith.constant 0 : i32
      %dma_wait3A_24 = tpu.memref_slice %arg16[%mul3A_14, %dma_wait3A_23] : memref<10112x128xf32, #tpu.memory_space<vmem_shared>> -> memref<632x128xf32, #tpu.memory_space<vmem_shared>>
      tpu.wait_dma2 semaphore(%run_scoped3A : memref<!tpu.dma_semaphore, #tpu.memory_space<semaphore_mem>>) src(%dma_wait3A_24 : memref<632x128xf32, #tpu.memory_space<vmem_shared>>) dst(%dma_wait3A_22 : memref<632x128xf32, #tpu.memory_space<hbm>>)
      tpu.yield
    }) : () -> ()
    return
  }
}

#map = affine_map<(d0, d1) -> (0, 0)>
#map1 = affine_map<(d0, d1) -> (0)>
module attributes {stable_mosaic.version = 14 : i64} {
  func.func @gk(%arg0: i32, %arg1: i32, %arg2: memref<10000x128xf32, #tpu.memory_space<hbm>>, %arg3: memref<320000xi32, #tpu.memory_space<hbm>>, %arg4: memref<320000xi32, #tpu.memory_space<hbm>>, %arg5: memref<320000x128xf32, #tpu.memory_space<hbm>>, %arg6: memref<320000x128xf32, #tpu.memory_space<hbm>>, %arg7: memref<10000xi32, #tpu.memory_space<vmem>>, %arg8: memref<10000xi32, #tpu.memory_space<vmem>>, %arg9: memref<200x128xf32, #tpu.memory_space<vmem>>, %arg10: memref<200x128xf32, #tpu.memory_space<vmem>>, %arg11: memref<200x128xf32, #tpu.memory_space<vmem>>, %arg12: memref<200x128xf32, #tpu.memory_space<vmem>>, %arg13: memref<!tpu.dma_semaphore, #tpu.memory_space<semaphore_mem>>, %arg14: memref<!tpu.dma_semaphore, #tpu.memory_space<semaphore_mem>>) attributes {dimension_semantics = [#tpu.dimension_semantics<core_parallel>, #tpu.dimension_semantics<subcore_parallel>], iteration_bounds = array<i64: 2, 16>, scalar_prefetch = 0 : i64, scratch_operands = 8 : i64, tpu.core_type = #tpu.core_type<sc_vector_subcore>, window_params = [{transform_indices = #map}, {transform_indices = #map1}, {transform_indices = #map1}, {transform_indices = #map}, {transform_indices = #map}]} {
    %mul3A = arith.constant 2 : i32
    %mul3A_0 = arith.muli %arg1, %mul3A : i32
    %add3A = arith.addi %mul3A_0, %arg0 : i32
    %mul3A_1 = arith.constant 10000 : i32
    %mul3A_2 = arith.muli %add3A, %mul3A_1 : i32
    "tpu.region"() ({
      %run_scoped3A = tpu.sem_alloc : memref<!tpu.dma_semaphore, #tpu.memory_space<semaphore_mem>>
      %dma_start3A = tpu.memref_slice %arg3[%mul3A_2] : memref<320000xi32, #tpu.memory_space<hbm>> -> memref<10000xi32, #tpu.memory_space<hbm>>
      %dma_start3A_8 = tpu.memref_slice %arg3[%mul3A_2] : memref<320000xi32, #tpu.memory_space<hbm>> -> memref<10000xi32, #tpu.memory_space<hbm>>
      tpu.enqueue_dma source(%dma_start3A_8 : memref<10000xi32, #tpu.memory_space<hbm>>) target(%arg7 : memref<10000xi32, #tpu.memory_space<vmem>>) target_semaphore(%run_scoped3A : memref<!tpu.dma_semaphore, #tpu.memory_space<semaphore_mem>>)
      %dma_wait3A = tpu.memref_slice %arg3[%mul3A_2] : memref<320000xi32, #tpu.memory_space<hbm>> -> memref<10000xi32, #tpu.memory_space<hbm>>
      %dma_wait3A_9 = tpu.memref_slice %arg3[%mul3A_2] : memref<320000xi32, #tpu.memory_space<hbm>> -> memref<10000xi32, #tpu.memory_space<hbm>>
      tpu.wait_dma2 semaphore(%run_scoped3A : memref<!tpu.dma_semaphore, #tpu.memory_space<semaphore_mem>>) src(%dma_wait3A_9 : memref<10000xi32, #tpu.memory_space<hbm>>) dst(%arg7 : memref<10000xi32, #tpu.memory_space<vmem>>)
      tpu.yield
    }) : () -> ()
    "tpu.region"() ({
      %run_scoped3A = tpu.sem_alloc : memref<!tpu.dma_semaphore, #tpu.memory_space<semaphore_mem>>
      %dma_start3A = tpu.memref_slice %arg4[%mul3A_2] : memref<320000xi32, #tpu.memory_space<hbm>> -> memref<10000xi32, #tpu.memory_space<hbm>>
      %dma_start3A_8 = tpu.memref_slice %arg4[%mul3A_2] : memref<320000xi32, #tpu.memory_space<hbm>> -> memref<10000xi32, #tpu.memory_space<hbm>>
      tpu.enqueue_dma source(%dma_start3A_8 : memref<10000xi32, #tpu.memory_space<hbm>>) target(%arg8 : memref<10000xi32, #tpu.memory_space<vmem>>) target_semaphore(%run_scoped3A : memref<!tpu.dma_semaphore, #tpu.memory_space<semaphore_mem>>)
      %dma_wait3A = tpu.memref_slice %arg4[%mul3A_2] : memref<320000xi32, #tpu.memory_space<hbm>> -> memref<10000xi32, #tpu.memory_space<hbm>>
      %dma_wait3A_9 = tpu.memref_slice %arg4[%mul3A_2] : memref<320000xi32, #tpu.memory_space<hbm>> -> memref<10000xi32, #tpu.memory_space<hbm>>
      tpu.wait_dma2 semaphore(%run_scoped3A : memref<!tpu.dma_semaphore, #tpu.memory_space<semaphore_mem>>) src(%dma_wait3A_9 : memref<10000xi32, #tpu.memory_space<hbm>>) dst(%arg8 : memref<10000xi32, #tpu.memory_space<vmem>>)
      tpu.yield
    }) : () -> ()
    %scan3A = arith.constant 0 : i32
    %scan3A_3 = arith.constant 0 : i32
    %scan3A_4 = arith.constant 25 : i32
    %scan3A_5 = arith.addi %scan3A_3, %scan3A_4 : i32
    %scan3A_6 = arith.constant 1 : i32
    scf.for %scan3A_8 = %scan3A_3 to %scan3A_5 step %scan3A_6  : i32 {
      %mul3A_9 = arith.constant 2 : i32
      %mul3A_10 = arith.muli %mul3A_9, %scan3A_8 : i32
      %mul3A_11 = arith.constant 200 : i32
      %mul3A_12 = arith.muli %mul3A_10, %mul3A_11 : i32
      %add3A_13 = arith.constant 200 : i32
      %add3A_14 = arith.addi %mul3A_12, %add3A_13 : i32
      %add3A_15 = arith.constant 0 : i32
      %add3A_16 = arith.addi %mul3A_12, %add3A_15 : i32
      %dma_start3A = arith.constant 0 : i32
      %dma_start3A_17 = arith.constant 0 : i32
      %dma_start3A_18 = tpu.memref_slice %arg9[%dma_start3A, %dma_start3A_17] : memref<200x128xf32, #tpu.memory_space<vmem>> -> memref<40x128xf32, #tpu.memory_space<vmem>>
      %dma_start3A_19 = tpu.memref_slice %arg7[%add3A_16] : memref<10000xi32, #tpu.memory_space<vmem>> -> memref<40xi32, #tpu.memory_space<vmem>>
      %dma_start3A_20 = arith.constant 0 : i32
      %dma_start3A_21 = arith.constant 0 : i32
      %dma_start3A_22 = tpu.memref_slice %arg2[%dma_start3A_20, %dma_start3A_21] : memref<10000x128xf32, #tpu.memory_space<hbm>> -> memref<10000x128xf32, #tpu.memory_space<hbm>>
      tpu.enqueue_indirect_dma source(%dma_start3A_22 : memref<10000x128xf32, #tpu.memory_space<hbm>>) target(%dma_start3A_18 : memref<40x128xf32, #tpu.memory_space<vmem>>) offsets(%dma_start3A_19 : memref<40xi32, #tpu.memory_space<vmem>>) semaphore(%arg13 : memref<!tpu.dma_semaphore, #tpu.memory_space<semaphore_mem>>)
      %add3A_23 = arith.constant 0 : i32
      %add3A_24 = arith.addi %mul3A_12, %add3A_23 : i32
      %dma_start3A_25 = arith.constant 0 : i32
      %dma_start3A_26 = arith.constant 0 : i32
      %dma_start3A_27 = tpu.memref_slice %arg10[%dma_start3A_25, %dma_start3A_26] : memref<200x128xf32, #tpu.memory_space<vmem>> -> memref<40x128xf32, #tpu.memory_space<vmem>>
      %dma_start3A_28 = tpu.memref_slice %arg8[%add3A_24] : memref<10000xi32, #tpu.memory_space<vmem>> -> memref<40xi32, #tpu.memory_space<vmem>>
      %dma_start3A_29 = arith.constant 0 : i32
      %dma_start3A_30 = arith.constant 0 : i32
      %dma_start3A_31 = tpu.memref_slice %arg2[%dma_start3A_29, %dma_start3A_30] : memref<10000x128xf32, #tpu.memory_space<hbm>> -> memref<10000x128xf32, #tpu.memory_space<hbm>>
      tpu.enqueue_indirect_dma source(%dma_start3A_31 : memref<10000x128xf32, #tpu.memory_space<hbm>>) target(%dma_start3A_27 : memref<40x128xf32, #tpu.memory_space<vmem>>) offsets(%dma_start3A_28 : memref<40xi32, #tpu.memory_space<vmem>>) semaphore(%arg13 : memref<!tpu.dma_semaphore, #tpu.memory_space<semaphore_mem>>)
      %add3A_32 = arith.constant 40 : i32
      %add3A_33 = arith.addi %mul3A_12, %add3A_32 : i32
      %dma_start3A_34 = arith.constant 40 : i32
      %dma_start3A_35 = arith.constant 0 : i32
      %dma_start3A_36 = tpu.memref_slice %arg9[%dma_start3A_34, %dma_start3A_35] : memref<200x128xf32, #tpu.memory_space<vmem>> -> memref<40x128xf32, #tpu.memory_space<vmem>>
      %dma_start3A_37 = tpu.memref_slice %arg7[%add3A_33] : memref<10000xi32, #tpu.memory_space<vmem>> -> memref<40xi32, #tpu.memory_space<vmem>>
      %dma_start3A_38 = arith.constant 0 : i32
      %dma_start3A_39 = arith.constant 0 : i32
      %dma_start3A_40 = tpu.memref_slice %arg2[%dma_start3A_38, %dma_start3A_39] : memref<10000x128xf32, #tpu.memory_space<hbm>> -> memref<10000x128xf32, #tpu.memory_space<hbm>>
      tpu.enqueue_indirect_dma source(%dma_start3A_40 : memref<10000x128xf32, #tpu.memory_space<hbm>>) target(%dma_start3A_36 : memref<40x128xf32, #tpu.memory_space<vmem>>) offsets(%dma_start3A_37 : memref<40xi32, #tpu.memory_space<vmem>>) semaphore(%arg13 : memref<!tpu.dma_semaphore, #tpu.memory_space<semaphore_mem>>)
      %add3A_41 = arith.constant 40 : i32
      %add3A_42 = arith.addi %mul3A_12, %add3A_41 : i32
      %dma_start3A_43 = arith.constant 40 : i32
      %dma_start3A_44 = arith.constant 0 : i32
      %dma_start3A_45 = tpu.memref_slice %arg10[%dma_start3A_43, %dma_start3A_44] : memref<200x128xf32, #tpu.memory_space<vmem>> -> memref<40x128xf32, #tpu.memory_space<vmem>>
      %dma_start3A_46 = tpu.memref_slice %arg8[%add3A_42] : memref<10000xi32, #tpu.memory_space<vmem>> -> memref<40xi32, #tpu.memory_space<vmem>>
      %dma_start3A_47 = arith.constant 0 : i32
      %dma_start3A_48 = arith.constant 0 : i32
      %dma_start3A_49 = tpu.memref_slice %arg2[%dma_start3A_47, %dma_start3A_48] : memref<10000x128xf32, #tpu.memory_space<hbm>> -> memref<10000x128xf32, #tpu.memory_space<hbm>>
      tpu.enqueue_indirect_dma source(%dma_start3A_49 : memref<10000x128xf32, #tpu.memory_space<hbm>>) target(%dma_start3A_45 : memref<40x128xf32, #tpu.memory_space<vmem>>) offsets(%dma_start3A_46 : memref<40xi32, #tpu.memory_space<vmem>>) semaphore(%arg13 : memref<!tpu.dma_semaphore, #tpu.memory_space<semaphore_mem>>)
      %add3A_50 = arith.constant 80 : i32
      %add3A_51 = arith.addi %mul3A_12, %add3A_50 : i32
      %dma_start3A_52 = arith.constant 80 : i32
      %dma_start3A_53 = arith.constant 0 : i32
      %dma_start3A_54 = tpu.memref_slice %arg9[%dma_start3A_52, %dma_start3A_53] : memref<200x128xf32, #tpu.memory_space<vmem>> -> memref<40x128xf32, #tpu.memory_space<vmem>>
      %dma_start3A_55 = tpu.memref_slice %arg7[%add3A_51] : memref<10000xi32, #tpu.memory_space<vmem>> -> memref<40xi32, #tpu.memory_space<vmem>>
      %dma_start3A_56 = arith.constant 0 : i32
      %dma_start3A_57 = arith.constant 0 : i32
      %dma_start3A_58 = tpu.memref_slice %arg2[%dma_start3A_56, %dma_start3A_57] : memref<10000x128xf32, #tpu.memory_space<hbm>> -> memref<10000x128xf32, #tpu.memory_space<hbm>>
      tpu.enqueue_indirect_dma source(%dma_start3A_58 : memref<10000x128xf32, #tpu.memory_space<hbm>>) target(%dma_start3A_54 : memref<40x128xf32, #tpu.memory_space<vmem>>) offsets(%dma_start3A_55 : memref<40xi32, #tpu.memory_space<vmem>>) semaphore(%arg13 : memref<!tpu.dma_semaphore, #tpu.memory_space<semaphore_mem>>)
      %add3A_59 = arith.constant 80 : i32
      %add3A_60 = arith.addi %mul3A_12, %add3A_59 : i32
      %dma_start3A_61 = arith.constant 80 : i32
      %dma_start3A_62 = arith.constant 0 : i32
      %dma_start3A_63 = tpu.memref_slice %arg10[%dma_start3A_61, %dma_start3A_62] : memref<200x128xf32, #tpu.memory_space<vmem>> -> memref<40x128xf32, #tpu.memory_space<vmem>>
      %dma_start3A_64 = tpu.memref_slice %arg8[%add3A_60] : memref<10000xi32, #tpu.memory_space<vmem>> -> memref<40xi32, #tpu.memory_space<vmem>>
      %dma_start3A_65 = arith.constant 0 : i32
      %dma_start3A_66 = arith.constant 0 : i32
      %dma_start3A_67 = tpu.memref_slice %arg2[%dma_start3A_65, %dma_start3A_66] : memref<10000x128xf32, #tpu.memory_space<hbm>> -> memref<10000x128xf32, #tpu.memory_space<hbm>>
      tpu.enqueue_indirect_dma source(%dma_start3A_67 : memref<10000x128xf32, #tpu.memory_space<hbm>>) target(%dma_start3A_63 : memref<40x128xf32, #tpu.memory_space<vmem>>) offsets(%dma_start3A_64 : memref<40xi32, #tpu.memory_space<vmem>>) semaphore(%arg13 : memref<!tpu.dma_semaphore, #tpu.memory_space<semaphore_mem>>)
      %add3A_68 = arith.constant 120 : i32
      %add3A_69 = arith.addi %mul3A_12, %add3A_68 : i32
      %dma_start3A_70 = arith.constant 120 : i32
      %dma_start3A_71 = arith.constant 0 : i32
      %dma_start3A_72 = tpu.memref_slice %arg9[%dma_start3A_70, %dma_start3A_71] : memref<200x128xf32, #tpu.memory_space<vmem>> -> memref<40x128xf32, #tpu.memory_space<vmem>>
      %dma_start3A_73 = tpu.memref_slice %arg7[%add3A_69] : memref<10000xi32, #tpu.memory_space<vmem>> -> memref<40xi32, #tpu.memory_space<vmem>>
      %dma_start3A_74 = arith.constant 0 : i32
      %dma_start3A_75 = arith.constant 0 : i32
      %dma_start3A_76 = tpu.memref_slice %arg2[%dma_start3A_74, %dma_start3A_75] : memref<10000x128xf32, #tpu.memory_space<hbm>> -> memref<10000x128xf32, #tpu.memory_space<hbm>>
      tpu.enqueue_indirect_dma source(%dma_start3A_76 : memref<10000x128xf32, #tpu.memory_space<hbm>>) target(%dma_start3A_72 : memref<40x128xf32, #tpu.memory_space<vmem>>) offsets(%dma_start3A_73 : memref<40xi32, #tpu.memory_space<vmem>>) semaphore(%arg13 : memref<!tpu.dma_semaphore, #tpu.memory_space<semaphore_mem>>)
      %add3A_77 = arith.constant 120 : i32
      %add3A_78 = arith.addi %mul3A_12, %add3A_77 : i32
      %dma_start3A_79 = arith.constant 120 : i32
      %dma_start3A_80 = arith.constant 0 : i32
      %dma_start3A_81 = tpu.memref_slice %arg10[%dma_start3A_79, %dma_start3A_80] : memref<200x128xf32, #tpu.memory_space<vmem>> -> memref<40x128xf32, #tpu.memory_space<vmem>>
      %dma_start3A_82 = tpu.memref_slice %arg8[%add3A_78] : memref<10000xi32, #tpu.memory_space<vmem>> -> memref<40xi32, #tpu.memory_space<vmem>>
      %dma_start3A_83 = arith.constant 0 : i32
      %dma_start3A_84 = arith.constant 0 : i32
      %dma_start3A_85 = tpu.memref_slice %arg2[%dma_start3A_83, %dma_start3A_84] : memref<10000x128xf32, #tpu.memory_space<hbm>> -> memref<10000x128xf32, #tpu.memory_space<hbm>>
      tpu.enqueue_indirect_dma source(%dma_start3A_85 : memref<10000x128xf32, #tpu.memory_space<hbm>>) target(%dma_start3A_81 : memref<40x128xf32, #tpu.memory_space<vmem>>) offsets(%dma_start3A_82 : memref<40xi32, #tpu.memory_space<vmem>>) semaphore(%arg13 : memref<!tpu.dma_semaphore, #tpu.memory_space<semaphore_mem>>)
      %add3A_86 = arith.constant 160 : i32
      %add3A_87 = arith.addi %mul3A_12, %add3A_86 : i32
      %dma_start3A_88 = arith.constant 160 : i32
      %dma_start3A_89 = arith.constant 0 : i32
      %dma_start3A_90 = tpu.memref_slice %arg9[%dma_start3A_88, %dma_start3A_89] : memref<200x128xf32, #tpu.memory_space<vmem>> -> memref<40x128xf32, #tpu.memory_space<vmem>>
      %dma_start3A_91 = tpu.memref_slice %arg7[%add3A_87] : memref<10000xi32, #tpu.memory_space<vmem>> -> memref<40xi32, #tpu.memory_space<vmem>>
      %dma_start3A_92 = arith.constant 0 : i32
      %dma_start3A_93 = arith.constant 0 : i32
      %dma_start3A_94 = tpu.memref_slice %arg2[%dma_start3A_92, %dma_start3A_93] : memref<10000x128xf32, #tpu.memory_space<hbm>> -> memref<10000x128xf32, #tpu.memory_space<hbm>>
      tpu.enqueue_indirect_dma source(%dma_start3A_94 : memref<10000x128xf32, #tpu.memory_space<hbm>>) target(%dma_start3A_90 : memref<40x128xf32, #tpu.memory_space<vmem>>) offsets(%dma_start3A_91 : memref<40xi32, #tpu.memory_space<vmem>>) semaphore(%arg13 : memref<!tpu.dma_semaphore, #tpu.memory_space<semaphore_mem>>)
      %add3A_95 = arith.constant 160 : i32
      %add3A_96 = arith.addi %mul3A_12, %add3A_95 : i32
      %dma_start3A_97 = arith.constant 160 : i32
      %dma_start3A_98 = arith.constant 0 : i32
      %dma_start3A_99 = tpu.memref_slice %arg10[%dma_start3A_97, %dma_start3A_98] : memref<200x128xf32, #tpu.memory_space<vmem>> -> memref<40x128xf32, #tpu.memory_space<vmem>>
      %dma_start3A_100 = tpu.memref_slice %arg8[%add3A_96] : memref<10000xi32, #tpu.memory_space<vmem>> -> memref<40xi32, #tpu.memory_space<vmem>>
      %dma_start3A_101 = arith.constant 0 : i32
      %dma_start3A_102 = arith.constant 0 : i32
      %dma_start3A_103 = tpu.memref_slice %arg2[%dma_start3A_101, %dma_start3A_102] : memref<10000x128xf32, #tpu.memory_space<hbm>> -> memref<10000x128xf32, #tpu.memory_space<hbm>>
      tpu.enqueue_indirect_dma source(%dma_start3A_103 : memref<10000x128xf32, #tpu.memory_space<hbm>>) target(%dma_start3A_99 : memref<40x128xf32, #tpu.memory_space<vmem>>) offsets(%dma_start3A_100 : memref<40xi32, #tpu.memory_space<vmem>>) semaphore(%arg13 : memref<!tpu.dma_semaphore, #tpu.memory_space<semaphore_mem>>)
      %add3A_104 = arith.constant 0 : i32
      %add3A_105 = arith.addi %add3A_14, %add3A_104 : i32
      %dma_start3A_106 = arith.constant 0 : i32
      %dma_start3A_107 = arith.constant 0 : i32
      %dma_start3A_108 = tpu.memref_slice %arg11[%dma_start3A_106, %dma_start3A_107] : memref<200x128xf32, #tpu.memory_space<vmem>> -> memref<40x128xf32, #tpu.memory_space<vmem>>
      %dma_start3A_109 = tpu.memref_slice %arg7[%add3A_105] : memref<10000xi32, #tpu.memory_space<vmem>> -> memref<40xi32, #tpu.memory_space<vmem>>
      %dma_start3A_110 = arith.constant 0 : i32
      %dma_start3A_111 = arith.constant 0 : i32
      %dma_start3A_112 = tpu.memref_slice %arg2[%dma_start3A_110, %dma_start3A_111] : memref<10000x128xf32, #tpu.memory_space<hbm>> -> memref<10000x128xf32, #tpu.memory_space<hbm>>
      tpu.enqueue_indirect_dma source(%dma_start3A_112 : memref<10000x128xf32, #tpu.memory_space<hbm>>) target(%dma_start3A_108 : memref<40x128xf32, #tpu.memory_space<vmem>>) offsets(%dma_start3A_109 : memref<40xi32, #tpu.memory_space<vmem>>) semaphore(%arg13 : memref<!tpu.dma_semaphore, #tpu.memory_space<semaphore_mem>>)
      %add3A_113 = arith.constant 0 : i32
      %add3A_114 = arith.addi %add3A_14, %add3A_113 : i32
      %dma_start3A_115 = arith.constant 0 : i32
      %dma_start3A_116 = arith.constant 0 : i32
      %dma_start3A_117 = tpu.memref_slice %arg12[%dma_start3A_115, %dma_start3A_116] : memref<200x128xf32, #tpu.memory_space<vmem>> -> memref<40x128xf32, #tpu.memory_space<vmem>>
      %dma_start3A_118 = tpu.memref_slice %arg8[%add3A_114] : memref<10000xi32, #tpu.memory_space<vmem>> -> memref<40xi32, #tpu.memory_space<vmem>>
      %dma_start3A_119 = arith.constant 0 : i32
      %dma_start3A_120 = arith.constant 0 : i32
      %dma_start3A_121 = tpu.memref_slice %arg2[%dma_start3A_119, %dma_start3A_120] : memref<10000x128xf32, #tpu.memory_space<hbm>> -> memref<10000x128xf32, #tpu.memory_space<hbm>>
      tpu.enqueue_indirect_dma source(%dma_start3A_121 : memref<10000x128xf32, #tpu.memory_space<hbm>>) target(%dma_start3A_117 : memref<40x128xf32, #tpu.memory_space<vmem>>) offsets(%dma_start3A_118 : memref<40xi32, #tpu.memory_space<vmem>>) semaphore(%arg13 : memref<!tpu.dma_semaphore, #tpu.memory_space<semaphore_mem>>)
      %add3A_122 = arith.constant 40 : i32
      %add3A_123 = arith.addi %add3A_14, %add3A_122 : i32
      %dma_start3A_124 = arith.constant 40 : i32
      %dma_start3A_125 = arith.constant 0 : i32
      %dma_start3A_126 = tpu.memref_slice %arg11[%dma_start3A_124, %dma_start3A_125] : memref<200x128xf32, #tpu.memory_space<vmem>> -> memref<40x128xf32, #tpu.memory_space<vmem>>
      %dma_start3A_127 = tpu.memref_slice %arg7[%add3A_123] : memref<10000xi32, #tpu.memory_space<vmem>> -> memref<40xi32, #tpu.memory_space<vmem>>
      %dma_start3A_128 = arith.constant 0 : i32
      %dma_start3A_129 = arith.constant 0 : i32
      %dma_start3A_130 = tpu.memref_slice %arg2[%dma_start3A_128, %dma_start3A_129] : memref<10000x128xf32, #tpu.memory_space<hbm>> -> memref<10000x128xf32, #tpu.memory_space<hbm>>
      tpu.enqueue_indirect_dma source(%dma_start3A_130 : memref<10000x128xf32, #tpu.memory_space<hbm>>) target(%dma_start3A_126 : memref<40x128xf32, #tpu.memory_space<vmem>>) offsets(%dma_start3A_127 : memref<40xi32, #tpu.memory_space<vmem>>) semaphore(%arg13 : memref<!tpu.dma_semaphore, #tpu.memory_space<semaphore_mem>>)
      %add3A_131 = arith.constant 40 : i32
      %add3A_132 = arith.addi %add3A_14, %add3A_131 : i32
      %dma_start3A_133 = arith.constant 40 : i32
      %dma_start3A_134 = arith.constant 0 : i32
      %dma_start3A_135 = tpu.memref_slice %arg12[%dma_start3A_133, %dma_start3A_134] : memref<200x128xf32, #tpu.memory_space<vmem>> -> memref<40x128xf32, #tpu.memory_space<vmem>>
      %dma_start3A_136 = tpu.memref_slice %arg8[%add3A_132] : memref<10000xi32, #tpu.memory_space<vmem>> -> memref<40xi32, #tpu.memory_space<vmem>>
      %dma_start3A_137 = arith.constant 0 : i32
      %dma_start3A_138 = arith.constant 0 : i32
      %dma_start3A_139 = tpu.memref_slice %arg2[%dma_start3A_137, %dma_start3A_138] : memref<10000x128xf32, #tpu.memory_space<hbm>> -> memref<10000x128xf32, #tpu.memory_space<hbm>>
      tpu.enqueue_indirect_dma source(%dma_start3A_139 : memref<10000x128xf32, #tpu.memory_space<hbm>>) target(%dma_start3A_135 : memref<40x128xf32, #tpu.memory_space<vmem>>) offsets(%dma_start3A_136 : memref<40xi32, #tpu.memory_space<vmem>>) semaphore(%arg13 : memref<!tpu.dma_semaphore, #tpu.memory_space<semaphore_mem>>)
      %add3A_140 = arith.constant 80 : i32
      %add3A_141 = arith.addi %add3A_14, %add3A_140 : i32
      %dma_start3A_142 = arith.constant 80 : i32
      %dma_start3A_143 = arith.constant 0 : i32
      %dma_start3A_144 = tpu.memref_slice %arg11[%dma_start3A_142, %dma_start3A_143] : memref<200x128xf32, #tpu.memory_space<vmem>> -> memref<40x128xf32, #tpu.memory_space<vmem>>
      %dma_start3A_145 = tpu.memref_slice %arg7[%add3A_141] : memref<10000xi32, #tpu.memory_space<vmem>> -> memref<40xi32, #tpu.memory_space<vmem>>
      %dma_start3A_146 = arith.constant 0 : i32
      %dma_start3A_147 = arith.constant 0 : i32
      %dma_start3A_148 = tpu.memref_slice %arg2[%dma_start3A_146, %dma_start3A_147] : memref<10000x128xf32, #tpu.memory_space<hbm>> -> memref<10000x128xf32, #tpu.memory_space<hbm>>
      tpu.enqueue_indirect_dma source(%dma_start3A_148 : memref<10000x128xf32, #tpu.memory_space<hbm>>) target(%dma_start3A_144 : memref<40x128xf32, #tpu.memory_space<vmem>>) offsets(%dma_start3A_145 : memref<40xi32, #tpu.memory_space<vmem>>) semaphore(%arg13 : memref<!tpu.dma_semaphore, #tpu.memory_space<semaphore_mem>>)
      %add3A_149 = arith.constant 80 : i32
      %add3A_150 = arith.addi %add3A_14, %add3A_149 : i32
      %dma_start3A_151 = arith.constant 80 : i32
      %dma_start3A_152 = arith.constant 0 : i32
      %dma_start3A_153 = tpu.memref_slice %arg12[%dma_start3A_151, %dma_start3A_152] : memref<200x128xf32, #tpu.memory_space<vmem>> -> memref<40x128xf32, #tpu.memory_space<vmem>>
      %dma_start3A_154 = tpu.memref_slice %arg8[%add3A_150] : memref<10000xi32, #tpu.memory_space<vmem>> -> memref<40xi32, #tpu.memory_space<vmem>>
      %dma_start3A_155 = arith.constant 0 : i32
      %dma_start3A_156 = arith.constant 0 : i32
      %dma_start3A_157 = tpu.memref_slice %arg2[%dma_start3A_155, %dma_start3A_156] : memref<10000x128xf32, #tpu.memory_space<hbm>> -> memref<10000x128xf32, #tpu.memory_space<hbm>>
      tpu.enqueue_indirect_dma source(%dma_start3A_157 : memref<10000x128xf32, #tpu.memory_space<hbm>>) target(%dma_start3A_153 : memref<40x128xf32, #tpu.memory_space<vmem>>) offsets(%dma_start3A_154 : memref<40xi32, #tpu.memory_space<vmem>>) semaphore(%arg13 : memref<!tpu.dma_semaphore, #tpu.memory_space<semaphore_mem>>)
      %add3A_158 = arith.constant 120 : i32
      %add3A_159 = arith.addi %add3A_14, %add3A_158 : i32
      %dma_start3A_160 = arith.constant 120 : i32
      %dma_start3A_161 = arith.constant 0 : i32
      %dma_start3A_162 = tpu.memref_slice %arg11[%dma_start3A_160, %dma_start3A_161] : memref<200x128xf32, #tpu.memory_space<vmem>> -> memref<40x128xf32, #tpu.memory_space<vmem>>
      %dma_start3A_163 = tpu.memref_slice %arg7[%add3A_159] : memref<10000xi32, #tpu.memory_space<vmem>> -> memref<40xi32, #tpu.memory_space<vmem>>
      %dma_start3A_164 = arith.constant 0 : i32
      %dma_start3A_165 = arith.constant 0 : i32
      %dma_start3A_166 = tpu.memref_slice %arg2[%dma_start3A_164, %dma_start3A_165] : memref<10000x128xf32, #tpu.memory_space<hbm>> -> memref<10000x128xf32, #tpu.memory_space<hbm>>
      tpu.enqueue_indirect_dma source(%dma_start3A_166 : memref<10000x128xf32, #tpu.memory_space<hbm>>) target(%dma_start3A_162 : memref<40x128xf32, #tpu.memory_space<vmem>>) offsets(%dma_start3A_163 : memref<40xi32, #tpu.memory_space<vmem>>) semaphore(%arg13 : memref<!tpu.dma_semaphore, #tpu.memory_space<semaphore_mem>>)
      %add3A_167 = arith.constant 120 : i32
      %add3A_168 = arith.addi %add3A_14, %add3A_167 : i32
      %dma_start3A_169 = arith.constant 120 : i32
      %dma_start3A_170 = arith.constant 0 : i32
      %dma_start3A_171 = tpu.memref_slice %arg12[%dma_start3A_169, %dma_start3A_170] : memref<200x128xf32, #tpu.memory_space<vmem>> -> memref<40x128xf32, #tpu.memory_space<vmem>>
      %dma_start3A_172 = tpu.memref_slice %arg8[%add3A_168] : memref<10000xi32, #tpu.memory_space<vmem>> -> memref<40xi32, #tpu.memory_space<vmem>>
      %dma_start3A_173 = arith.constant 0 : i32
      %dma_start3A_174 = arith.constant 0 : i32
      %dma_start3A_175 = tpu.memref_slice %arg2[%dma_start3A_173, %dma_start3A_174] : memref<10000x128xf32, #tpu.memory_space<hbm>> -> memref<10000x128xf32, #tpu.memory_space<hbm>>
      tpu.enqueue_indirect_dma source(%dma_start3A_175 : memref<10000x128xf32, #tpu.memory_space<hbm>>) target(%dma_start3A_171 : memref<40x128xf32, #tpu.memory_space<vmem>>) offsets(%dma_start3A_172 : memref<40xi32, #tpu.memory_space<vmem>>) semaphore(%arg13 : memref<!tpu.dma_semaphore, #tpu.memory_space<semaphore_mem>>)
      %add3A_176 = arith.constant 160 : i32
      %add3A_177 = arith.addi %add3A_14, %add3A_176 : i32
      %dma_start3A_178 = arith.constant 160 : i32
      %dma_start3A_179 = arith.constant 0 : i32
      %dma_start3A_180 = tpu.memref_slice %arg11[%dma_start3A_178, %dma_start3A_179] : memref<200x128xf32, #tpu.memory_space<vmem>> -> memref<40x128xf32, #tpu.memory_space<vmem>>
      %dma_start3A_181 = tpu.memref_slice %arg7[%add3A_177] : memref<10000xi32, #tpu.memory_space<vmem>> -> memref<40xi32, #tpu.memory_space<vmem>>
      %dma_start3A_182 = arith.constant 0 : i32
      %dma_start3A_183 = arith.constant 0 : i32
      %dma_start3A_184 = tpu.memref_slice %arg2[%dma_start3A_182, %dma_start3A_183] : memref<10000x128xf32, #tpu.memory_space<hbm>> -> memref<10000x128xf32, #tpu.memory_space<hbm>>
      tpu.enqueue_indirect_dma source(%dma_start3A_184 : memref<10000x128xf32, #tpu.memory_space<hbm>>) target(%dma_start3A_180 : memref<40x128xf32, #tpu.memory_space<vmem>>) offsets(%dma_start3A_181 : memref<40xi32, #tpu.memory_space<vmem>>) semaphore(%arg13 : memref<!tpu.dma_semaphore, #tpu.memory_space<semaphore_mem>>)
      %add3A_185 = arith.constant 160 : i32
      %add3A_186 = arith.addi %add3A_14, %add3A_185 : i32
      %dma_start3A_187 = arith.constant 160 : i32
      %dma_start3A_188 = arith.constant 0 : i32
      %dma_start3A_189 = tpu.memref_slice %arg12[%dma_start3A_187, %dma_start3A_188] : memref<200x128xf32, #tpu.memory_space<vmem>> -> memref<40x128xf32, #tpu.memory_space<vmem>>
      %dma_start3A_190 = tpu.memref_slice %arg8[%add3A_186] : memref<10000xi32, #tpu.memory_space<vmem>> -> memref<40xi32, #tpu.memory_space<vmem>>
      %dma_start3A_191 = arith.constant 0 : i32
      %dma_start3A_192 = arith.constant 0 : i32
      %dma_start3A_193 = tpu.memref_slice %arg2[%dma_start3A_191, %dma_start3A_192] : memref<10000x128xf32, #tpu.memory_space<hbm>> -> memref<10000x128xf32, #tpu.memory_space<hbm>>
      tpu.enqueue_indirect_dma source(%dma_start3A_193 : memref<10000x128xf32, #tpu.memory_space<hbm>>) target(%dma_start3A_189 : memref<40x128xf32, #tpu.memory_space<vmem>>) offsets(%dma_start3A_190 : memref<40xi32, #tpu.memory_space<vmem>>) semaphore(%arg13 : memref<!tpu.dma_semaphore, #tpu.memory_space<semaphore_mem>>)
      %dma_wait3A = arith.constant 0 : i32
      %dma_wait3A_194 = arith.constant 0 : i32
      %dma_wait3A_195 = tpu.memref_slice %arg9[%dma_wait3A, %dma_wait3A_194] : memref<200x128xf32, #tpu.memory_space<vmem>> -> memref<40x128xf32, #tpu.memory_space<vmem>>
      %dma_wait3A_196 = tpu.memref_slice %arg7[%add3A_16] : memref<10000xi32, #tpu.memory_space<vmem>> -> memref<40xi32, #tpu.memory_space<vmem>>
      %dma_wait3A_197 = arith.constant 0 : i32
      %dma_wait3A_198 = arith.constant 0 : i32
      %dma_wait3A_199 = tpu.memref_slice %arg2[%dma_wait3A_197, %dma_wait3A_198] : memref<10000x128xf32, #tpu.memory_space<hbm>> -> memref<10000x128xf32, #tpu.memory_space<hbm>>
      tpu.wait_indirect_dma semaphore(%arg13 : memref<!tpu.dma_semaphore, #tpu.memory_space<semaphore_mem>>) src(%dma_wait3A_199 : memref<10000x128xf32, #tpu.memory_space<hbm>>) dst(%dma_wait3A_195 : memref<40x128xf32, #tpu.memory_space<vmem>>)
      %dma_wait3A_200 = arith.constant 0 : i32
      %dma_wait3A_201 = arith.constant 0 : i32
      %dma_wait3A_202 = tpu.memref_slice %arg10[%dma_wait3A_200, %dma_wait3A_201] : memref<200x128xf32, #tpu.memory_space<vmem>> -> memref<40x128xf32, #tpu.memory_space<vmem>>
      %dma_wait3A_203 = tpu.memref_slice %arg8[%add3A_24] : memref<10000xi32, #tpu.memory_space<vmem>> -> memref<40xi32, #tpu.memory_space<vmem>>
      %dma_wait3A_204 = arith.constant 0 : i32
      %dma_wait3A_205 = arith.constant 0 : i32
      %dma_wait3A_206 = tpu.memref_slice %arg2[%dma_wait3A_204, %dma_wait3A_205] : memref<10000x128xf32, #tpu.memory_space<hbm>> -> memref<10000x128xf32, #tpu.memory_space<hbm>>
      tpu.wait_indirect_dma semaphore(%arg13 : memref<!tpu.dma_semaphore, #tpu.memory_space<semaphore_mem>>) src(%dma_wait3A_206 : memref<10000x128xf32, #tpu.memory_space<hbm>>) dst(%dma_wait3A_202 : memref<40x128xf32, #tpu.memory_space<vmem>>)
      %dma_wait3A_207 = arith.constant 40 : i32
      %dma_wait3A_208 = arith.constant 0 : i32
      %dma_wait3A_209 = tpu.memref_slice %arg9[%dma_wait3A_207, %dma_wait3A_208] : memref<200x128xf32, #tpu.memory_space<vmem>> -> memref<40x128xf32, #tpu.memory_space<vmem>>
      %dma_wait3A_210 = tpu.memref_slice %arg7[%add3A_33] : memref<10000xi32, #tpu.memory_space<vmem>> -> memref<40xi32, #tpu.memory_space<vmem>>
      %dma_wait3A_211 = arith.constant 0 : i32
      %dma_wait3A_212 = arith.constant 0 : i32
      %dma_wait3A_213 = tpu.memref_slice %arg2[%dma_wait3A_211, %dma_wait3A_212] : memref<10000x128xf32, #tpu.memory_space<hbm>> -> memref<10000x128xf32, #tpu.memory_space<hbm>>
      tpu.wait_indirect_dma semaphore(%arg13 : memref<!tpu.dma_semaphore, #tpu.memory_space<semaphore_mem>>) src(%dma_wait3A_213 : memref<10000x128xf32, #tpu.memory_space<hbm>>) dst(%dma_wait3A_209 : memref<40x128xf32, #tpu.memory_space<vmem>>)
      %dma_wait3A_214 = arith.constant 40 : i32
      %dma_wait3A_215 = arith.constant 0 : i32
      %dma_wait3A_216 = tpu.memref_slice %arg10[%dma_wait3A_214, %dma_wait3A_215] : memref<200x128xf32, #tpu.memory_space<vmem>> -> memref<40x128xf32, #tpu.memory_space<vmem>>
      %dma_wait3A_217 = tpu.memref_slice %arg8[%add3A_42] : memref<10000xi32, #tpu.memory_space<vmem>> -> memref<40xi32, #tpu.memory_space<vmem>>
      %dma_wait3A_218 = arith.constant 0 : i32
      %dma_wait3A_219 = arith.constant 0 : i32
      %dma_wait3A_220 = tpu.memref_slice %arg2[%dma_wait3A_218, %dma_wait3A_219] : memref<10000x128xf32, #tpu.memory_space<hbm>> -> memref<10000x128xf32, #tpu.memory_space<hbm>>
      tpu.wait_indirect_dma semaphore(%arg13 : memref<!tpu.dma_semaphore, #tpu.memory_space<semaphore_mem>>) src(%dma_wait3A_220 : memref<10000x128xf32, #tpu.memory_space<hbm>>) dst(%dma_wait3A_216 : memref<40x128xf32, #tpu.memory_space<vmem>>)
      %dma_wait3A_221 = arith.constant 80 : i32
      %dma_wait3A_222 = arith.constant 0 : i32
      %dma_wait3A_223 = tpu.memref_slice %arg9[%dma_wait3A_221, %dma_wait3A_222] : memref<200x128xf32, #tpu.memory_space<vmem>> -> memref<40x128xf32, #tpu.memory_space<vmem>>
      %dma_wait3A_224 = tpu.memref_slice %arg7[%add3A_51] : memref<10000xi32, #tpu.memory_space<vmem>> -> memref<40xi32, #tpu.memory_space<vmem>>
      %dma_wait3A_225 = arith.constant 0 : i32
      %dma_wait3A_226 = arith.constant 0 : i32
      %dma_wait3A_227 = tpu.memref_slice %arg2[%dma_wait3A_225, %dma_wait3A_226] : memref<10000x128xf32, #tpu.memory_space<hbm>> -> memref<10000x128xf32, #tpu.memory_space<hbm>>
      tpu.wait_indirect_dma semaphore(%arg13 : memref<!tpu.dma_semaphore, #tpu.memory_space<semaphore_mem>>) src(%dma_wait3A_227 : memref<10000x128xf32, #tpu.memory_space<hbm>>) dst(%dma_wait3A_223 : memref<40x128xf32, #tpu.memory_space<vmem>>)
      %dma_wait3A_228 = arith.constant 80 : i32
      %dma_wait3A_229 = arith.constant 0 : i32
      %dma_wait3A_230 = tpu.memref_slice %arg10[%dma_wait3A_228, %dma_wait3A_229] : memref<200x128xf32, #tpu.memory_space<vmem>> -> memref<40x128xf32, #tpu.memory_space<vmem>>
      %dma_wait3A_231 = tpu.memref_slice %arg8[%add3A_60] : memref<10000xi32, #tpu.memory_space<vmem>> -> memref<40xi32, #tpu.memory_space<vmem>>
      %dma_wait3A_232 = arith.constant 0 : i32
      %dma_wait3A_233 = arith.constant 0 : i32
      %dma_wait3A_234 = tpu.memref_slice %arg2[%dma_wait3A_232, %dma_wait3A_233] : memref<10000x128xf32, #tpu.memory_space<hbm>> -> memref<10000x128xf32, #tpu.memory_space<hbm>>
      tpu.wait_indirect_dma semaphore(%arg13 : memref<!tpu.dma_semaphore, #tpu.memory_space<semaphore_mem>>) src(%dma_wait3A_234 : memref<10000x128xf32, #tpu.memory_space<hbm>>) dst(%dma_wait3A_230 : memref<40x128xf32, #tpu.memory_space<vmem>>)
      %dma_wait3A_235 = arith.constant 120 : i32
      %dma_wait3A_236 = arith.constant 0 : i32
      %dma_wait3A_237 = tpu.memref_slice %arg9[%dma_wait3A_235, %dma_wait3A_236] : memref<200x128xf32, #tpu.memory_space<vmem>> -> memref<40x128xf32, #tpu.memory_space<vmem>>
      %dma_wait3A_238 = tpu.memref_slice %arg7[%add3A_69] : memref<10000xi32, #tpu.memory_space<vmem>> -> memref<40xi32, #tpu.memory_space<vmem>>
      %dma_wait3A_239 = arith.constant 0 : i32
      %dma_wait3A_240 = arith.constant 0 : i32
      %dma_wait3A_241 = tpu.memref_slice %arg2[%dma_wait3A_239, %dma_wait3A_240] : memref<10000x128xf32, #tpu.memory_space<hbm>> -> memref<10000x128xf32, #tpu.memory_space<hbm>>
      tpu.wait_indirect_dma semaphore(%arg13 : memref<!tpu.dma_semaphore, #tpu.memory_space<semaphore_mem>>) src(%dma_wait3A_241 : memref<10000x128xf32, #tpu.memory_space<hbm>>) dst(%dma_wait3A_237 : memref<40x128xf32, #tpu.memory_space<vmem>>)
      %dma_wait3A_242 = arith.constant 120 : i32
      %dma_wait3A_243 = arith.constant 0 : i32
      %dma_wait3A_244 = tpu.memref_slice %arg10[%dma_wait3A_242, %dma_wait3A_243] : memref<200x128xf32, #tpu.memory_space<vmem>> -> memref<40x128xf32, #tpu.memory_space<vmem>>
      %dma_wait3A_245 = tpu.memref_slice %arg8[%add3A_78] : memref<10000xi32, #tpu.memory_space<vmem>> -> memref<40xi32, #tpu.memory_space<vmem>>
      %dma_wait3A_246 = arith.constant 0 : i32
      %dma_wait3A_247 = arith.constant 0 : i32
      %dma_wait3A_248 = tpu.memref_slice %arg2[%dma_wait3A_246, %dma_wait3A_247] : memref<10000x128xf32, #tpu.memory_space<hbm>> -> memref<10000x128xf32, #tpu.memory_space<hbm>>
      tpu.wait_indirect_dma semaphore(%arg13 : memref<!tpu.dma_semaphore, #tpu.memory_space<semaphore_mem>>) src(%dma_wait3A_248 : memref<10000x128xf32, #tpu.memory_space<hbm>>) dst(%dma_wait3A_244 : memref<40x128xf32, #tpu.memory_space<vmem>>)
      %dma_wait3A_249 = arith.constant 160 : i32
      %dma_wait3A_250 = arith.constant 0 : i32
      %dma_wait3A_251 = tpu.memref_slice %arg9[%dma_wait3A_249, %dma_wait3A_250] : memref<200x128xf32, #tpu.memory_space<vmem>> -> memref<40x128xf32, #tpu.memory_space<vmem>>
      %dma_wait3A_252 = tpu.memref_slice %arg7[%add3A_87] : memref<10000xi32, #tpu.memory_space<vmem>> -> memref<40xi32, #tpu.memory_space<vmem>>
      %dma_wait3A_253 = arith.constant 0 : i32
      %dma_wait3A_254 = arith.constant 0 : i32
      %dma_wait3A_255 = tpu.memref_slice %arg2[%dma_wait3A_253, %dma_wait3A_254] : memref<10000x128xf32, #tpu.memory_space<hbm>> -> memref<10000x128xf32, #tpu.memory_space<hbm>>
      tpu.wait_indirect_dma semaphore(%arg13 : memref<!tpu.dma_semaphore, #tpu.memory_space<semaphore_mem>>) src(%dma_wait3A_255 : memref<10000x128xf32, #tpu.memory_space<hbm>>) dst(%dma_wait3A_251 : memref<40x128xf32, #tpu.memory_space<vmem>>)
      %dma_wait3A_256 = arith.constant 160 : i32
      %dma_wait3A_257 = arith.constant 0 : i32
      %dma_wait3A_258 = tpu.memref_slice %arg10[%dma_wait3A_256, %dma_wait3A_257] : memref<200x128xf32, #tpu.memory_space<vmem>> -> memref<40x128xf32, #tpu.memory_space<vmem>>
      %dma_wait3A_259 = tpu.memref_slice %arg8[%add3A_96] : memref<10000xi32, #tpu.memory_space<vmem>> -> memref<40xi32, #tpu.memory_space<vmem>>
      %dma_wait3A_260 = arith.constant 0 : i32
      %dma_wait3A_261 = arith.constant 0 : i32
      %dma_wait3A_262 = tpu.memref_slice %arg2[%dma_wait3A_260, %dma_wait3A_261] : memref<10000x128xf32, #tpu.memory_space<hbm>> -> memref<10000x128xf32, #tpu.memory_space<hbm>>
      tpu.wait_indirect_dma semaphore(%arg13 : memref<!tpu.dma_semaphore, #tpu.memory_space<semaphore_mem>>) src(%dma_wait3A_262 : memref<10000x128xf32, #tpu.memory_space<hbm>>) dst(%dma_wait3A_258 : memref<40x128xf32, #tpu.memory_space<vmem>>)
      %add3A_263 = arith.addi %mul3A_2, %mul3A_12 : i32
      %dma_start3A_264 = arith.constant 0 : i32
      %dma_start3A_265 = tpu.memref_slice %arg5[%add3A_263, %dma_start3A_264] : memref<320000x128xf32, #tpu.memory_space<hbm>> -> memref<200x128xf32, #tpu.memory_space<hbm>>
      %dma_start3A_266 = arith.constant 0 : i32
      %dma_start3A_267 = tpu.memref_slice %arg5[%add3A_263, %dma_start3A_266] : memref<320000x128xf32, #tpu.memory_space<hbm>> -> memref<200x128xf32, #tpu.memory_space<hbm>>
      tpu.enqueue_dma source(%arg9 : memref<200x128xf32, #tpu.memory_space<vmem>>) target(%dma_start3A_267 : memref<200x128xf32, #tpu.memory_space<hbm>>) target_semaphore(%arg14 : memref<!tpu.dma_semaphore, #tpu.memory_space<semaphore_mem>>)
      %add3A_268 = arith.addi %mul3A_2, %mul3A_12 : i32
      %dma_start3A_269 = arith.constant 0 : i32
      %dma_start3A_270 = tpu.memref_slice %arg6[%add3A_268, %dma_start3A_269] : memref<320000x128xf32, #tpu.memory_space<hbm>> -> memref<200x128xf32, #tpu.memory_space<hbm>>
      %dma_start3A_271 = arith.constant 0 : i32
      %dma_start3A_272 = tpu.memref_slice %arg6[%add3A_268, %dma_start3A_271] : memref<320000x128xf32, #tpu.memory_space<hbm>> -> memref<200x128xf32, #tpu.memory_space<hbm>>
      tpu.enqueue_dma source(%arg10 : memref<200x128xf32, #tpu.memory_space<vmem>>) target(%dma_start3A_272 : memref<200x128xf32, #tpu.memory_space<hbm>>) target_semaphore(%arg14 : memref<!tpu.dma_semaphore, #tpu.memory_space<semaphore_mem>>)
      %dma_wait3A_273 = arith.constant 0 : i32
      %dma_wait3A_274 = arith.constant 0 : i32
      %dma_wait3A_275 = tpu.memref_slice %arg11[%dma_wait3A_273, %dma_wait3A_274] : memref<200x128xf32, #tpu.memory_space<vmem>> -> memref<40x128xf32, #tpu.memory_space<vmem>>
      %dma_wait3A_276 = tpu.memref_slice %arg7[%add3A_105] : memref<10000xi32, #tpu.memory_space<vmem>> -> memref<40xi32, #tpu.memory_space<vmem>>
      %dma_wait3A_277 = arith.constant 0 : i32
      %dma_wait3A_278 = arith.constant 0 : i32
      %dma_wait3A_279 = tpu.memref_slice %arg2[%dma_wait3A_277, %dma_wait3A_278] : memref<10000x128xf32, #tpu.memory_space<hbm>> -> memref<10000x128xf32, #tpu.memory_space<hbm>>
      tpu.wait_indirect_dma semaphore(%arg13 : memref<!tpu.dma_semaphore, #tpu.memory_space<semaphore_mem>>) src(%dma_wait3A_279 : memref<10000x128xf32, #tpu.memory_space<hbm>>) dst(%dma_wait3A_275 : memref<40x128xf32, #tpu.memory_space<vmem>>)
      %dma_wait3A_280 = arith.constant 0 : i32
      %dma_wait3A_281 = arith.constant 0 : i32
      %dma_wait3A_282 = tpu.memref_slice %arg12[%dma_wait3A_280, %dma_wait3A_281] : memref<200x128xf32, #tpu.memory_space<vmem>> -> memref<40x128xf32, #tpu.memory_space<vmem>>
      %dma_wait3A_283 = tpu.memref_slice %arg8[%add3A_114] : memref<10000xi32, #tpu.memory_space<vmem>> -> memref<40xi32, #tpu.memory_space<vmem>>
      %dma_wait3A_284 = arith.constant 0 : i32
      %dma_wait3A_285 = arith.constant 0 : i32
      %dma_wait3A_286 = tpu.memref_slice %arg2[%dma_wait3A_284, %dma_wait3A_285] : memref<10000x128xf32, #tpu.memory_space<hbm>> -> memref<10000x128xf32, #tpu.memory_space<hbm>>
      tpu.wait_indirect_dma semaphore(%arg13 : memref<!tpu.dma_semaphore, #tpu.memory_space<semaphore_mem>>) src(%dma_wait3A_286 : memref<10000x128xf32, #tpu.memory_space<hbm>>) dst(%dma_wait3A_282 : memref<40x128xf32, #tpu.memory_space<vmem>>)
      %dma_wait3A_287 = arith.constant 40 : i32
      %dma_wait3A_288 = arith.constant 0 : i32
      %dma_wait3A_289 = tpu.memref_slice %arg11[%dma_wait3A_287, %dma_wait3A_288] : memref<200x128xf32, #tpu.memory_space<vmem>> -> memref<40x128xf32, #tpu.memory_space<vmem>>
      %dma_wait3A_290 = tpu.memref_slice %arg7[%add3A_123] : memref<10000xi32, #tpu.memory_space<vmem>> -> memref<40xi32, #tpu.memory_space<vmem>>
      %dma_wait3A_291 = arith.constant 0 : i32
      %dma_wait3A_292 = arith.constant 0 : i32
      %dma_wait3A_293 = tpu.memref_slice %arg2[%dma_wait3A_291, %dma_wait3A_292] : memref<10000x128xf32, #tpu.memory_space<hbm>> -> memref<10000x128xf32, #tpu.memory_space<hbm>>
      tpu.wait_indirect_dma semaphore(%arg13 : memref<!tpu.dma_semaphore, #tpu.memory_space<semaphore_mem>>) src(%dma_wait3A_293 : memref<10000x128xf32, #tpu.memory_space<hbm>>) dst(%dma_wait3A_289 : memref<40x128xf32, #tpu.memory_space<vmem>>)
      %dma_wait3A_294 = arith.constant 40 : i32
      %dma_wait3A_295 = arith.constant 0 : i32
      %dma_wait3A_296 = tpu.memref_slice %arg12[%dma_wait3A_294, %dma_wait3A_295] : memref<200x128xf32, #tpu.memory_space<vmem>> -> memref<40x128xf32, #tpu.memory_space<vmem>>
      %dma_wait3A_297 = tpu.memref_slice %arg8[%add3A_132] : memref<10000xi32, #tpu.memory_space<vmem>> -> memref<40xi32, #tpu.memory_space<vmem>>
      %dma_wait3A_298 = arith.constant 0 : i32
      %dma_wait3A_299 = arith.constant 0 : i32
      %dma_wait3A_300 = tpu.memref_slice %arg2[%dma_wait3A_298, %dma_wait3A_299] : memref<10000x128xf32, #tpu.memory_space<hbm>> -> memref<10000x128xf32, #tpu.memory_space<hbm>>
      tpu.wait_indirect_dma semaphore(%arg13 : memref<!tpu.dma_semaphore, #tpu.memory_space<semaphore_mem>>) src(%dma_wait3A_300 : memref<10000x128xf32, #tpu.memory_space<hbm>>) dst(%dma_wait3A_296 : memref<40x128xf32, #tpu.memory_space<vmem>>)
      %dma_wait3A_301 = arith.constant 80 : i32
      %dma_wait3A_302 = arith.constant 0 : i32
      %dma_wait3A_303 = tpu.memref_slice %arg11[%dma_wait3A_301, %dma_wait3A_302] : memref<200x128xf32, #tpu.memory_space<vmem>> -> memref<40x128xf32, #tpu.memory_space<vmem>>
      %dma_wait3A_304 = tpu.memref_slice %arg7[%add3A_141] : memref<10000xi32, #tpu.memory_space<vmem>> -> memref<40xi32, #tpu.memory_space<vmem>>
      %dma_wait3A_305 = arith.constant 0 : i32
      %dma_wait3A_306 = arith.constant 0 : i32
      %dma_wait3A_307 = tpu.memref_slice %arg2[%dma_wait3A_305, %dma_wait3A_306] : memref<10000x128xf32, #tpu.memory_space<hbm>> -> memref<10000x128xf32, #tpu.memory_space<hbm>>
      tpu.wait_indirect_dma semaphore(%arg13 : memref<!tpu.dma_semaphore, #tpu.memory_space<semaphore_mem>>) src(%dma_wait3A_307 : memref<10000x128xf32, #tpu.memory_space<hbm>>) dst(%dma_wait3A_303 : memref<40x128xf32, #tpu.memory_space<vmem>>)
      %dma_wait3A_308 = arith.constant 80 : i32
      %dma_wait3A_309 = arith.constant 0 : i32
      %dma_wait3A_310 = tpu.memref_slice %arg12[%dma_wait3A_308, %dma_wait3A_309] : memref<200x128xf32, #tpu.memory_space<vmem>> -> memref<40x128xf32, #tpu.memory_space<vmem>>
      %dma_wait3A_311 = tpu.memref_slice %arg8[%add3A_150] : memref<10000xi32, #tpu.memory_space<vmem>> -> memref<40xi32, #tpu.memory_space<vmem>>
      %dma_wait3A_312 = arith.constant 0 : i32
      %dma_wait3A_313 = arith.constant 0 : i32
      %dma_wait3A_314 = tpu.memref_slice %arg2[%dma_wait3A_312, %dma_wait3A_313] : memref<10000x128xf32, #tpu.memory_space<hbm>> -> memref<10000x128xf32, #tpu.memory_space<hbm>>
      tpu.wait_indirect_dma semaphore(%arg13 : memref<!tpu.dma_semaphore, #tpu.memory_space<semaphore_mem>>) src(%dma_wait3A_314 : memref<10000x128xf32, #tpu.memory_space<hbm>>) dst(%dma_wait3A_310 : memref<40x128xf32, #tpu.memory_space<vmem>>)
      %dma_wait3A_315 = arith.constant 120 : i32
      %dma_wait3A_316 = arith.constant 0 : i32
      %dma_wait3A_317 = tpu.memref_slice %arg11[%dma_wait3A_315, %dma_wait3A_316] : memref<200x128xf32, #tpu.memory_space<vmem>> -> memref<40x128xf32, #tpu.memory_space<vmem>>
      %dma_wait3A_318 = tpu.memref_slice %arg7[%add3A_159] : memref<10000xi32, #tpu.memory_space<vmem>> -> memref<40xi32, #tpu.memory_space<vmem>>
      %dma_wait3A_319 = arith.constant 0 : i32
      %dma_wait3A_320 = arith.constant 0 : i32
      %dma_wait3A_321 = tpu.memref_slice %arg2[%dma_wait3A_319, %dma_wait3A_320] : memref<10000x128xf32, #tpu.memory_space<hbm>> -> memref<10000x128xf32, #tpu.memory_space<hbm>>
      tpu.wait_indirect_dma semaphore(%arg13 : memref<!tpu.dma_semaphore, #tpu.memory_space<semaphore_mem>>) src(%dma_wait3A_321 : memref<10000x128xf32, #tpu.memory_space<hbm>>) dst(%dma_wait3A_317 : memref<40x128xf32, #tpu.memory_space<vmem>>)
      %dma_wait3A_322 = arith.constant 120 : i32
      %dma_wait3A_323 = arith.constant 0 : i32
      %dma_wait3A_324 = tpu.memref_slice %arg12[%dma_wait3A_322, %dma_wait3A_323] : memref<200x128xf32, #tpu.memory_space<vmem>> -> memref<40x128xf32, #tpu.memory_space<vmem>>
      %dma_wait3A_325 = tpu.memref_slice %arg8[%add3A_168] : memref<10000xi32, #tpu.memory_space<vmem>> -> memref<40xi32, #tpu.memory_space<vmem>>
      %dma_wait3A_326 = arith.constant 0 : i32
      %dma_wait3A_327 = arith.constant 0 : i32
      %dma_wait3A_328 = tpu.memref_slice %arg2[%dma_wait3A_326, %dma_wait3A_327] : memref<10000x128xf32, #tpu.memory_space<hbm>> -> memref<10000x128xf32, #tpu.memory_space<hbm>>
      tpu.wait_indirect_dma semaphore(%arg13 : memref<!tpu.dma_semaphore, #tpu.memory_space<semaphore_mem>>) src(%dma_wait3A_328 : memref<10000x128xf32, #tpu.memory_space<hbm>>) dst(%dma_wait3A_324 : memref<40x128xf32, #tpu.memory_space<vmem>>)
      %dma_wait3A_329 = arith.constant 160 : i32
      %dma_wait3A_330 = arith.constant 0 : i32
      %dma_wait3A_331 = tpu.memref_slice %arg11[%dma_wait3A_329, %dma_wait3A_330] : memref<200x128xf32, #tpu.memory_space<vmem>> -> memref<40x128xf32, #tpu.memory_space<vmem>>
      %dma_wait3A_332 = tpu.memref_slice %arg7[%add3A_177] : memref<10000xi32, #tpu.memory_space<vmem>> -> memref<40xi32, #tpu.memory_space<vmem>>
      %dma_wait3A_333 = arith.constant 0 : i32
      %dma_wait3A_334 = arith.constant 0 : i32
      %dma_wait3A_335 = tpu.memref_slice %arg2[%dma_wait3A_333, %dma_wait3A_334] : memref<10000x128xf32, #tpu.memory_space<hbm>> -> memref<10000x128xf32, #tpu.memory_space<hbm>>
      tpu.wait_indirect_dma semaphore(%arg13 : memref<!tpu.dma_semaphore, #tpu.memory_space<semaphore_mem>>) src(%dma_wait3A_335 : memref<10000x128xf32, #tpu.memory_space<hbm>>) dst(%dma_wait3A_331 : memref<40x128xf32, #tpu.memory_space<vmem>>)
      %dma_wait3A_336 = arith.constant 160 : i32
      %dma_wait3A_337 = arith.constant 0 : i32
      %dma_wait3A_338 = tpu.memref_slice %arg12[%dma_wait3A_336, %dma_wait3A_337] : memref<200x128xf32, #tpu.memory_space<vmem>> -> memref<40x128xf32, #tpu.memory_space<vmem>>
      %dma_wait3A_339 = tpu.memref_slice %arg8[%add3A_186] : memref<10000xi32, #tpu.memory_space<vmem>> -> memref<40xi32, #tpu.memory_space<vmem>>
      %dma_wait3A_340 = arith.constant 0 : i32
      %dma_wait3A_341 = arith.constant 0 : i32
      %dma_wait3A_342 = tpu.memref_slice %arg2[%dma_wait3A_340, %dma_wait3A_341] : memref<10000x128xf32, #tpu.memory_space<hbm>> -> memref<10000x128xf32, #tpu.memory_space<hbm>>
      tpu.wait_indirect_dma semaphore(%arg13 : memref<!tpu.dma_semaphore, #tpu.memory_space<semaphore_mem>>) src(%dma_wait3A_342 : memref<10000x128xf32, #tpu.memory_space<hbm>>) dst(%dma_wait3A_338 : memref<40x128xf32, #tpu.memory_space<vmem>>)
      %add3A_343 = arith.addi %mul3A_2, %add3A_14 : i32
      %dma_start3A_344 = arith.constant 0 : i32
      %dma_start3A_345 = tpu.memref_slice %arg5[%add3A_343, %dma_start3A_344] : memref<320000x128xf32, #tpu.memory_space<hbm>> -> memref<200x128xf32, #tpu.memory_space<hbm>>
      %dma_start3A_346 = arith.constant 0 : i32
      %dma_start3A_347 = tpu.memref_slice %arg5[%add3A_343, %dma_start3A_346] : memref<320000x128xf32, #tpu.memory_space<hbm>> -> memref<200x128xf32, #tpu.memory_space<hbm>>
      tpu.enqueue_dma source(%arg11 : memref<200x128xf32, #tpu.memory_space<vmem>>) target(%dma_start3A_347 : memref<200x128xf32, #tpu.memory_space<hbm>>) target_semaphore(%arg14 : memref<!tpu.dma_semaphore, #tpu.memory_space<semaphore_mem>>)
      %add3A_348 = arith.addi %mul3A_2, %add3A_14 : i32
      %dma_start3A_349 = arith.constant 0 : i32
      %dma_start3A_350 = tpu.memref_slice %arg6[%add3A_348, %dma_start3A_349] : memref<320000x128xf32, #tpu.memory_space<hbm>> -> memref<200x128xf32, #tpu.memory_space<hbm>>
      %dma_start3A_351 = arith.constant 0 : i32
      %dma_start3A_352 = tpu.memref_slice %arg6[%add3A_348, %dma_start3A_351] : memref<320000x128xf32, #tpu.memory_space<hbm>> -> memref<200x128xf32, #tpu.memory_space<hbm>>
      tpu.enqueue_dma source(%arg12 : memref<200x128xf32, #tpu.memory_space<vmem>>) target(%dma_start3A_352 : memref<200x128xf32, #tpu.memory_space<hbm>>) target_semaphore(%arg14 : memref<!tpu.dma_semaphore, #tpu.memory_space<semaphore_mem>>)
      %dma_wait3A_353 = arith.constant 0 : i32
      %dma_wait3A_354 = tpu.memref_slice %arg5[%add3A_263, %dma_wait3A_353] : memref<320000x128xf32, #tpu.memory_space<hbm>> -> memref<200x128xf32, #tpu.memory_space<hbm>>
      %dma_wait3A_355 = arith.constant 0 : i32
      %dma_wait3A_356 = tpu.memref_slice %arg5[%add3A_263, %dma_wait3A_355] : memref<320000x128xf32, #tpu.memory_space<hbm>> -> memref<200x128xf32, #tpu.memory_space<hbm>>
      tpu.wait_dma2 semaphore(%arg14 : memref<!tpu.dma_semaphore, #tpu.memory_space<semaphore_mem>>) src(%arg9 : memref<200x128xf32, #tpu.memory_space<vmem>>) dst(%dma_wait3A_356 : memref<200x128xf32, #tpu.memory_space<hbm>>)
      %dma_wait3A_357 = arith.constant 0 : i32
      %dma_wait3A_358 = tpu.memref_slice %arg6[%add3A_268, %dma_wait3A_357] : memref<320000x128xf32, #tpu.memory_space<hbm>> -> memref<200x128xf32, #tpu.memory_space<hbm>>
      %dma_wait3A_359 = arith.constant 0 : i32
      %dma_wait3A_360 = tpu.memref_slice %arg6[%add3A_268, %dma_wait3A_359] : memref<320000x128xf32, #tpu.memory_space<hbm>> -> memref<200x128xf32, #tpu.memory_space<hbm>>
      tpu.wait_dma2 semaphore(%arg14 : memref<!tpu.dma_semaphore, #tpu.memory_space<semaphore_mem>>) src(%arg10 : memref<200x128xf32, #tpu.memory_space<vmem>>) dst(%dma_wait3A_360 : memref<200x128xf32, #tpu.memory_space<hbm>>)
      %dma_wait3A_361 = arith.constant 0 : i32
      %dma_wait3A_362 = tpu.memref_slice %arg5[%add3A_343, %dma_wait3A_361] : memref<320000x128xf32, #tpu.memory_space<hbm>> -> memref<200x128xf32, #tpu.memory_space<hbm>>
      %dma_wait3A_363 = arith.constant 0 : i32
      %dma_wait3A_364 = tpu.memref_slice %arg5[%add3A_343, %dma_wait3A_363] : memref<320000x128xf32, #tpu.memory_space<hbm>> -> memref<200x128xf32, #tpu.memory_space<hbm>>
      tpu.wait_dma2 semaphore(%arg14 : memref<!tpu.dma_semaphore, #tpu.memory_space<semaphore_mem>>) src(%arg11 : memref<200x128xf32, #tpu.memory_space<vmem>>) dst(%dma_wait3A_364 : memref<200x128xf32, #tpu.memory_space<hbm>>)
      %dma_wait3A_365 = arith.constant 0 : i32
      %dma_wait3A_366 = tpu.memref_slice %arg6[%add3A_348, %dma_wait3A_365] : memref<320000x128xf32, #tpu.memory_space<hbm>> -> memref<200x128xf32, #tpu.memory_space<hbm>>
      %dma_wait3A_367 = arith.constant 0 : i32
      %dma_wait3A_368 = tpu.memref_slice %arg6[%add3A_348, %dma_wait3A_367] : memref<320000x128xf32, #tpu.memory_space<hbm>> -> memref<200x128xf32, #tpu.memory_space<hbm>>
      tpu.wait_dma2 semaphore(%arg14 : memref<!tpu.dma_semaphore, #tpu.memory_space<semaphore_mem>>) src(%arg12 : memref<200x128xf32, #tpu.memory_space<vmem>>) dst(%dma_wait3A_368 : memref<200x128xf32, #tpu.memory_space<hbm>>)
    }
    %scan3A_7 = arith.constant 25 : i32
    return
  }
}

#map = affine_map<(d0, d1) -> (0, 0)>
#map1 = affine_map<(d0, d1) -> (0)>
#map2 = affine_map<(d0, d1) -> (0, 0, 0)>
module attributes {stable_mosaic.version = 14 : i64} {
  func.func @sk(%arg0: i32, %arg1: i32, %arg2: memref<320000x128xf32, #tpu.memory_space<hbm>>, %arg3: memref<320000xi32, #tpu.memory_space<hbm>>, %arg4: memref<10112x128xf32, #tpu.memory_space<hbm>>, %arg5: memref<2x10112x128xf32, #tpu.memory_space<hbm>>, %arg6: memref<40xi32, #tpu.memory_space<vmem>>, %arg7: memref<40xi32, #tpu.memory_space<vmem>>, %arg8: memref<40xi32, #tpu.memory_space<vmem>>, %arg9: memref<40xi32, #tpu.memory_space<vmem>>, %arg10: memref<40xi32, #tpu.memory_space<vmem>>, %arg11: memref<40x128xf32, #tpu.memory_space<vmem>>, %arg12: memref<40x128xf32, #tpu.memory_space<vmem>>, %arg13: memref<40x128xf32, #tpu.memory_space<vmem>>, %arg14: memref<40x128xf32, #tpu.memory_space<vmem>>, %arg15: memref<40x128xf32, #tpu.memory_space<vmem>>, %arg16: memref<10112x128xf32, #tpu.memory_space<vmem_shared>>, %arg17: memref<!tpu.dma_semaphore, #tpu.memory_space<semaphore_mem>>, %arg18: memref<!tpu.dma_semaphore, #tpu.memory_space<semaphore_mem>>) attributes {dimension_semantics = [#tpu.dimension_semantics<core_parallel>, #tpu.dimension_semantics<subcore_parallel>], iteration_bounds = array<i64: 2, 16>, scalar_prefetch = 0 : i64, scratch_operands = 13 : i64, tpu.core_type = #tpu.core_type<sc_vector_subcore>, window_params = [{transform_indices = #map}, {transform_indices = #map1}, {transform_indices = #map}, {transform_indices = #map2}]} {
    %mul3A = arith.constant 2 : i32
    %mul3A_0 = arith.muli %arg1, %mul3A : i32
    %add3A = arith.addi %mul3A_0, %arg0 : i32
    %mul3A_1 = arith.constant 632 : i32
    %mul3A_2 = arith.muli %arg1, %mul3A_1 : i32
    %mul3A_3 = arith.constant 632 : i32
    %mul3A_4 = arith.muli %arg1, %mul3A_3 : i32
    "tpu.region"() ({
      %run_scoped3A = tpu.sem_alloc : memref<!tpu.dma_semaphore, #tpu.memory_space<semaphore_mem>>
      %dma_start3A = arith.constant 0 : i32
      %dma_start3A_17 = tpu.memref_slice %arg16[%mul3A_4, %dma_start3A] : memref<10112x128xf32, #tpu.memory_space<vmem_shared>> -> memref<632x128xf32, #tpu.memory_space<vmem_shared>>
      %dma_start3A_18 = arith.constant 0 : i32
      %dma_start3A_19 = tpu.memref_slice %arg4[%mul3A_2, %dma_start3A_18] : memref<10112x128xf32, #tpu.memory_space<hbm>> -> memref<632x128xf32, #tpu.memory_space<hbm>>
      tpu.enqueue_dma source(%dma_start3A_19 : memref<632x128xf32, #tpu.memory_space<hbm>>) target(%dma_start3A_17 : memref<632x128xf32, #tpu.memory_space<vmem_shared>>) target_semaphore(%run_scoped3A : memref<!tpu.dma_semaphore, #tpu.memory_space<semaphore_mem>>)
      %dma_wait3A = arith.constant 0 : i32
      %dma_wait3A_20 = tpu.memref_slice %arg16[%mul3A_4, %dma_wait3A] : memref<10112x128xf32, #tpu.memory_space<vmem_shared>> -> memref<632x128xf32, #tpu.memory_space<vmem_shared>>
      %dma_wait3A_21 = arith.constant 0 : i32
      %dma_wait3A_22 = tpu.memref_slice %arg4[%mul3A_2, %dma_wait3A_21] : memref<10112x128xf32, #tpu.memory_space<hbm>> -> memref<632x128xf32, #tpu.memory_space<hbm>>
      tpu.wait_dma2 semaphore(%run_scoped3A : memref<!tpu.dma_semaphore, #tpu.memory_space<semaphore_mem>>) src(%dma_wait3A_22 : memref<632x128xf32, #tpu.memory_space<hbm>>) dst(%dma_wait3A_20 : memref<632x128xf32, #tpu.memory_space<vmem_shared>>)
      tpu.yield
    }) : () -> ()
    %barrier3A = arith.constant 0 : index
    tpu.barrier barrier_id(%barrier3A)
    %mul3A_5 = arith.constant 10000 : i32
    %mul3A_6 = arith.muli %add3A, %mul3A_5 : i32
    %scan3A = arith.constant 0 : i32
    %scan3A_7 = arith.constant 0 : i32
    %scan3A_8 = arith.constant 50 : i32
    %scan3A_9 = arith.addi %scan3A_7, %scan3A_8 : i32
    %scan3A_10 = arith.constant 1 : i32
    scf.for %scan3A_17 = %scan3A_7 to %scan3A_9 step %scan3A_10  : i32 {
      %mul3A_18 = arith.constant 200 : i32
      %mul3A_19 = arith.muli %mul3A_18, %scan3A_17 : i32
      %add3A_20 = arith.addi %mul3A_6, %mul3A_19 : i32
      %add3A_21 = arith.constant 0 : i32
      %add3A_22 = arith.addi %add3A_20, %add3A_21 : i32
      %dma_start3A = tpu.memref_slice %arg3[%add3A_22] : memref<320000xi32, #tpu.memory_space<hbm>> -> memref<40xi32, #tpu.memory_space<hbm>>
      %dma_start3A_23 = tpu.memref_slice %arg3[%add3A_22] : memref<320000xi32, #tpu.memory_space<hbm>> -> memref<40xi32, #tpu.memory_space<hbm>>
      tpu.enqueue_dma source(%dma_start3A_23 : memref<40xi32, #tpu.memory_space<hbm>>) target(%arg6 : memref<40xi32, #tpu.memory_space<vmem>>) target_semaphore(%arg17 : memref<!tpu.dma_semaphore, #tpu.memory_space<semaphore_mem>>)
      %dma_start3A_24 = arith.constant 0 : i32
      %dma_start3A_25 = tpu.memref_slice %arg2[%add3A_22, %dma_start3A_24] : memref<320000x128xf32, #tpu.memory_space<hbm>> -> memref<40x128xf32, #tpu.memory_space<hbm>>
      %dma_start3A_26 = arith.constant 0 : i32
      %dma_start3A_27 = tpu.memref_slice %arg2[%add3A_22, %dma_start3A_26] : memref<320000x128xf32, #tpu.memory_space<hbm>> -> memref<40x128xf32, #tpu.memory_space<hbm>>
      tpu.enqueue_dma source(%dma_start3A_27 : memref<40x128xf32, #tpu.memory_space<hbm>>) target(%arg11 : memref<40x128xf32, #tpu.memory_space<vmem>>) target_semaphore(%arg17 : memref<!tpu.dma_semaphore, #tpu.memory_space<semaphore_mem>>)
      %add3A_28 = arith.constant 40 : i32
      %add3A_29 = arith.addi %add3A_20, %add3A_28 : i32
      %dma_start3A_30 = tpu.memref_slice %arg3[%add3A_29] : memref<320000xi32, #tpu.memory_space<hbm>> -> memref<40xi32, #tpu.memory_space<hbm>>
      %dma_start3A_31 = tpu.memref_slice %arg3[%add3A_29] : memref<320000xi32, #tpu.memory_space<hbm>> -> memref<40xi32, #tpu.memory_space<hbm>>
      tpu.enqueue_dma source(%dma_start3A_31 : memref<40xi32, #tpu.memory_space<hbm>>) target(%arg7 : memref<40xi32, #tpu.memory_space<vmem>>) target_semaphore(%arg17 : memref<!tpu.dma_semaphore, #tpu.memory_space<semaphore_mem>>)
      %dma_start3A_32 = arith.constant 0 : i32
      %dma_start3A_33 = tpu.memref_slice %arg2[%add3A_29, %dma_start3A_32] : memref<320000x128xf32, #tpu.memory_space<hbm>> -> memref<40x128xf32, #tpu.memory_space<hbm>>
      %dma_start3A_34 = arith.constant 0 : i32
      %dma_start3A_35 = tpu.memref_slice %arg2[%add3A_29, %dma_start3A_34] : memref<320000x128xf32, #tpu.memory_space<hbm>> -> memref<40x128xf32, #tpu.memory_space<hbm>>
      tpu.enqueue_dma source(%dma_start3A_35 : memref<40x128xf32, #tpu.memory_space<hbm>>) target(%arg12 : memref<40x128xf32, #tpu.memory_space<vmem>>) target_semaphore(%arg17 : memref<!tpu.dma_semaphore, #tpu.memory_space<semaphore_mem>>)
      %add3A_36 = arith.constant 80 : i32
      %add3A_37 = arith.addi %add3A_20, %add3A_36 : i32
      %dma_start3A_38 = tpu.memref_slice %arg3[%add3A_37] : memref<320000xi32, #tpu.memory_space<hbm>> -> memref<40xi32, #tpu.memory_space<hbm>>
      %dma_start3A_39 = tpu.memref_slice %arg3[%add3A_37] : memref<320000xi32, #tpu.memory_space<hbm>> -> memref<40xi32, #tpu.memory_space<hbm>>
      tpu.enqueue_dma source(%dma_start3A_39 : memref<40xi32, #tpu.memory_space<hbm>>) target(%arg8 : memref<40xi32, #tpu.memory_space<vmem>>) target_semaphore(%arg17 : memref<!tpu.dma_semaphore, #tpu.memory_space<semaphore_mem>>)
      %dma_start3A_40 = arith.constant 0 : i32
      %dma_start3A_41 = tpu.memref_slice %arg2[%add3A_37, %dma_start3A_40] : memref<320000x128xf32, #tpu.memory_space<hbm>> -> memref<40x128xf32, #tpu.memory_space<hbm>>
      %dma_start3A_42 = arith.constant 0 : i32
      %dma_start3A_43 = tpu.memref_slice %arg2[%add3A_37, %dma_start3A_42] : memref<320000x128xf32, #tpu.memory_space<hbm>> -> memref<40x128xf32, #tpu.memory_space<hbm>>
      tpu.enqueue_dma source(%dma_start3A_43 : memref<40x128xf32, #tpu.memory_space<hbm>>) target(%arg13 : memref<40x128xf32, #tpu.memory_space<vmem>>) target_semaphore(%arg17 : memref<!tpu.dma_semaphore, #tpu.memory_space<semaphore_mem>>)
      %add3A_44 = arith.constant 120 : i32
      %add3A_45 = arith.addi %add3A_20, %add3A_44 : i32
      %dma_start3A_46 = tpu.memref_slice %arg3[%add3A_45] : memref<320000xi32, #tpu.memory_space<hbm>> -> memref<40xi32, #tpu.memory_space<hbm>>
      %dma_start3A_47 = tpu.memref_slice %arg3[%add3A_45] : memref<320000xi32, #tpu.memory_space<hbm>> -> memref<40xi32, #tpu.memory_space<hbm>>
      tpu.enqueue_dma source(%dma_start3A_47 : memref<40xi32, #tpu.memory_space<hbm>>) target(%arg9 : memref<40xi32, #tpu.memory_space<vmem>>) target_semaphore(%arg17 : memref<!tpu.dma_semaphore, #tpu.memory_space<semaphore_mem>>)
      %dma_start3A_48 = arith.constant 0 : i32
      %dma_start3A_49 = tpu.memref_slice %arg2[%add3A_45, %dma_start3A_48] : memref<320000x128xf32, #tpu.memory_space<hbm>> -> memref<40x128xf32, #tpu.memory_space<hbm>>
      %dma_start3A_50 = arith.constant 0 : i32
      %dma_start3A_51 = tpu.memref_slice %arg2[%add3A_45, %dma_start3A_50] : memref<320000x128xf32, #tpu.memory_space<hbm>> -> memref<40x128xf32, #tpu.memory_space<hbm>>
      tpu.enqueue_dma source(%dma_start3A_51 : memref<40x128xf32, #tpu.memory_space<hbm>>) target(%arg14 : memref<40x128xf32, #tpu.memory_space<vmem>>) target_semaphore(%arg17 : memref<!tpu.dma_semaphore, #tpu.memory_space<semaphore_mem>>)
      %add3A_52 = arith.constant 160 : i32
      %add3A_53 = arith.addi %add3A_20, %add3A_52 : i32
      %dma_start3A_54 = tpu.memref_slice %arg3[%add3A_53] : memref<320000xi32, #tpu.memory_space<hbm>> -> memref<40xi32, #tpu.memory_space<hbm>>
      %dma_start3A_55 = tpu.memref_slice %arg3[%add3A_53] : memref<320000xi32, #tpu.memory_space<hbm>> -> memref<40xi32, #tpu.memory_space<hbm>>
      tpu.enqueue_dma source(%dma_start3A_55 : memref<40xi32, #tpu.memory_space<hbm>>) target(%arg10 : memref<40xi32, #tpu.memory_space<vmem>>) target_semaphore(%arg17 : memref<!tpu.dma_semaphore, #tpu.memory_space<semaphore_mem>>)
      %dma_start3A_56 = arith.constant 0 : i32
      %dma_start3A_57 = tpu.memref_slice %arg2[%add3A_53, %dma_start3A_56] : memref<320000x128xf32, #tpu.memory_space<hbm>> -> memref<40x128xf32, #tpu.memory_space<hbm>>
      %dma_start3A_58 = arith.constant 0 : i32
      %dma_start3A_59 = tpu.memref_slice %arg2[%add3A_53, %dma_start3A_58] : memref<320000x128xf32, #tpu.memory_space<hbm>> -> memref<40x128xf32, #tpu.memory_space<hbm>>
      tpu.enqueue_dma source(%dma_start3A_59 : memref<40x128xf32, #tpu.memory_space<hbm>>) target(%arg15 : memref<40x128xf32, #tpu.memory_space<vmem>>) target_semaphore(%arg17 : memref<!tpu.dma_semaphore, #tpu.memory_space<semaphore_mem>>)
      %dma_wait3A = tpu.memref_slice %arg3[%add3A_22] : memref<320000xi32, #tpu.memory_space<hbm>> -> memref<40xi32, #tpu.memory_space<hbm>>
      %dma_wait3A_60 = tpu.memref_slice %arg3[%add3A_22] : memref<320000xi32, #tpu.memory_space<hbm>> -> memref<40xi32, #tpu.memory_space<hbm>>
      tpu.wait_dma2 semaphore(%arg17 : memref<!tpu.dma_semaphore, #tpu.memory_space<semaphore_mem>>) src(%dma_wait3A_60 : memref<40xi32, #tpu.memory_space<hbm>>) dst(%arg6 : memref<40xi32, #tpu.memory_space<vmem>>)
      %dma_wait3A_61 = arith.constant 0 : i32
      %dma_wait3A_62 = tpu.memref_slice %arg2[%add3A_22, %dma_wait3A_61] : memref<320000x128xf32, #tpu.memory_space<hbm>> -> memref<40x128xf32, #tpu.memory_space<hbm>>
      %dma_wait3A_63 = arith.constant 0 : i32
      %dma_wait3A_64 = tpu.memref_slice %arg2[%add3A_22, %dma_wait3A_63] : memref<320000x128xf32, #tpu.memory_space<hbm>> -> memref<40x128xf32, #tpu.memory_space<hbm>>
      tpu.wait_dma2 semaphore(%arg17 : memref<!tpu.dma_semaphore, #tpu.memory_space<semaphore_mem>>) src(%dma_wait3A_64 : memref<40x128xf32, #tpu.memory_space<hbm>>) dst(%arg11 : memref<40x128xf32, #tpu.memory_space<vmem>>)
      %dma_start3A_65 = arith.constant 0 : i32
      %dma_start3A_66 = arith.constant 0 : i32
      %dma_start3A_67 = tpu.memref_slice %arg16[%dma_start3A_65, %dma_start3A_66] : memref<10112x128xf32, #tpu.memory_space<vmem_shared>> -> memref<10112x128xf32, #tpu.memory_space<vmem_shared>>
      tpu.enqueue_indirect_dma source(%arg11 : memref<40x128xf32, #tpu.memory_space<vmem>>) target(%dma_start3A_67 : memref<10112x128xf32, #tpu.memory_space<vmem_shared>>) offsets(%arg6 : memref<40xi32, #tpu.memory_space<vmem>>) semaphore(%arg18 : memref<!tpu.dma_semaphore, #tpu.memory_space<semaphore_mem>>) {add = true}
      %dma_wait3A_68 = tpu.memref_slice %arg3[%add3A_29] : memref<320000xi32, #tpu.memory_space<hbm>> -> memref<40xi32, #tpu.memory_space<hbm>>
      %dma_wait3A_69 = tpu.memref_slice %arg3[%add3A_29] : memref<320000xi32, #tpu.memory_space<hbm>> -> memref<40xi32, #tpu.memory_space<hbm>>
      tpu.wait_dma2 semaphore(%arg17 : memref<!tpu.dma_semaphore, #tpu.memory_space<semaphore_mem>>) src(%dma_wait3A_69 : memref<40xi32, #tpu.memory_space<hbm>>) dst(%arg7 : memref<40xi32, #tpu.memory_space<vmem>>)
      %dma_wait3A_70 = arith.constant 0 : i32
      %dma_wait3A_71 = tpu.memref_slice %arg2[%add3A_29, %dma_wait3A_70] : memref<320000x128xf32, #tpu.memory_space<hbm>> -> memref<40x128xf32, #tpu.memory_space<hbm>>
      %dma_wait3A_72 = arith.constant 0 : i32
      %dma_wait3A_73 = tpu.memref_slice %arg2[%add3A_29, %dma_wait3A_72] : memref<320000x128xf32, #tpu.memory_space<hbm>> -> memref<40x128xf32, #tpu.memory_space<hbm>>
      tpu.wait_dma2 semaphore(%arg17 : memref<!tpu.dma_semaphore, #tpu.memory_space<semaphore_mem>>) src(%dma_wait3A_73 : memref<40x128xf32, #tpu.memory_space<hbm>>) dst(%arg12 : memref<40x128xf32, #tpu.memory_space<vmem>>)
      %dma_start3A_74 = arith.constant 0 : i32
      %dma_start3A_75 = arith.constant 0 : i32
      %dma_start3A_76 = tpu.memref_slice %arg16[%dma_start3A_74, %dma_start3A_75] : memref<10112x128xf32, #tpu.memory_space<vmem_shared>> -> memref<10112x128xf32, #tpu.memory_space<vmem_shared>>
      tpu.enqueue_indirect_dma source(%arg12 : memref<40x128xf32, #tpu.memory_space<vmem>>) target(%dma_start3A_76 : memref<10112x128xf32, #tpu.memory_space<vmem_shared>>) offsets(%arg7 : memref<40xi32, #tpu.memory_space<vmem>>) semaphore(%arg18 : memref<!tpu.dma_semaphore, #tpu.memory_space<semaphore_mem>>) {add = true}
      %dma_wait3A_77 = tpu.memref_slice %arg3[%add3A_37] : memref<320000xi32, #tpu.memory_space<hbm>> -> memref<40xi32, #tpu.memory_space<hbm>>
      %dma_wait3A_78 = tpu.memref_slice %arg3[%add3A_37] : memref<320000xi32, #tpu.memory_space<hbm>> -> memref<40xi32, #tpu.memory_space<hbm>>
      tpu.wait_dma2 semaphore(%arg17 : memref<!tpu.dma_semaphore, #tpu.memory_space<semaphore_mem>>) src(%dma_wait3A_78 : memref<40xi32, #tpu.memory_space<hbm>>) dst(%arg8 : memref<40xi32, #tpu.memory_space<vmem>>)
      %dma_wait3A_79 = arith.constant 0 : i32
      %dma_wait3A_80 = tpu.memref_slice %arg2[%add3A_37, %dma_wait3A_79] : memref<320000x128xf32, #tpu.memory_space<hbm>> -> memref<40x128xf32, #tpu.memory_space<hbm>>
      %dma_wait3A_81 = arith.constant 0 : i32
      %dma_wait3A_82 = tpu.memref_slice %arg2[%add3A_37, %dma_wait3A_81] : memref<320000x128xf32, #tpu.memory_space<hbm>> -> memref<40x128xf32, #tpu.memory_space<hbm>>
      tpu.wait_dma2 semaphore(%arg17 : memref<!tpu.dma_semaphore, #tpu.memory_space<semaphore_mem>>) src(%dma_wait3A_82 : memref<40x128xf32, #tpu.memory_space<hbm>>) dst(%arg13 : memref<40x128xf32, #tpu.memory_space<vmem>>)
      %dma_start3A_83 = arith.constant 0 : i32
      %dma_start3A_84 = arith.constant 0 : i32
      %dma_start3A_85 = tpu.memref_slice %arg16[%dma_start3A_83, %dma_start3A_84] : memref<10112x128xf32, #tpu.memory_space<vmem_shared>> -> memref<10112x128xf32, #tpu.memory_space<vmem_shared>>
      tpu.enqueue_indirect_dma source(%arg13 : memref<40x128xf32, #tpu.memory_space<vmem>>) target(%dma_start3A_85 : memref<10112x128xf32, #tpu.memory_space<vmem_shared>>) offsets(%arg8 : memref<40xi32, #tpu.memory_space<vmem>>) semaphore(%arg18 : memref<!tpu.dma_semaphore, #tpu.memory_space<semaphore_mem>>) {add = true}
      %dma_wait3A_86 = tpu.memref_slice %arg3[%add3A_45] : memref<320000xi32, #tpu.memory_space<hbm>> -> memref<40xi32, #tpu.memory_space<hbm>>
      %dma_wait3A_87 = tpu.memref_slice %arg3[%add3A_45] : memref<320000xi32, #tpu.memory_space<hbm>> -> memref<40xi32, #tpu.memory_space<hbm>>
      tpu.wait_dma2 semaphore(%arg17 : memref<!tpu.dma_semaphore, #tpu.memory_space<semaphore_mem>>) src(%dma_wait3A_87 : memref<40xi32, #tpu.memory_space<hbm>>) dst(%arg9 : memref<40xi32, #tpu.memory_space<vmem>>)
      %dma_wait3A_88 = arith.constant 0 : i32
      %dma_wait3A_89 = tpu.memref_slice %arg2[%add3A_45, %dma_wait3A_88] : memref<320000x128xf32, #tpu.memory_space<hbm>> -> memref<40x128xf32, #tpu.memory_space<hbm>>
      %dma_wait3A_90 = arith.constant 0 : i32
      %dma_wait3A_91 = tpu.memref_slice %arg2[%add3A_45, %dma_wait3A_90] : memref<320000x128xf32, #tpu.memory_space<hbm>> -> memref<40x128xf32, #tpu.memory_space<hbm>>
      tpu.wait_dma2 semaphore(%arg17 : memref<!tpu.dma_semaphore, #tpu.memory_space<semaphore_mem>>) src(%dma_wait3A_91 : memref<40x128xf32, #tpu.memory_space<hbm>>) dst(%arg14 : memref<40x128xf32, #tpu.memory_space<vmem>>)
      %dma_start3A_92 = arith.constant 0 : i32
      %dma_start3A_93 = arith.constant 0 : i32
      %dma_start3A_94 = tpu.memref_slice %arg16[%dma_start3A_92, %dma_start3A_93] : memref<10112x128xf32, #tpu.memory_space<vmem_shared>> -> memref<10112x128xf32, #tpu.memory_space<vmem_shared>>
      tpu.enqueue_indirect_dma source(%arg14 : memref<40x128xf32, #tpu.memory_space<vmem>>) target(%dma_start3A_94 : memref<10112x128xf32, #tpu.memory_space<vmem_shared>>) offsets(%arg9 : memref<40xi32, #tpu.memory_space<vmem>>) semaphore(%arg18 : memref<!tpu.dma_semaphore, #tpu.memory_space<semaphore_mem>>) {add = true}
      %dma_wait3A_95 = tpu.memref_slice %arg3[%add3A_53] : memref<320000xi32, #tpu.memory_space<hbm>> -> memref<40xi32, #tpu.memory_space<hbm>>
      %dma_wait3A_96 = tpu.memref_slice %arg3[%add3A_53] : memref<320000xi32, #tpu.memory_space<hbm>> -> memref<40xi32, #tpu.memory_space<hbm>>
      tpu.wait_dma2 semaphore(%arg17 : memref<!tpu.dma_semaphore, #tpu.memory_space<semaphore_mem>>) src(%dma_wait3A_96 : memref<40xi32, #tpu.memory_space<hbm>>) dst(%arg10 : memref<40xi32, #tpu.memory_space<vmem>>)
      %dma_wait3A_97 = arith.constant 0 : i32
      %dma_wait3A_98 = tpu.memref_slice %arg2[%add3A_53, %dma_wait3A_97] : memref<320000x128xf32, #tpu.memory_space<hbm>> -> memref<40x128xf32, #tpu.memory_space<hbm>>
      %dma_wait3A_99 = arith.constant 0 : i32
      %dma_wait3A_100 = tpu.memref_slice %arg2[%add3A_53, %dma_wait3A_99] : memref<320000x128xf32, #tpu.memory_space<hbm>> -> memref<40x128xf32, #tpu.memory_space<hbm>>
      tpu.wait_dma2 semaphore(%arg17 : memref<!tpu.dma_semaphore, #tpu.memory_space<semaphore_mem>>) src(%dma_wait3A_100 : memref<40x128xf32, #tpu.memory_space<hbm>>) dst(%arg15 : memref<40x128xf32, #tpu.memory_space<vmem>>)
      %dma_start3A_101 = arith.constant 0 : i32
      %dma_start3A_102 = arith.constant 0 : i32
      %dma_start3A_103 = tpu.memref_slice %arg16[%dma_start3A_101, %dma_start3A_102] : memref<10112x128xf32, #tpu.memory_space<vmem_shared>> -> memref<10112x128xf32, #tpu.memory_space<vmem_shared>>
      tpu.enqueue_indirect_dma source(%arg15 : memref<40x128xf32, #tpu.memory_space<vmem>>) target(%dma_start3A_103 : memref<10112x128xf32, #tpu.memory_space<vmem_shared>>) offsets(%arg10 : memref<40xi32, #tpu.memory_space<vmem>>) semaphore(%arg18 : memref<!tpu.dma_semaphore, #tpu.memory_space<semaphore_mem>>) {add = true}
      %dma_wait3A_104 = arith.constant 0 : i32
      %dma_wait3A_105 = arith.constant 0 : i32
      %dma_wait3A_106 = tpu.memref_slice %arg16[%dma_wait3A_104, %dma_wait3A_105] : memref<10112x128xf32, #tpu.memory_space<vmem_shared>> -> memref<10112x128xf32, #tpu.memory_space<vmem_shared>>
      tpu.wait_indirect_dma semaphore(%arg18 : memref<!tpu.dma_semaphore, #tpu.memory_space<semaphore_mem>>) src(%arg11 : memref<40x128xf32, #tpu.memory_space<vmem>>) dst(%dma_wait3A_106 : memref<10112x128xf32, #tpu.memory_space<vmem_shared>>)
      %dma_wait3A_107 = arith.constant 0 : i32
      %dma_wait3A_108 = arith.constant 0 : i32
      %dma_wait3A_109 = tpu.memref_slice %arg16[%dma_wait3A_107, %dma_wait3A_108] : memref<10112x128xf32, #tpu.memory_space<vmem_shared>> -> memref<10112x128xf32, #tpu.memory_space<vmem_shared>>
      tpu.wait_indirect_dma semaphore(%arg18 : memref<!tpu.dma_semaphore, #tpu.memory_space<semaphore_mem>>) src(%arg12 : memref<40x128xf32, #tpu.memory_space<vmem>>) dst(%dma_wait3A_109 : memref<10112x128xf32, #tpu.memory_space<vmem_shared>>)
      %dma_wait3A_110 = arith.constant 0 : i32
      %dma_wait3A_111 = arith.constant 0 : i32
      %dma_wait3A_112 = tpu.memref_slice %arg16[%dma_wait3A_110, %dma_wait3A_111] : memref<10112x128xf32, #tpu.memory_space<vmem_shared>> -> memref<10112x128xf32, #tpu.memory_space<vmem_shared>>
      tpu.wait_indirect_dma semaphore(%arg18 : memref<!tpu.dma_semaphore, #tpu.memory_space<semaphore_mem>>) src(%arg13 : memref<40x128xf32, #tpu.memory_space<vmem>>) dst(%dma_wait3A_112 : memref<10112x128xf32, #tpu.memory_space<vmem_shared>>)
      %dma_wait3A_113 = arith.constant 0 : i32
      %dma_wait3A_114 = arith.constant 0 : i32
      %dma_wait3A_115 = tpu.memref_slice %arg16[%dma_wait3A_113, %dma_wait3A_114] : memref<10112x128xf32, #tpu.memory_space<vmem_shared>> -> memref<10112x128xf32, #tpu.memory_space<vmem_shared>>
      tpu.wait_indirect_dma semaphore(%arg18 : memref<!tpu.dma_semaphore, #tpu.memory_space<semaphore_mem>>) src(%arg14 : memref<40x128xf32, #tpu.memory_space<vmem>>) dst(%dma_wait3A_115 : memref<10112x128xf32, #tpu.memory_space<vmem_shared>>)
      %dma_wait3A_116 = arith.constant 0 : i32
      %dma_wait3A_117 = arith.constant 0 : i32
      %dma_wait3A_118 = tpu.memref_slice %arg16[%dma_wait3A_116, %dma_wait3A_117] : memref<10112x128xf32, #tpu.memory_space<vmem_shared>> -> memref<10112x128xf32, #tpu.memory_space<vmem_shared>>
      tpu.wait_indirect_dma semaphore(%arg18 : memref<!tpu.dma_semaphore, #tpu.memory_space<semaphore_mem>>) src(%arg15 : memref<40x128xf32, #tpu.memory_space<vmem>>) dst(%dma_wait3A_118 : memref<10112x128xf32, #tpu.memory_space<vmem_shared>>)
    }
    %scan3A_11 = arith.constant 50 : i32
    %barrier3A_12 = arith.constant 0 : index
    tpu.barrier barrier_id(%barrier3A_12)
    %mul3A_13 = arith.constant 632 : i32
    %mul3A_14 = arith.muli %arg1, %mul3A_13 : i32
    %mul3A_15 = arith.constant 632 : i32
    %mul3A_16 = arith.muli %arg1, %mul3A_15 : i32
    "tpu.region"() ({
      %run_scoped3A = tpu.sem_alloc : memref<!tpu.dma_semaphore, #tpu.memory_space<semaphore_mem>>
      %dma_start3A = arith.constant 0 : i32
      %dma_start3A_17 = tpu.memref_slice %arg5[%arg0, %mul3A_16, %dma_start3A] : memref<2x10112x128xf32, #tpu.memory_space<hbm>> -> memref<1x632x128xf32, #tpu.memory_space<hbm>>
      %dma_start3A_18 = tpu.memref_squeeze %dma_start3A_17 : memref<1x632x128xf32, #tpu.memory_space<hbm>> -> memref<632x128xf32, #tpu.memory_space<hbm>>
      %dma_start3A_19 = arith.constant 0 : i32
      %dma_start3A_20 = tpu.memref_slice %arg16[%mul3A_14, %dma_start3A_19] : memref<10112x128xf32, #tpu.memory_space<vmem_shared>> -> memref<632x128xf32, #tpu.memory_space<vmem_shared>>
      tpu.enqueue_dma source(%dma_start3A_20 : memref<632x128xf32, #tpu.memory_space<vmem_shared>>) target(%dma_start3A_18 : memref<632x128xf32, #tpu.memory_space<hbm>>) target_semaphore(%run_scoped3A : memref<!tpu.dma_semaphore, #tpu.memory_space<semaphore_mem>>)
      %dma_wait3A = arith.constant 0 : i32
      %dma_wait3A_21 = tpu.memref_slice %arg5[%arg0, %mul3A_16, %dma_wait3A] : memref<2x10112x128xf32, #tpu.memory_space<hbm>> -> memref<1x632x128xf32, #tpu.memory_space<hbm>>
      %dma_wait3A_22 = tpu.memref_squeeze %dma_wait3A_21 : memref<1x632x128xf32, #tpu.memory_space<hbm>> -> memref<632x128xf32, #tpu.memory_space<hbm>>
      %dma_wait3A_23 = arith.constant 0 : i32
      %dma_wait3A_24 = tpu.memref_slice %arg16[%mul3A_14, %dma_wait3A_23] : memref<10112x128xf32, #tpu.memory_space<vmem_shared>> -> memref<632x128xf32, #tpu.memory_space<vmem_shared>>
      tpu.wait_dma2 semaphore(%run_scoped3A : memref<!tpu.dma_semaphore, #tpu.memory_space<semaphore_mem>>) src(%dma_wait3A_24 : memref<632x128xf32, #tpu.memory_space<vmem_shared>>) dst(%dma_wait3A_22 : memref<632x128xf32, #tpu.memory_space<hbm>>)
      tpu.yield
    }) : () -> ()
    return
  }
}

module attributes {stable_mosaic.version = 14 : i64} {
  func.func @_embed_body(%arg0: i32, %arg1: memref<1000x128xf32, #tpu.memory_space<vmem>>, %arg2: memref<1000x4xf32, #tpu.memory_space<vmem>>, %arg3: memref<128x512xf32, #tpu.memory_space<vmem>>, %arg4: memref<1x128xf32, #tpu.memory_space<vmem>>, %arg5: memref<1000x128xf32, #tpu.memory_space<vmem>>) attributes {dimension_semantics = [#tpu.dimension_semantics<arbitrary>], iteration_bounds = array<i64: 10>, scalar_prefetch = 0 : i64, scratch_operands = 0 : i64, tpu.core_type = #tpu.core_type<tc>, window_params = [{transform_indices = @transform_0, window_bounds = array<i64: 1000, 128>}, {transform_indices = @transform_1, window_bounds = array<i64: 1000, 4>}, {pipeline_mode = #tpu.pipeline_mode<synchronous>, transform_indices = @transform_2, window_bounds = array<i64: 128, 512>}, {pipeline_mode = #tpu.pipeline_mode<synchronous>, transform_indices = @transform_3, window_bounds = array<i64: 1, 128>}, {transform_indices = @transform_4, window_bounds = array<i64: 1000, 128>}]} {
    %get3A = arith.constant 0 : index
    %get3A_0 = arith.constant 0 : index
    %get3A_1 = vector.load %arg1[%get3A, %get3A_0] : memref<1000x128xf32, #tpu.memory_space<vmem>>, vector<1000x128xf32>
    %get3A_2 = arith.constant 0 : index
    %get3A_3 = arith.constant 0 : index
    %get3A_4 = vector.load %arg3[%get3A_2, %get3A_3] : memref<128x512xf32, #tpu.memory_space<vmem>>, vector<128x512xf32>
    %dot_general3A = arith.constant dense<0.000000e+00> : vector<1000x512xf32>
    %dot_general3A_5 = tpu.matmul %get3A_1, %get3A_4, %dot_general3A {dimension_numbers = #tpu.dot_dimension_numbers<[1], [0], [0], [1], [0, 0, 1, 1], [], []>, transpose_lhs_hint = false} : vector<1000x128xf32>, vector<128x512xf32>, vector<1000x512xf32> -> vector<1000x512xf32>
    %get3A_6 = arith.constant 0 : index
    %get3A_7 = arith.constant 0 : index
    %get3A_8 = vector.load %arg2[%get3A_6, %get3A_7] : memref<1000x4xf32, #tpu.memory_space<vmem>>, vector<1000x4xf32>
    %get3A_9 = arith.constant 0 : index
    %get3A_10 = arith.constant 0 : index
    %get3A_11 = vector.load %arg4[%get3A_9, %get3A_10] : memref<1x128xf32, #tpu.memory_space<vmem>>, vector<1x128xf32>
    %slice3A = vector.extract_strided_slice %get3A_8 {offsets = [0, 0], sizes = [1000, 1], strides = [1, 1]} : vector<1000x4xf32> to vector<1000x1xf32>
    %slice3A_12 = vector.extract_strided_slice %dot_general3A_5 {offsets = [0, 0], sizes = [1000, 128], strides = [1, 1]} : vector<1000x512xf32> to vector<1000x128xf32>
    %mul3A = vector.broadcast %slice3A : vector<1000x1xf32> to vector<1000x128xf32>
    %mul3A_13 = arith.mulf %mul3A, %slice3A_12 : vector<1000x128xf32>
    %add3A = vector.broadcast %get3A_11 : vector<1x128xf32> to vector<1000x128xf32>
    %add3A_14 = arith.addf %add3A, %mul3A_13 : vector<1000x128xf32>
    %slice3A_15 = vector.extract_strided_slice %get3A_8 {offsets = [0, 1], sizes = [1000, 1], strides = [1, 1]} : vector<1000x4xf32> to vector<1000x1xf32>
    %slice3A_16 = vector.extract_strided_slice %dot_general3A_5 {offsets = [0, 128], sizes = [1000, 128], strides = [1, 1]} : vector<1000x512xf32> to vector<1000x128xf32>
    %mul3A_17 = vector.broadcast %slice3A_15 : vector<1000x1xf32> to vector<1000x128xf32>
    %mul3A_18 = arith.mulf %mul3A_17, %slice3A_16 : vector<1000x128xf32>
    %add3A_19 = arith.addf %add3A_14, %mul3A_18 : vector<1000x128xf32>
    %slice3A_20 = vector.extract_strided_slice %get3A_8 {offsets = [0, 2], sizes = [1000, 1], strides = [1, 1]} : vector<1000x4xf32> to vector<1000x1xf32>
    %slice3A_21 = vector.extract_strided_slice %dot_general3A_5 {offsets = [0, 256], sizes = [1000, 128], strides = [1, 1]} : vector<1000x512xf32> to vector<1000x128xf32>
    %mul3A_22 = vector.broadcast %slice3A_20 : vector<1000x1xf32> to vector<1000x128xf32>
    %mul3A_23 = arith.mulf %mul3A_22, %slice3A_21 : vector<1000x128xf32>
    %add3A_24 = arith.addf %add3A_19, %mul3A_23 : vector<1000x128xf32>
    %slice3A_25 = vector.extract_strided_slice %get3A_8 {offsets = [0, 3], sizes = [1000, 1], strides = [1, 1]} : vector<1000x4xf32> to vector<1000x1xf32>
    %slice3A_26 = vector.extract_strided_slice %dot_general3A_5 {offsets = [0, 384], sizes = [1000, 128], strides = [1, 1]} : vector<1000x512xf32> to vector<1000x128xf32>
    %mul3A_27 = vector.broadcast %slice3A_25 : vector<1000x1xf32> to vector<1000x128xf32>
    %mul3A_28 = arith.mulf %mul3A_27, %slice3A_26 : vector<1000x128xf32>
    %add3A_29 = arith.addf %add3A_24, %mul3A_28 : vector<1000x128xf32>
    %swap3A = arith.constant 0 : index
    %swap3A_30 = arith.constant 0 : index
    %swap3A_31 = vector.load %arg5[%swap3A, %swap3A_30] : memref<1000x128xf32, #tpu.memory_space<vmem>>, vector<1000x128xf32>
    tpu.vector_store %arg5[%swap3A, %swap3A_30], %add3A_29 {strides = array<i32>} : memref<1000x128xf32, #tpu.memory_space<vmem>>, vector<1000x128xf32>,
    return
  }
  func.func @transform_0(%arg0: i32) -> (i32, i32) {
    %c0_i32 = arith.constant 0 : i32
    %c0_i32_0 = arith.constant 0 : i32
    return %arg0, %c0_i32 : i32, i32
  }
  func.func @transform_1(%arg0: i32) -> (i32, i32) {
    %c0_i32 = arith.constant 0 : i32
    %c0_i32_0 = arith.constant 0 : i32
    return %arg0, %c0_i32 : i32, i32
  }
  func.func @transform_2(%arg0: i32) -> (i32, i32) {
    %c0_i32 = arith.constant 0 : i32
    %c0_i32_0 = arith.constant 0 : i32
    %c0_i32_1 = arith.constant 0 : i32
    return %c0_i32, %c0_i32_0 : i32, i32
  }
  func.func @transform_3(%arg0: i32) -> (i32, i32) {
    %c0_i32 = arith.constant 0 : i32
    %c0_i32_0 = arith.constant 0 : i32
    %c0_i32_1 = arith.constant 0 : i32
    return %c0_i32, %c0_i32_0 : i32, i32
  }
  func.func @transform_4(%arg0: i32) -> (i32, i32) {
    %c0_i32 = arith.constant 0 : i32
    %c0_i32_0 = arith.constant 0 : i32
    return %arg0, %c0_i32 : i32, i32
  }
}

module attributes {stable_mosaic.version = 14 : i64} {
  func.func @_edge_body(%arg0: i32, %arg1: memref<1000x128xf32, #tpu.memory_space<vmem>>, %arg2: memref<1000x128xf32, #tpu.memory_space<vmem>>, %arg3: memref<1000x4xf32, #tpu.memory_space<vmem>>, %arg4: memref<128x512xbf16, #tpu.memory_space<vmem>>, %arg5: memref<128x512xbf16, #tpu.memory_space<vmem>>, %arg6: memref<1x128xf32, #tpu.memory_space<vmem>>, %arg7: memref<128x512xbf16, #tpu.memory_space<vmem>>, %arg8: memref<1x128xf32, #tpu.memory_space<vmem>>, %arg9: memref<1000x128xf32, #tpu.memory_space<vmem>>) attributes {dimension_semantics = [#tpu.dimension_semantics<arbitrary>], iteration_bounds = array<i64: 320>, scalar_prefetch = 0 : i64, scratch_operands = 0 : i64, tpu.core_type = #tpu.core_type<tc>, window_params = [{transform_indices = @transform_0, window_bounds = array<i64: 1000, 128>}, {transform_indices = @transform_1, window_bounds = array<i64: 1000, 128>}, {transform_indices = @transform_2, window_bounds = array<i64: 1000, 4>}, {pipeline_mode = #tpu.pipeline_mode<synchronous>, transform_indices = @transform_3, window_bounds = array<i64: 128, 512>}, {pipeline_mode = #tpu.pipeline_mode<synchronous>, transform_indices = @transform_4, window_bounds = array<i64: 128, 512>}, {pipeline_mode = #tpu.pipeline_mode<synchronous>, transform_indices = @transform_5, window_bounds = array<i64: 1, 128>}, {pipeline_mode = #tpu.pipeline_mode<synchronous>, transform_indices = @transform_6, window_bounds = array<i64: 128, 512>}, {pipeline_mode = #tpu.pipeline_mode<synchronous>, transform_indices = @transform_7, window_bounds = array<i64: 1, 128>}, {transform_indices = @transform_8, window_bounds = array<i64: 1000, 128>}]} {
    %get3A = arith.constant 0 : index
    %get3A_0 = arith.constant 0 : index
    %get3A_1 = vector.load %arg3[%get3A, %get3A_0] : memref<1000x4xf32, #tpu.memory_space<vmem>>, vector<1000x4xf32>
    %get3A_2 = arith.constant 0 : index
    %get3A_3 = arith.constant 0 : index
    %get3A_4 = vector.load %arg1[%get3A_2, %get3A_3] : memref<1000x128xf32, #tpu.memory_space<vmem>>, vector<1000x128xf32>
    %convert_element_type3A = arith.truncf %get3A_4 : vector<1000x128xf32> to vector<1000x128xbf16>
    %get3A_5 = arith.constant 0 : index
    %get3A_6 = arith.constant 0 : index
    %get3A_7 = vector.load %arg4[%get3A_5, %get3A_6] : memref<128x512xbf16, #tpu.memory_space<vmem>>, vector<128x512xbf16>
    %dot_general3A = arith.constant dense<0.000000e+00> : vector<1000x512xf32>
    %dot_general3A_8 = tpu.matmul %convert_element_type3A, %get3A_7, %dot_general3A {dimension_numbers = #tpu.dot_dimension_numbers<[1], [0], [0], [1], [0, 0, 1, 1], [], []>, transpose_lhs_hint = false} : vector<1000x128xbf16>, vector<128x512xbf16>, vector<1000x512xf32> -> vector<1000x512xf32>
    %get3A_9 = arith.constant 0 : index
    %get3A_10 = arith.constant 0 : index
    %get3A_11 = vector.load %arg2[%get3A_9, %get3A_10] : memref<1000x128xf32, #tpu.memory_space<vmem>>, vector<1000x128xf32>
    %convert_element_type3A_12 = arith.truncf %get3A_11 : vector<1000x128xf32> to vector<1000x128xbf16>
    %get3A_13 = arith.constant 0 : index
    %get3A_14 = arith.constant 0 : index
    %get3A_15 = vector.load %arg5[%get3A_13, %get3A_14] : memref<128x512xbf16, #tpu.memory_space<vmem>>, vector<128x512xbf16>
    %dot_general3A_16 = arith.constant dense<0.000000e+00> : vector<1000x512xf32>
    %dot_general3A_17 = tpu.matmul %convert_element_type3A_12, %get3A_15, %dot_general3A_16 {dimension_numbers = #tpu.dot_dimension_numbers<[1], [0], [0], [1], [0, 0, 1, 1], [], []>, transpose_lhs_hint = false} : vector<1000x128xbf16>, vector<128x512xbf16>, vector<1000x512xf32> -> vector<1000x512xf32>
    %add3A = arith.addf %dot_general3A_8, %dot_general3A_17 : vector<1000x512xf32>
    %get3A_18 = arith.constant 0 : index
    %get3A_19 = arith.constant 0 : index
    %get3A_20 = vector.load %arg6[%get3A_18, %get3A_19] : memref<1x128xf32, #tpu.memory_space<vmem>>, vector<1x128xf32>
    %slice3A = vector.extract_strided_slice %get3A_1 {offsets = [0, 0], sizes = [1000, 1], strides = [1, 1]} : vector<1000x4xf32> to vector<1000x1xf32>
    %slice3A_21 = vector.extract_strided_slice %add3A {offsets = [0, 0], sizes = [1000, 128], strides = [1, 1]} : vector<1000x512xf32> to vector<1000x128xf32>
    %mul3A = vector.broadcast %slice3A : vector<1000x1xf32> to vector<1000x128xf32>
    %mul3A_22 = arith.mulf %mul3A, %slice3A_21 : vector<1000x128xf32>
    %add3A_23 = vector.broadcast %get3A_20 : vector<1x128xf32> to vector<1000x128xf32>
    %add3A_24 = arith.addf %add3A_23, %mul3A_22 : vector<1000x128xf32>
    %slice3A_25 = vector.extract_strided_slice %get3A_1 {offsets = [0, 1], sizes = [1000, 1], strides = [1, 1]} : vector<1000x4xf32> to vector<1000x1xf32>
    %slice3A_26 = vector.extract_strided_slice %add3A {offsets = [0, 128], sizes = [1000, 128], strides = [1, 1]} : vector<1000x512xf32> to vector<1000x128xf32>
    %mul3A_27 = vector.broadcast %slice3A_25 : vector<1000x1xf32> to vector<1000x128xf32>
    %mul3A_28 = arith.mulf %mul3A_27, %slice3A_26 : vector<1000x128xf32>
    %add3A_29 = arith.addf %add3A_24, %mul3A_28 : vector<1000x128xf32>
    %slice3A_30 = vector.extract_strided_slice %get3A_1 {offsets = [0, 2], sizes = [1000, 1], strides = [1, 1]} : vector<1000x4xf32> to vector<1000x1xf32>
    %slice3A_31 = vector.extract_strided_slice %add3A {offsets = [0, 256], sizes = [1000, 128], strides = [1, 1]} : vector<1000x512xf32> to vector<1000x128xf32>
    %mul3A_32 = vector.broadcast %slice3A_30 : vector<1000x1xf32> to vector<1000x128xf32>
    %mul3A_33 = arith.mulf %mul3A_32, %slice3A_31 : vector<1000x128xf32>
    %add3A_34 = arith.addf %add3A_29, %mul3A_33 : vector<1000x128xf32>
    %slice3A_35 = vector.extract_strided_slice %get3A_1 {offsets = [0, 3], sizes = [1000, 1], strides = [1, 1]} : vector<1000x4xf32> to vector<1000x1xf32>
    %slice3A_36 = vector.extract_strided_slice %add3A {offsets = [0, 384], sizes = [1000, 128], strides = [1, 1]} : vector<1000x512xf32> to vector<1000x128xf32>
    %mul3A_37 = vector.broadcast %slice3A_35 : vector<1000x1xf32> to vector<1000x128xf32>
    %mul3A_38 = arith.mulf %mul3A_37, %slice3A_36 : vector<1000x128xf32>
    %add3A_39 = arith.addf %add3A_34, %mul3A_38 : vector<1000x128xf32>
    %neg3A = arith.constant 0.000000e+00 : f32
    %neg3A_40 = vector.broadcast %neg3A : f32 to vector<1000x128xf32>
    %neg3A_41 = arith.subf %neg3A_40, %add3A_39 : vector<1000x128xf32>
    %exp3A = math.exp %neg3A_41 : vector<1000x128xf32>
    %add3A_42 = arith.constant 1.000000e+00 : f32
    %add3A_43 = vector.broadcast %add3A_42 : f32 to vector<1000x128xf32>
    %add3A_44 = arith.addf %add3A_43, %exp3A : vector<1000x128xf32>
    %div3A = arith.constant 1.000000e+00 : f32
    %div3A_45 = vector.broadcast %div3A : f32 to vector<1000x128xf32>
    %div3A_46 = arith.divf %div3A_45, %add3A_44 : vector<1000x128xf32>
    %mul3A_47 = arith.mulf %add3A_39, %div3A_46 : vector<1000x128xf32>
    %convert_element_type3A_48 = arith.truncf %mul3A_47 : vector<1000x128xf32> to vector<1000x128xbf16>
    %get3A_49 = arith.constant 0 : index
    %get3A_50 = arith.constant 0 : index
    %get3A_51 = vector.load %arg7[%get3A_49, %get3A_50] : memref<128x512xbf16, #tpu.memory_space<vmem>>, vector<128x512xbf16>
    %dot_general3A_52 = arith.constant dense<0.000000e+00> : vector<1000x512xf32>
    %dot_general3A_53 = tpu.matmul %convert_element_type3A_48, %get3A_51, %dot_general3A_52 {dimension_numbers = #tpu.dot_dimension_numbers<[1], [0], [0], [1], [0, 0, 1, 1], [], []>, transpose_lhs_hint = false} : vector<1000x128xbf16>, vector<128x512xbf16>, vector<1000x512xf32> -> vector<1000x512xf32>
    %get3A_54 = arith.constant 0 : index
    %get3A_55 = arith.constant 0 : index
    %get3A_56 = vector.load %arg8[%get3A_54, %get3A_55] : memref<1x128xf32, #tpu.memory_space<vmem>>, vector<1x128xf32>
    %slice3A_57 = vector.extract_strided_slice %get3A_1 {offsets = [0, 0], sizes = [1000, 1], strides = [1, 1]} : vector<1000x4xf32> to vector<1000x1xf32>
    %slice3A_58 = vector.extract_strided_slice %dot_general3A_53 {offsets = [0, 0], sizes = [1000, 128], strides = [1, 1]} : vector<1000x512xf32> to vector<1000x128xf32>
    %mul3A_59 = vector.broadcast %slice3A_57 : vector<1000x1xf32> to vector<1000x128xf32>
    %mul3A_60 = arith.mulf %mul3A_59, %slice3A_58 : vector<1000x128xf32>
    %add3A_61 = vector.broadcast %get3A_56 : vector<1x128xf32> to vector<1000x128xf32>
    %add3A_62 = arith.addf %add3A_61, %mul3A_60 : vector<1000x128xf32>
    %slice3A_63 = vector.extract_strided_slice %get3A_1 {offsets = [0, 1], sizes = [1000, 1], strides = [1, 1]} : vector<1000x4xf32> to vector<1000x1xf32>
    %slice3A_64 = vector.extract_strided_slice %dot_general3A_53 {offsets = [0, 128], sizes = [1000, 128], strides = [1, 1]} : vector<1000x512xf32> to vector<1000x128xf32>
    %mul3A_65 = vector.broadcast %slice3A_63 : vector<1000x1xf32> to vector<1000x128xf32>
    %mul3A_66 = arith.mulf %mul3A_65, %slice3A_64 : vector<1000x128xf32>
    %add3A_67 = arith.addf %add3A_62, %mul3A_66 : vector<1000x128xf32>
    %slice3A_68 = vector.extract_strided_slice %get3A_1 {offsets = [0, 2], sizes = [1000, 1], strides = [1, 1]} : vector<1000x4xf32> to vector<1000x1xf32>
    %slice3A_69 = vector.extract_strided_slice %dot_general3A_53 {offsets = [0, 256], sizes = [1000, 128], strides = [1, 1]} : vector<1000x512xf32> to vector<1000x128xf32>
    %mul3A_70 = vector.broadcast %slice3A_68 : vector<1000x1xf32> to vector<1000x128xf32>
    %mul3A_71 = arith.mulf %mul3A_70, %slice3A_69 : vector<1000x128xf32>
    %add3A_72 = arith.addf %add3A_67, %mul3A_71 : vector<1000x128xf32>
    %slice3A_73 = vector.extract_strided_slice %get3A_1 {offsets = [0, 3], sizes = [1000, 1], strides = [1, 1]} : vector<1000x4xf32> to vector<1000x1xf32>
    %slice3A_74 = vector.extract_strided_slice %dot_general3A_53 {offsets = [0, 384], sizes = [1000, 128], strides = [1, 1]} : vector<1000x512xf32> to vector<1000x128xf32>
    %mul3A_75 = vector.broadcast %slice3A_73 : vector<1000x1xf32> to vector<1000x128xf32>
    %mul3A_76 = arith.mulf %mul3A_75, %slice3A_74 : vector<1000x128xf32>
    %add3A_77 = arith.addf %add3A_72, %mul3A_76 : vector<1000x128xf32>
    %neg3A_78 = arith.constant 0.000000e+00 : f32
    %neg3A_79 = vector.broadcast %neg3A_78 : f32 to vector<1000x128xf32>
    %neg3A_80 = arith.subf %neg3A_79, %add3A_77 : vector<1000x128xf32>
    %exp3A_81 = math.exp %neg3A_80 : vector<1000x128xf32>
    %add3A_82 = arith.constant 1.000000e+00 : f32
    %add3A_83 = vector.broadcast %add3A_82 : f32 to vector<1000x128xf32>
    %add3A_84 = arith.addf %add3A_83, %exp3A_81 : vector<1000x128xf32>
    %div3A_85 = arith.constant 1.000000e+00 : f32
    %div3A_86 = vector.broadcast %div3A_85 : f32 to vector<1000x128xf32>
    %div3A_87 = arith.divf %div3A_86, %add3A_84 : vector<1000x128xf32>
    %mul3A_88 = arith.mulf %add3A_77, %div3A_87 : vector<1000x128xf32>
    %swap3A = arith.constant 0 : index
    %swap3A_89 = arith.constant 0 : index
    %swap3A_90 = vector.load %arg9[%swap3A, %swap3A_89] : memref<1000x128xf32, #tpu.memory_space<vmem>>, vector<1000x128xf32>
    tpu.vector_store %arg9[%swap3A, %swap3A_89], %mul3A_88 {strides = array<i32>} : memref<1000x128xf32, #tpu.memory_space<vmem>>, vector<1000x128xf32>,
    return
  }
  func.func @transform_0(%arg0: i32) -> (i32, i32) {
    %c0_i32 = arith.constant 0 : i32
    %c0_i32_0 = arith.constant 0 : i32
    return %arg0, %c0_i32 : i32, i32
  }
  func.func @transform_1(%arg0: i32) -> (i32, i32) {
    %c0_i32 = arith.constant 0 : i32
    %c0_i32_0 = arith.constant 0 : i32
    return %arg0, %c0_i32 : i32, i32
  }
  func.func @transform_2(%arg0: i32) -> (i32, i32) {
    %c0_i32 = arith.constant 0 : i32
    %c0_i32_0 = arith.constant 0 : i32
    return %arg0, %c0_i32 : i32, i32
  }
  func.func @transform_3(%arg0: i32) -> (i32, i32) {
    %c0_i32 = arith.constant 0 : i32
    %c0_i32_0 = arith.constant 0 : i32
    %c0_i32_1 = arith.constant 0 : i32
    return %c0_i32, %c0_i32_0 : i32, i32
  }
  func.func @transform_4(%arg0: i32) -> (i32, i32) {
    %c0_i32 = arith.constant 0 : i32
    %c0_i32_0 = arith.constant 0 : i32
    %c0_i32_1 = arith.constant 0 : i32
    return %c0_i32, %c0_i32_0 : i32, i32
  }
  func.func @transform_5(%arg0: i32) -> (i32, i32) {
    %c0_i32 = arith.constant 0 : i32
    %c0_i32_0 = arith.constant 0 : i32
    %c0_i32_1 = arith.constant 0 : i32
    return %c0_i32, %c0_i32_0 : i32, i32
  }
  func.func @transform_6(%arg0: i32) -> (i32, i32) {
    %c0_i32 = arith.constant 0 : i32
    %c0_i32_0 = arith.constant 0 : i32
    %c0_i32_1 = arith.constant 0 : i32
    return %c0_i32, %c0_i32_0 : i32, i32
  }
  func.func @transform_7(%arg0: i32) -> (i32, i32) {
    %c0_i32 = arith.constant 0 : i32
    %c0_i32_0 = arith.constant 0 : i32
    %c0_i32_1 = arith.constant 0 : i32
    return %c0_i32, %c0_i32_0 : i32, i32
  }
  func.func @transform_8(%arg0: i32) -> (i32, i32) {
    %c0_i32 = arith.constant 0 : i32
    %c0_i32_0 = arith.constant 0 : i32
    return %arg0, %c0_i32 : i32, i32
  }
}

module attributes {stable_mosaic.version = 14 : i64} {
  func.func @_update_body(%arg0: i32, %arg1: memref<1000x128xf32, #tpu.memory_space<vmem>>, %arg2: memref<1000x128xf32, #tpu.memory_space<vmem>>, %arg3: memref<1000x128xf32, #tpu.memory_space<vmem>>, %arg4: memref<1000x4xf32, #tpu.memory_space<vmem>>, %arg5: memref<128x512xf32, #tpu.memory_space<vmem>>, %arg6: memref<128x512xf32, #tpu.memory_space<vmem>>, %arg7: memref<1x128xf32, #tpu.memory_space<vmem>>, %arg8: memref<128x512xf32, #tpu.memory_space<vmem>>, %arg9: memref<1x128xf32, #tpu.memory_space<vmem>>, %arg10: memref<1000x128xf32, #tpu.memory_space<vmem>>) attributes {dimension_semantics = [#tpu.dimension_semantics<arbitrary>], iteration_bounds = array<i64: 10>, scalar_prefetch = 0 : i64, scratch_operands = 0 : i64, tpu.core_type = #tpu.core_type<tc>, window_params = [{transform_indices = @transform_0, window_bounds = array<i64: 1000, 128>}, {transform_indices = @transform_1, window_bounds = array<i64: 1000, 128>}, {transform_indices = @transform_2, window_bounds = array<i64: 1000, 128>}, {transform_indices = @transform_3, window_bounds = array<i64: 1000, 4>}, {pipeline_mode = #tpu.pipeline_mode<synchronous>, transform_indices = @transform_4, window_bounds = array<i64: 128, 512>}, {pipeline_mode = #tpu.pipeline_mode<synchronous>, transform_indices = @transform_5, window_bounds = array<i64: 128, 512>}, {pipeline_mode = #tpu.pipeline_mode<synchronous>, transform_indices = @transform_6, window_bounds = array<i64: 1, 128>}, {pipeline_mode = #tpu.pipeline_mode<synchronous>, transform_indices = @transform_7, window_bounds = array<i64: 128, 512>}, {pipeline_mode = #tpu.pipeline_mode<synchronous>, transform_indices = @transform_8, window_bounds = array<i64: 1, 128>}, {transform_indices = @transform_9, window_bounds = array<i64: 1000, 128>}]} {
    %get3A = arith.constant 0 : index
    %get3A_0 = arith.constant 0 : index
    %get3A_1 = vector.load %arg1[%get3A, %get3A_0] : memref<1000x128xf32, #tpu.memory_space<vmem>>, vector<1000x128xf32>
    %get3A_2 = arith.constant 0 : index
    %get3A_3 = arith.constant 0 : index
    %get3A_4 = vector.load %arg2[%get3A_2, %get3A_3] : memref<1000x128xf32, #tpu.memory_space<vmem>>, vector<1000x128xf32>
    %get3A_5 = arith.constant 0 : index
    %get3A_6 = arith.constant 0 : index
    %get3A_7 = vector.load %arg3[%get3A_5, %get3A_6] : memref<1000x128xf32, #tpu.memory_space<vmem>>, vector<1000x128xf32>
    %add3A = arith.addf %get3A_4, %get3A_7 : vector<1000x128xf32>
    %get3A_8 = arith.constant 0 : index
    %get3A_9 = arith.constant 0 : index
    %get3A_10 = vector.load %arg4[%get3A_8, %get3A_9] : memref<1000x4xf32, #tpu.memory_space<vmem>>, vector<1000x4xf32>
    %get3A_11 = arith.constant 0 : index
    %get3A_12 = arith.constant 0 : index
    %get3A_13 = vector.load %arg5[%get3A_11, %get3A_12] : memref<128x512xf32, #tpu.memory_space<vmem>>, vector<128x512xf32>
    %dot_general3A = arith.constant dense<0.000000e+00> : vector<1000x512xf32>
    %dot_general3A_14 = tpu.matmul %get3A_1, %get3A_13, %dot_general3A {dimension_numbers = #tpu.dot_dimension_numbers<[1], [0], [0], [1], [0, 0, 1, 1], [], []>, transpose_lhs_hint = false} : vector<1000x128xf32>, vector<128x512xf32>, vector<1000x512xf32> -> vector<1000x512xf32>
    %get3A_15 = arith.constant 0 : index
    %get3A_16 = arith.constant 0 : index
    %get3A_17 = vector.load %arg6[%get3A_15, %get3A_16] : memref<128x512xf32, #tpu.memory_space<vmem>>, vector<128x512xf32>
    %dot_general3A_18 = arith.constant dense<0.000000e+00> : vector<1000x512xf32>
    %dot_general3A_19 = tpu.matmul %add3A, %get3A_17, %dot_general3A_18 {dimension_numbers = #tpu.dot_dimension_numbers<[1], [0], [0], [1], [0, 0, 1, 1], [], []>, transpose_lhs_hint = false} : vector<1000x128xf32>, vector<128x512xf32>, vector<1000x512xf32> -> vector<1000x512xf32>
    %add3A_20 = arith.addf %dot_general3A_14, %dot_general3A_19 : vector<1000x512xf32>
    %get3A_21 = arith.constant 0 : index
    %get3A_22 = arith.constant 0 : index
    %get3A_23 = vector.load %arg7[%get3A_21, %get3A_22] : memref<1x128xf32, #tpu.memory_space<vmem>>, vector<1x128xf32>
    %slice3A = vector.extract_strided_slice %get3A_10 {offsets = [0, 0], sizes = [1000, 1], strides = [1, 1]} : vector<1000x4xf32> to vector<1000x1xf32>
    %slice3A_24 = vector.extract_strided_slice %add3A_20 {offsets = [0, 0], sizes = [1000, 128], strides = [1, 1]} : vector<1000x512xf32> to vector<1000x128xf32>
    %mul3A = vector.broadcast %slice3A : vector<1000x1xf32> to vector<1000x128xf32>
    %mul3A_25 = arith.mulf %mul3A, %slice3A_24 : vector<1000x128xf32>
    %add3A_26 = vector.broadcast %get3A_23 : vector<1x128xf32> to vector<1000x128xf32>
    %add3A_27 = arith.addf %add3A_26, %mul3A_25 : vector<1000x128xf32>
    %slice3A_28 = vector.extract_strided_slice %get3A_10 {offsets = [0, 1], sizes = [1000, 1], strides = [1, 1]} : vector<1000x4xf32> to vector<1000x1xf32>
    %slice3A_29 = vector.extract_strided_slice %add3A_20 {offsets = [0, 128], sizes = [1000, 128], strides = [1, 1]} : vector<1000x512xf32> to vector<1000x128xf32>
    %mul3A_30 = vector.broadcast %slice3A_28 : vector<1000x1xf32> to vector<1000x128xf32>
    %mul3A_31 = arith.mulf %mul3A_30, %slice3A_29 : vector<1000x128xf32>
    %add3A_32 = arith.addf %add3A_27, %mul3A_31 : vector<1000x128xf32>
    %slice3A_33 = vector.extract_strided_slice %get3A_10 {offsets = [0, 2], sizes = [1000, 1], strides = [1, 1]} : vector<1000x4xf32> to vector<1000x1xf32>
    %slice3A_34 = vector.extract_strided_slice %add3A_20 {offsets = [0, 256], sizes = [1000, 128], strides = [1, 1]} : vector<1000x512xf32> to vector<1000x128xf32>
    %mul3A_35 = vector.broadcast %slice3A_33 : vector<1000x1xf32> to vector<1000x128xf32>
    %mul3A_36 = arith.mulf %mul3A_35, %slice3A_34 : vector<1000x128xf32>
    %add3A_37 = arith.addf %add3A_32, %mul3A_36 : vector<1000x128xf32>
    %slice3A_38 = vector.extract_strided_slice %get3A_10 {offsets = [0, 3], sizes = [1000, 1], strides = [1, 1]} : vector<1000x4xf32> to vector<1000x1xf32>
    %slice3A_39 = vector.extract_strided_slice %add3A_20 {offsets = [0, 384], sizes = [1000, 128], strides = [1, 1]} : vector<1000x512xf32> to vector<1000x128xf32>
    %mul3A_40 = vector.broadcast %slice3A_38 : vector<1000x1xf32> to vector<1000x128xf32>
    %mul3A_41 = arith.mulf %mul3A_40, %slice3A_39 : vector<1000x128xf32>
    %add3A_42 = arith.addf %add3A_37, %mul3A_41 : vector<1000x128xf32>
    %neg3A = arith.constant 0.000000e+00 : f32
    %neg3A_43 = vector.broadcast %neg3A : f32 to vector<1000x128xf32>
    %neg3A_44 = arith.subf %neg3A_43, %add3A_42 : vector<1000x128xf32>
    %exp3A = math.exp %neg3A_44 : vector<1000x128xf32>
    %add3A_45 = arith.constant 1.000000e+00 : f32
    %add3A_46 = vector.broadcast %add3A_45 : f32 to vector<1000x128xf32>
    %add3A_47 = arith.addf %add3A_46, %exp3A : vector<1000x128xf32>
    %div3A = arith.constant 1.000000e+00 : f32
    %div3A_48 = vector.broadcast %div3A : f32 to vector<1000x128xf32>
    %div3A_49 = arith.divf %div3A_48, %add3A_47 : vector<1000x128xf32>
    %mul3A_50 = arith.mulf %add3A_42, %div3A_49 : vector<1000x128xf32>
    %get3A_51 = arith.constant 0 : index
    %get3A_52 = arith.constant 0 : index
    %get3A_53 = vector.load %arg8[%get3A_51, %get3A_52] : memref<128x512xf32, #tpu.memory_space<vmem>>, vector<128x512xf32>
    %dot_general3A_54 = arith.constant dense<0.000000e+00> : vector<1000x512xf32>
    %dot_general3A_55 = tpu.matmul %mul3A_50, %get3A_53, %dot_general3A_54 {dimension_numbers = #tpu.dot_dimension_numbers<[1], [0], [0], [1], [0, 0, 1, 1], [], []>, transpose_lhs_hint = false} : vector<1000x128xf32>, vector<128x512xf32>, vector<1000x512xf32> -> vector<1000x512xf32>
    %get3A_56 = arith.constant 0 : index
    %get3A_57 = arith.constant 0 : index
    %get3A_58 = vector.load %arg9[%get3A_56, %get3A_57] : memref<1x128xf32, #tpu.memory_space<vmem>>, vector<1x128xf32>
    %slice3A_59 = vector.extract_strided_slice %get3A_10 {offsets = [0, 0], sizes = [1000, 1], strides = [1, 1]} : vector<1000x4xf32> to vector<1000x1xf32>
    %slice3A_60 = vector.extract_strided_slice %dot_general3A_55 {offsets = [0, 0], sizes = [1000, 128], strides = [1, 1]} : vector<1000x512xf32> to vector<1000x128xf32>
    %mul3A_61 = vector.broadcast %slice3A_59 : vector<1000x1xf32> to vector<1000x128xf32>
    %mul3A_62 = arith.mulf %mul3A_61, %slice3A_60 : vector<1000x128xf32>
    %add3A_63 = vector.broadcast %get3A_58 : vector<1x128xf32> to vector<1000x128xf32>
    %add3A_64 = arith.addf %add3A_63, %mul3A_62 : vector<1000x128xf32>
    %slice3A_65 = vector.extract_strided_slice %get3A_10 {offsets = [0, 1], sizes = [1000, 1], strides = [1, 1]} : vector<1000x4xf32> to vector<1000x1xf32>
    %slice3A_66 = vector.extract_strided_slice %dot_general3A_55 {offsets = [0, 128], sizes = [1000, 128], strides = [1, 1]} : vector<1000x512xf32> to vector<1000x128xf32>
    %mul3A_67 = vector.broadcast %slice3A_65 : vector<1000x1xf32> to vector<1000x128xf32>
    %mul3A_68 = arith.mulf %mul3A_67, %slice3A_66 : vector<1000x128xf32>
    %add3A_69 = arith.addf %add3A_64, %mul3A_68 : vector<1000x128xf32>
    %slice3A_70 = vector.extract_strided_slice %get3A_10 {offsets = [0, 2], sizes = [1000, 1], strides = [1, 1]} : vector<1000x4xf32> to vector<1000x1xf32>
    %slice3A_71 = vector.extract_strided_slice %dot_general3A_55 {offsets = [0, 256], sizes = [1000, 128], strides = [1, 1]} : vector<1000x512xf32> to vector<1000x128xf32>
    %mul3A_72 = vector.broadcast %slice3A_70 : vector<1000x1xf32> to vector<1000x128xf32>
    %mul3A_73 = arith.mulf %mul3A_72, %slice3A_71 : vector<1000x128xf32>
    %add3A_74 = arith.addf %add3A_69, %mul3A_73 : vector<1000x128xf32>
    %slice3A_75 = vector.extract_strided_slice %get3A_10 {offsets = [0, 3], sizes = [1000, 1], strides = [1, 1]} : vector<1000x4xf32> to vector<1000x1xf32>
    %slice3A_76 = vector.extract_strided_slice %dot_general3A_55 {offsets = [0, 384], sizes = [1000, 128], strides = [1, 1]} : vector<1000x512xf32> to vector<1000x128xf32>
    %mul3A_77 = vector.broadcast %slice3A_75 : vector<1000x1xf32> to vector<1000x128xf32>
    %mul3A_78 = arith.mulf %mul3A_77, %slice3A_76 : vector<1000x128xf32>
    %add3A_79 = arith.addf %add3A_74, %mul3A_78 : vector<1000x128xf32>
    %add3A_80 = arith.addf %get3A_1, %add3A_79 : vector<1000x128xf32>
    %swap3A = arith.constant 0 : index
    %swap3A_81 = arith.constant 0 : index
    %swap3A_82 = vector.load %arg10[%swap3A, %swap3A_81] : memref<1000x128xf32, #tpu.memory_space<vmem>>, vector<1000x128xf32>
    tpu.vector_store %arg10[%swap3A, %swap3A_81], %add3A_80 {strides = array<i32>} : memref<1000x128xf32, #tpu.memory_space<vmem>>, vector<1000x128xf32>,
    return
  }
  func.func @transform_0(%arg0: i32) -> (i32, i32) {
    %c0_i32 = arith.constant 0 : i32
    %c0_i32_0 = arith.constant 0 : i32
    return %arg0, %c0_i32 : i32, i32
  }
  func.func @transform_1(%arg0: i32) -> (i32, i32) {
    %c0_i32 = arith.constant 0 : i32
    %c0_i32_0 = arith.constant 0 : i32
    return %arg0, %c0_i32 : i32, i32
  }
  func.func @transform_2(%arg0: i32) -> (i32, i32) {
    %c0_i32 = arith.constant 0 : i32
    %c0_i32_0 = arith.constant 0 : i32
    return %arg0, %c0_i32 : i32, i32
  }
  func.func @transform_3(%arg0: i32) -> (i32, i32) {
    %c0_i32 = arith.constant 0 : i32
    %c0_i32_0 = arith.constant 0 : i32
    return %arg0, %c0_i32 : i32, i32
  }
  func.func @transform_4(%arg0: i32) -> (i32, i32) {
    %c0_i32 = arith.constant 0 : i32
    %c0_i32_0 = arith.constant 0 : i32
    %c0_i32_1 = arith.constant 0 : i32
    return %c0_i32, %c0_i32_0 : i32, i32
  }
  func.func @transform_5(%arg0: i32) -> (i32, i32) {
    %c0_i32 = arith.constant 0 : i32
    %c0_i32_0 = arith.constant 0 : i32
    %c0_i32_1 = arith.constant 0 : i32
    return %c0_i32, %c0_i32_0 : i32, i32
  }
  func.func @transform_6(%arg0: i32) -> (i32, i32) {
    %c0_i32 = arith.constant 0 : i32
    %c0_i32_0 = arith.constant 0 : i32
    %c0_i32_1 = arith.constant 0 : i32
    return %c0_i32, %c0_i32_0 : i32, i32
  }
  func.func @transform_7(%arg0: i32) -> (i32, i32) {
    %c0_i32 = arith.constant 0 : i32
    %c0_i32_0 = arith.constant 0 : i32
    %c0_i32_1 = arith.constant 0 : i32
    return %c0_i32, %c0_i32_0 : i32, i32
  }
  func.func @transform_8(%arg0: i32) -> (i32, i32) {
    %c0_i32 = arith.constant 0 : i32
    %c0_i32_0 = arith.constant 0 : i32
    %c0_i32_1 = arith.constant 0 : i32
    return %c0_i32, %c0_i32_0 : i32, i32
  }
  func.func @transform_9(%arg0: i32) -> (i32, i32) {
    %c0_i32 = arith.constant 0 : i32
    %c0_i32_0 = arith.constant 0 : i32
    return %arg0, %c0_i32 : i32, i32
  }
}

module attributes {stable_mosaic.version = 14 : i64} {
  func.func @_head_body(%arg0: i32, %arg1: memref<1000x128xf32, #tpu.memory_space<vmem>>, %arg2: memref<1000x4xf32, #tpu.memory_space<vmem>>, %arg3: memref<128x512xf32, #tpu.memory_space<vmem>>, %arg4: memref<1x128xf32, #tpu.memory_space<vmem>>, %arg5: memref<128x512xf32, #tpu.memory_space<vmem>>, %arg6: memref<1x128xf32, #tpu.memory_space<vmem>>, %arg7: memref<1000x128xf32, #tpu.memory_space<vmem>>) attributes {dimension_semantics = [#tpu.dimension_semantics<arbitrary>], iteration_bounds = array<i64: 10>, scalar_prefetch = 0 : i64, scratch_operands = 0 : i64, tpu.core_type = #tpu.core_type<tc>, window_params = [{transform_indices = @transform_0, window_bounds = array<i64: 1000, 128>}, {transform_indices = @transform_1, window_bounds = array<i64: 1000, 4>}, {pipeline_mode = #tpu.pipeline_mode<synchronous>, transform_indices = @transform_2, window_bounds = array<i64: 128, 512>}, {pipeline_mode = #tpu.pipeline_mode<synchronous>, transform_indices = @transform_3, window_bounds = array<i64: 1, 128>}, {pipeline_mode = #tpu.pipeline_mode<synchronous>, transform_indices = @transform_4, window_bounds = array<i64: 128, 512>}, {pipeline_mode = #tpu.pipeline_mode<synchronous>, transform_indices = @transform_5, window_bounds = array<i64: 1, 128>}, {transform_indices = @transform_6, window_bounds = array<i64: 1000, 128>}]} {
    %get3A = arith.constant 0 : index
    %get3A_0 = arith.constant 0 : index
    %get3A_1 = vector.load %arg2[%get3A, %get3A_0] : memref<1000x4xf32, #tpu.memory_space<vmem>>, vector<1000x4xf32>
    %get3A_2 = arith.constant 0 : index
    %get3A_3 = arith.constant 0 : index
    %get3A_4 = vector.load %arg1[%get3A_2, %get3A_3] : memref<1000x128xf32, #tpu.memory_space<vmem>>, vector<1000x128xf32>
    %get3A_5 = arith.constant 0 : index
    %get3A_6 = arith.constant 0 : index
    %get3A_7 = vector.load %arg3[%get3A_5, %get3A_6] : memref<128x512xf32, #tpu.memory_space<vmem>>, vector<128x512xf32>
    %dot_general3A = arith.constant dense<0.000000e+00> : vector<1000x512xf32>
    %dot_general3A_8 = tpu.matmul %get3A_4, %get3A_7, %dot_general3A {dimension_numbers = #tpu.dot_dimension_numbers<[1], [0], [0], [1], [0, 0, 1, 1], [], []>, transpose_lhs_hint = false} : vector<1000x128xf32>, vector<128x512xf32>, vector<1000x512xf32> -> vector<1000x512xf32>
    %get3A_9 = arith.constant 0 : index
    %get3A_10 = arith.constant 0 : index
    %get3A_11 = vector.load %arg4[%get3A_9, %get3A_10] : memref<1x128xf32, #tpu.memory_space<vmem>>, vector<1x128xf32>
    %slice3A = vector.extract_strided_slice %get3A_1 {offsets = [0, 0], sizes = [1000, 1], strides = [1, 1]} : vector<1000x4xf32> to vector<1000x1xf32>
    %slice3A_12 = vector.extract_strided_slice %dot_general3A_8 {offsets = [0, 0], sizes = [1000, 128], strides = [1, 1]} : vector<1000x512xf32> to vector<1000x128xf32>
    %mul3A = vector.broadcast %slice3A : vector<1000x1xf32> to vector<1000x128xf32>
    %mul3A_13 = arith.mulf %mul3A, %slice3A_12 : vector<1000x128xf32>
    %add3A = vector.broadcast %get3A_11 : vector<1x128xf32> to vector<1000x128xf32>
    %add3A_14 = arith.addf %add3A, %mul3A_13 : vector<1000x128xf32>
    %slice3A_15 = vector.extract_strided_slice %get3A_1 {offsets = [0, 1], sizes = [1000, 1], strides = [1, 1]} : vector<1000x4xf32> to vector<1000x1xf32>
    %slice3A_16 = vector.extract_strided_slice %dot_general3A_8 {offsets = [0, 128], sizes = [1000, 128], strides = [1, 1]} : vector<1000x512xf32> to vector<1000x128xf32>
    %mul3A_17 = vector.broadcast %slice3A_15 : vector<1000x1xf32> to vector<1000x128xf32>
    %mul3A_18 = arith.mulf %mul3A_17, %slice3A_16 : vector<1000x128xf32>
    %add3A_19 = arith.addf %add3A_14, %mul3A_18 : vector<1000x128xf32>
    %slice3A_20 = vector.extract_strided_slice %get3A_1 {offsets = [0, 2], sizes = [1000, 1], strides = [1, 1]} : vector<1000x4xf32> to vector<1000x1xf32>
    %slice3A_21 = vector.extract_strided_slice %dot_general3A_8 {offsets = [0, 256], sizes = [1000, 128], strides = [1, 1]} : vector<1000x512xf32> to vector<1000x128xf32>
    %mul3A_22 = vector.broadcast %slice3A_20 : vector<1000x1xf32> to vector<1000x128xf32>
    %mul3A_23 = arith.mulf %mul3A_22, %slice3A_21 : vector<1000x128xf32>
    %add3A_24 = arith.addf %add3A_19, %mul3A_23 : vector<1000x128xf32>
    %slice3A_25 = vector.extract_strided_slice %get3A_1 {offsets = [0, 3], sizes = [1000, 1], strides = [1, 1]} : vector<1000x4xf32> to vector<1000x1xf32>
    %slice3A_26 = vector.extract_strided_slice %dot_general3A_8 {offsets = [0, 384], sizes = [1000, 128], strides = [1, 1]} : vector<1000x512xf32> to vector<1000x128xf32>
    %mul3A_27 = vector.broadcast %slice3A_25 : vector<1000x1xf32> to vector<1000x128xf32>
    %mul3A_28 = arith.mulf %mul3A_27, %slice3A_26 : vector<1000x128xf32>
    %add3A_29 = arith.addf %add3A_24, %mul3A_28 : vector<1000x128xf32>
    %neg3A = arith.constant 0.000000e+00 : f32
    %neg3A_30 = vector.broadcast %neg3A : f32 to vector<1000x128xf32>
    %neg3A_31 = arith.subf %neg3A_30, %add3A_29 : vector<1000x128xf32>
    %exp3A = math.exp %neg3A_31 : vector<1000x128xf32>
    %add3A_32 = arith.constant 1.000000e+00 : f32
    %add3A_33 = vector.broadcast %add3A_32 : f32 to vector<1000x128xf32>
    %add3A_34 = arith.addf %add3A_33, %exp3A : vector<1000x128xf32>
    %div3A = arith.constant 1.000000e+00 : f32
    %div3A_35 = vector.broadcast %div3A : f32 to vector<1000x128xf32>
    %div3A_36 = arith.divf %div3A_35, %add3A_34 : vector<1000x128xf32>
    %mul3A_37 = arith.mulf %add3A_29, %div3A_36 : vector<1000x128xf32>
    %get3A_38 = arith.constant 0 : index
    %get3A_39 = arith.constant 0 : index
    %get3A_40 = vector.load %arg5[%get3A_38, %get3A_39] : memref<128x512xf32, #tpu.memory_space<vmem>>, vector<128x512xf32>
    %dot_general3A_41 = arith.constant dense<0.000000e+00> : vector<1000x512xf32>
    %dot_general3A_42 = tpu.matmul %mul3A_37, %get3A_40, %dot_general3A_41 {dimension_numbers = #tpu.dot_dimension_numbers<[1], [0], [0], [1], [0, 0, 1, 1], [], []>, transpose_lhs_hint = false} : vector<1000x128xf32>, vector<128x512xf32>, vector<1000x512xf32> -> vector<1000x512xf32>
    %get3A_43 = arith.constant 0 : index
    %get3A_44 = arith.constant 0 : index
    %get3A_45 = vector.load %arg6[%get3A_43, %get3A_44] : memref<1x128xf32, #tpu.memory_space<vmem>>, vector<1x128xf32>
    %slice3A_46 = vector.extract_strided_slice %get3A_1 {offsets = [0, 0], sizes = [1000, 1], strides = [1, 1]} : vector<1000x4xf32> to vector<1000x1xf32>
    %slice3A_47 = vector.extract_strided_slice %dot_general3A_42 {offsets = [0, 0], sizes = [1000, 128], strides = [1, 1]} : vector<1000x512xf32> to vector<1000x128xf32>
    %mul3A_48 = vector.broadcast %slice3A_46 : vector<1000x1xf32> to vector<1000x128xf32>
    %mul3A_49 = arith.mulf %mul3A_48, %slice3A_47 : vector<1000x128xf32>
    %add3A_50 = vector.broadcast %get3A_45 : vector<1x128xf32> to vector<1000x128xf32>
    %add3A_51 = arith.addf %add3A_50, %mul3A_49 : vector<1000x128xf32>
    %slice3A_52 = vector.extract_strided_slice %get3A_1 {offsets = [0, 1], sizes = [1000, 1], strides = [1, 1]} : vector<1000x4xf32> to vector<1000x1xf32>
    %slice3A_53 = vector.extract_strided_slice %dot_general3A_42 {offsets = [0, 128], sizes = [1000, 128], strides = [1, 1]} : vector<1000x512xf32> to vector<1000x128xf32>
    %mul3A_54 = vector.broadcast %slice3A_52 : vector<1000x1xf32> to vector<1000x128xf32>
    %mul3A_55 = arith.mulf %mul3A_54, %slice3A_53 : vector<1000x128xf32>
    %add3A_56 = arith.addf %add3A_51, %mul3A_55 : vector<1000x128xf32>
    %slice3A_57 = vector.extract_strided_slice %get3A_1 {offsets = [0, 2], sizes = [1000, 1], strides = [1, 1]} : vector<1000x4xf32> to vector<1000x1xf32>
    %slice3A_58 = vector.extract_strided_slice %dot_general3A_42 {offsets = [0, 256], sizes = [1000, 128], strides = [1, 1]} : vector<1000x512xf32> to vector<1000x128xf32>
    %mul3A_59 = vector.broadcast %slice3A_57 : vector<1000x1xf32> to vector<1000x128xf32>
    %mul3A_60 = arith.mulf %mul3A_59, %slice3A_58 : vector<1000x128xf32>
    %add3A_61 = arith.addf %add3A_56, %mul3A_60 : vector<1000x128xf32>
    %slice3A_62 = vector.extract_strided_slice %get3A_1 {offsets = [0, 3], sizes = [1000, 1], strides = [1, 1]} : vector<1000x4xf32> to vector<1000x1xf32>
    %slice3A_63 = vector.extract_strided_slice %dot_general3A_42 {offsets = [0, 384], sizes = [1000, 128], strides = [1, 1]} : vector<1000x512xf32> to vector<1000x128xf32>
    %mul3A_64 = vector.broadcast %slice3A_62 : vector<1000x1xf32> to vector<1000x128xf32>
    %mul3A_65 = arith.mulf %mul3A_64, %slice3A_63 : vector<1000x128xf32>
    %add3A_66 = arith.addf %add3A_61, %mul3A_65 : vector<1000x128xf32>
    %swap3A = arith.constant 0 : index
    %swap3A_67 = arith.constant 0 : index
    %swap3A_68 = vector.load %arg7[%swap3A, %swap3A_67] : memref<1000x128xf32, #tpu.memory_space<vmem>>, vector<1000x128xf32>
    tpu.vector_store %arg7[%swap3A, %swap3A_67], %add3A_66 {strides = array<i32>} : memref<1000x128xf32, #tpu.memory_space<vmem>>, vector<1000x128xf32>,
    return
  }
  func.func @transform_0(%arg0: i32) -> (i32, i32) {
    %c0_i32 = arith.constant 0 : i32
    %c0_i32_0 = arith.constant 0 : i32
    return %arg0, %c0_i32 : i32, i32
  }
  func.func @transform_1(%arg0: i32) -> (i32, i32) {
    %c0_i32 = arith.constant 0 : i32
    %c0_i32_0 = arith.constant 0 : i32
    return %arg0, %c0_i32 : i32, i32
  }
  func.func @transform_2(%arg0: i32) -> (i32, i32) {
    %c0_i32 = arith.constant 0 : i32
    %c0_i32_0 = arith.constant 0 : i32
    %c0_i32_1 = arith.constant 0 : i32
    return %c0_i32, %c0_i32_0 : i32, i32
  }
  func.func @transform_3(%arg0: i32) -> (i32, i32) {
    %c0_i32 = arith.constant 0 : i32
    %c0_i32_0 = arith.constant 0 : i32
    %c0_i32_1 = arith.constant 0 : i32
    return %c0_i32, %c0_i32_0 : i32, i32
  }
  func.func @transform_4(%arg0: i32) -> (i32, i32) {
    %c0_i32 = arith.constant 0 : i32
    %c0_i32_0 = arith.constant 0 : i32
    %c0_i32_1 = arith.constant 0 : i32
    return %c0_i32, %c0_i32_0 : i32, i32
  }
  func.func @transform_5(%arg0: i32) -> (i32, i32) {
    %c0_i32 = arith.constant 0 : i32
    %c0_i32_0 = arith.constant 0 : i32
    %c0_i32_1 = arith.constant 0 : i32
    return %c0_i32, %c0_i32_0 : i32, i32
  }
  func.func @transform_6(%arg0: i32) -> (i32, i32) {
    %c0_i32 = arith.constant 0 : i32
    %c0_i32_0 = arith.constant 0 : i32
    return %arg0, %c0_i32 : i32, i32
  }
}

</mosaic_0001>

<sc_bundles>
// kernel: kernel.12.cloned.1.call-start
scs
__scs_entry_jumppad:
0x0: {  	(pc) =	sbr.rel $0x88, $3  }
0x1: {  	(tag) =	ssettag $0x0;
	lr =	simm.s32 $0x1  }
0x2: {  	[smem:$0x3F8F] =	sst lr;
	_ =	strace $0xD0000000  }
0x3: {  	_ = 	snop  }
0x4: {  	_ = 	snop  }
0x5: {  	_ = 	snop  }
0x6: {  	_ = 	snop  }
0x7: {  	_ = 	snop  }
__scs_overlays_trampoline_lowered:
0x8: {  	[smem:$0x3F9E] =	sst s0  }
0x9: {  	[smem:$0x3F9F] =	sst s1  }
0xa: {  	[smem:$0x3FA0] =	sst s2  }
0xb: {  	[smem:$0x3FA1] =	sst s3  }
0xc: {  	[smem:$0x3FA2] =	sst s4  }
0xd: {  	[smem:$0x3FA3] =	sst s5  }
0xe: {  	[smem:$0x3FA4] =	sst s6  }
0xf: {  	[smem:$0x3FA5] =	sst s7  }
0x10: {  	[smem:$0x3FA6] =	sst s8  }
0x11: {  	[smem:$0x3FA7] =	sst s9;
	s0 =	simm.s32 @!p0 $0x0  }
0x12: {  	s1 =	sld [smem:$0x3F8D];
	s0 =	simm.s32 @p0 $0x1  }
0x13: {  	[smem:$0x3FA8] =	sst s0;
	s0 =	simm.s32 @!p1 $0x0  }
0x14: {  	s2 =	sld [smem:$0x3F8C];
	s0 =	simm.s32 @p1 $0x1  }
0x15: {  	[smem:$0x3FA9] =	sst s0;
	s0 =	simm.s32 @!p2 $0x0  }
0x16: {  	s3 =	sld [smem:$0x3FDB];
	s0 =	simm.s32 @p2 $0x1  }
0x17: {  	s4 =	simm.s32 $0x1BF5;
	[smem:$0x3FAB] =	sst s0  }
0x18: {  	s0 =	sld [smem:$0x3F8E];
	_ =	swait.ge [sflag:s4], $0x0  }
0x19: {  	s7 =	sld [smem:$0x3F8F]  }
0x1a: {  	s8 =	sadd.s32 $0xFFFFE003, lr  }
0x1b: {  	s9 =	sadd.s32 $0xFFFFFEF7, lr;
	s5 =	simm.s32 $0xFFFFFFFF;
	p2 =	slt.u32 s8, $0xFFFFF086  }
0x1c: {  	p1 =	slt.u32 s9, $0xF7A;
	s5 =	simm.s32 @!p2 $0x0  }
0x1d: {  	s5 =	simm.s32 @p1 $0x1;
	p0 =	seq.s32 s7, s2  }
0x1e: {  	s7 =	smul.u32 @!p0 $0xF7A, s2;
	p2 =	seq.s32 @!p0 s5, $0x0  }
0x1f: {  	s9 =	smul.u32 $0xF7A, s1;
	s8 =	simm.s32 @!p0 $0x1BF5;
	p2 =	por !p2, p0  }
0x20: {  	[sflag:s8] =	ssyncset.s32 @!p0 $0xFFFFF086;
	s6 =	sadd.s32 @!p0 s3, s7;
	s7 =	simm.s32 @!p0 $0x108  }
0x21: {  	s3 =	sadd.s32 s3, s9;
	s6 =	sadd.s32 @!p0 $0x88, s6;
	s7 =	simm.s32 @p2 $0x1082  }
0x22: {  	[simem:s7], [sflag:s8] =	dma.local @!p0 [hbm:s6], $0xF7A  }
0x23: {  	s9 =	sor.u32 $0xD0000000, s2;
	s6 =	simm.s32 $0x108;
	_ =	swait.ge @!p0 [sflag:s8], $0x0  }
0x24: {  	s3 =	sadd.s32 $0x88, s3;
	s6 =	simm.s32 @!p1 $0x1082;
	[sflag:s4] =	ssyncset.s32 $0xFFFFF086  }
0x25: {  	[simem:s6], [sflag:s4] =	dma.local [hbm:s3], $0xF7A  }
0x26: {  	[smem:$0x3F8F] =	sst s1;
	(tag) =	ssettag s2;
	_ =	strace s9  }
0x27: {  	s1 =	sld [smem:$0x3F9F]  }
0x28: {  	s2 =	sld [smem:$0x3FA0]  }
0x29: {  	s4 =	sld [smem:$0x3FA2]  }
0x2a: {  	p0 =	seq.s32 s5, $0x0;
	s5 =	sld [smem:$0x3FA3]  }
0x2b: {  	s6 =	sld [smem:$0x3FA4]  }
0x2c: {  	s7 =	sld [smem:$0x3FA5]  }
0x2d: {  	s3 =	simm.s32 $0x108;
	s8 =	sld [smem:$0x3FA6]  }
0x2e: {  	s3 =	simm.s32 @!p0 $0x1082;
	s9 =	sld [smem:$0x3FA7]  }
0x2f: {  	lr =	sadd.s32 s0, s3;
	s0 =	sld [smem:$0x3F9E]  }
0x30: {  	s3 =	sld [smem:$0x3FA1]  }
0x31: {  	[smem:$0x3FAA] =	sst s10  }
0x32: {  	s10 =	sld [smem:$0x3FA8];
	_ =	sdelay $0x3  }
0x33: {  	p0 =	seq.s32 s10, $0x1;
	s10 =	sld [smem:$0x3FAA];
	_ =	sdelay $0x3  }
0x34: {  	[smem:$0x3FAA] =	sst s10  }
0x35: {  	s10 =	sld [smem:$0x3FA9];
	_ =	sdelay $0x3  }
0x36: {  	p1 =	seq.s32 s10, $0x1;
	s10 =	sld [smem:$0x3FAA];
	_ =	sdelay $0x3  }
0x37: {  	[smem:$0x3FAA] =	sst s10  }
0x38: {  	s10 =	sld [smem:$0x3FAB]  }
0x39: {  	_ = 	snop;
	(pc) =	sbr.ind lr, $3  }
0x3a: {  	_ = 	snop  }
0x3b: {  	_ = 	snop  }
0x3c: {  	p2 =	seq.s32 s10, $0x1;
	s10 =	sld [smem:$0x3FAA]  }
0x3d: {  	_ =	shalt  }
0x3e: {  	_ =	shalt  }
0x3f: {  	_ =	shalt  }
0x40: {  	_ =	shalt  }
0x41: {  	_ =	shalt  }
0x42: {  	_ =	shalt  }
0x43: {  	_ =	shalt  }
0x44: {  	_ =	shalt  }
0x45: {  	_ =	shalt  }
0x46: {  	_ =	shalt  }
0x47: {  	_ =	shalt  }
0x48: {  	_ =	shalt  }
0x49: {  	_ =	shalt  }
0x4a: {  	_ =	shalt  }
0x4b: {  	_ =	shalt  }
0x4c: {  	_ =	shalt  }
0x4d: {  	_ =	shalt  }
0x4e: {  	_ =	shalt  }
0x4f: {  	_ =	shalt  }
0x50: {  	_ =	shalt  }
0x51: {  	_ =	shalt  }
0x52: {  	_ =	shalt  }
0x53: {  	_ =	shalt  }
0x54: {  	_ =	shalt  }
0x55: {  	_ =	shalt  }
0x56: {  	_ =	shalt  }
0x57: {  	_ =	shalt  }
0x58: {  	_ =	shalt  }
0x59: {  	_ =	shalt  }
0x5a: {  	_ =	shalt  }
0x5b: {  	_ =	shalt  }
0x5c: {  	_ =	shalt  }
0x5d: {  	_ =	shalt  }
0x5e: {  	_ =	shalt  }
0x5f: {  	_ =	shalt  }
0x60: {  	_ =	shalt  }
0x61: {  	_ =	shalt  }
0x62: {  	_ =	shalt  }
0x63: {  	_ =	shalt  }
0x64: {  	_ =	shalt  }
0x65: {  	_ =	shalt  }
0x66: {  	_ =	shalt  }
0x67: {  	_ =	shalt  }
0x68: {  	_ =	shalt  }
0x69: {  	_ =	shalt  }
0x6a: {  	_ =	shalt  }
0x6b: {  	_ =	shalt  }
0x6c: {  	_ =	shalt  }
0x6d: {  	_ =	shalt  }
0x6e: {  	_ =	shalt  }
0x6f: {  	_ =	shalt  }
0x70: {  	_ =	shalt  }
0x71: {  	_ =	shalt  }
0x72: {  	_ =	shalt  }
0x73: {  	_ =	shalt  }
0x74: {  	_ =	shalt  }
0x75: {  	_ =	shalt  }
0x76: {  	_ =	shalt  }
0x77: {  	_ =	shalt  }
0x78: {  	_ =	shalt  }
0x79: {  	_ =	shalt  }
0x7a: {  	_ =	shalt  }
0x7b: {  	_ =	shalt  }
0x7c: {  	_ =	shalt  }
0x7d: {  	_ =	shalt  }
0x7e: {  	_ =	shalt  }
0x7f: {  	_ =	shalt  }
0x80: {  	_ =	shalt  }
0x81: {  	_ =	shalt  }
0x82: {  	_ =	shalt  }
0x83: {  	_ =	shalt  }
0x84: {  	_ =	shalt  }
0x85: {  	_ =	shalt  }
0x86: {  	_ =	shalt  }
0x87: {  	_ =	shalt  }
.Lfunc_end0:
.L_simem_size_0:
called_computation_lowered:
.L_overlay_start_0:
0x88: {  	s2 =	sld [smem:$0x3FD9]  }
0x89: {  	s3 =	sld [smem:$0x3FFE];
	_ =	sdelay $0x1  }
0x8a: {  	s1 =	srdreg.scid  }
0x8b: {  	s0 =	sand.u32 $0x1, s1  }
0x8c: {  	s17 =	sshll.u32 s0, $0xA;
	s2 =	sadd.s32 s3, s2  }
0x8d: {  	s2 =	sadd.s32 s2, s17  }
0x8e: {  	[smem:$0x3FB6] =	sst s2  }
0x8f: {  	_ = 	snop  }
0x90: {  	s2 =	sld [smem:$0x3FD0];
	(tm) =	ssettm $0x1  }
0x91: {  	s18 =	sld [smem:$0x3FFB];
	_ =	sdelay $0x3  }
0x92: {  	_ =	strace s18  }
0x93: {  	s3 =	sld [smem:$0x3FFC];
	_ =	sdelay $0x3  }
0x94: {  	_ =	strace s3  }
0x95: {  	s3 =	sld [smem:$0x3FFD];
	_ =	sdelay $0x3  }
0x96: {  	_ =	strace s3  }
0x97: {  	_ =	strace $0x8FFFFFFF  }
0x98: {  	s19 =	sld [smem:$0x3FDB];
	_ =	sdelay $0x1  }
0x99: {  	s4 =	simm.s32 $_scs_section_size  }
0x9a: {  	s5 =	simm.s32 $_size__tile_overlayer_lowered;
	s6 =	simm.s32 $_tile_overlayer_lowered  }
0x9b: {  	s22 =	simm.s32 $0x1BFF;
	s21 =	sshll.u32 s6, $0x1;
	s3 =	sadd.s32 s4, s19  }
0x9c: {  	s7 =	simm.s32 $0x0;
	s20 =	sshll.u32 s5, $0x1;
	s5 =	sadd.s32 s21, s3  }
0x9d: {  	[timem:s7], [sflag:s22] =	dma.local [hbm:s5], s20  }
0x9e: {  	_ =	swait.ge [sflag:s22], s20  }
0x9f: {  	s4 =	ssub.s32 $0x0, s20;
	[sflag:s22] =	ssyncset.done $0x0  }
0xa0: {  	[sflag:s22] =	ssyncadd.s32 s4;
	_ =	sdelay $0x1  }
0xa1: {  	s23 =	simm.s32 $0x1B8B  }
0xa2: {  	_ =	swait.ge [sflag:s23], $0x1  }
0xa3: {  	[sflag:s23] =	ssyncset.done $0x0  }
0xa4: {  	s25 =	simm.s32 $0x1B8E;
	s24 =	sld [smem:$0x3FFE];
	[sflag:s23] =	ssyncadd.s32 $0xFFFFFFFF  }
0xa5: {  	s26 =	simm.s32 $execute0_lowered;
	[smem:$0x3FD2] =	sst s25  }
0xa6: {  	s5 =	sshll.u32 s26, $0x1;
	_ =	strace $0x80000046;
	[dreg:$0x1] =	wrdreg $0xFFFFFFFF  }
0xa7: {  	s28 =	simm.s32 $_size_execute0_lowered;
	s3 =	sadd.s32 s3, s5;
	[dreg:$0x0] =	wrdreg $0x0  }
0xa8: {  	s5 =	sshll.u32 s28, $0x1;
	[dreg:$0x2] =	wrdreg s3  }
0xa9: {  	[dreg:$0x3] =	wrdreg s5  }
0xaa: {  	[dreg:$0x4] =	wrdreg $0xC0  }
0xab: {  	_ =	task [dreg:s7], $0x5FFFF  }
0xac: {  	[dreg:$0x1] =	wrdreg $0xFFFFFFFF  }
0xad: {  	[dreg:$0x0] =	wrdreg $0x60  }
0xae: {  	[dreg:$0x2] =	wrdreg s2  }
0xaf: {  	[dreg:$0x3] =	wrdreg s24  }
0xb0: {  	[dreg:$0x4] =	wrdreg $0x9  }
0xb1: {  	_ =	task.clear_ibuf [dreg:s7], $0x5FFFF;
	_ =	strace $0x90000046  }
0xb2: {  	s29 =	simm.s32 $0x9;
	_ =	strace $0x80000048  }
0xb3: {  	_ =	swait.ge [sflag:s29], $0x1  }
0xb4: {  	[sflag:s29] =	ssyncadd.s32 $0xFFFFFFFF  }
0xb5: {  	_ =	strace $0x90000048  }
0xb6: {  	_ =	sfence  }
0xb7: {  	s30 =	sld [smem:$0x0];
	_ =	sdelay $0x2  }
0xb8: {  	s31 =	sshll.u32 s1, $0xD;
	s1 =	sshrl.u32 s1, $0x2  }
0xb9: {  	s3 =	sand.u32 $0x4000, s31;
	s1 =	sadd.s32 s1, s30  }
0xba: {  	s0 =	sor.u32 s3, s0;
	s1 =	sshll.u32 s1, $0x11  }
0xbb: {  	s0 =	sor.u32 s1, s0  }
0xbc: {  	s0 =	sadd.s32 $0x8F2B, s0  }
0xbd: {  	[sflag:s0] =	ssyncadd.remote.s32 $0x1  }
0xbe: {  	_ =	sfence.sel $0xFFFF  }
0xbf: {  	[dreg:$0x0] =	wrdreg $0xFFFFFFFF;
	(pc) =	sbr.abs _section_cstart, $3  }
0xc0: {  	[dreg:$0x1] =	wrdreg $0xFFFFFFFF  }
0xc1: {  	_ =	task.clear_ibuf [dreg:s7], $0x2FFFF;
	_ =	strace $0x9FFFFFFF  }
0xc2: {  	(tm) =	ssettm $0x7FFFFFFF  }
0xc3: {  	_ =	shalt  }
tec
execute0_lowered:
.L_overlay_start_1:
0x0: {  	(tag) =	ssettag $0x1  }
0x1: {  	s2 =	rddreg [dreg:$0x0]  }
0x2: {  	s1 =	srdreg.scid;
	s4 =	rddreg [dreg:$0x1]  }
0x3: {  	s3 =	simm.s32 $0x0;
	s6 =	sand.u32 $0x1, s1;
	s1 =	rddreg [dreg:$0x2]  }
0x4: {  	s19 =	simm.s32 $0x6300;
	[smem:$0x7FF] =	sst s3  }
0x5: {  	s20 =	simm.s32 $0xC700;
	_ =	strace $0x80000047;
	[dreg:$0x3] =	wrdreg s19  }
0x6: {  	s21 =	simm.s32 $0x7700;
	[dreg:$0x4] =	wrdreg s20  }
0x7: {  	s22 =	simm.s32 $0xDB00;
	[dreg:$0x5] =	wrdreg s21  }
0x8: {  	s23 =	simm.s32 $0x8B00;
	[dreg:$0x6] =	wrdreg s22  }
0x9: {  	s0 =	stileid.u32;
	s24 =	simm.s32 $0xEF00;
	[dreg:$0x7] =	wrdreg s23  }
0xa: {  	s25 =	simm.s32 $0x9F00;
	s26 =	simm.s32 $0x10300;
	[dreg:$0x8] =	wrdreg s24  }
0xb: {  	s29 =	simm.s32 $0x12B00;
	s30 =	simm.s32 $0x18F00;
	[dreg:$0x9] =	wrdreg s25  }
0xc: {  	s31 =	simm.s32 $0x13F00;
	s11 =	simm.s32 $0x1A300;
	[dreg:$0xa] =	wrdreg s26  }
0xd: {  	s12 =	simm.s32 $0x15300;
	s13 =	simm.s32 $0x1B700;
	[dreg:$0xb] =	wrdreg s29  }
0xe: {  	s14 =	simm.s32 $0x16700;
	s16 =	simm.s32 $0x1CB00;
	[dreg:$0xc] =	wrdreg s30  }
0xf: {  	s15 =	simm.s32 $0x17B00;
	s17 =	simm.s32 $0x2;
	[dreg:$0xd] =	wrdreg s31  }
0x10: {  	s18 =	sshll.u32 s0, $0x1;
	s7 =	smul.u32 $0x4E200, s0;
	[dreg:$0xe] =	wrdreg s11  }
0x11: {  	s5 =	sor.u32 s6, s18;
	s8 =	ssub.s32 $0x2, s6;
	[dreg:$0xf] =	wrdreg s12  }
0x12: {  	s10 =	smul.u32 $0x27100, s6;
	s11 =	simm.s32 $0x28;
	[dreg:$0x10] =	wrdreg s13  }
0x13: {  	s12 =	simm.s32 $0x4F00;
	s13 =	simm.s32 $0xB300;
	[dreg:$0x11] =	wrdreg s14  }
0x14: {  	s14 =	simm.s32 $0x11700;
	[dreg:$0x12] =	wrdreg s16;
	s16 =	simm.s32 $0x1  }
0x15: {  	s5 =	smul.u32 $0x2710, s5;
	s7 =	sadd.s32 s7, s4;
	s9 =	sshrl.u32 s8, $0x1  }
0x16: {  	s18 =	simm.s32 $0x0;
	s8 =	ssub.s32 s8, s9;
	s28 =	sadd.s32 s10, s7  }
0x17: {  	s9 =	simm.s32 $0x3;
	s10 =	simm.s32 $0x2780;
	s5 =	sshrl.u32 s5, $0x3  }
0x18: {  	s6 =	smax.u32 s8, $0x1;
	s7 =	sadd.s32 $0x43600, s28;
	s5 =	sadd.s32 s5, s4  }
0x19: {  	s8 =	sadd.s32 $0x525600, s28;
	s4 =	sadd.s32 $0x12600, s5;
	s5 =	sadd.s32 $0x8800, s5  }
.LBB2_1:
0x1a: {  	[tilespmem:s3], [sflag:$0x3] =	stream.linear.gather [hbm4b:s4+s3], $0x2710, $0x38;
	[tilespmem:$0x1DF00] =	vst v63  }
0x1b: {  	_ =	swait.ge [sflag:s9], $0x2710  }
0x1c: {  	[sflag:s9] =	ssyncset.done $0x0  }
0x1d: {  	[sflag:s9] =	ssyncadd.s32 $0xFFFFD8F0  }
0x1e: {  	[tilespmem:s10], [sflag:$0x3] =	stream.linear.gather [hbm4b:s5+s3], $0x2710, $0x38;
	[tilespmem:$0x1DF00] =	vst v63  }
0x1f: {  	_ =	swait.ge [sflag:s9], $0x2710  }
0x20: {  	[sflag:s9] =	ssyncset.done $0x0  }
0x21: {  	s19 =	simm.s32 $0x0;
	[sflag:s9] =	ssyncadd.s32 $0xFFFFD8F0  }
0x22: {  	[tilespmem:s12], [sflag:$0x1] =	stream.indirect.gather [hbm4b:s2+s11], $0x80, s19, s11, $0xb8;
	[tilespmem:$0x1DF00] =	vst v63  }
0x23: {  	s25 =	simm.s32 $0x2780  }
0x24: {  	[tilespmem:s13], [sflag:$0x1] =	stream.indirect.gather [hbm4b:s2+s11], $0x80, s25, s11, $0xb8;
	[tilespmem:$0x1DF00] =	vst v63  }
0x25: {  	s26 =	simm.s32 $0x28;
	s20 =	rddreg [dreg:$0x3]  }
0x26: {  	[tilespmem:s20], [sflag:$0x1] =	stream.indirect.gather [hbm4b:s2+s11], $0x80, s26, s11, $0xb8;
	[tilespmem:$0x1DF00] =	vst v63  }
0x27: {  	s28 =	simm.s32 $0x27A8;
	s21 =	rddreg [dreg:$0x4]  }
0x28: {  	[tilespmem:s21], [sflag:$0x1] =	stream.indirect.gather [hbm4b:s2+s11], $0x80, s28, s11, $0xb8;
	[tilespmem:$0x1DF00] =	vst v63  }
0x29: {  	s30 =	simm.s32 $0x50;
	s29 =	rddreg [dreg:$0x5]  }
0x2a: {  	[tilespmem:s29], [sflag:$0x1] =	stream.indirect.gather [hbm4b:s2+s11], $0x80, s30, s11, $0xb8;
	[tilespmem:$0x1DF00] =	vst v63  }
0x2b: {  	s22 =	simm.s32 $0x27D0;
	s31 =	rddreg [dreg:$0x6]  }
0x2c: {  	[tilespmem:s31], [sflag:$0x1] =	stream.indirect.gather [hbm4b:s2+s11], $0x80, s22, s11, $0xb8;
	[tilespmem:$0x1DF00] =	vst v63  }
0x2d: {  	s24 =	simm.s32 $0x78;
	s23 =	rddreg [dreg:$0x7]  }
0x2e: {  	[tilespmem:s23], [sflag:$0x1] =	stream.indirect.gather [hbm4b:s2+s11], $0x80, s24, s11, $0xb8;
	[tilespmem:$0x1DF00] =	vst v63  }
0x2f: {  	s25 =	rddreg [dreg:$0x8];
	s26 =	simm.s32 $0x27F8  }
0x30: {  	[tilespmem:s25], [sflag:$0x1] =	stream.indirect.gather [hbm4b:s2+s11], $0x80, s26, s11, $0xb8;
	[tilespmem:$0x1DF00] =	vst v63  }
0x31: {  	s28 =	rddreg [dreg:$0x9];
	s29 =	simm.s32 $0xA0  }
0x32: {  	[tilespmem:s28], [sflag:$0x1] =	stream.indirect.gather [hbm4b:s2+s11], $0x80, s29, s11, $0xb8;
	[tilespmem:$0x1DF00] =	vst v63  }
0x33: {  	s30 =	rddreg [dreg:$0xa];
	s31 =	simm.s32 $0x2820  }
0x34: {  	[tilespmem:s30], [sflag:$0x1] =	stream.indirect.gather [hbm4b:s2+s11], $0x80, s31, s11, $0xb8;
	[tilespmem:$0x1DF00] =	vst v63  }
0x35: {  	s20 =	simm.s32 $0xC8  }
0x36: {  	[tilespmem:s14], [sflag:$0x1] =	stream.indirect.gather [hbm4b:s2+s11], $0x80, s20, s11, $0xb8;
	[tilespmem:$0x1DF00] =	vst v63  }
0x37: {  	s21 =	simm.s32 $0x2848  }
0x38: {  	[tilespmem:s15], [sflag:$0x1] =	stream.indirect.gather [hbm4b:s2+s11], $0x80, s21, s11, $0xb8;
	[tilespmem:$0x1DF00] =	vst v63  }
0x39: {  	s22 =	rddreg [dreg:$0xb];
	s23 =	simm.s32 $0xF0  }
0x3a: {  	[tilespmem:s22], [sflag:$0x1] =	stream.indirect.gather [hbm4b:s2+s11], $0x80, s23, s11, $0xb8;
	[tilespmem:$0x1DF00] =	vst v63  }
0x3b: {  	s24 =	rddreg [dreg:$0xc];
	s25 =	simm.s32 $0x2870  }
0x3c: {  	[tilespmem:s24], [sflag:$0x1] =	stream.indirect.gather [hbm4b:s2+s11], $0x80, s25, s11, $0xb8;
	[tilespmem:$0x1DF00] =	vst v63  }
0x3d: {  	s26 =	rddreg [dreg:$0xd];
	s28 =	simm.s32 $0x118  }
0x3e: {  	[tilespmem:s26], [sflag:$0x1] =	stream.indirect.gather [hbm4b:s2+s11], $0x80, s28, s11, $0xb8;
	[tilespmem:$0x1DF00] =	vst v63  }
0x3f: {  	s29 =	rddreg [dreg:$0xe];
	s30 =	simm.s32 $0x2898  }
0x40: {  	[tilespmem:s29], [sflag:$0x1] =	stream.indirect.gather [hbm4b:s2+s11], $0x80, s30, s11, $0xb8;
	[tilespmem:$0x1DF00] =	vst v63  }
0x41: {  	s31 =	rddreg [dreg:$0xf];
	s22 =	simm.s32 $0x140  }
0x42: {  	[tilespmem:s31], [sflag:$0x1] =	stream.indirect.gather [hbm4b:s2+s11], $0x80, s22, s11, $0xb8;
	[tilespmem:$0x1DF00] =	vst v63  }
0x43: {  	s23 =	rddreg [dreg:$0x10];
	s24 =	simm.s32 $0x28C0  }
0x44: {  	[tilespmem:s23], [sflag:$0x1] =	stream.indirect.gather [hbm4b:s2+s11], $0x80, s24, s11, $0xb8;
	[tilespmem:$0x1DF00] =	vst v63  }
0x45: {  	s25 =	rddreg [dreg:$0x11];
	s26 =	simm.s32 $0x168  }
0x46: {  	[tilespmem:s25], [sflag:$0x1] =	stream.indirect.gather [hbm4b:s2+s11], $0x80, s26, s11, $0xb8;
	[tilespmem:$0x1DF00] =	vst v63  }
0x47: {  	s28 =	rddreg [dreg:$0x12];
	s29 =	simm.s32 $0x28E8  }
0x48: {  	[tilespmem:s28], [sflag:$0x1] =	stream.indirect.gather [hbm4b:s2+s11], $0x80, s29, s11, $0xb8;
	[tilespmem:$0x1DF00] =	vst v63  }
0x49: {  	_ =	swait.ge [sflag:s16], $0x1400  }
0x4a: {  	[sflag:s16] =	ssyncset.done $0x0  }
0x4b: {  	[sflag:s16] =	ssyncadd.s32 $0xFFFFEC00  }
0x4c: {  	_ =	swait.ge [sflag:s16], $0x1400  }
0x4d: {  	[sflag:s16] =	ssyncset.done $0x0  }
0x4e: {  	[sflag:s16] =	ssyncadd.s32 $0xFFFFEC00  }
0x4f: {  	_ =	swait.ge [sflag:s16], $0x1400  }
0x50: {  	[sflag:s16] =	ssyncset.done $0x0  }
0x51: {  	[sflag:s16] =	ssyncadd.s32 $0xFFFFEC00  }
0x52: {  	_ =	swait.ge [sflag:s16], $0x1400  }
0x53: {  	[sflag:s16] =	ssyncset.done $0x0  }
0x54: {  	[sflag:s16] =	ssyncadd.s32 $0xFFFFEC00  }
0x55: {  	_ =	swait.ge [sflag:s16], $0x1400  }
0x56: {  	[sflag:s16] =	ssyncset.done $0x0  }
0x57: {  	[sflag:s16] =	ssyncadd.s32 $0xFFFFEC00  }
0x58: {  	_ =	swait.ge [sflag:s16], $0x1400  }
0x59: {  	[sflag:s16] =	ssyncset.done $0x0  }
0x5a: {  	[sflag:s16] =	ssyncadd.s32 $0xFFFFEC00  }
0x5b: {  	_ =	swait.ge [sflag:s16], $0x1400  }
0x5c: {  	[sflag:s16] =	ssyncset.done $0x0  }
0x5d: {  	[sflag:s16] =	ssyncadd.s32 $0xFFFFEC00  }
0x5e: {  	_ =	swait.ge [sflag:s16], $0x1400  }
0x5f: {  	[sflag:s16] =	ssyncset.done $0x0  }
0x60: {  	[sflag:s16] =	ssyncadd.s32 $0xFFFFEC00  }
0x61: {  	_ =	swait.ge [sflag:s16], $0x1400  }
0x62: {  	[sflag:s16] =	ssyncset.done $0x0  }
0x63: {  	[sflag:s16] =	ssyncadd.s32 $0xFFFFEC00  }
0x64: {  	_ =	swait.ge [sflag:s16], $0x1400  }
0x65: {  	[sflag:s16] =	ssyncset.done $0x0  }
0x66: {  	[sflag:s16] =	ssyncadd.s32 $0xFFFFEC00  }
0x67: {  	[hbm4b:s7+s3] =	stream.linear.scatter [tilespmem:s12], [sflag:$0x2], $0x6400, $0x38;
	[tilespmem:$0x1DF00] =	vst v63  }
0x68: {  	_ = 	snop  }
0x69: {  	[hbm4b:s8+s3] =	stream.linear.scatter [tilespmem:s13], [sflag:$0x2], $0x6400, $0x38;
	[tilespmem:$0x1DF00] =	vst v63  }
0x6a: {  	_ =	swait.ge [sflag:s16], $0x1400  }
0x6b: {  	[sflag:s16] =	ssyncset.done $0x0  }
0x6c: {  	[sflag:s16] =	ssyncadd.s32 $0xFFFFEC00  }
0x6d: {  	_ =	swait.ge [sflag:s16], $0x1400  }
0x6e: {  	[sflag:s16] =	ssyncset.done $0x0  }
0x6f: {  	[sflag:s16] =	ssyncadd.s32 $0xFFFFEC00  }
0x70: {  	_ =	swait.ge [sflag:s16], $0x1400  }
0x71: {  	[sflag:s16] =	ssyncset.done $0x0  }
0x72: {  	[sflag:s16] =	ssyncadd.s32 $0xFFFFEC00  }
0x73: {  	_ =	swait.ge [sflag:s16], $0x1400  }
0x74: {  	[sflag:s16] =	ssyncset.done $0x0  }
0x75: {  	[sflag:s16] =	ssyncadd.s32 $0xFFFFEC00  }
0x76: {  	_ =	swait.ge [sflag:s16], $0x1400  }
0x77: {  	[sflag:s16] =	ssyncset.done $0x0  }
0x78: {  	[sflag:s16] =	ssyncadd.s32 $0xFFFFEC00  }
0x79: {  	_ =	swait.ge [sflag:s16], $0x1400  }
0x7a: {  	[sflag:s16] =	ssyncset.done $0x0  }
0x7b: {  	[sflag:s16] =	ssyncadd.s32 $0xFFFFEC00  }
0x7c: {  	_ =	swait.ge [sflag:s16], $0x1400  }
0x7d: {  	[sflag:s16] =	ssyncset.done $0x0  }
0x7e: {  	[sflag:s16] =	ssyncadd.s32 $0xFFFFEC00  }
0x7f: {  	_ =	swait.ge [sflag:s16], $0x1400  }
0x80: {  	[sflag:s16] =	ssyncset.done $0x0  }
0x81: {  	[sflag:s16] =	ssyncadd.s32 $0xFFFFEC00  }
0x82: {  	_ =	swait.ge [sflag:s16], $0x1400  }
0x83: {  	[sflag:s16] =	ssyncset.done $0x0  }
0x84: {  	[sflag:s16] =	ssyncadd.s32 $0xFFFFEC00  }
0x85: {  	_ =	swait.ge [sflag:s16], $0x1400  }
0x86: {  	[sflag:s16] =	ssyncset.done $0x0  }
0x87: {  	s30 =	sadd.s32 $0xC80, s7;
	[sflag:s16] =	ssyncadd.s32 $0xFFFFEC00  }
0x88: {  	[hbm4b:s30+s3] =	stream.linear.scatter [tilespmem:s14], [sflag:$0x2], $0x6400, $0x38;
	[tilespmem:$0x1DF00] =	vst v63  }
0x89: {  	s31 =	sadd.s32 $0xC80, s8  }
0x8a: {  	[hbm4b:s31+s3] =	stream.linear.scatter [tilespmem:s15], [sflag:$0x2], $0x6400, $0x38;
	[tilespmem:$0x1DF00] =	vst v63  }
0x8b: {  	_ =	swait.ge [sflag:s17], $0x6400  }
0x8c: {  	[sflag:s17] =	ssyncset.done $0x0  }
0x8d: {  	[sflag:s17] =	ssyncadd.s32 $0xFFFF9C00  }
0x8e: {  	_ =	swait.ge [sflag:s17], $0x6400  }
0x8f: {  	[sflag:s17] =	ssyncset.done $0x0  }
0x90: {  	[sflag:s17] =	ssyncadd.s32 $0xFFFF9C00  }
0x91: {  	_ =	swait.ge [sflag:s17], $0x6400  }
0x92: {  	[sflag:s17] =	ssyncset.done $0x0  }
0x93: {  	[sflag:s17] =	ssyncadd.s32 $0xFFFF9C00  }
0x94: {  	s19 =	sadd.s32 $0x1900, s8;
	s20 =	sadd.s32 $0x1900, s7;
	_ =	swait.ge [sflag:s17], $0x6400  }
0x95: {  	s21 =	simm.s32 $0x640;
	s24 =	simm.s32 $0xC80;
	[sflag:s17] =	ssyncset.done $0x0  }
.LBB2_2:
0x96: {  	s23 =	sshra.s32 s21, $0x2;
	[sflag:s17] =	ssyncadd.s32 $0xFFFF9C00  }
0x97: {  	[tilespmem:s12], [sflag:$0x1] =	stream.indirect.gather [hbm4b:s2+s11], $0x80, s23, s11, $0xb8;
	[tilespmem:$0x1DF00] =	vst v63  }
0x98: {  	s28 =	sadd.s32 $0x2780, s23  }
0x99: {  	[tilespmem:s13], [sflag:$0x1] =	stream.indirect.gather [hbm4b:s2+s11], $0x80, s28, s11, $0xb8;
	[tilespmem:$0x1DF00] =	vst v63  }
0x9a: {  	s25 =	rddreg [dreg:$0x3];
	s29 =	sadd.s32 $0x28, s23  }
0x9b: {  	[tilespmem:s25], [sflag:$0x1] =	stream.indirect.gather [hbm4b:s2+s11], $0x80, s29, s11, $0xb8;
	[tilespmem:$0x1DF00] =	vst v63  }
0x9c: {  	s26 =	rddreg [dreg:$0x4];
	s30 =	sadd.s32 $0x27A8, s23  }
0x9d: {  	[tilespmem:s26], [sflag:$0x1] =	stream.indirect.gather [hbm4b:s2+s11], $0x80, s30, s11, $0xb8;
	[tilespmem:$0x1DF00] =	vst v63  }
0x9e: {  	s31 =	rddreg [dreg:$0x5];
	s28 =	sadd.s32 $0x50, s23  }
0x9f: {  	[tilespmem:s31], [sflag:$0x1] =	stream.indirect.gather [hbm4b:s2+s11], $0x80, s28, s11, $0xb8;
	[tilespmem:$0x1DF00] =	vst v63  }
0xa0: {  	s29 =	rddreg [dreg:$0x6];
	s30 =	sadd.s32 $0x27D0, s23  }
0xa1: {  	[tilespmem:s29], [sflag:$0x1] =	stream.indirect.gather [hbm4b:s2+s11], $0x80, s30, s11, $0xb8;
	[tilespmem:$0x1DF00] =	vst v63  }
0xa2: {  	s31 =	rddreg [dreg:$0x7];
	s28 =	sadd.s32 $0x78, s23  }
0xa3: {  	[tilespmem:s31], [sflag:$0x1] =	stream.indirect.gather [hbm4b:s2+s11], $0x80, s28, s11, $0xb8;
	[tilespmem:$0x1DF00] =	vst v63  }
0xa4: {  	s29 =	rddreg [dreg:$0x8];
	s30 =	sadd.s32 $0x27F8, s23  }
0xa5: {  	[tilespmem:s29], [sflag:$0x1] =	stream.indirect.gather [hbm4b:s2+s11], $0x80, s30, s11, $0xb8;
	[tilespmem:$0x1DF00] =	vst v63  }
0xa6: {  	s31 =	rddreg [dreg:$0x9];
	s28 =	sadd.s32 $0xA0, s23  }
0xa7: {  	[tilespmem:s31], [sflag:$0x1] =	stream.indirect.gather [hbm4b:s2+s11], $0x80, s28, s11, $0xb8;
	[tilespmem:$0x1DF00] =	vst v63  }
0xa8: {  	s29 =	rddreg [dreg:$0xa];
	s30 =	sadd.s32 $0x2820, s23  }
0xa9: {  	[tilespmem:s29], [sflag:$0x1] =	stream.indirect.gather [hbm4b:s2+s11], $0x80, s30, s11, $0xb8;
	[tilespmem:$0x1DF00] =	vst v63  }
0xaa: {  	s31 =	sadd.s32 $0xC8, s23  }
0xab: {  	[tilespmem:s14], [sflag:$0x1] =	stream.indirect.gather [hbm4b:s2+s11], $0x80, s31, s11, $0xb8;
	[tilespmem:$0x1DF00] =	vst v63  }
0xac: {  	s25 =	sadd.s32 $0x2848, s23  }
0xad: {  	[tilespmem:s15], [sflag:$0x1] =	stream.indirect.gather [hbm4b:s2+s11], $0x80, s25, s11, $0xb8;
	[tilespmem:$0x1DF00] =	vst v63  }
0xae: {  	s26 =	rddreg [dreg:$0xb];
	s28 =	sadd.s32 $0xF0, s23  }
0xaf: {  	[tilespmem:s26], [sflag:$0x1] =	stream.indirect.gather [hbm4b:s2+s11], $0x80, s28, s11, $0xb8;
	[tilespmem:$0x1DF00] =	vst v63  }
0xb0: {  	s29 =	rddreg [dreg:$0xc];
	s30 =	sadd.s32 $0x2870, s23  }
0xb1: {  	[tilespmem:s29], [sflag:$0x1] =	stream.indirect.gather [hbm4b:s2+s11], $0x80, s30, s11, $0xb8;
	[tilespmem:$0x1DF00] =	vst v63  }
0xb2: {  	s31 =	rddreg [dreg:$0xd];
	s28 =	sadd.s32 $0x118, s23  }
0xb3: {  	[tilespmem:s31], [sflag:$0x1] =	stream.indirect.gather [hbm4b:s2+s11], $0x80, s28, s11, $0xb8;
	[tilespmem:$0x1DF00] =	vst v63  }
0xb4: {  	s29 =	rddreg [dreg:$0xe];
	s30 =	sadd.s32 $0x2898, s23  }
0xb5: {  	[tilespmem:s29], [sflag:$0x1] =	stream.indirect.gather [hbm4b:s2+s11], $0x80, s30, s11, $0xb8;
	[tilespmem:$0x1DF00] =	vst v63  }
0xb6: {  	s31 =	rddreg [dreg:$0xf];
	s28 =	sadd.s32 $0x140, s23  }
0xb7: {  	[tilespmem:s31], [sflag:$0x1] =	stream.indirect.gather [hbm4b:s2+s11], $0x80, s28, s11, $0xb8;
	[tilespmem:$0x1DF00] =	vst v63  }
0xb8: {  	s29 =	rddreg [dreg:$0x10];
	s30 =	sadd.s32 $0x28C0, s23  }
0xb9: {  	[tilespmem:s29], [sflag:$0x1] =	stream.indirect.gather [hbm4b:s2+s11], $0x80, s30, s11, $0xb8;
	[tilespmem:$0x1DF00] =	vst v63  }
0xba: {  	s31 =	rddreg [dreg:$0x11];
	s28 =	sadd.s32 $0x168, s23  }
0xbb: {  	[tilespmem:s31], [sflag:$0x1] =	stream.indirect.gather [hbm4b:s2+s11], $0x80, s28, s11, $0xb8;
	[tilespmem:$0x1DF00] =	vst v63  }
0xbc: {  	s23 =	sadd.s32 $0x28E8, s23;
	s29 =	rddreg [dreg:$0x12]  }
0xbd: {  	[tilespmem:s29], [sflag:$0x1] =	stream.indirect.gather [hbm4b:s2+s11], $0x80, s23, s11, $0xb8;
	[tilespmem:$0x1DF00] =	vst v63  }
0xbe: {  	_ =	swait.ge [sflag:s16], $0x1400  }
0xbf: {  	[sflag:s16] =	ssyncset.done $0x0  }
0xc0: {  	[sflag:s16] =	ssyncadd.s32 $0xFFFFEC00  }
0xc1: {  	_ =	swait.ge [sflag:s16], $0x1400  }
0xc2: {  	[sflag:s16] =	ssyncset.done $0x0  }
0xc3: {  	[sflag:s16] =	ssyncadd.s32 $0xFFFFEC00  }
0xc4: {  	_ =	swait.ge [sflag:s16], $0x1400  }
0xc5: {  	[sflag:s16] =	ssyncset.done $0x0  }
0xc6: {  	[sflag:s16] =	ssyncadd.s32 $0xFFFFEC00  }
0xc7: {  	_ =	swait.ge [sflag:s16], $0x1400  }
0xc8: {  	[sflag:s16] =	ssyncset.done $0x0  }
0xc9: {  	[sflag:s16] =	ssyncadd.s32 $0xFFFFEC00  }
0xca: {  	_ =	swait.ge [sflag:s16], $0x1400  }
0xcb: {  	[sflag:s16] =	ssyncset.done $0x0  }
0xcc: {  	[sflag:s16] =	ssyncadd.s32 $0xFFFFEC00  }
0xcd: {  	_ =	swait.ge [sflag:s16], $0x1400  }
0xce: {  	[sflag:s16] =	ssyncset.done $0x0  }
0xcf: {  	[sflag:s16] =	ssyncadd.s32 $0xFFFFEC00  }
0xd0: {  	_ =	swait.ge [sflag:s16], $0x1400  }
0xd1: {  	[sflag:s16] =	ssyncset.done $0x0  }
0xd2: {  	[sflag:s16] =	ssyncadd.s32 $0xFFFFEC00  }
0xd3: {  	_ =	swait.ge [sflag:s16], $0x1400  }
0xd4: {  	[sflag:s16] =	ssyncset.done $0x0  }
0xd5: {  	[sflag:s16] =	ssyncadd.s32 $0xFFFFEC00  }
0xd6: {  	_ =	swait.ge [sflag:s16], $0x1400  }
0xd7: {  	[sflag:s16] =	ssyncset.done $0x0  }
0xd8: {  	[sflag:s16] =	ssyncadd.s32 $0xFFFFEC00  }
0xd9: {  	_ =	swait.ge [sflag:s16], $0x1400  }
0xda: {  	[sflag:s16] =	ssyncset.done $0x0  }
0xdb: {  	[sflag:s16] =	ssyncadd.s32 $0xFFFFEC00  }
0xdc: {  	[hbm4b:s20+s3] =	stream.linear.scatter [tilespmem:s12], [sflag:$0x2], $0x6400, $0x38;
	[tilespmem:$0x1DF00] =	vst v63  }
0xdd: {  	_ = 	snop  }
0xde: {  	[hbm4b:s19+s3] =	stream.linear.scatter [tilespmem:s13], [sflag:$0x2], $0x6400, $0x38;
	[tilespmem:$0x1DF00] =	vst v63  }
0xdf: {  	_ =	swait.ge [sflag:s16], $0x1400  }
0xe0: {  	[sflag:s16] =	ssyncset.done $0x0  }
0xe1: {  	[sflag:s16] =	ssyncadd.s32 $0xFFFFEC00  }
0xe2: {  	_ =	swait.ge [sflag:s16], $0x1400  }
0xe3: {  	[sflag:s16] =	ssyncset.done $0x0  }
0xe4: {  	[sflag:s16] =	ssyncadd.s32 $0xFFFFEC00  }
0xe5: {  	_ =	swait.ge [sflag:s16], $0x1400  }
0xe6: {  	[sflag:s16] =	ssyncset.done $0x0  }
0xe7: {  	[sflag:s16] =	ssyncadd.s32 $0xFFFFEC00  }
0xe8: {  	_ =	swait.ge [sflag:s16], $0x1400  }
0xe9: {  	[sflag:s16] =	ssyncset.done $0x0  }
0xea: {  	[sflag:s16] =	ssyncadd.s32 $0xFFFFEC00  }
0xeb: {  	_ =	swait.ge [sflag:s16], $0x1400  }
0xec: {  	[sflag:s16] =	ssyncset.done $0x0  }
0xed: {  	[sflag:s16] =	ssyncadd.s32 $0xFFFFEC00  }
0xee: {  	_ =	swait.ge [sflag:s16], $0x1400  }
0xef: {  	[sflag:s16] =	ssyncset.done $0x0  }
0xf0: {  	[sflag:s16] =	ssyncadd.s32 $0xFFFFEC00  }
0xf1: {  	_ =	swait.ge [sflag:s16], $0x1400  }
0xf2: {  	[sflag:s16] =	ssyncset.done $0x0  }
0xf3: {  	[sflag:s16] =	ssyncadd.s32 $0xFFFFEC00  }
0xf4: {  	_ =	swait.ge [sflag:s16], $0x1400  }
0xf5: {  	[sflag:s16] =	ssyncset.done $0x0  }
0xf6: {  	[sflag:s16] =	ssyncadd.s32 $0xFFFFEC00  }
0xf7: {  	_ =	swait.ge [sflag:s16], $0x1400  }
0xf8: {  	[sflag:s16] =	ssyncset.done $0x0  }
0xf9: {  	[sflag:s16] =	ssyncadd.s32 $0xFFFFEC00  }
0xfa: {  	_ =	swait.ge [sflag:s16], $0x1400  }
0xfb: {  	[sflag:s16] =	ssyncset.done $0x0  }
0xfc: {  	s30 =	sadd.s32 $0xC80, s20;
	[sflag:s16] =	ssyncadd.s32 $0xFFFFEC00  }
0xfd: {  	[hbm4b:s30+s3] =	stream.linear.scatter [tilespmem:s14], [sflag:$0x2], $0x6400, $0x38;
	[tilespmem:$0x1DF00] =	vst v63  }
0xfe: {  	s31 =	sadd.s32 $0xC80, s19  }
0xff: {  	[hbm4b:s31+s3] =	stream.linear.scatter [tilespmem:s15], [sflag:$0x2], $0x6400, $0x38;
	[tilespmem:$0x1DF00] =	vst v63  }
0x100: {  	_ =	swait.ge [sflag:s17], $0x6400  }
0x101: {  	[sflag:s17] =	ssyncset.done $0x0  }
0x102: {  	[sflag:s17] =	ssyncadd.s32 $0xFFFF9C00  }
0x103: {  	_ =	swait.ge [sflag:s17], $0x6400  }
0x104: {  	[sflag:s17] =	ssyncset.done $0x0  }
0x105: {  	p0 =	sne.s32 s24, $0x9600;
	[sflag:s17] =	ssyncadd.s32 $0xFFFF9C00  }
.Ltmp0:
0x106: {  	_ =	swait.ge [sflag:s17], $0x6400;
	(pc) =	sbr.rel @p0 .LBB2_2-.Ltmp0, $4  }
0x107: {  	[sflag:s17] =	ssyncset.done $0x0  }
0x108: {  	s22 =	sadd.s32 $0x640, s24;
	[sflag:s17] =	ssyncadd.s32 $0xFFFF9C00  }
0x109: {  	s21 =	smov.u32 s24;
	s24 =	smov.u32 s22;
	_ =	swait.ge [sflag:s17], $0x6400  }
0x10a: {  	s20 =	sadd.s32 $0x1900, s20;
	s19 =	sadd.s32 $0x1900, s19;
	[sflag:s17] =	ssyncset.done $0x0  }
0x10b: {  	s21 =	sshra.s32 s21, $0x2;
	[sflag:s17] =	ssyncadd.s32 $0xFFFF9C00  }
0x10c: {  	[tilespmem:s12], [sflag:$0x1] =	stream.indirect.gather [hbm4b:s2+s11], $0x80, s21, s11, $0xb8;
	[tilespmem:$0x1DF00] =	vst v63  }
0x10d: {  	s22 =	sadd.s32 $0x2780, s21  }
0x10e: {  	[tilespmem:s13], [sflag:$0x1] =	stream.indirect.gather [hbm4b:s2+s11], $0x80, s22, s11, $0xb8;
	[tilespmem:$0x1DF00] =	vst v63  }
0x10f: {  	s23 =	rddreg [dreg:$0x3];
	s31 =	sadd.s32 $0x28, s21  }
0x110: {  	[tilespmem:s23], [sflag:$0x1] =	stream.indirect.gather [hbm4b:s2+s11], $0x80, s31, s11, $0xb8;
	[tilespmem:$0x1DF00] =	vst v63  }
0x111: {  	s24 =	rddreg [dreg:$0x4];
	s25 =	sadd.s32 $0x27A8, s21  }
0x112: {  	[tilespmem:s24], [sflag:$0x1] =	stream.indirect.gather [hbm4b:s2+s11], $0x80, s25, s11, $0xb8;
	[tilespmem:$0x1DF00] =	vst v63  }
0x113: {  	s26 =	rddreg [dreg:$0x5];
	s28 =	sadd.s32 $0x50, s21  }
0x114: {  	[tilespmem:s26], [sflag:$0x1] =	stream.indirect.gather [hbm4b:s2+s11], $0x80, s28, s11, $0xb8;
	[tilespmem:$0x1DF00] =	vst v63  }
0x115: {  	s29 =	rddreg [dreg:$0x6];
	s30 =	sadd.s32 $0x27D0, s21  }
0x116: {  	[tilespmem:s29], [sflag:$0x1] =	stream.indirect.gather [hbm4b:s2+s11], $0x80, s30, s11, $0xb8;
	[tilespmem:$0x1DF00] =	vst v63  }
0x117: {  	s31 =	rddreg [dreg:$0x7];
	s25 =	sadd.s32 $0x78, s21  }
0x118: {  	[tilespmem:s31], [sflag:$0x1] =	stream.indirect.gather [hbm4b:s2+s11], $0x80, s25, s11, $0xb8;
	[tilespmem:$0x1DF00] =	vst v63  }
0x119: {  	s26 =	rddreg [dreg:$0x8];
	s28 =	sadd.s32 $0x27F8, s21  }
0x11a: {  	[tilespmem:s26], [sflag:$0x1] =	stream.indirect.gather [hbm4b:s2+s11], $0x80, s28, s11, $0xb8;
	[tilespmem:$0x1DF00] =	vst v63  }
0x11b: {  	s29 =	rddreg [dreg:$0x9];
	s30 =	sadd.s32 $0xA0, s21  }
0x11c: {  	[tilespmem:s29], [sflag:$0x1] =	stream.indirect.gather [hbm4b:s2+s11], $0x80, s30, s11, $0xb8;
	[tilespmem:$0x1DF00] =	vst v63  }
0x11d: {  	s23 =	sadd.s32 $0x2820, s21;
	s31 =	rddreg [dreg:$0xa]  }
0x11e: {  	[tilespmem:s31], [sflag:$0x1] =	stream.indirect.gather [hbm4b:s2+s11], $0x80, s23, s11, $0xb8;
	[tilespmem:$0x1DF00] =	vst v63  }
0x11f: {  	s24 =	sadd.s32 $0xC8, s21  }
0x120: {  	[tilespmem:s14], [sflag:$0x1] =	stream.indirect.gather [hbm4b:s2+s11], $0x80, s24, s11, $0xb8;
	[tilespmem:$0x1DF00] =	vst v63  }
0x121: {  	s25 =	sadd.s32 $0x2848, s21  }
0x122: {  	[tilespmem:s15], [sflag:$0x1] =	stream.indirect.gather [hbm4b:s2+s11], $0x80, s25, s11, $0xb8;
	[tilespmem:$0x1DF00] =	vst v63  }
0x123: {  	s26 =	rddreg [dreg:$0xb];
	s28 =	sadd.s32 $0xF0, s21  }
0x124: {  	[tilespmem:s26], [sflag:$0x1] =	stream.indirect.gather [hbm4b:s2+s11], $0x80, s28, s11, $0xb8;
	[tilespmem:$0x1DF00] =	vst v63  }
0x125: {  	s29 =	rddreg [dreg:$0xc];
	s30 =	sadd.s32 $0x2870, s21  }
0x126: {  	[tilespmem:s29], [sflag:$0x1] =	stream.indirect.gather [hbm4b:s2+s11], $0x80, s30, s11, $0xb8;
	[tilespmem:$0x1DF00] =	vst v63  }
0x127: {  	s31 =	rddreg [dreg:$0xd];
	s25 =	sadd.s32 $0x118, s21  }
0x128: {  	[tilespmem:s31], [sflag:$0x1] =	stream.indirect.gather [hbm4b:s2+s11], $0x80, s25, s11, $0xb8;
	[tilespmem:$0x1DF00] =	vst v63  }
0x129: {  	s26 =	rddreg [dreg:$0xe];
	s28 =	sadd.s32 $0x2898, s21  }
0x12a: {  	[tilespmem:s26], [sflag:$0x1] =	stream.indirect.gather [hbm4b:s2+s11], $0x80, s28, s11, $0xb8;
	[tilespmem:$0x1DF00] =	vst v63  }
0x12b: {  	s29 =	rddreg [dreg:$0xf];
	s30 =	sadd.s32 $0x140, s21  }
0x12c: {  	[tilespmem:s29], [sflag:$0x1] =	stream.indirect.gather [hbm4b:s2+s11], $0x80, s30, s11, $0xb8;
	[tilespmem:$0x1DF00] =	vst v63  }
0x12d: {  	s31 =	rddreg [dreg:$0x10];
	s25 =	sadd.s32 $0x28C0, s21  }
0x12e: {  	[tilespmem:s31], [sflag:$0x1] =	stream.indirect.gather [hbm4b:s2+s11], $0x80, s25, s11, $0xb8;
	[tilespmem:$0x1DF00] =	vst v63  }
0x12f: {  	s26 =	rddreg [dreg:$0x11];
	s28 =	sadd.s32 $0x168, s21  }
0x130: {  	[tilespmem:s26], [sflag:$0x1] =	stream.indirect.gather [hbm4b:s2+s11], $0x80, s28, s11, $0xb8;
	[tilespmem:$0x1DF00] =	vst v63  }
0x131: {  	s21 =	sadd.s32 $0x28E8, s21;
	s29 =	rddreg [dreg:$0x12]  }
0x132: {  	[tilespmem:s29], [sflag:$0x1] =	stream.indirect.gather [hbm4b:s2+s11], $0x80, s21, s11, $0xb8;
	[tilespmem:$0x1DF00] =	vst v63  }
0x133: {  	_ =	swait.ge [sflag:s16], $0x1400  }
0x134: {  	[sflag:s16] =	ssyncset.done $0x0  }
0x135: {  	[sflag:s16] =	ssyncadd.s32 $0xFFFFEC00  }
0x136: {  	_ =	swait.ge [sflag:s16], $0x1400  }
0x137: {  	[sflag:s16] =	ssyncset.done $0x0  }
0x138: {  	[sflag:s16] =	ssyncadd.s32 $0xFFFFEC00  }
0x139: {  	_ =	swait.ge [sflag:s16], $0x1400  }
0x13a: {  	[sflag:s16] =	ssyncset.done $0x0  }
0x13b: {  	[sflag:s16] =	ssyncadd.s32 $0xFFFFEC00  }
0x13c: {  	_ =	swait.ge [sflag:s16], $0x1400  }
0x13d: {  	[sflag:s16] =	ssyncset.done $0x0  }
0x13e: {  	[sflag:s16] =	ssyncadd.s32 $0xFFFFEC00  }
0x13f: {  	_ =	swait.ge [sflag:s16], $0x1400  }
0x140: {  	[sflag:s16] =	ssyncset.done $0x0  }
0x141: {  	[sflag:s16] =	ssyncadd.s32 $0xFFFFEC00  }
0x142: {  	_ =	swait.ge [sflag:s16], $0x1400  }
0x143: {  	[sflag:s16] =	ssyncset.done $0x0  }
0x144: {  	[sflag:s16] =	ssyncadd.s32 $0xFFFFEC00  }
0x145: {  	_ =	swait.ge [sflag:s16], $0x1400  }
0x146: {  	[sflag:s16] =	ssyncset.done $0x0  }
0x147: {  	[sflag:s16] =	ssyncadd.s32 $0xFFFFEC00  }
0x148: {  	_ =	swait.ge [sflag:s16], $0x1400  }
0x149: {  	[sflag:s16] =	ssyncset.done $0x0  }
0x14a: {  	[sflag:s16] =	ssyncadd.s32 $0xFFFFEC00  }
0x14b: {  	_ =	swait.ge [sflag:s16], $0x1400  }
0x14c: {  	[sflag:s16] =	ssyncset.done $0x0  }
0x14d: {  	[sflag:s16] =	ssyncadd.s32 $0xFFFFEC00  }
0x14e: {  	_ =	swait.ge [sflag:s16], $0x1400  }
0x14f: {  	[sflag:s16] =	ssyncset.done $0x0  }
0x150: {  	[sflag:s16] =	ssyncadd.s32 $0xFFFFEC00  }
0x151: {  	[hbm4b:s20+s3] =	stream.linear.scatter [tilespmem:s12], [sflag:$0x2], $0x6400, $0x38;
	[tilespmem:$0x1DF00] =	vst v63  }
0x152: {  	_ = 	snop  }
0x153: {  	[hbm4b:s19+s3] =	stream.linear.scatter [tilespmem:s13], [sflag:$0x2], $0x6400, $0x38;
	[tilespmem:$0x1DF00] =	vst v63  }
0x154: {  	_ =	swait.ge [sflag:s16], $0x1400  }
0x155: {  	[sflag:s16] =	ssyncset.done $0x0  }
0x156: {  	[sflag:s16] =	ssyncadd.s32 $0xFFFFEC00  }
0x157: {  	_ =	swait.ge [sflag:s16], $0x1400  }
0x158: {  	[sflag:s16] =	ssyncset.done $0x0  }
0x159: {  	[sflag:s16] =	ssyncadd.s32 $0xFFFFEC00  }
0x15a: {  	_ =	swait.ge [sflag:s16], $0x1400  }
0x15b: {  	[sflag:s16] =	ssyncset.done $0x0  }
0x15c: {  	[sflag:s16] =	ssyncadd.s32 $0xFFFFEC00  }
0x15d: {  	_ =	swait.ge [sflag:s16], $0x1400  }
0x15e: {  	[sflag:s16] =	ssyncset.done $0x0  }
0x15f: {  	[sflag:s16] =	ssyncadd.s32 $0xFFFFEC00  }
0x160: {  	_ =	swait.ge [sflag:s16], $0x1400  }
0x161: {  	[sflag:s16] =	ssyncset.done $0x0  }
0x162: {  	[sflag:s16] =	ssyncadd.s32 $0xFFFFEC00  }
0x163: {  	_ =	swait.ge [sflag:s16], $0x1400  }
0x164: {  	[sflag:s16] =	ssyncset.done $0x0  }
0x165: {  	[sflag:s16] =	ssyncadd.s32 $0xFFFFEC00  }
0x166: {  	_ =	swait.ge [sflag:s16], $0x1400  }
0x167: {  	[sflag:s16] =	ssyncset.done $0x0  }
0x168: {  	[sflag:s16] =	ssyncadd.s32 $0xFFFFEC00  }
0x169: {  	_ =	swait.ge [sflag:s16], $0x1400  }
0x16a: {  	[sflag:s16] =	ssyncset.done $0x0  }
0x16b: {  	[sflag:s16] =	ssyncadd.s32 $0xFFFFEC00  }
0x16c: {  	_ =	swait.ge [sflag:s16], $0x1400  }
0x16d: {  	[sflag:s16] =	ssyncset.done $0x0  }
0x16e: {  	[sflag:s16] =	ssyncadd.s32 $0xFFFFEC00  }
0x16f: {  	_ =	swait.ge [sflag:s16], $0x1400  }
0x170: {  	[sflag:s16] =	ssyncset.done $0x0  }
0x171: {  	s30 =	sadd.s32 $0xC80, s20;
	[sflag:s16] =	ssyncadd.s32 $0xFFFFEC00  }
0x172: {  	[hbm4b:s30+s3] =	stream.linear.scatter [tilespmem:s14], [sflag:$0x2], $0x6400, $0x38;
	[tilespmem:$0x1DF00] =	vst v63  }
0x173: {  	s31 =	sadd.s32 $0xC80, s19  }
0x174: {  	[hbm4b:s31+s3] =	stream.linear.scatter [tilespmem:s15], [sflag:$0x2], $0x6400, $0x38;
	[tilespmem:$0x1DF00] =	vst v63  }
0x175: {  	_ =	swait.ge [sflag:s17], $0x6400  }
0x176: {  	[sflag:s17] =	ssyncset.done $0x0  }
0x177: {  	[sflag:s17] =	ssyncadd.s32 $0xFFFF9C00  }
0x178: {  	_ =	swait.ge [sflag:s17], $0x6400  }
0x179: {  	[sflag:s17] =	ssyncset.done $0x0  }
0x17a: {  	s18 =	sadd.s32 $0x1, s18;
	[sflag:s17] =	ssyncadd.s32 $0xFFFF9C00  }
0x17b: {  	p0 =	sne.s32 s18, s6;
	_ =	swait.ge [sflag:s17], $0x6400  }
.Ltmp1:
0x17c: {  	[sflag:s17] =	ssyncset.done $0x0;
	(pc) =	sbr.rel @p0 .LBB2_1-.Ltmp1, $4  }
0x17d: {  	[sflag:s17] =	ssyncadd.s32 $0xFFFF9C00  }
0x17e: {  	_ =	swait.ge [sflag:s17], $0x6400  }
0x17f: {  	[sflag:s17] =	ssyncset.done $0x0  }
0x180: {  	[sflag:s17] =	ssyncadd.s32 $0xFFFF9C00  }
0x181: {  	_ =	sfence.sel $0x180000  }
0x182: {  	[bflag:$0x0] =	sbarrier.arrive $0xFFFF  }
0x183: {  	p0 =	sne.s32 s0, $0x0;
	_ =	strace $0x90000047  }
0x184: {  	s0 =	sadd.s32 @!p0 $0x100000, s1;
	[bflag:$0x2] =	sbarrier.arrive $0xFFFF  }
0x185: {  	[sflag:s0] =	ssyncadd.tile.s32 @!p0 $0x1;
	_ =	shalt  }
.Lfunc_end2:
_tile_overlayer_lowered:
.L_overlay_start_2:
0x186: {  	(tag) =	ssettag $0x2  }
0x187: {  	s0 =	rddreg [dreg:$0x0];
	s2 =	stileid.u32  }
0x188: {  	s1 =	rddreg [dreg:$0x1];
	p0 =	sne.s32 s2, $0x0  }
0x189: {  	s3 =	rddreg [dreg:$0x2];
	[bflag:$0x3] =	sbarrier.arrive $0xFFFF;
	s2 =	simm.s32 @!p0 $0x1C03  }
0x18a: {  	[timem:s3], [sflag:s2] =	dma.local @!p0 [hbm:s0], s1  }
0x18b: {  	s0 =	simm.s32 @!p0 $0x3  }
0x18c: {  	_ =	swait.ge @!p0 [sflag:s0], s1  }
0x18d: {  	s1 =	ssub.s32 @!p0 $0x0, s1;
	[sflag:s0] =	ssyncset.done @!p0 $0x0  }
0x18e: {  	[sflag:s0] =	ssyncadd.s32 @!p0 s1  }
0x18f: {  	[bflag:$0x3] =	sbarrier.arrive $0xFFFF  }
0x190: {  	_ =	shalt  }

// kernel: kernel.15.cloned.1.call-start
scs
__scs_entry_jumppad:
0x0: {  	(pc) =	sbr.rel $0x88, $3  }
0x1: {  	(tag) =	ssettag $0x0;
	lr =	simm.s32 $0x1  }
0x2: {  	[smem:$0x3F8F] =	sst lr;
	_ =	strace $0xD0000000  }
0x3: {  	_ = 	snop  }
0x4: {  	_ = 	snop  }
0x5: {  	_ = 	snop  }
0x6: {  	_ = 	snop  }
0x7: {  	_ = 	snop  }
__scs_overlays_trampoline_lowered:
0x8: {  	[smem:$0x3F9E] =	sst s0  }
0x9: {  	[smem:$0x3F9F] =	sst s1  }
0xa: {  	[smem:$0x3FA0] =	sst s2  }
0xb: {  	[smem:$0x3FA1] =	sst s3  }
0xc: {  	[smem:$0x3FA2] =	sst s4  }
0xd: {  	[smem:$0x3FA3] =	sst s5  }
0xe: {  	[smem:$0x3FA4] =	sst s6  }
0xf: {  	[smem:$0x3FA5] =	sst s7  }
0x10: {  	[smem:$0x3FA6] =	sst s8  }
0x11: {  	[smem:$0x3FA7] =	sst s9;
	s0 =	simm.s32 @!p0 $0x0  }
0x12: {  	s1 =	sld [smem:$0x3F8D];
	s0 =	simm.s32 @p0 $0x1  }
0x13: {  	[smem:$0x3FA8] =	sst s0;
	s0 =	simm.s32 @!p1 $0x0  }
0x14: {  	s2 =	sld [smem:$0x3F8C];
	s0 =	simm.s32 @p1 $0x1  }
0x15: {  	[smem:$0x3FA9] =	sst s0;
	s0 =	simm.s32 @!p2 $0x0  }
0x16: {  	s3 =	sld [smem:$0x3FDB];
	s0 =	simm.s32 @p2 $0x1  }
0x17: {  	s4 =	simm.s32 $0x1BF5;
	[smem:$0x3FAB] =	sst s0  }
0x18: {  	s0 =	sld [smem:$0x3F8E];
	_ =	swait.ge [sflag:s4], $0x0  }
0x19: {  	s7 =	sld [smem:$0x3F8F]  }
0x1a: {  	s8 =	sadd.s32 $0xFFFFE003, lr  }
0x1b: {  	s9 =	sadd.s32 $0xFFFFFEF7, lr;
	s5 =	simm.s32 $0xFFFFFFFF;
	p2 =	slt.u32 s8, $0xFFFFF086  }
0x1c: {  	p1 =	slt.u32 s9, $0xF7A;
	s5 =	simm.s32 @!p2 $0x0  }
0x1d: {  	s5 =	simm.s32 @p1 $0x1;
	p0 =	seq.s32 s7, s2  }
0x1e: {  	s7 =	smul.u32 @!p0 $0xF7A, s2;
	p2 =	seq.s32 @!p0 s5, $0x0  }
0x1f: {  	s9 =	smul.u32 $0xF7A, s1;
	s8 =	simm.s32 @!p0 $0x1BF5;
	p2 =	por !p2, p0  }
0x20: {  	[sflag:s8] =	ssyncset.s32 @!p0 $0xFFFFF086;
	s6 =	sadd.s32 @!p0 s3, s7;
	s7 =	simm.s32 @!p0 $0x108  }
0x21: {  	s3 =	sadd.s32 s3, s9;
	s6 =	sadd.s32 @!p0 $0x88, s6;
	s7 =	simm.s32 @p2 $0x1082  }
0x22: {  	[simem:s7], [sflag:s8] =	dma.local @!p0 [hbm:s6], $0xF7A  }
0x23: {  	s9 =	sor.u32 $0xD0000000, s2;
	s6 =	simm.s32 $0x108;
	_ =	swait.ge @!p0 [sflag:s8], $0x0  }
0x24: {  	s3 =	sadd.s32 $0x88, s3;
	s6 =	simm.s32 @!p1 $0x1082;
	[sflag:s4] =	ssyncset.s32 $0xFFFFF086  }
0x25: {  	[simem:s6], [sflag:s4] =	dma.local [hbm:s3], $0xF7A  }
0x26: {  	[smem:$0x3F8F] =	sst s1;
	(tag) =	ssettag s2;
	_ =	strace s9  }
0x27: {  	s1 =	sld [smem:$0x3F9F]  }
0x28: {  	s2 =	sld [smem:$0x3FA0]  }
0x29: {  	s4 =	sld [smem:$0x3FA2]  }
0x2a: {  	p0 =	seq.s32 s5, $0x0;
	s5 =	sld [smem:$0x3FA3]  }
0x2b: {  	s6 =	sld [smem:$0x3FA4]  }
0x2c: {  	s7 =	sld [smem:$0x3FA5]  }
0x2d: {  	s3 =	simm.s32 $0x108;
	s8 =	sld [smem:$0x3FA6]  }
0x2e: {  	s3 =	simm.s32 @!p0 $0x1082;
	s9 =	sld [smem:$0x3FA7]  }
0x2f: {  	lr =	sadd.s32 s0, s3;
	s0 =	sld [smem:$0x3F9E]  }
0x30: {  	s3 =	sld [smem:$0x3FA1]  }
0x31: {  	[smem:$0x3FAA] =	sst s10  }
0x32: {  	s10 =	sld [smem:$0x3FA8];
	_ =	sdelay $0x3  }
0x33: {  	p0 =	seq.s32 s10, $0x1;
	s10 =	sld [smem:$0x3FAA];
	_ =	sdelay $0x3  }
0x34: {  	[smem:$0x3FAA] =	sst s10  }
0x35: {  	s10 =	sld [smem:$0x3FA9];
	_ =	sdelay $0x3  }
0x36: {  	p1 =	seq.s32 s10, $0x1;
	s10 =	sld [smem:$0x3FAA];
	_ =	sdelay $0x3  }
0x37: {  	[smem:$0x3FAA] =	sst s10  }
0x38: {  	s10 =	sld [smem:$0x3FAB]  }
0x39: {  	_ = 	snop;
	(pc) =	sbr.ind lr, $3  }
0x3a: {  	_ = 	snop  }
0x3b: {  	_ = 	snop  }
0x3c: {  	p2 =	seq.s32 s10, $0x1;
	s10 =	sld [smem:$0x3FAA]  }
0x3d: {  	_ =	shalt  }
0x3e: {  	_ =	shalt  }
0x3f: {  	_ =	shalt  }
0x40: {  	_ =	shalt  }
0x41: {  	_ =	shalt  }
0x42: {  	_ =	shalt  }
0x43: {  	_ =	shalt  }
0x44: {  	_ =	shalt  }
0x45: {  	_ =	shalt  }
0x46: {  	_ =	shalt  }
0x47: {  	_ =	shalt  }
0x48: {  	_ =	shalt  }
0x49: {  	_ =	shalt  }
0x4a: {  	_ =	shalt  }
0x4b: {  	_ =	shalt  }
0x4c: {  	_ =	shalt  }
0x4d: {  	_ =	shalt  }
0x4e: {  	_ =	shalt  }
0x4f: {  	_ =	shalt  }
0x50: {  	_ =	shalt  }
0x51: {  	_ =	shalt  }
0x52: {  	_ =	shalt  }
0x53: {  	_ =	shalt  }
0x54: {  	_ =	shalt  }
0x55: {  	_ =	shalt  }
0x56: {  	_ =	shalt  }
0x57: {  	_ =	shalt  }
0x58: {  	_ =	shalt  }
0x59: {  	_ =	shalt  }
0x5a: {  	_ =	shalt  }
0x5b: {  	_ =	shalt  }
0x5c: {  	_ =	shalt  }
0x5d: {  	_ =	shalt  }
0x5e: {  	_ =	shalt  }
0x5f: {  	_ =	shalt  }
0x60: {  	_ =	shalt  }
0x61: {  	_ =	shalt  }
0x62: {  	_ =	shalt  }
0x63: {  	_ =	shalt  }
0x64: {  	_ =	shalt  }
0x65: {  	_ =	shalt  }
0x66: {  	_ =	shalt  }
0x67: {  	_ =	shalt  }
0x68: {  	_ =	shalt  }
0x69: {  	_ =	shalt  }
0x6a: {  	_ =	shalt  }
0x6b: {  	_ =	shalt  }
0x6c: {  	_ =	shalt  }
0x6d: {  	_ =	shalt  }
0x6e: {  	_ =	shalt  }
0x6f: {  	_ =	shalt  }
0x70: {  	_ =	shalt  }
0x71: {  	_ =	shalt  }
0x72: {  	_ =	shalt  }
0x73: {  	_ =	shalt  }
0x74: {  	_ =	shalt  }
0x75: {  	_ =	shalt  }
0x76: {  	_ =	shalt  }
0x77: {  	_ =	shalt  }
0x78: {  	_ =	shalt  }
0x79: {  	_ =	shalt  }
0x7a: {  	_ =	shalt  }
0x7b: {  	_ =	shalt  }
0x7c: {  	_ =	shalt  }
0x7d: {  	_ =	shalt  }
0x7e: {  	_ =	shalt  }
0x7f: {  	_ =	shalt  }
0x80: {  	_ =	shalt  }
0x81: {  	_ =	shalt  }
0x82: {  	_ =	shalt  }
0x83: {  	_ =	shalt  }
0x84: {  	_ =	shalt  }
0x85: {  	_ =	shalt  }
0x86: {  	_ =	shalt  }
0x87: {  	_ =	shalt  }
.Lfunc_end0:
.L_simem_size_0:
called_computation.1_lowered:
.L_overlay_start_0:
0x88: {  	s2 =	sld [smem:$0x3FD9]  }
0x89: {  	s3 =	sld [smem:$0x3FFE];
	_ =	sdelay $0x1  }
0x8a: {  	s1 =	srdreg.scid  }
0x8b: {  	s0 =	sand.u32 $0x1, s1  }
0x8c: {  	s16 =	sshll.u32 s0, $0xA;
	s2 =	sadd.s32 s3, s2  }
0x8d: {  	s2 =	sadd.s32 s2, s16  }
0x8e: {  	[smem:$0x3FB6] =	sst s2  }
0x8f: {  	_ = 	snop  }
0x90: {  	(tm) =	ssettm $0x1  }
0x91: {  	s17 =	sld [smem:$0x3FFB];
	_ =	sdelay $0x3  }
0x92: {  	_ =	strace s17  }
0x93: {  	s2 =	sld [smem:$0x3FFC];
	_ =	sdelay $0x3  }
0x94: {  	_ =	strace s2  }
0x95: {  	s2 =	sld [smem:$0x3FFD];
	_ =	sdelay $0x3  }
0x96: {  	_ =	strace s2  }
0x97: {  	_ =	strace $0x8FFFFFFF  }
0x98: {  	s18 =	sld [smem:$0x3FDB];
	_ =	sdelay $0x1  }
0x99: {  	s19 =	simm.s32 $_scs_section_size  }
0x9a: {  	s4 =	simm.s32 $_size__tile_overlayer_lowered;
	s5 =	simm.s32 $_tile_overlayer_lowered  }
0x9b: {  	s22 =	simm.s32 $0x1BFF;
	s21 =	sshll.u32 s5, $0x1;
	s2 =	sadd.s32 s19, s18  }
0x9c: {  	s6 =	simm.s32 $0x0;
	s20 =	sshll.u32 s4, $0x1;
	s4 =	sadd.s32 s21, s2  }
0x9d: {  	[timem:s6], [sflag:s22] =	dma.local [hbm:s4], s20  }
0x9e: {  	_ =	swait.ge [sflag:s22], s20  }
0x9f: {  	s3 =	ssub.s32 $0x0, s20;
	[sflag:s22] =	ssyncset.done $0x0  }
0xa0: {  	[sflag:s22] =	ssyncadd.s32 s3;
	_ =	sdelay $0x1  }
0xa1: {  	s23 =	simm.s32 $0x1B8B  }
0xa2: {  	_ =	swait.ge [sflag:s23], $0x1  }
0xa3: {  	[sflag:s23] =	ssyncset.done $0x0  }
0xa4: {  	s25 =	simm.s32 $0x1B8E;
	s24 =	sld [smem:$0x3FFE];
	[sflag:s23] =	ssyncadd.s32 $0xFFFFFFFF  }
0xa5: {  	s26 =	simm.s32 $execute0_lowered;
	[smem:$0x3FD2] =	sst s25  }
0xa6: {  	s4 =	sshll.u32 s26, $0x1;
	_ =	strace $0x80000049;
	[dreg:$0x1] =	wrdreg $0xFFFFFFFF  }
0xa7: {  	s28 =	simm.s32 $_size_execute0_lowered;
	s2 =	sadd.s32 s2, s4;
	[dreg:$0x0] =	wrdreg $0x0  }
0xa8: {  	s4 =	sshll.u32 s28, $0x1;
	[dreg:$0x2] =	wrdreg s2  }
0xa9: {  	[dreg:$0x3] =	wrdreg s4  }
0xaa: {  	[dreg:$0x4] =	wrdreg $0xC0  }
0xab: {  	_ =	task [dreg:s6], $0x5FFFF  }
0xac: {  	[dreg:$0x1] =	wrdreg $0xFFFFFFFF  }
0xad: {  	[dreg:$0x0] =	wrdreg $0x60  }
0xae: {  	[dreg:$0x2] =	wrdreg s24  }
0xaf: {  	[dreg:$0x3] =	wrdreg $0x66800  }
0xb0: {  	[dreg:$0x4] =	wrdreg $0x9  }
0xb1: {  	_ =	task.clear_ibuf [dreg:s6], $0x5FFFF;
	_ =	strace $0x90000049  }
0xb2: {  	s29 =	simm.s32 $0x9;
	_ =	strace $0x8000004B  }
0xb3: {  	_ =	swait.ge [sflag:s29], $0x1  }
0xb4: {  	[sflag:s29] =	ssyncadd.s32 $0xFFFFFFFF  }
0xb5: {  	_ =	strace $0x9000004B  }
0xb6: {  	_ =	sfence  }
0xb7: {  	s30 =	sld [smem:$0x0];
	_ =	sdelay $0x2  }
0xb8: {  	s31 =	sshll.u32 s1, $0xD;
	s1 =	sshrl.u32 s1, $0x2  }
0xb9: {  	s3 =	sand.u32 $0x4000, s31;
	s1 =	sadd.s32 s1, s30  }
0xba: {  	s0 =	sor.u32 s3, s0;
	s1 =	sshll.u32 s1, $0x11  }
0xbb: {  	s0 =	sor.u32 s1, s0  }
0xbc: {  	s0 =	sadd.s32 $0x8F2B, s0  }
0xbd: {  	[sflag:s0] =	ssyncadd.remote.s32 $0x1  }
0xbe: {  	_ =	sfence.sel $0xFFFF  }
0xbf: {  	[dreg:$0x0] =	wrdreg $0xFFFFFFFF;
	(pc) =	sbr.abs _section_cstart, $3  }
0xc0: {  	[dreg:$0x1] =	wrdreg $0xFFFFFFFF  }
0xc1: {  	_ =	task.clear_ibuf [dreg:s6], $0x2FFFF;
	_ =	strace $0x9FFFFFFF  }
0xc2: {  	(tm) =	ssettm $0x7FFFFFFF  }
0xc3: {  	_ =	shalt  }
tec
execute0_lowered:
.L_overlay_start_1:
0x0: {  	(tag) =	ssettag $0x1  }
0x1: {  	s0 =	rddreg [dreg:$0x0]  }
0x2: {  	s2 =	rddreg [dreg:$0x1];
	s11 =	stileid.u32  }
0x3: {  	s4 =	srdreg.scid;
	s1 =	smul.u32 $0x4E200, s11  }
0x4: {  	s3 =	simm.s32 $0x0;
	s15 =	simm.s32 $0x3;
	s5 =	smul.u32 $0x13C00, s11  }
0x5: {  	s16 =	simm.s32 $0x280;
	s28 =	simm.s32 $0x2;
	s8 =	smul.u32 $0x4F000, s11  }
0x6: {  	s29 =	simm.s32 $0x0;
	s4 =	sand.u32 $0x1, s4;
	s10 =	smul.u32 $0x4E20, s11  }
0x7: {  	[smem:$0x7FF] =	sst s3;
	s9 =	sadd.s32 $0x12600, s0;
	s6 =	smul.u32 $0x13C000, s4  }
0x8: {  	s22 =	sshll.u32 s11, $0x6;
	_ =	strace $0x8000004A;
	s20 =	smul.u32 $0x2710, s4  }
0x9: {  	s17 =	ssub.s32 $0x2, s4;
	s4 =	smul.u32 $0x27100, s4;
	s1 =	sadd.s32 s1, s0  }
0xa: {  	s7 =	sshrl.u32 s5, $0x3;
	s18 =	sshrl.u32 s17, $0x1;
	s19 =	sshrl.u32 s8, $0x2  }
0xb: {  	s7 =	sadd.s32 s7, s0;
	s5 =	sadd.s32 s5, s6;
	s6 =	ssub.s32 s17, s18  }
0xc: {  	s14 =	sadd.s32 s19, s2;
	s10 =	sadd.s32 s20, s10;
	s1 =	sadd.s32 s4, s1  }
0xd: {  	s17 =	simm.s32 $0x80;
	s18 =	simm.s32 $0x1680;
	s19 =	simm.s32 $0x100  }
0xe: {  	s20 =	simm.s32 $0x2A80;
	s5 =	sshrl.u32 s5, $0x3;
	s21 =	sadd.s32 $0x43600, s7  }
0xf: {  	s23 =	smax.u32 s6, $0x1;
	s24 =	sadd.s32 $0xA0, s10;
	s25 =	sshrl.u32 s10, $0x3  }
0x10: {  	s8 =	sadd.s32 $0xEEDA00, s1;
	s30 =	sadd.s32 $0x78, s10;
	s31 =	sadd.s32 $0x50, s10  }
0x11: {  	s10 =	sadd.s32 $0x28, s10;
	s14 =	sshrl.u32 s14, $0x3;
	[dreg:$0x3] =	wrdreg s21  }
0x12: {  	s0 =	sadd.s32 s5, s0;
	s5 =	sor.u32 $0x1C03, s22;
	[dreg:$0x5] =	wrdreg s23  }
0x13: {  	s26 =	sadd.s32 s25, s9;
	s1 =	sshrl.u32 s31, $0x3;
	s10 =	sshrl.u32 s10, $0x3  }
0x14: {  	s21 =	simm.s32 $0x180;
	s22 =	simm.s32 $0x3E80;
	s23 =	simm.s32 $0x200  }
0x15: {  	s25 =	simm.s32 $0x1;
	s0 =	sadd.s32 $0x6AE00, s0;
	[dreg:$0x6] =	wrdreg s26  }
0x16: {  	s12 =	sadd.s32 s1, s9;
	[dreg:$0x4] =	wrdreg s0;
	s0 =	sshrl.u32 s24, $0x3  }
0x17: {  	s13 =	sadd.s32 s10, s9;
	s6 =	sadd.s32 s0, s9;
	s0 =	sshrl.u32 s30, $0x3  }
0x18: {  	s26 =	simm.s32 $0x28;
	s24 =	simm.s32 $0x5280;
	s11 =	sadd.s32 s0, s9  }
.LBB2_1:
0x19: {  	s0 =	rddreg [dreg:$0x3]  }
0x1a: {  	[spmem:s14], [sflag:s5] =	dma.local [hbm:s0], $0x2780  }
0x1b: {  	_ =	swait.ge [sflag:s15], $0x2780  }
0x1c: {  	[sflag:s15] =	ssyncset.done $0x0  }
0x1d: {  	[sflag:s15] =	ssyncadd.s32 $0xFFFFD880  }
0x1e: {  	[bflag:$0x0] =	sbarrier.arrive $0xFFFF  }
0x1f: {  	s9 =	rddreg [dreg:$0x6]  }
0x20: {  	[tilespmem:s3], [sflag:$0x1] =	stream.linear.gather [hbm4b:s9+s3], $0x28, $0x38;
	[tilespmem:$0x1A280] =	vst v63  }
0x21: {  	s4 =	smov.u32 s5;
	s5 =	sadd.s32 $0x0, s8  }
0x22: {  	[tilespmem:s16], [sflag:$0x1] =	stream.linear.gather [hbm4b:s5+s3], $0x1400, $0x38;
	[tilespmem:$0x1A280] =	vst v63  }
0x23: {  	_ = 	snop  }
0x24: {  	[tilespmem:s17], [sflag:$0x1] =	stream.linear.gather [hbm4b:s13+s3], $0x28, $0x38;
	[tilespmem:$0x1A280] =	vst v63  }
0x25: {  	s1 =	sadd.s32 $0x280, s5  }
0x26: {  	[tilespmem:s18], [sflag:$0x1] =	stream.linear.gather [hbm4b:s1+s3], $0x1400, $0x38;
	[tilespmem:$0x1A280] =	vst v63  }
0x27: {  	_ = 	snop  }
0x28: {  	[tilespmem:s19], [sflag:$0x1] =	stream.linear.gather [hbm4b:s12+s3], $0x28, $0x38;
	[tilespmem:$0x1A280] =	vst v63  }
0x29: {  	s7 =	sadd.s32 $0x500, s5  }
0x2a: {  	[tilespmem:s20], [sflag:$0x1] =	stream.linear.gather [hbm4b:s7+s3], $0x1400, $0x38;
	[tilespmem:$0x1A280] =	vst v63  }
0x2b: {  	_ = 	snop  }
0x2c: {  	[tilespmem:s21], [sflag:$0x1] =	stream.linear.gather [hbm4b:s11+s3], $0x28, $0x38;
	[tilespmem:$0x1A280] =	vst v63  }
0x2d: {  	s10 =	sadd.s32 $0x780, s5  }
0x2e: {  	[tilespmem:s22], [sflag:$0x1] =	stream.linear.gather [hbm4b:s10+s3], $0x1400, $0x38;
	[tilespmem:$0x1A280] =	vst v63  }
0x2f: {  	_ = 	snop  }
0x30: {  	[tilespmem:s23], [sflag:$0x1] =	stream.linear.gather [hbm4b:s6+s3], $0x28, $0x38;
	[tilespmem:$0x1A280] =	vst v63  }
0x31: {  	s0 =	sadd.s32 $0xA00, s5  }
0x32: {  	[tilespmem:s24], [sflag:$0x1] =	stream.linear.gather [hbm4b:s0+s3], $0x1400, $0x38;
	[tilespmem:$0x1A280] =	vst v63  }
0x33: {  	_ =	swait.ge [sflag:s25], $0x28  }
0x34: {  	[sflag:s25] =	ssyncset.done $0x0  }
0x35: {  	[sflag:s25] =	ssyncadd.s32 $0xFFFFFFD8  }
0x36: {  	_ =	swait.ge [sflag:s25], $0x1400  }
0x37: {  	[sflag:s25] =	ssyncset.done $0x0  }
0x38: {  	[sflag:s25] =	ssyncadd.s32 $0xFFFFEC00  }
0x39: {  	[spmem:s2] =	stream.indirect.scatter.add.f32 [tilespmem:s16], [sflag:$0x2], $0x80, s3, s26, $0xb8;
	[tilespmem:$0x1A280] =	vst v63  }
0x3a: {  	_ =	swait.ge [sflag:s25], $0x28  }
0x3b: {  	[sflag:s25] =	ssyncset.done $0x0  }
0x3c: {  	[sflag:s25] =	ssyncadd.s32 $0xFFFFFFD8  }
0x3d: {  	_ =	swait.ge [sflag:s25], $0x1400  }
0x3e: {  	[sflag:s25] =	ssyncset.done $0x0  }
0x3f: {  	[sflag:s25] =	ssyncadd.s32 $0xFFFFEC00  }
0x40: {  	[spmem:s2] =	stream.indirect.scatter.add.f32 [tilespmem:s18], [sflag:$0x2], $0x80, s17, s26, $0xb8;
	[tilespmem:$0x1A280] =	vst v63  }
0x41: {  	_ =	swait.ge [sflag:s25], $0x28  }
0x42: {  	[sflag:s25] =	ssyncset.done $0x0  }
0x43: {  	[sflag:s25] =	ssyncadd.s32 $0xFFFFFFD8  }
0x44: {  	_ =	swait.ge [sflag:s25], $0x1400  }
0x45: {  	[sflag:s25] =	ssyncset.done $0x0  }
0x46: {  	[sflag:s25] =	ssyncadd.s32 $0xFFFFEC00  }
0x47: {  	[spmem:s2] =	stream.indirect.scatter.add.f32 [tilespmem:s20], [sflag:$0x2], $0x80, s19, s26, $0xb8;
	[tilespmem:$0x1A280] =	vst v63  }
0x48: {  	_ =	swait.ge [sflag:s25], $0x28  }
0x49: {  	[sflag:s25] =	ssyncset.done $0x0  }
0x4a: {  	[sflag:s25] =	ssyncadd.s32 $0xFFFFFFD8  }
0x4b: {  	_ =	swait.ge [sflag:s25], $0x1400  }
0x4c: {  	[sflag:s25] =	ssyncset.done $0x0  }
0x4d: {  	[sflag:s25] =	ssyncadd.s32 $0xFFFFEC00  }
0x4e: {  	[spmem:s2] =	stream.indirect.scatter.add.f32 [tilespmem:s22], [sflag:$0x2], $0x80, s21, s26, $0xb8;
	[tilespmem:$0x1A280] =	vst v63  }
0x4f: {  	_ =	swait.ge [sflag:s25], $0x28  }
0x50: {  	[sflag:s25] =	ssyncset.done $0x0  }
0x51: {  	[sflag:s25] =	ssyncadd.s32 $0xFFFFFFD8  }
0x52: {  	_ =	swait.ge [sflag:s25], $0x1400  }
0x53: {  	[sflag:s25] =	ssyncset.done $0x0  }
0x54: {  	[sflag:s25] =	ssyncadd.s32 $0xFFFFEC00  }
0x55: {  	[spmem:s2] =	stream.indirect.scatter.add.f32 [tilespmem:s24], [sflag:$0x2], $0x80, s23, s26, $0xb8;
	[tilespmem:$0x1A280] =	vst v63  }
0x56: {  	_ =	swait.ge [sflag:s28], $0x1400  }
0x57: {  	[sflag:s28] =	ssyncset.done $0x0  }
0x58: {  	[sflag:s28] =	ssyncadd.s32 $0xFFFFEC00  }
0x59: {  	_ =	swait.ge [sflag:s28], $0x1400  }
0x5a: {  	[sflag:s28] =	ssyncset.done $0x0  }
0x5b: {  	[sflag:s28] =	ssyncadd.s32 $0xFFFFEC00  }
0x5c: {  	_ =	swait.ge [sflag:s28], $0x1400  }
0x5d: {  	[sflag:s28] =	ssyncset.done $0x0  }
0x5e: {  	[sflag:s28] =	ssyncadd.s32 $0xFFFFEC00  }
0x5f: {  	_ =	swait.ge [sflag:s28], $0x1400  }
0x60: {  	[sflag:s28] =	ssyncset.done $0x0  }
0x61: {  	s30 =	simm.s32 $0xC80;
	[sflag:s28] =	ssyncadd.s32 $0xFFFFEC00  }
0x62: {  	s31 =	sadd.s32 $0x19, s13;
	s1 =	sadd.s32 $0x19, s12;
	_ =	swait.ge [sflag:s28], $0x1400  }
0x63: {  	s10 =	smov.u32 s6;
	s0 =	sadd.s32 $0x19, s11;
	[sflag:s28] =	ssyncset.done $0x0  }
.LBB2_2:
0x64: {  	[sflag:s28] =	ssyncadd.s32 $0xFFFFEC00;
	s9 =	sadd.s32 $0x19, s9;
	s10 =	sadd.s32 $0x19, s10  }
0x65: {  	[tilespmem:s3], [sflag:$0x1] =	stream.linear.gather [hbm4b:s9+s3], $0x28, $0x38;
	[tilespmem:$0x1A280] =	vst v63  }
0x66: {  	s7 =	sadd.s32 s30, s8;
	p0 =	sne.s32 s30, $0x26480;
	s30 =	sadd.s32 $0xC80, s30  }
0x67: {  	[tilespmem:s16], [sflag:$0x1] =	stream.linear.gather [hbm4b:s7+s3], $0x1400, $0x38;
	[tilespmem:$0x1A280] =	vst v63  }
0x68: {  	_ = 	snop  }
0x69: {  	[tilespmem:s17], [sflag:$0x1] =	stream.linear.gather [hbm4b:s31+s3], $0x28, $0x38;
	[tilespmem:$0x1A280] =	vst v63  }
0x6a: {  	s5 =	sadd.s32 $0x280, s7  }
0x6b: {  	[tilespmem:s18], [sflag:$0x1] =	stream.linear.gather [hbm4b:s5+s3], $0x1400, $0x38;
	[tilespmem:$0x1A280] =	vst v63  }
0x6c: {  	_ = 	snop  }
0x6d: {  	[tilespmem:s19], [sflag:$0x1] =	stream.linear.gather [hbm4b:s1+s3], $0x28, $0x38;
	[tilespmem:$0x1A280] =	vst v63  }
0x6e: {  	s5 =	sadd.s32 $0x500, s7  }
0x6f: {  	[tilespmem:s20], [sflag:$0x1] =	stream.linear.gather [hbm4b:s5+s3], $0x1400, $0x38;
	[tilespmem:$0x1A280] =	vst v63  }
0x70: {  	_ = 	snop  }
0x71: {  	[tilespmem:s21], [sflag:$0x1] =	stream.linear.gather [hbm4b:s0+s3], $0x28, $0x38;
	[tilespmem:$0x1A280] =	vst v63  }
0x72: {  	s5 =	sadd.s32 $0x780, s7  }
0x73: {  	[tilespmem:s22], [sflag:$0x1] =	stream.linear.gather [hbm4b:s5+s3], $0x1400, $0x38;
	[tilespmem:$0x1A280] =	vst v63  }
0x74: {  	_ = 	snop  }
0x75: {  	[tilespmem:s23], [sflag:$0x1] =	stream.linear.gather [hbm4b:s10+s3], $0x28, $0x38;
	[tilespmem:$0x1A280] =	vst v63  }
0x76: {  	s5 =	sadd.s32 $0xA00, s7  }
0x77: {  	[tilespmem:s24], [sflag:$0x1] =	stream.linear.gather [hbm4b:s5+s3], $0x1400, $0x38;
	[tilespmem:$0x1A280] =	vst v63  }
0x78: {  	_ =	swait.ge [sflag:s25], $0x28  }
0x79: {  	[sflag:s25] =	ssyncset.done $0x0  }
0x7a: {  	[sflag:s25] =	ssyncadd.s32 $0xFFFFFFD8  }
0x7b: {  	_ =	swait.ge [sflag:s25], $0x1400  }
0x7c: {  	[sflag:s25] =	ssyncset.done $0x0  }
0x7d: {  	[sflag:s25] =	ssyncadd.s32 $0xFFFFEC00  }
0x7e: {  	[spmem:s2] =	stream.indirect.scatter.add.f32 [tilespmem:s16], [sflag:$0x2], $0x80, s3, s26, $0xb8;
	[tilespmem:$0x1A280] =	vst v63  }
0x7f: {  	_ =	swait.ge [sflag:s25], $0x28  }
0x80: {  	[sflag:s25] =	ssyncset.done $0x0  }
0x81: {  	[sflag:s25] =	ssyncadd.s32 $0xFFFFFFD8  }
0x82: {  	_ =	swait.ge [sflag:s25], $0x1400  }
0x83: {  	[sflag:s25] =	ssyncset.done $0x0  }
0x84: {  	[sflag:s25] =	ssyncadd.s32 $0xFFFFEC00  }
0x85: {  	[spmem:s2] =	stream.indirect.scatter.add.f32 [tilespmem:s18], [sflag:$0x2], $0x80, s17, s26, $0xb8;
	[tilespmem:$0x1A280] =	vst v63  }
0x86: {  	_ =	swait.ge [sflag:s25], $0x28  }
0x87: {  	[sflag:s25] =	ssyncset.done $0x0  }
0x88: {  	[sflag:s25] =	ssyncadd.s32 $0xFFFFFFD8  }
0x89: {  	_ =	swait.ge [sflag:s25], $0x1400  }
0x8a: {  	[sflag:s25] =	ssyncset.done $0x0  }
0x8b: {  	[sflag:s25] =	ssyncadd.s32 $0xFFFFEC00  }
0x8c: {  	[spmem:s2] =	stream.indirect.scatter.add.f32 [tilespmem:s20], [sflag:$0x2], $0x80, s19, s26, $0xb8;
	[tilespmem:$0x1A280] =	vst v63  }
0x8d: {  	_ =	swait.ge [sflag:s25], $0x28  }
0x8e: {  	[sflag:s25] =	ssyncset.done $0x0  }
0x8f: {  	[sflag:s25] =	ssyncadd.s32 $0xFFFFFFD8  }
0x90: {  	_ =	swait.ge [sflag:s25], $0x1400  }
0x91: {  	[sflag:s25] =	ssyncset.done $0x0  }
0x92: {  	[sflag:s25] =	ssyncadd.s32 $0xFFFFEC00  }
0x93: {  	[spmem:s2] =	stream.indirect.scatter.add.f32 [tilespmem:s22], [sflag:$0x2], $0x80, s21, s26, $0xb8;
	[tilespmem:$0x1A280] =	vst v63  }
0x94: {  	_ =	swait.ge [sflag:s25], $0x28  }
0x95: {  	[sflag:s25] =	ssyncset.done $0x0  }
0x96: {  	[sflag:s25] =	ssyncadd.s32 $0xFFFFFFD8  }
0x97: {  	_ =	swait.ge [sflag:s25], $0x1400  }
0x98: {  	[sflag:s25] =	ssyncset.done $0x0  }
0x99: {  	[sflag:s25] =	ssyncadd.s32 $0xFFFFEC00  }
0x9a: {  	[spmem:s2] =	stream.indirect.scatter.add.f32 [tilespmem:s24], [sflag:$0x2], $0x80, s23, s26, $0xb8;
	[tilespmem:$0x1A280] =	vst v63  }
0x9b: {  	_ =	swait.ge [sflag:s28], $0x1400  }
0x9c: {  	[sflag:s28] =	ssyncset.done $0x0  }
0x9d: {  	[sflag:s28] =	ssyncadd.s32 $0xFFFFEC00  }
0x9e: {  	_ =	swait.ge [sflag:s28], $0x1400  }
0x9f: {  	[sflag:s28] =	ssyncset.done $0x0  }
0xa0: {  	[sflag:s28] =	ssyncadd.s32 $0xFFFFEC00  }
0xa1: {  	_ =	swait.ge [sflag:s28], $0x1400  }
0xa2: {  	[sflag:s28] =	ssyncset.done $0x0  }
0xa3: {  	[sflag:s28] =	ssyncadd.s32 $0xFFFFEC00  }
.Ltmp0:
0xa4: {  	_ =	swait.ge [sflag:s28], $0x1400;
	(pc) =	sbr.rel @p0 .LBB2_2-.Ltmp0, $4  }
0xa5: {  	[sflag:s28] =	ssyncset.done $0x0  }
0xa6: {  	[sflag:s28] =	ssyncadd.s32 $0xFFFFEC00  }
0xa7: {  	s31 =	sadd.s32 $0x19, s31;
	_ =	swait.ge [sflag:s28], $0x1400  }
0xa8: {  	s1 =	sadd.s32 $0x19, s1;
	s0 =	sadd.s32 $0x19, s0;
	[sflag:s28] =	ssyncset.done $0x0  }
0xa9: {  	[sflag:s28] =	ssyncadd.s32 $0xFFFFEC00  }
0xaa: {  	[bflag:$0x0] =	sbarrier.arrive $0xFFFF  }
0xab: {  	s0 =	rddreg [dreg:$0x4]  }
0xac: {  	[hbm:s0], [sflag:s4] =	dma.local [spmem:s14], $0x2780  }
0xad: {  	_ =	swait.ge [sflag:s15], $0x2780  }
0xae: {  	s29 =	sadd.s32 $0x1, s29;
	s31 =	rddreg [dreg:$0x5]  }
0xaf: {  	p0 =	sne.s32 s29, s31  }
.Ltmp1:
0xb0: {  	_ = 	snop;
	(pc) =	sbr.rel @p0 .LBB2_1-.Ltmp1, $3  }
0xb1: {  	_ =	sdelay $0x1  }
0xb2: {  	[sflag:s15] =	ssyncset.done $0x0  }
0xb3: {  	s5 =	smov.u32 s4;
	[sflag:s15] =	ssyncadd.s32 $0xFFFFD880  }
0xb4: {  	_ =	sfence.sel $0x180000  }
0xb5: {  	[bflag:$0x0] =	sbarrier.arrive $0xFFFF  }
0xb6: {  	_ =	strace $0x9000004A  }
0xb7: {  	s0 =	stileid.u32;
	[bflag:$0x2] =	sbarrier.arrive $0xFFFF  }
0xb8: {  	p0 =	sne.s32 s0, $0x0;
	s0 =	rddreg [dreg:$0x2]  }
0xb9: {  	s0 =	sadd.s32 @!p0 $0x100000, s0  }
0xba: {  	[sflag:s0] =	ssyncadd.tile.s32 @!p0 $0x1;
	_ =	shalt  }
.Lfunc_end2:
_tile_overlayer_lowered:
.L_overlay_start_2:
0xbb: {  	(tag) =	ssettag $0x2  }
0xbc: {  	s0 =	rddreg [dreg:$0x0];
	s2 =	stileid.u32  }
0xbd: {  	s1 =	rddreg [dreg:$0x1];
	p0 =	sne.s32 s2, $0x0  }
0xbe: {  	s3 =	rddreg [dreg:$0x2];
	[bflag:$0x3] =	sbarrier.arrive $0xFFFF;
	s2 =	simm.s32 @!p0 $0x1C03  }
0xbf: {  	[timem:s3], [sflag:s2] =	dma.local @!p0 [hbm:s0], s1  }
0xc0: {  	s0 =	simm.s32 @!p0 $0x3  }
0xc1: {  	_ =	swait.ge @!p0 [sflag:s0], s1  }
0xc2: {  	s1 =	ssub.s32 @!p0 $0x0, s1;
	[sflag:s0] =	ssyncset.done @!p0 $0x0  }
0xc3: {  	[sflag:s0] =	ssyncadd.s32 @!p0 s1  }
0xc4: {  	[bflag:$0x3] =	sbarrier.arrive $0xFFFF  }
0xc5: {  	_ =	shalt  }

// kernel: kernel.18.cloned.1.call-start
scs
__scs_entry_jumppad:
0x0: {  	(pc) =	sbr.rel $0x88, $3  }
0x1: {  	(tag) =	ssettag $0x0;
	lr =	simm.s32 $0x1  }
0x2: {  	[smem:$0x3F8F] =	sst lr;
	_ =	strace $0xD0000000  }
0x3: {  	_ = 	snop  }
0x4: {  	_ = 	snop  }
0x5: {  	_ = 	snop  }
0x6: {  	_ = 	snop  }
0x7: {  	_ = 	snop  }
__scs_overlays_trampoline_lowered:
0x8: {  	[smem:$0x3F9E] =	sst s0  }
0x9: {  	[smem:$0x3F9F] =	sst s1  }
0xa: {  	[smem:$0x3FA0] =	sst s2  }
0xb: {  	[smem:$0x3FA1] =	sst s3  }
0xc: {  	[smem:$0x3FA2] =	sst s4  }
0xd: {  	[smem:$0x3FA3] =	sst s5  }
0xe: {  	[smem:$0x3FA4] =	sst s6  }
0xf: {  	[smem:$0x3FA5] =	sst s7  }
0x10: {  	[smem:$0x3FA6] =	sst s8  }
0x11: {  	[smem:$0x3FA7] =	sst s9;
	s0 =	simm.s32 @!p0 $0x0  }
0x12: {  	s1 =	sld [smem:$0x3F8D];
	s0 =	simm.s32 @p0 $0x1  }
0x13: {  	[smem:$0x3FA8] =	sst s0;
	s0 =	simm.s32 @!p1 $0x0  }
0x14: {  	s2 =	sld [smem:$0x3F8C];
	s0 =	simm.s32 @p1 $0x1  }
0x15: {  	[smem:$0x3FA9] =	sst s0;
	s0 =	simm.s32 @!p2 $0x0  }
0x16: {  	s3 =	sld [smem:$0x3FDB];
	s0 =	simm.s32 @p2 $0x1  }
0x17: {  	s4 =	simm.s32 $0x1BF5;
	[smem:$0x3FAB] =	sst s0  }
0x18: {  	s0 =	sld [smem:$0x3F8E];
	_ =	swait.ge [sflag:s4], $0x0  }
0x19: {  	s7 =	sld [smem:$0x3F8F]  }
0x1a: {  	s8 =	sadd.s32 $0xFFFFE003, lr  }
0x1b: {  	s9 =	sadd.s32 $0xFFFFFEF7, lr;
	s5 =	simm.s32 $0xFFFFFFFF;
	p2 =	slt.u32 s8, $0xFFFFF086  }
0x1c: {  	p1 =	slt.u32 s9, $0xF7A;
	s5 =	simm.s32 @!p2 $0x0  }
0x1d: {  	s5 =	simm.s32 @p1 $0x1;
	p0 =	seq.s32 s7, s2  }
0x1e: {  	s7 =	smul.u32 @!p0 $0xF7A, s2;
	p2 =	seq.s32 @!p0 s5, $0x0  }
0x1f: {  	s9 =	smul.u32 $0xF7A, s1;
	s8 =	simm.s32 @!p0 $0x1BF5;
	p2 =	por !p2, p0  }
0x20: {  	[sflag:s8] =	ssyncset.s32 @!p0 $0xFFFFF086;
	s6 =	sadd.s32 @!p0 s3, s7;
	s7 =	simm.s32 @!p0 $0x108  }
0x21: {  	s3 =	sadd.s32 s3, s9;
	s6 =	sadd.s32 @!p0 $0x88, s6;
	s7 =	simm.s32 @p2 $0x1082  }
0x22: {  	[simem:s7], [sflag:s8] =	dma.local @!p0 [hbm:s6], $0xF7A  }
0x23: {  	s9 =	sor.u32 $0xD0000000, s2;
	s6 =	simm.s32 $0x108;
	_ =	swait.ge @!p0 [sflag:s8], $0x0  }
0x24: {  	s3 =	sadd.s32 $0x88, s3;
	s6 =	simm.s32 @!p1 $0x1082;
	[sflag:s4] =	ssyncset.s32 $0xFFFFF086  }
0x25: {  	[simem:s6], [sflag:s4] =	dma.local [hbm:s3], $0xF7A  }
0x26: {  	[smem:$0x3F8F] =	sst s1;
	(tag) =	ssettag s2;
	_ =	strace s9  }
0x27: {  	s1 =	sld [smem:$0x3F9F]  }
0x28: {  	s2 =	sld [smem:$0x3FA0]  }
0x29: {  	s4 =	sld [smem:$0x3FA2]  }
0x2a: {  	p0 =	seq.s32 s5, $0x0;
	s5 =	sld [smem:$0x3FA3]  }
0x2b: {  	s6 =	sld [smem:$0x3FA4]  }
0x2c: {  	s7 =	sld [smem:$0x3FA5]  }
0x2d: {  	s3 =	simm.s32 $0x108;
	s8 =	sld [smem:$0x3FA6]  }
0x2e: {  	s3 =	simm.s32 @!p0 $0x1082;
	s9 =	sld [smem:$0x3FA7]  }
0x2f: {  	lr =	sadd.s32 s0, s3;
	s0 =	sld [smem:$0x3F9E]  }
0x30: {  	s3 =	sld [smem:$0x3FA1]  }
0x31: {  	[smem:$0x3FAA] =	sst s10  }
0x32: {  	s10 =	sld [smem:$0x3FA8];
	_ =	sdelay $0x3  }
0x33: {  	p0 =	seq.s32 s10, $0x1;
	s10 =	sld [smem:$0x3FAA];
	_ =	sdelay $0x3  }
0x34: {  	[smem:$0x3FAA] =	sst s10  }
0x35: {  	s10 =	sld [smem:$0x3FA9];
	_ =	sdelay $0x3  }
0x36: {  	p1 =	seq.s32 s10, $0x1;
	s10 =	sld [smem:$0x3FAA];
	_ =	sdelay $0x3  }
0x37: {  	[smem:$0x3FAA] =	sst s10  }
0x38: {  	s10 =	sld [smem:$0x3FAB]  }
0x39: {  	_ = 	snop;
	(pc) =	sbr.ind lr, $3  }
0x3a: {  	_ = 	snop  }
0x3b: {  	_ = 	snop  }
0x3c: {  	p2 =	seq.s32 s10, $0x1;
	s10 =	sld [smem:$0x3FAA]  }
0x3d: {  	_ =	shalt  }
0x3e: {  	_ =	shalt  }
0x3f: {  	_ =	shalt  }
0x40: {  	_ =	shalt  }
0x41: {  	_ =	shalt  }
0x42: {  	_ =	shalt  }
0x43: {  	_ =	shalt  }
0x44: {  	_ =	shalt  }
0x45: {  	_ =	shalt  }
0x46: {  	_ =	shalt  }
0x47: {  	_ =	shalt  }
0x48: {  	_ =	shalt  }
0x49: {  	_ =	shalt  }
0x4a: {  	_ =	shalt  }
0x4b: {  	_ =	shalt  }
0x4c: {  	_ =	shalt  }
0x4d: {  	_ =	shalt  }
0x4e: {  	_ =	shalt  }
0x4f: {  	_ =	shalt  }
0x50: {  	_ =	shalt  }
0x51: {  	_ =	shalt  }
0x52: {  	_ =	shalt  }
0x53: {  	_ =	shalt  }
0x54: {  	_ =	shalt  }
0x55: {  	_ =	shalt  }
0x56: {  	_ =	shalt  }
0x57: {  	_ =	shalt  }
0x58: {  	_ =	shalt  }
0x59: {  	_ =	shalt  }
0x5a: {  	_ =	shalt  }
0x5b: {  	_ =	shalt  }
0x5c: {  	_ =	shalt  }
0x5d: {  	_ =	shalt  }
0x5e: {  	_ =	shalt  }
0x5f: {  	_ =	shalt  }
0x60: {  	_ =	shalt  }
0x61: {  	_ =	shalt  }
0x62: {  	_ =	shalt  }
0x63: {  	_ =	shalt  }
0x64: {  	_ =	shalt  }
0x65: {  	_ =	shalt  }
0x66: {  	_ =	shalt  }
0x67: {  	_ =	shalt  }
0x68: {  	_ =	shalt  }
0x69: {  	_ =	shalt  }
0x6a: {  	_ =	shalt  }
0x6b: {  	_ =	shalt  }
0x6c: {  	_ =	shalt  }
0x6d: {  	_ =	shalt  }
0x6e: {  	_ =	shalt  }
0x6f: {  	_ =	shalt  }
0x70: {  	_ =	shalt  }
0x71: {  	_ =	shalt  }
0x72: {  	_ =	shalt  }
0x73: {  	_ =	shalt  }
0x74: {  	_ =	shalt  }
0x75: {  	_ =	shalt  }
0x76: {  	_ =	shalt  }
0x77: {  	_ =	shalt  }
0x78: {  	_ =	shalt  }
0x79: {  	_ =	shalt  }
0x7a: {  	_ =	shalt  }
0x7b: {  	_ =	shalt  }
0x7c: {  	_ =	shalt  }
0x7d: {  	_ =	shalt  }
0x7e: {  	_ =	shalt  }
0x7f: {  	_ =	shalt  }
0x80: {  	_ =	shalt  }
0x81: {  	_ =	shalt  }
0x82: {  	_ =	shalt  }
0x83: {  	_ =	shalt  }
0x84: {  	_ =	shalt  }
0x85: {  	_ =	shalt  }
0x86: {  	_ =	shalt  }
0x87: {  	_ =	shalt  }
.Lfunc_end0:
.L_simem_size_0:
called_computation.2_lowered:
.L_overlay_start_0:
0x88: {  	s2 =	sld [smem:$0x3FD9]  }
0x89: {  	s3 =	sld [smem:$0x3FFE];
	_ =	sdelay $0x1  }
0x8a: {  	s1 =	srdreg.scid  }
0x8b: {  	s0 =	sand.u32 $0x1, s1  }
0x8c: {  	s17 =	sshll.u32 s0, $0xA;
	s2 =	sadd.s32 s3, s2  }
0x8d: {  	s2 =	sadd.s32 s2, s17  }
0x8e: {  	[smem:$0x3FB6] =	sst s2  }
0x8f: {  	_ = 	snop  }
0x90: {  	s2 =	sld [smem:$0x3FD0];
	(tm) =	ssettm $0x1  }
0x91: {  	s18 =	sld [smem:$0x3FFB];
	_ =	sdelay $0x3  }
0x92: {  	_ =	strace s18  }
0x93: {  	s3 =	sld [smem:$0x3FFC];
	_ =	sdelay $0x3  }
0x94: {  	_ =	strace s3  }
0x95: {  	s3 =	sld [smem:$0x3FFD];
	_ =	sdelay $0x3  }
0x96: {  	_ =	strace s3  }
0x97: {  	_ =	strace $0x8FFFFFFF  }
0x98: {  	s19 =	sld [smem:$0x3FDB];
	_ =	sdelay $0x1  }
0x99: {  	s4 =	simm.s32 $_scs_section_size  }
0x9a: {  	s5 =	simm.s32 $_size__tile_overlayer_lowered;
	s6 =	simm.s32 $_tile_overlayer_lowered  }
0x9b: {  	s22 =	simm.s32 $0x1BFF;
	s21 =	sshll.u32 s6, $0x1;
	s3 =	sadd.s32 s4, s19  }
0x9c: {  	s7 =	simm.s32 $0x0;
	s20 =	sshll.u32 s5, $0x1;
	s5 =	sadd.s32 s21, s3  }
0x9d: {  	[timem:s7], [sflag:s22] =	dma.local [hbm:s5], s20  }
0x9e: {  	_ =	swait.ge [sflag:s22], s20  }
0x9f: {  	s4 =	ssub.s32 $0x0, s20;
	[sflag:s22] =	ssyncset.done $0x0  }
0xa0: {  	[sflag:s22] =	ssyncadd.s32 s4;
	_ =	sdelay $0x1  }
0xa1: {  	s23 =	simm.s32 $0x1B8B  }
0xa2: {  	_ =	swait.ge [sflag:s23], $0x1  }
0xa3: {  	[sflag:s23] =	ssyncset.done $0x0  }
0xa4: {  	s25 =	simm.s32 $0x1B8E;
	s24 =	sld [smem:$0x3FFE];
	[sflag:s23] =	ssyncadd.s32 $0xFFFFFFFF  }
0xa5: {  	s26 =	simm.s32 $execute0_lowered;
	[smem:$0x3FD2] =	sst s25  }
0xa6: {  	s5 =	sshll.u32 s26, $0x1;
	_ =	strace $0x8000004C;
	[dreg:$0x1] =	wrdreg $0xFFFFFFFF  }
0xa7: {  	s28 =	simm.s32 $_size_execute0_lowered;
	s3 =	sadd.s32 s3, s5;
	[dreg:$0x0] =	wrdreg $0x0  }
0xa8: {  	s5 =	sshll.u32 s28, $0x1;
	[dreg:$0x2] =	wrdreg s3  }
0xa9: {  	[dreg:$0x3] =	wrdreg s5  }
0xaa: {  	[dreg:$0x4] =	wrdreg $0xC0  }
0xab: {  	_ =	task [dreg:s7], $0x5FFFF  }
0xac: {  	[dreg:$0x1] =	wrdreg $0xFFFFFFFF  }
0xad: {  	[dreg:$0x0] =	wrdreg $0x60  }
0xae: {  	[dreg:$0x2] =	wrdreg s2  }
0xaf: {  	[dreg:$0x3] =	wrdreg s24  }
0xb0: {  	[dreg:$0x4] =	wrdreg $0x9  }
0xb1: {  	_ =	task.clear_ibuf [dreg:s7], $0x5FFFF;
	_ =	strace $0x9000004C  }
0xb2: {  	s29 =	simm.s32 $0x9;
	_ =	strace $0x8000004E  }
0xb3: {  	_ =	swait.ge [sflag:s29], $0x1  }
0xb4: {  	[sflag:s29] =	ssyncadd.s32 $0xFFFFFFFF  }
0xb5: {  	_ =	strace $0x9000004E  }
0xb6: {  	_ =	sfence  }
0xb7: {  	s30 =	sld [smem:$0x0];
	_ =	sdelay $0x2  }
0xb8: {  	s31 =	sshll.u32 s1, $0xD;
	s1 =	sshrl.u32 s1, $0x2  }
0xb9: {  	s3 =	sand.u32 $0x4000, s31;
	s1 =	sadd.s32 s1, s30  }
0xba: {  	s0 =	sor.u32 s3, s0;
	s1 =	sshll.u32 s1, $0x11  }
0xbb: {  	s0 =	sor.u32 s1, s0  }
0xbc: {  	s0 =	sadd.s32 $0x8F2B, s0  }
0xbd: {  	[sflag:s0] =	ssyncadd.remote.s32 $0x1  }
0xbe: {  	_ =	sfence.sel $0xFFFF  }
0xbf: {  	[dreg:$0x0] =	wrdreg $0xFFFFFFFF;
	(pc) =	sbr.abs _section_cstart, $3  }
0xc0: {  	[dreg:$0x1] =	wrdreg $0xFFFFFFFF  }
0xc1: {  	_ =	task.clear_ibuf [dreg:s7], $0x2FFFF;
	_ =	strace $0x9FFFFFFF  }
0xc2: {  	(tm) =	ssettm $0x7FFFFFFF  }
0xc3: {  	_ =	shalt  }
tec
execute0_lowered:
.L_overlay_start_1:
0x0: {  	(tag) =	ssettag $0x1  }
0x1: {  	s2 =	rddreg [dreg:$0x0]  }
0x2: {  	s1 =	srdreg.scid;
	s4 =	rddreg [dreg:$0x1]  }
0x3: {  	s3 =	simm.s32 $0x0;
	s6 =	sand.u32 $0x1, s1;
	s1 =	rddreg [dreg:$0x2]  }
0x4: {  	s19 =	simm.s32 $0x6300;
	[smem:$0x7FF] =	sst s3  }
0x5: {  	s20 =	simm.s32 $0xC700;
	_ =	strace $0x8000004D;
	[dreg:$0x3] =	wrdreg s19  }
0x6: {  	s21 =	simm.s32 $0x7700;
	[dreg:$0x4] =	wrdreg s20  }
0x7: {  	s22 =	simm.s32 $0xDB00;
	[dreg:$0x5] =	wrdreg s21  }
0x8: {  	s23 =	simm.s32 $0x8B00;
	[dreg:$0x6] =	wrdreg s22  }
0x9: {  	s0 =	stileid.u32;
	s24 =	simm.s32 $0xEF00;
	[dreg:$0x7] =	wrdreg s23  }
0xa: {  	s25 =	simm.s32 $0x9F00;
	s26 =	simm.s32 $0x10300;
	[dreg:$0x8] =	wrdreg s24  }
0xb: {  	s29 =	simm.s32 $0x12B00;
	s30 =	simm.s32 $0x18F00;
	[dreg:$0x9] =	wrdreg s25  }
0xc: {  	s31 =	simm.s32 $0x13F00;
	s11 =	simm.s32 $0x1A300;
	[dreg:$0xa] =	wrdreg s26  }
0xd: {  	s12 =	simm.s32 $0x15300;
	s13 =	simm.s32 $0x1B700;
	[dreg:$0xb] =	wrdreg s29  }
0xe: {  	s14 =	simm.s32 $0x16700;
	s16 =	simm.s32 $0x1CB00;
	[dreg:$0xc] =	wrdreg s30  }
0xf: {  	s15 =	simm.s32 $0x17B00;
	s17 =	simm.s32 $0x2;
	[dreg:$0xd] =	wrdreg s31  }
0x10: {  	s18 =	sshll.u32 s0, $0x1;
	s7 =	smul.u32 $0x4E200, s0;
	[dreg:$0xe] =	wrdreg s11  }
0x11: {  	s5 =	sor.u32 s6, s18;
	s8 =	ssub.s32 $0x2, s6;
	[dreg:$0xf] =	wrdreg s12  }
0x12: {  	s10 =	smul.u32 $0x27100, s6;
	s11 =	simm.s32 $0x28;
	[dreg:$0x10] =	wrdreg s13  }
0x13: {  	s12 =	simm.s32 $0x4F00;
	s13 =	simm.s32 $0xB300;
	[dreg:$0x11] =	wrdreg s14  }
0x14: {  	s14 =	simm.s32 $0x11700;
	[dreg:$0x12] =	wrdreg s16;
	s16 =	simm.s32 $0x1  }
0x15: {  	s5 =	smul.u32 $0x2710, s5;
	s7 =	sadd.s32 s7, s4;
	s9 =	sshrl.u32 s8, $0x1  }
0x16: {  	s18 =	simm.s32 $0x0;
	s8 =	ssub.s32 s8, s9;
	s28 =	sadd.s32 s10, s7  }
0x17: {  	s9 =	simm.s32 $0x3;
	s10 =	simm.s32 $0x2780;
	s5 =	sshrl.u32 s5, $0x3  }
0x18: {  	s6 =	smax.u32 s8, $0x1;
	s7 =	sadd.s32 $0xC2200, s28;
	s5 =	sadd.s32 s5, s4  }
0x19: {  	s8 =	sadd.s32 $0xEEDA00, s28;
	s4 =	sadd.s32 $0x12600, s5;
	s5 =	sadd.s32 $0x8800, s5  }
.LBB2_1:
0x1a: {  	[tilespmem:s3], [sflag:$0x3] =	stream.linear.gather [hbm4b:s4+s3], $0x2710, $0x38;
	[tilespmem:$0x1DF00] =	vst v63  }
0x1b: {  	_ =	swait.ge [sflag:s9], $0x2710  }
0x1c: {  	[sflag:s9] =	ssyncset.done $0x0  }
0x1d: {  	[sflag:s9] =	ssyncadd.s32 $0xFFFFD8F0  }
0x1e: {  	[tilespmem:s10], [sflag:$0x3] =	stream.linear.gather [hbm4b:s5+s3], $0x2710, $0x38;
	[tilespmem:$0x1DF00] =	vst v63  }
0x1f: {  	_ =	swait.ge [sflag:s9], $0x2710  }
0x20: {  	[sflag:s9] =	ssyncset.done $0x0  }
0x21: {  	s19 =	simm.s32 $0x0;
	[sflag:s9] =	ssyncadd.s32 $0xFFFFD8F0  }
0x22: {  	[tilespmem:s12], [sflag:$0x1] =	stream.indirect.gather [hbm4b:s2+s11], $0x80, s19, s11, $0xb8;
	[tilespmem:$0x1DF00] =	vst v63  }
0x23: {  	s25 =	simm.s32 $0x2780  }
0x24: {  	[tilespmem:s13], [sflag:$0x1] =	stream.indirect.gather [hbm4b:s2+s11], $0x80, s25, s11, $0xb8;
	[tilespmem:$0x1DF00] =	vst v63  }
0x25: {  	s26 =	simm.s32 $0x28;
	s20 =	rddreg [dreg:$0x3]  }
0x26: {  	[tilespmem:s20], [sflag:$0x1] =	stream.indirect.gather [hbm4b:s2+s11], $0x80, s26, s11, $0xb8;
	[tilespmem:$0x1DF00] =	vst v63  }
0x27: {  	s28 =	simm.s32 $0x27A8;
	s21 =	rddreg [dreg:$0x4]  }
0x28: {  	[tilespmem:s21], [sflag:$0x1] =	stream.indirect.gather [hbm4b:s2+s11], $0x80, s28, s11, $0xb8;
	[tilespmem:$0x1DF00] =	vst v63  }
0x29: {  	s30 =	simm.s32 $0x50;
	s29 =	rddreg [dreg:$0x5]  }
0x2a: {  	[tilespmem:s29], [sflag:$0x1] =	stream.indirect.gather [hbm4b:s2+s11], $0x80, s30, s11, $0xb8;
	[tilespmem:$0x1DF00] =	vst v63  }
0x2b: {  	s22 =	simm.s32 $0x27D0;
	s31 =	rddreg [dreg:$0x6]  }
0x2c: {  	[tilespmem:s31], [sflag:$0x1] =	stream.indirect.gather [hbm4b:s2+s11], $0x80, s22, s11, $0xb8;
	[tilespmem:$0x1DF00] =	vst v63  }
0x2d: {  	s24 =	simm.s32 $0x78;
	s23 =	rddreg [dreg:$0x7]  }
0x2e: {  	[tilespmem:s23], [sflag:$0x1] =	stream.indirect.gather [hbm4b:s2+s11], $0x80, s24, s11, $0xb8;
	[tilespmem:$0x1DF00] =	vst v63  }
0x2f: {  	s25 =	rddreg [dreg:$0x8];
	s26 =	simm.s32 $0x27F8  }
0x30: {  	[tilespmem:s25], [sflag:$0x1] =	stream.indirect.gather [hbm4b:s2+s11], $0x80, s26, s11, $0xb8;
	[tilespmem:$0x1DF00] =	vst v63  }
0x31: {  	s28 =	rddreg [dreg:$0x9];
	s29 =	simm.s32 $0xA0  }
0x32: {  	[tilespmem:s28], [sflag:$0x1] =	stream.indirect.gather [hbm4b:s2+s11], $0x80, s29, s11, $0xb8;
	[tilespmem:$0x1DF00] =	vst v63  }
0x33: {  	s30 =	rddreg [dreg:$0xa];
	s31 =	simm.s32 $0x2820  }
0x34: {  	[tilespmem:s30], [sflag:$0x1] =	stream.indirect.gather [hbm4b:s2+s11], $0x80, s31, s11, $0xb8;
	[tilespmem:$0x1DF00] =	vst v63  }
0x35: {  	s20 =	simm.s32 $0xC8  }
0x36: {  	[tilespmem:s14], [sflag:$0x1] =	stream.indirect.gather [hbm4b:s2+s11], $0x80, s20, s11, $0xb8;
	[tilespmem:$0x1DF00] =	vst v63  }
0x37: {  	s21 =	simm.s32 $0x2848  }
0x38: {  	[tilespmem:s15], [sflag:$0x1] =	stream.indirect.gather [hbm4b:s2+s11], $0x80, s21, s11, $0xb8;
	[tilespmem:$0x1DF00] =	vst v63  }
0x39: {  	s22 =	rddreg [dreg:$0xb];
	s23 =	simm.s32 $0xF0  }
0x3a: {  	[tilespmem:s22], [sflag:$0x1] =	stream.indirect.gather [hbm4b:s2+s11], $0x80, s23, s11, $0xb8;
	[tilespmem:$0x1DF00] =	vst v63  }
0x3b: {  	s24 =	rddreg [dreg:$0xc];
	s25 =	simm.s32 $0x2870  }
0x3c: {  	[tilespmem:s24], [sflag:$0x1] =	stream.indirect.gather [hbm4b:s2+s11], $0x80, s25, s11, $0xb8;
	[tilespmem:$0x1DF00] =	vst v63  }
0x3d: {  	s26 =	rddreg [dreg:$0xd];
	s28 =	simm.s32 $0x118  }
0x3e: {  	[tilespmem:s26], [sflag:$0x1] =	stream.indirect.gather [hbm4b:s2+s11], $0x80, s28, s11, $0xb8;
	[tilespmem:$0x1DF00] =	vst v63  }
0x3f: {  	s29 =	rddreg [dreg:$0xe];
	s30 =	simm.s32 $0x2898  }
0x40: {  	[tilespmem:s29], [sflag:$0x1] =	stream.indirect.gather [hbm4b:s2+s11], $0x80, s30, s11, $0xb8;
	[tilespmem:$0x1DF00] =	vst v63  }
0x41: {  	s31 =	rddreg [dreg:$0xf];
	s22 =	simm.s32 $0x140  }
0x42: {  	[tilespmem:s31], [sflag:$0x1] =	stream.indirect.gather [hbm4b:s2+s11], $0x80, s22, s11, $0xb8;
	[tilespmem:$0x1DF00] =	vst v63  }
0x43: {  	s23 =	rddreg [dreg:$0x10];
	s24 =	simm.s32 $0x28C0  }
0x44: {  	[tilespmem:s23], [sflag:$0x1] =	stream.indirect.gather [hbm4b:s2+s11], $0x80, s24, s11, $0xb8;
	[tilespmem:$0x1DF00] =	vst v63  }
0x45: {  	s25 =	rddreg [dreg:$0x11];
	s26 =	simm.s32 $0x168  }
0x46: {  	[tilespmem:s25], [sflag:$0x1] =	stream.indirect.gather [hbm4b:s2+s11], $0x80, s26, s11, $0xb8;
	[tilespmem:$0x1DF00] =	vst v63  }
0x47: {  	s28 =	rddreg [dreg:$0x12];
	s29 =	simm.s32 $0x28E8  }
0x48: {  	[tilespmem:s28], [sflag:$0x1] =	stream.indirect.gather [hbm4b:s2+s11], $0x80, s29, s11, $0xb8;
	[tilespmem:$0x1DF00] =	vst v63  }
0x49: {  	_ =	swait.ge [sflag:s16], $0x1400  }
0x4a: {  	[sflag:s16] =	ssyncset.done $0x0  }
0x4b: {  	[sflag:s16] =	ssyncadd.s32 $0xFFFFEC00  }
0x4c: {  	_ =	swait.ge [sflag:s16], $0x1400  }
0x4d: {  	[sflag:s16] =	ssyncset.done $0x0  }
0x4e: {  	[sflag:s16] =	ssyncadd.s32 $0xFFFFEC00  }
0x4f: {  	_ =	swait.ge [sflag:s16], $0x1400  }
0x50: {  	[sflag:s16] =	ssyncset.done $0x0  }
0x51: {  	[sflag:s16] =	ssyncadd.s32 $0xFFFFEC00  }
0x52: {  	_ =	swait.ge [sflag:s16], $0x1400  }
0x53: {  	[sflag:s16] =	ssyncset.done $0x0  }
0x54: {  	[sflag:s16] =	ssyncadd.s32 $0xFFFFEC00  }
0x55: {  	_ =	swait.ge [sflag:s16], $0x1400  }
0x56: {  	[sflag:s16] =	ssyncset.done $0x0  }
0x57: {  	[sflag:s16] =	ssyncadd.s32 $0xFFFFEC00  }
0x58: {  	_ =	swait.ge [sflag:s16], $0x1400  }
0x59: {  	[sflag:s16] =	ssyncset.done $0x0  }
0x5a: {  	[sflag:s16] =	ssyncadd.s32 $0xFFFFEC00  }
0x5b: {  	_ =	swait.ge [sflag:s16], $0x1400  }
0x5c: {  	[sflag:s16] =	ssyncset.done $0x0  }
0x5d: {  	[sflag:s16] =	ssyncadd.s32 $0xFFFFEC00  }
0x5e: {  	_ =	swait.ge [sflag:s16], $0x1400  }
0x5f: {  	[sflag:s16] =	ssyncset.done $0x0  }
0x60: {  	[sflag:s16] =	ssyncadd.s32 $0xFFFFEC00  }
0x61: {  	_ =	swait.ge [sflag:s16], $0x1400  }
0x62: {  	[sflag:s16] =	ssyncset.done $0x0  }
0x63: {  	[sflag:s16] =	ssyncadd.s32 $0xFFFFEC00  }
0x64: {  	_ =	swait.ge [sflag:s16], $0x1400  }
0x65: {  	[sflag:s16] =	ssyncset.done $0x0  }
0x66: {  	[sflag:s16] =	ssyncadd.s32 $0xFFFFEC00  }
0x67: {  	[hbm4b:s7+s3] =	stream.linear.scatter [tilespmem:s12], [sflag:$0x2], $0x6400, $0x38;
	[tilespmem:$0x1DF00] =	vst v63  }
0x68: {  	_ = 	snop  }
0x69: {  	[hbm4b:s8+s3] =	stream.linear.scatter [tilespmem:s13], [sflag:$0x2], $0x6400, $0x38;
	[tilespmem:$0x1DF00] =	vst v63  }
0x6a: {  	_ =	swait.ge [sflag:s16], $0x1400  }
0x6b: {  	[sflag:s16] =	ssyncset.done $0x0  }
0x6c: {  	[sflag:s16] =	ssyncadd.s32 $0xFFFFEC00  }
0x6d: {  	_ =	swait.ge [sflag:s16], $0x1400  }
0x6e: {  	[sflag:s16] =	ssyncset.done $0x0  }
0x6f: {  	[sflag:s16] =	ssyncadd.s32 $0xFFFFEC00  }
0x70: {  	_ =	swait.ge [sflag:s16], $0x1400  }
0x71: {  	[sflag:s16] =	ssyncset.done $0x0  }
0x72: {  	[sflag:s16] =	ssyncadd.s32 $0xFFFFEC00  }
0x73: {  	_ =	swait.ge [sflag:s16], $0x1400  }
0x74: {  	[sflag:s16] =	ssyncset.done $0x0  }
0x75: {  	[sflag:s16] =	ssyncadd.s32 $0xFFFFEC00  }
0x76: {  	_ =	swait.ge [sflag:s16], $0x1400  }
0x77: {  	[sflag:s16] =	ssyncset.done $0x0  }
0x78: {  	[sflag:s16] =	ssyncadd.s32 $0xFFFFEC00  }
0x79: {  	_ =	swait.ge [sflag:s16], $0x1400  }
0x7a: {  	[sflag:s16] =	ssyncset.done $0x0  }
0x7b: {  	[sflag:s16] =	ssyncadd.s32 $0xFFFFEC00  }
0x7c: {  	_ =	swait.ge [sflag:s16], $0x1400  }
0x7d: {  	[sflag:s16] =	ssyncset.done $0x0  }
0x7e: {  	[sflag:s16] =	ssyncadd.s32 $0xFFFFEC00  }
0x7f: {  	_ =	swait.ge [sflag:s16], $0x1400  }
0x80: {  	[sflag:s16] =	ssyncset.done $0x0  }
0x81: {  	[sflag:s16] =	ssyncadd.s32 $0xFFFFEC00  }
0x82: {  	_ =	swait.ge [sflag:s16], $0x1400  }
0x83: {  	[sflag:s16] =	ssyncset.done $0x0  }
0x84: {  	[sflag:s16] =	ssyncadd.s32 $0xFFFFEC00  }
0x85: {  	_ =	swait.ge [sflag:s16], $0x1400  }
0x86: {  	[sflag:s16] =	ssyncset.done $0x0  }
0x87: {  	s30 =	sadd.s32 $0xC80, s7;
	[sflag:s16] =	ssyncadd.s32 $0xFFFFEC00  }
0x88: {  	[hbm4b:s30+s3] =	stream.linear.scatter [tilespmem:s14], [sflag:$0x2], $0x6400, $0x38;
	[tilespmem:$0x1DF00] =	vst v63  }
0x89: {  	s31 =	sadd.s32 $0xC80, s8  }
0x8a: {  	[hbm4b:s31+s3] =	stream.linear.scatter [tilespmem:s15], [sflag:$0x2], $0x6400, $0x38;
	[tilespmem:$0x1DF00] =	vst v63  }
0x8b: {  	_ =	swait.ge [sflag:s17], $0x6400  }
0x8c: {  	[sflag:s17] =	ssyncset.done $0x0  }
0x8d: {  	[sflag:s17] =	ssyncadd.s32 $0xFFFF9C00  }
0x8e: {  	_ =	swait.ge [sflag:s17], $0x6400  }
0x8f: {  	[sflag:s17] =	ssyncset.done $0x0  }
0x90: {  	[sflag:s17] =	ssyncadd.s32 $0xFFFF9C00  }
0x91: {  	_ =	swait.ge [sflag:s17], $0x6400  }
0x92: {  	[sflag:s17] =	ssyncset.done $0x0  }
0x93: {  	[sflag:s17] =	ssyncadd.s32 $0xFFFF9C00  }
0x94: {  	s19 =	sadd.s32 $0x1900, s8;
	s20 =	sadd.s32 $0x1900, s7;
	_ =	swait.ge [sflag:s17], $0x6400  }
0x95: {  	s21 =	simm.s32 $0x640;
	s24 =	simm.s32 $0xC80;
	[sflag:s17] =	ssyncset.done $0x0  }
.LBB2_2:
0x96: {  	s23 =	sshra.s32 s21, $0x2;
	[sflag:s17] =	ssyncadd.s32 $0xFFFF9C00  }
0x97: {  	[tilespmem:s12], [sflag:$0x1] =	stream.indirect.gather [hbm4b:s2+s11], $0x80, s23, s11, $0xb8;
	[tilespmem:$0x1DF00] =	vst v63  }
0x98: {  	s28 =	sadd.s32 $0x2780, s23  }
0x99: {  	[tilespmem:s13], [sflag:$0x1] =	stream.indirect.gather [hbm4b:s2+s11], $0x80, s28, s11, $0xb8;
	[tilespmem:$0x1DF00] =	vst v63  }
0x9a: {  	s25 =	rddreg [dreg:$0x3];
	s29 =	sadd.s32 $0x28, s23  }
0x9b: {  	[tilespmem:s25], [sflag:$0x1] =	stream.indirect.gather [hbm4b:s2+s11], $0x80, s29, s11, $0xb8;
	[tilespmem:$0x1DF00] =	vst v63  }
0x9c: {  	s26 =	rddreg [dreg:$0x4];
	s30 =	sadd.s32 $0x27A8, s23  }
0x9d: {  	[tilespmem:s26], [sflag:$0x1] =	stream.indirect.gather [hbm4b:s2+s11], $0x80, s30, s11, $0xb8;
	[tilespmem:$0x1DF00] =	vst v63  }
0x9e: {  	s31 =	rddreg [dreg:$0x5];
	s28 =	sadd.s32 $0x50, s23  }
0x9f: {  	[tilespmem:s31], [sflag:$0x1] =	stream.indirect.gather [hbm4b:s2+s11], $0x80, s28, s11, $0xb8;
	[tilespmem:$0x1DF00] =	vst v63  }
0xa0: {  	s29 =	rddreg [dreg:$0x6];
	s30 =	sadd.s32 $0x27D0, s23  }
0xa1: {  	[tilespmem:s29], [sflag:$0x1] =	stream.indirect.gather [hbm4b:s2+s11], $0x80, s30, s11, $0xb8;
	[tilespmem:$0x1DF00] =	vst v63  }
0xa2: {  	s31 =	rddreg [dreg:$0x7];
	s28 =	sadd.s32 $0x78, s23  }
0xa3: {  	[tilespmem:s31], [sflag:$0x1] =	stream.indirect.gather [hbm4b:s2+s11], $0x80, s28, s11, $0xb8;
	[tilespmem:$0x1DF00] =	vst v63  }
0xa4: {  	s29 =	rddreg [dreg:$0x8];
	s30 =	sadd.s32 $0x27F8, s23  }
0xa5: {  	[tilespmem:s29], [sflag:$0x1] =	stream.indirect.gather [hbm4b:s2+s11], $0x80, s30, s11, $0xb8;
	[tilespmem:$0x1DF00] =	vst v63  }
0xa6: {  	s31 =	rddreg [dreg:$0x9];
	s28 =	sadd.s32 $0xA0, s23  }
0xa7: {  	[tilespmem:s31], [sflag:$0x1] =	stream.indirect.gather [hbm4b:s2+s11], $0x80, s28, s11, $0xb8;
	[tilespmem:$0x1DF00] =	vst v63  }
0xa8: {  	s29 =	rddreg [dreg:$0xa];
	s30 =	sadd.s32 $0x2820, s23  }
0xa9: {  	[tilespmem:s29], [sflag:$0x1] =	stream.indirect.gather [hbm4b:s2+s11], $0x80, s30, s11, $0xb8;
	[tilespmem:$0x1DF00] =	vst v63  }
0xaa: {  	s31 =	sadd.s32 $0xC8, s23  }
0xab: {  	[tilespmem:s14], [sflag:$0x1] =	stream.indirect.gather [hbm4b:s2+s11], $0x80, s31, s11, $0xb8;
	[tilespmem:$0x1DF00] =	vst v63  }
0xac: {  	s25 =	sadd.s32 $0x2848, s23  }
0xad: {  	[tilespmem:s15], [sflag:$0x1] =	stream.indirect.gather [hbm4b:s2+s11], $0x80, s25, s11, $0xb8;
	[tilespmem:$0x1DF00] =	vst v63  }
0xae: {  	s26 =	rddreg [dreg:$0xb];
	s28 =	sadd.s32 $0xF0, s23  }
0xaf: {  	[tilespmem:s26], [sflag:$0x1] =	stream.indirect.gather [hbm4b:s2+s11], $0x80, s28, s11, $0xb8;
	[tilespmem:$0x1DF00] =	vst v63  }
0xb0: {  	s29 =	rddreg [dreg:$0xc];
	s30 =	sadd.s32 $0x2870, s23  }
0xb1: {  	[tilespmem:s29], [sflag:$0x1] =	stream.indirect.gather [hbm4b:s2+s11], $0x80, s30, s11, $0xb8;
	[tilespmem:$0x1DF00] =	vst v63  }
0xb2: {  	s31 =	rddreg [dreg:$0xd];
	s28 =	sadd.s32 $0x118, s23  }
0xb3: {  	[tilespmem:s31], [sflag:$0x1] =	stream.indirect.gather [hbm4b:s2+s11], $0x80, s28, s11, $0xb8;
	[tilespmem:$0x1DF00] =	vst v63  }
0xb4: {  	s29 =	rddreg [dreg:$0xe];
	s30 =	sadd.s32 $0x2898, s23  }
0xb5: {  	[tilespmem:s29], [sflag:$0x1] =	stream.indirect.gather [hbm4b:s2+s11], $0x80, s30, s11, $0xb8;
	[tilespmem:$0x1DF00] =	vst v63  }
0xb6: {  	s31 =	rddreg [dreg:$0xf];
	s28 =	sadd.s32 $0x140, s23  }
0xb7: {  	[tilespmem:s31], [sflag:$0x1] =	stream.indirect.gather [hbm4b:s2+s11], $0x80, s28, s11, $0xb8;
	[tilespmem:$0x1DF00] =	vst v63  }
0xb8: {  	s29 =	rddreg [dreg:$0x10];
	s30 =	sadd.s32 $0x28C0, s23  }
0xb9: {  	[tilespmem:s29], [sflag:$0x1] =	stream.indirect.gather [hbm4b:s2+s11], $0x80, s30, s11, $0xb8;
	[tilespmem:$0x1DF00] =	vst v63  }
0xba: {  	s31 =	rddreg [dreg:$0x11];
	s28 =	sadd.s32 $0x168, s23  }
0xbb: {  	[tilespmem:s31], [sflag:$0x1] =	stream.indirect.gather [hbm4b:s2+s11], $0x80, s28, s11, $0xb8;
	[tilespmem:$0x1DF00] =	vst v63  }
0xbc: {  	s23 =	sadd.s32 $0x28E8, s23;
	s29 =	rddreg [dreg:$0x12]  }
0xbd: {  	[tilespmem:s29], [sflag:$0x1] =	stream.indirect.gather [hbm4b:s2+s11], $0x80, s23, s11, $0xb8;
	[tilespmem:$0x1DF00] =	vst v63  }
0xbe: {  	_ =	swait.ge [sflag:s16], $0x1400  }
0xbf: {  	[sflag:s16] =	ssyncset.done $0x0  }
0xc0: {  	[sflag:s16] =	ssyncadd.s32 $0xFFFFEC00  }
0xc1: {  	_ =	swait.ge [sflag:s16], $0x1400  }
0xc2: {  	[sflag:s16] =	ssyncset.done $0x0  }
0xc3: {  	[sflag:s16] =	ssyncadd.s32 $0xFFFFEC00  }
0xc4: {  	_ =	swait.ge [sflag:s16], $0x1400  }
0xc5: {  	[sflag:s16] =	ssyncset.done $0x0  }
0xc6: {  	[sflag:s16] =	ssyncadd.s32 $0xFFFFEC00  }
0xc7: {  	_ =	swait.ge [sflag:s16], $0x1400  }
0xc8: {  	[sflag:s16] =	ssyncset.done $0x0  }
0xc9: {  	[sflag:s16] =	ssyncadd.s32 $0xFFFFEC00  }
0xca: {  	_ =	swait.ge [sflag:s16], $0x1400  }
0xcb: {  	[sflag:s16] =	ssyncset.done $0x0  }
0xcc: {  	[sflag:s16] =	ssyncadd.s32 $0xFFFFEC00  }
0xcd: {  	_ =	swait.ge [sflag:s16], $0x1400  }
0xce: {  	[sflag:s16] =	ssyncset.done $0x0  }
0xcf: {  	[sflag:s16] =	ssyncadd.s32 $0xFFFFEC00  }
0xd0: {  	_ =	swait.ge [sflag:s16], $0x1400  }
0xd1: {  	[sflag:s16] =	ssyncset.done $0x0  }
0xd2: {  	[sflag:s16] =	ssyncadd.s32 $0xFFFFEC00  }
0xd3: {  	_ =	swait.ge [sflag:s16], $0x1400  }
0xd4: {  	[sflag:s16] =	ssyncset.done $0x0  }
0xd5: {  	[sflag:s16] =	ssyncadd.s32 $0xFFFFEC00  }
0xd6: {  	_ =	swait.ge [sflag:s16], $0x1400  }
0xd7: {  	[sflag:s16] =	ssyncset.done $0x0  }
0xd8: {  	[sflag:s16] =	ssyncadd.s32 $0xFFFFEC00  }
0xd9: {  	_ =	swait.ge [sflag:s16], $0x1400  }
0xda: {  	[sflag:s16] =	ssyncset.done $0x0  }
0xdb: {  	[sflag:s16] =	ssyncadd.s32 $0xFFFFEC00  }
0xdc: {  	[hbm4b:s20+s3] =	stream.linear.scatter [tilespmem:s12], [sflag:$0x2], $0x6400, $0x38;
	[tilespmem:$0x1DF00] =	vst v63  }
0xdd: {  	_ = 	snop  }
0xde: {  	[hbm4b:s19+s3] =	stream.linear.scatter [tilespmem:s13], [sflag:$0x2], $0x6400, $0x38;
	[tilespmem:$0x1DF00] =	vst v63  }
0xdf: {  	_ =	swait.ge [sflag:s16], $0x1400  }
0xe0: {  	[sflag:s16] =	ssyncset.done $0x0  }
0xe1: {  	[sflag:s16] =	ssyncadd.s32 $0xFFFFEC00  }
0xe2: {  	_ =	swait.ge [sflag:s16], $0x1400  }
0xe3: {  	[sflag:s16] =	ssyncset.done $0x0  }
0xe4: {  	[sflag:s16] =	ssyncadd.s32 $0xFFFFEC00  }
0xe5: {  	_ =	swait.ge [sflag:s16], $0x1400  }
0xe6: {  	[sflag:s16] =	ssyncset.done $0x0  }
0xe7: {  	[sflag:s16] =	ssyncadd.s32 $0xFFFFEC00  }
0xe8: {  	_ =	swait.ge [sflag:s16], $0x1400  }
0xe9: {  	[sflag:s16] =	ssyncset.done $0x0  }
0xea: {  	[sflag:s16] =	ssyncadd.s32 $0xFFFFEC00  }
0xeb: {  	_ =	swait.ge [sflag:s16], $0x1400  }
0xec: {  	[sflag:s16] =	ssyncset.done $0x0  }
0xed: {  	[sflag:s16] =	ssyncadd.s32 $0xFFFFEC00  }
0xee: {  	_ =	swait.ge [sflag:s16], $0x1400  }
0xef: {  	[sflag:s16] =	ssyncset.done $0x0  }
0xf0: {  	[sflag:s16] =	ssyncadd.s32 $0xFFFFEC00  }
0xf1: {  	_ =	swait.ge [sflag:s16], $0x1400  }
0xf2: {  	[sflag:s16] =	ssyncset.done $0x0  }
0xf3: {  	[sflag:s16] =	ssyncadd.s32 $0xFFFFEC00  }
0xf4: {  	_ =	swait.ge [sflag:s16], $0x1400  }
0xf5: {  	[sflag:s16] =	ssyncset.done $0x0  }
0xf6: {  	[sflag:s16] =	ssyncadd.s32 $0xFFFFEC00  }
0xf7: {  	_ =	swait.ge [sflag:s16], $0x1400  }
0xf8: {  	[sflag:s16] =	ssyncset.done $0x0  }
0xf9: {  	[sflag:s16] =	ssyncadd.s32 $0xFFFFEC00  }
0xfa: {  	_ =	swait.ge [sflag:s16], $0x1400  }
0xfb: {  	[sflag:s16] =	ssyncset.done $0x0  }
0xfc: {  	s30 =	sadd.s32 $0xC80, s20;
	[sflag:s16] =	ssyncadd.s32 $0xFFFFEC00  }
0xfd: {  	[hbm4b:s30+s3] =	stream.linear.scatter [tilespmem:s14], [sflag:$0x2], $0x6400, $0x38;
	[tilespmem:$0x1DF00] =	vst v63  }
0xfe: {  	s31 =	sadd.s32 $0xC80, s19  }
0xff: {  	[hbm4b:s31+s3] =	stream.linear.scatter [tilespmem:s15], [sflag:$0x2], $0x6400, $0x38;
	[tilespmem:$0x1DF00] =	vst v63  }
0x100: {  	_ =	swait.ge [sflag:s17], $0x6400  }
0x101: {  	[sflag:s17] =	ssyncset.done $0x0  }
0x102: {  	[sflag:s17] =	ssyncadd.s32 $0xFFFF9C00  }
0x103: {  	_ =	swait.ge [sflag:s17], $0x6400  }
0x104: {  	[sflag:s17] =	ssyncset.done $0x0  }
0x105: {  	p0 =	sne.s32 s24, $0x9600;
	[sflag:s17] =	ssyncadd.s32 $0xFFFF9C00  }
.Ltmp0:
0x106: {  	_ =	swait.ge [sflag:s17], $0x6400;
	(pc) =	sbr.rel @p0 .LBB2_2-.Ltmp0, $4  }
0x107: {  	[sflag:s17] =	ssyncset.done $0x0  }
0x108: {  	s22 =	sadd.s32 $0x640, s24;
	[sflag:s17] =	ssyncadd.s32 $0xFFFF9C00  }
0x109: {  	s21 =	smov.u32 s24;
	s24 =	smov.u32 s22;
	_ =	swait.ge [sflag:s17], $0x6400  }
0x10a: {  	s20 =	sadd.s32 $0x1900, s20;
	s19 =	sadd.s32 $0x1900, s19;
	[sflag:s17] =	ssyncset.done $0x0  }
0x10b: {  	s21 =	sshra.s32 s21, $0x2;
	[sflag:s17] =	ssyncadd.s32 $0xFFFF9C00  }
0x10c: {  	[tilespmem:s12], [sflag:$0x1] =	stream.indirect.gather [hbm4b:s2+s11], $0x80, s21, s11, $0xb8;
	[tilespmem:$0x1DF00] =	vst v63  }
0x10d: {  	s22 =	sadd.s32 $0x2780, s21  }
0x10e: {  	[tilespmem:s13], [sflag:$0x1] =	stream.indirect.gather [hbm4b:s2+s11], $0x80, s22, s11, $0xb8;
	[tilespmem:$0x1DF00] =	vst v63  }
0x10f: {  	s23 =	rddreg [dreg:$0x3];
	s31 =	sadd.s32 $0x28, s21  }
0x110: {  	[tilespmem:s23], [sflag:$0x1] =	stream.indirect.gather [hbm4b:s2+s11], $0x80, s31, s11, $0xb8;
	[tilespmem:$0x1DF00] =	vst v63  }
0x111: {  	s24 =	rddreg [dreg:$0x4];
	s25 =	sadd.s32 $0x27A8, s21  }
0x112: {  	[tilespmem:s24], [sflag:$0x1] =	stream.indirect.gather [hbm4b:s2+s11], $0x80, s25, s11, $0xb8;
	[tilespmem:$0x1DF00] =	vst v63  }
0x113: {  	s26 =	rddreg [dreg:$0x5];
	s28 =	sadd.s32 $0x50, s21  }
0x114: {  	[tilespmem:s26], [sflag:$0x1] =	stream.indirect.gather [hbm4b:s2+s11], $0x80, s28, s11, $0xb8;
	[tilespmem:$0x1DF00] =	vst v63  }
0x115: {  	s29 =	rddreg [dreg:$0x6];
	s30 =	sadd.s32 $0x27D0, s21  }
0x116: {  	[tilespmem:s29], [sflag:$0x1] =	stream.indirect.gather [hbm4b:s2+s11], $0x80, s30, s11, $0xb8;
	[tilespmem:$0x1DF00] =	vst v63  }
0x117: {  	s31 =	rddreg [dreg:$0x7];
	s25 =	sadd.s32 $0x78, s21  }
0x118: {  	[tilespmem:s31], [sflag:$0x1] =	stream.indirect.gather [hbm4b:s2+s11], $0x80, s25, s11, $0xb8;
	[tilespmem:$0x1DF00] =	vst v63  }
0x119: {  	s26 =	rddreg [dreg:$0x8];
	s28 =	sadd.s32 $0x27F8, s21  }
0x11a: {  	[tilespmem:s26], [sflag:$0x1] =	stream.indirect.gather [hbm4b:s2+s11], $0x80, s28, s11, $0xb8;
	[tilespmem:$0x1DF00] =	vst v63  }
0x11b: {  	s29 =	rddreg [dreg:$0x9];
	s30 =	sadd.s32 $0xA0, s21  }
0x11c: {  	[tilespmem:s29], [sflag:$0x1] =	stream.indirect.gather [hbm4b:s2+s11], $0x80, s30, s11, $0xb8;
	[tilespmem:$0x1DF00] =	vst v63  }
0x11d: {  	s23 =	sadd.s32 $0x2820, s21;
	s31 =	rddreg [dreg:$0xa]  }
0x11e: {  	[tilespmem:s31], [sflag:$0x1] =	stream.indirect.gather [hbm4b:s2+s11], $0x80, s23, s11, $0xb8;
	[tilespmem:$0x1DF00] =	vst v63  }
0x11f: {  	s24 =	sadd.s32 $0xC8, s21  }
0x120: {  	[tilespmem:s14], [sflag:$0x1] =	stream.indirect.gather [hbm4b:s2+s11], $0x80, s24, s11, $0xb8;
	[tilespmem:$0x1DF00] =	vst v63  }
0x121: {  	s25 =	sadd.s32 $0x2848, s21  }
0x122: {  	[tilespmem:s15], [sflag:$0x1] =	stream.indirect.gather [hbm4b:s2+s11], $0x80, s25, s11, $0xb8;
	[tilespmem:$0x1DF00] =	vst v63  }
0x123: {  	s26 =	rddreg [dreg:$0xb];
	s28 =	sadd.s32 $0xF0, s21  }
0x124: {  	[tilespmem:s26], [sflag:$0x1] =	stream.indirect.gather [hbm4b:s2+s11], $0x80, s28, s11, $0xb8;
	[tilespmem:$0x1DF00] =	vst v63  }
0x125: {  	s29 =	rddreg [dreg:$0xc];
	s30 =	sadd.s32 $0x2870, s21  }
0x126: {  	[tilespmem:s29], [sflag:$0x1] =	stream.indirect.gather [hbm4b:s2+s11], $0x80, s30, s11, $0xb8;
	[tilespmem:$0x1DF00] =	vst v63  }
0x127: {  	s31 =	rddreg [dreg:$0xd];
	s25 =	sadd.s32 $0x118, s21  }
0x128: {  	[tilespmem:s31], [sflag:$0x1] =	stream.indirect.gather [hbm4b:s2+s11], $0x80, s25, s11, $0xb8;
	[tilespmem:$0x1DF00] =	vst v63  }
0x129: {  	s26 =	rddreg [dreg:$0xe];
	s28 =	sadd.s32 $0x2898, s21  }
0x12a: {  	[tilespmem:s26], [sflag:$0x1] =	stream.indirect.gather [hbm4b:s2+s11], $0x80, s28, s11, $0xb8;
	[tilespmem:$0x1DF00] =	vst v63  }
0x12b: {  	s29 =	rddreg [dreg:$0xf];
	s30 =	sadd.s32 $0x140, s21  }
0x12c: {  	[tilespmem:s29], [sflag:$0x1] =	stream.indirect.gather [hbm4b:s2+s11], $0x80, s30, s11, $0xb8;
	[tilespmem:$0x1DF00] =	vst v63  }
0x12d: {  	s31 =	rddreg [dreg:$0x10];
	s25 =	sadd.s32 $0x28C0, s21  }
0x12e: {  	[tilespmem:s31], [sflag:$0x1] =	stream.indirect.gather [hbm4b:s2+s11], $0x80, s25, s11, $0xb8;
	[tilespmem:$0x1DF00] =	vst v63  }
0x12f: {  	s26 =	rddreg [dreg:$0x11];
	s28 =	sadd.s32 $0x168, s21  }
0x130: {  	[tilespmem:s26], [sflag:$0x1] =	stream.indirect.gather [hbm4b:s2+s11], $0x80, s28, s11, $0xb8;
	[tilespmem:$0x1DF00] =	vst v63  }
0x131: {  	s21 =	sadd.s32 $0x28E8, s21;
	s29 =	rddreg [dreg:$0x12]  }
0x132: {  	[tilespmem:s29], [sflag:$0x1] =	stream.indirect.gather [hbm4b:s2+s11], $0x80, s21, s11, $0xb8;
	[tilespmem:$0x1DF00] =	vst v63  }
0x133: {  	_ =	swait.ge [sflag:s16], $0x1400  }
0x134: {  	[sflag:s16] =	ssyncset.done $0x0  }
0x135: {  	[sflag:s16] =	ssyncadd.s32 $0xFFFFEC00  }
0x136: {  	_ =	swait.ge [sflag:s16], $0x1400  }
0x137: {  	[sflag:s16] =	ssyncset.done $0x0  }
0x138: {  	[sflag:s16] =	ssyncadd.s32 $0xFFFFEC00  }
0x139: {  	_ =	swait.ge [sflag:s16], $0x1400  }
0x13a: {  	[sflag:s16] =	ssyncset.done $0x0  }
0x13b: {  	[sflag:s16] =	ssyncadd.s32 $0xFFFFEC00  }
0x13c: {  	_ =	swait.ge [sflag:s16], $0x1400  }
0x13d: {  	[sflag:s16] =	ssyncset.done $0x0  }
0x13e: {  	[sflag:s16] =	ssyncadd.s32 $0xFFFFEC00  }
0x13f: {  	_ =	swait.ge [sflag:s16], $0x1400  }
0x140: {  	[sflag:s16] =	ssyncset.done $0x0  }
0x141: {  	[sflag:s16] =	ssyncadd.s32 $0xFFFFEC00  }
0x142: {  	_ =	swait.ge [sflag:s16], $0x1400  }
0x143: {  	[sflag:s16] =	ssyncset.done $0x0  }
0x144: {  	[sflag:s16] =	ssyncadd.s32 $0xFFFFEC00  }
0x145: {  	_ =	swait.ge [sflag:s16], $0x1400  }
0x146: {  	[sflag:s16] =	ssyncset.done $0x0  }
0x147: {  	[sflag:s16] =	ssyncadd.s32 $0xFFFFEC00  }
0x148: {  	_ =	swait.ge [sflag:s16], $0x1400  }
0x149: {  	[sflag:s16] =	ssyncset.done $0x0  }
0x14a: {  	[sflag:s16] =	ssyncadd.s32 $0xFFFFEC00  }
0x14b: {  	_ =	swait.ge [sflag:s16], $0x1400  }
0x14c: {  	[sflag:s16] =	ssyncset.done $0x0  }
0x14d: {  	[sflag:s16] =	ssyncadd.s32 $0xFFFFEC00  }
0x14e: {  	_ =	swait.ge [sflag:s16], $0x1400  }
0x14f: {  	[sflag:s16] =	ssyncset.done $0x0  }
0x150: {  	[sflag:s16] =	ssyncadd.s32 $0xFFFFEC00  }
0x151: {  	[hbm4b:s20+s3] =	stream.linear.scatter [tilespmem:s12], [sflag:$0x2], $0x6400, $0x38;
	[tilespmem:$0x1DF00] =	vst v63  }
0x152: {  	_ = 	snop  }
0x153: {  	[hbm4b:s19+s3] =	stream.linear.scatter [tilespmem:s13], [sflag:$0x2], $0x6400, $0x38;
	[tilespmem:$0x1DF00] =	vst v63  }
0x154: {  	_ =	swait.ge [sflag:s16], $0x1400  }
0x155: {  	[sflag:s16] =	ssyncset.done $0x0  }
0x156: {  	[sflag:s16] =	ssyncadd.s32 $0xFFFFEC00  }
0x157: {  	_ =	swait.ge [sflag:s16], $0x1400  }
0x158: {  	[sflag:s16] =	ssyncset.done $0x0  }
0x159: {  	[sflag:s16] =	ssyncadd.s32 $0xFFFFEC00  }
0x15a: {  	_ =	swait.ge [sflag:s16], $0x1400  }
0x15b: {  	[sflag:s16] =	ssyncset.done $0x0  }
0x15c: {  	[sflag:s16] =	ssyncadd.s32 $0xFFFFEC00  }
0x15d: {  	_ =	swait.ge [sflag:s16], $0x1400  }
0x15e: {  	[sflag:s16] =	ssyncset.done $0x0  }
0x15f: {  	[sflag:s16] =	ssyncadd.s32 $0xFFFFEC00  }
0x160: {  	_ =	swait.ge [sflag:s16], $0x1400  }
0x161: {  	[sflag:s16] =	ssyncset.done $0x0  }
0x162: {  	[sflag:s16] =	ssyncadd.s32 $0xFFFFEC00  }
0x163: {  	_ =	swait.ge [sflag:s16], $0x1400  }
0x164: {  	[sflag:s16] =	ssyncset.done $0x0  }
0x165: {  	[sflag:s16] =	ssyncadd.s32 $0xFFFFEC00  }
0x166: {  	_ =	swait.ge [sflag:s16], $0x1400  }
0x167: {  	[sflag:s16] =	ssyncset.done $0x0  }
0x168: {  	[sflag:s16] =	ssyncadd.s32 $0xFFFFEC00  }
0x169: {  	_ =	swait.ge [sflag:s16], $0x1400  }
0x16a: {  	[sflag:s16] =	ssyncset.done $0x0  }
0x16b: {  	[sflag:s16] =	ssyncadd.s32 $0xFFFFEC00  }
0x16c: {  	_ =	swait.ge [sflag:s16], $0x1400  }
0x16d: {  	[sflag:s16] =	ssyncset.done $0x0  }
0x16e: {  	[sflag:s16] =	ssyncadd.s32 $0xFFFFEC00  }
0x16f: {  	_ =	swait.ge [sflag:s16], $0x1400  }
0x170: {  	[sflag:s16] =	ssyncset.done $0x0  }
0x171: {  	s30 =	sadd.s32 $0xC80, s20;
	[sflag:s16] =	ssyncadd.s32 $0xFFFFEC00  }
0x172: {  	[hbm4b:s30+s3] =	stream.linear.scatter [tilespmem:s14], [sflag:$0x2], $0x6400, $0x38;
	[tilespmem:$0x1DF00] =	vst v63  }
0x173: {  	s31 =	sadd.s32 $0xC80, s19  }
0x174: {  	[hbm4b:s31+s3] =	stream.linear.scatter [tilespmem:s15], [sflag:$0x2], $0x6400, $0x38;
	[tilespmem:$0x1DF00] =	vst v63  }
0x175: {  	_ =	swait.ge [sflag:s17], $0x6400  }
0x176: {  	[sflag:s17] =	ssyncset.done $0x0  }
0x177: {  	[sflag:s17] =	ssyncadd.s32 $0xFFFF9C00  }
0x178: {  	_ =	swait.ge [sflag:s17], $0x6400  }
0x179: {  	[sflag:s17] =	ssyncset.done $0x0  }
0x17a: {  	s18 =	sadd.s32 $0x1, s18;
	[sflag:s17] =	ssyncadd.s32 $0xFFFF9C00  }
0x17b: {  	p0 =	sne.s32 s18, s6;
	_ =	swait.ge [sflag:s17], $0x6400  }
.Ltmp1:
0x17c: {  	[sflag:s17] =	ssyncset.done $0x0;
	(pc) =	sbr.rel @p0 .LBB2_1-.Ltmp1, $4  }
0x17d: {  	[sflag:s17] =	ssyncadd.s32 $0xFFFF9C00  }
0x17e: {  	_ =	swait.ge [sflag:s17], $0x6400  }
0x17f: {  	[sflag:s17] =	ssyncset.done $0x0  }
0x180: {  	[sflag:s17] =	ssyncadd.s32 $0xFFFF9C00  }
0x181: {  	_ =	sfence.sel $0x180000  }
0x182: {  	[bflag:$0x0] =	sbarrier.arrive $0xFFFF  }
0x183: {  	p0 =	sne.s32 s0, $0x0;
	_ =	strace $0x9000004D  }
0x184: {  	s0 =	sadd.s32 @!p0 $0x100000, s1;
	[bflag:$0x2] =	sbarrier.arrive $0xFFFF  }
0x185: {  	[sflag:s0] =	ssyncadd.tile.s32 @!p0 $0x1;
	_ =	shalt  }
.Lfunc_end2:
_tile_overlayer_lowered:
.L_overlay_start_2:
0x186: {  	(tag) =	ssettag $0x2  }
0x187: {  	s0 =	rddreg [dreg:$0x0];
	s2 =	stileid.u32  }
0x188: {  	s1 =	rddreg [dreg:$0x1];
	p0 =	sne.s32 s2, $0x0  }
0x189: {  	s3 =	rddreg [dreg:$0x2];
	[bflag:$0x3] =	sbarrier.arrive $0xFFFF;
	s2 =	simm.s32 @!p0 $0x1C03  }
0x18a: {  	[timem:s3], [sflag:s2] =	dma.local @!p0 [hbm:s0], s1  }
0x18b: {  	s0 =	simm.s32 @!p0 $0x3  }
0x18c: {  	_ =	swait.ge @!p0 [sflag:s0], s1  }
0x18d: {  	s1 =	ssub.s32 @!p0 $0x0, s1;
	[sflag:s0] =	ssyncset.done @!p0 $0x0  }
0x18e: {  	[sflag:s0] =	ssyncadd.s32 @!p0 s1  }
0x18f: {  	[bflag:$0x3] =	sbarrier.arrive $0xFFFF  }
0x190: {  	_ =	shalt  }

// kernel: kernel.21.cloned.1.call-start
scs
__scs_entry_jumppad:
0x0: {  	(pc) =	sbr.rel $0x88, $3  }
0x1: {  	(tag) =	ssettag $0x0;
	lr =	simm.s32 $0x1  }
0x2: {  	[smem:$0x3F8F] =	sst lr;
	_ =	strace $0xD0000000  }
0x3: {  	_ = 	snop  }
0x4: {  	_ = 	snop  }
0x5: {  	_ = 	snop  }
0x6: {  	_ = 	snop  }
0x7: {  	_ = 	snop  }
__scs_overlays_trampoline_lowered:
0x8: {  	[smem:$0x3F9E] =	sst s0  }
0x9: {  	[smem:$0x3F9F] =	sst s1  }
0xa: {  	[smem:$0x3FA0] =	sst s2  }
0xb: {  	[smem:$0x3FA1] =	sst s3  }
0xc: {  	[smem:$0x3FA2] =	sst s4  }
0xd: {  	[smem:$0x3FA3] =	sst s5  }
0xe: {  	[smem:$0x3FA4] =	sst s6  }
0xf: {  	[smem:$0x3FA5] =	sst s7  }
0x10: {  	[smem:$0x3FA6] =	sst s8  }
0x11: {  	[smem:$0x3FA7] =	sst s9;
	s0 =	simm.s32 @!p0 $0x0  }
0x12: {  	s1 =	sld [smem:$0x3F8D];
	s0 =	simm.s32 @p0 $0x1  }
0x13: {  	[smem:$0x3FA8] =	sst s0;
	s0 =	simm.s32 @!p1 $0x0  }
0x14: {  	s2 =	sld [smem:$0x3F8C];
	s0 =	simm.s32 @p1 $0x1  }
0x15: {  	[smem:$0x3FA9] =	sst s0;
	s0 =	simm.s32 @!p2 $0x0  }
0x16: {  	s3 =	sld [smem:$0x3FDB];
	s0 =	simm.s32 @p2 $0x1  }
0x17: {  	s4 =	simm.s32 $0x1BF5;
	[smem:$0x3FAB] =	sst s0  }
0x18: {  	s0 =	sld [smem:$0x3F8E];
	_ =	swait.ge [sflag:s4], $0x0  }
0x19: {  	s7 =	sld [smem:$0x3F8F]  }
0x1a: {  	s8 =	sadd.s32 $0xFFFFE003, lr  }
0x1b: {  	s9 =	sadd.s32 $0xFFFFFEF7, lr;
	s5 =	simm.s32 $0xFFFFFFFF;
	p2 =	slt.u32 s8, $0xFFFFF086  }
0x1c: {  	p1 =	slt.u32 s9, $0xF7A;
	s5 =	simm.s32 @!p2 $0x0  }
0x1d: {  	s5 =	simm.s32 @p1 $0x1;
	p0 =	seq.s32 s7, s2  }
0x1e: {  	s7 =	smul.u32 @!p0 $0xF7A, s2;
	p2 =	seq.s32 @!p0 s5, $0x0  }
0x1f: {  	s9 =	smul.u32 $0xF7A, s1;
	s8 =	simm.s32 @!p0 $0x1BF5;
	p2 =	por !p2, p0  }
0x20: {  	[sflag:s8] =	ssyncset.s32 @!p0 $0xFFFFF086;
	s6 =	sadd.s32 @!p0 s3, s7;
	s7 =	simm.s32 @!p0 $0x108  }
0x21: {  	s3 =	sadd.s32 s3, s9;
	s6 =	sadd.s32 @!p0 $0x88, s6;
	s7 =	simm.s32 @p2 $0x1082  }
0x22: {  	[simem:s7], [sflag:s8] =	dma.local @!p0 [hbm:s6], $0xF7A  }
0x23: {  	s9 =	sor.u32 $0xD0000000, s2;
	s6 =	simm.s32 $0x108;
	_ =	swait.ge @!p0 [sflag:s8], $0x0  }
0x24: {  	s3 =	sadd.s32 $0x88, s3;
	s6 =	simm.s32 @!p1 $0x1082;
	[sflag:s4] =	ssyncset.s32 $0xFFFFF086  }
0x25: {  	[simem:s6], [sflag:s4] =	dma.local [hbm:s3], $0xF7A  }
0x26: {  	[smem:$0x3F8F] =	sst s1;
	(tag) =	ssettag s2;
	_ =	strace s9  }
0x27: {  	s1 =	sld [smem:$0x3F9F]  }
0x28: {  	s2 =	sld [smem:$0x3FA0]  }
0x29: {  	s4 =	sld [smem:$0x3FA2]  }
0x2a: {  	p0 =	seq.s32 s5, $0x0;
	s5 =	sld [smem:$0x3FA3]  }
0x2b: {  	s6 =	sld [smem:$0x3FA4]  }
0x2c: {  	s7 =	sld [smem:$0x3FA5]  }
0x2d: {  	s3 =	simm.s32 $0x108;
	s8 =	sld [smem:$0x3FA6]  }
0x2e: {  	s3 =	simm.s32 @!p0 $0x1082;
	s9 =	sld [smem:$0x3FA7]  }
0x2f: {  	lr =	sadd.s32 s0, s3;
	s0 =	sld [smem:$0x3F9E]  }
0x30: {  	s3 =	sld [smem:$0x3FA1]  }
0x31: {  	[smem:$0x3FAA] =	sst s10  }
0x32: {  	s10 =	sld [smem:$0x3FA8];
	_ =	sdelay $0x3  }
0x33: {  	p0 =	seq.s32 s10, $0x1;
	s10 =	sld [smem:$0x3FAA];
	_ =	sdelay $0x3  }
0x34: {  	[smem:$0x3FAA] =	sst s10  }
0x35: {  	s10 =	sld [smem:$0x3FA9];
	_ =	sdelay $0x3  }
0x36: {  	p1 =	seq.s32 s10, $0x1;
	s10 =	sld [smem:$0x3FAA];
	_ =	sdelay $0x3  }
0x37: {  	[smem:$0x3FAA] =	sst s10  }
0x38: {  	s10 =	sld [smem:$0x3FAB]  }
0x39: {  	_ = 	snop;
	(pc) =	sbr.ind lr, $3  }
0x3a: {  	_ = 	snop  }
0x3b: {  	_ = 	snop  }
0x3c: {  	p2 =	seq.s32 s10, $0x1;
	s10 =	sld [smem:$0x3FAA]  }
0x3d: {  	_ =	shalt  }
0x3e: {  	_ =	shalt  }
0x3f: {  	_ =	shalt  }
0x40: {  	_ =	shalt  }
0x41: {  	_ =	shalt  }
0x42: {  	_ =	shalt  }
0x43: {  	_ =	shalt  }
0x44: {  	_ =	shalt  }
0x45: {  	_ =	shalt  }
0x46: {  	_ =	shalt  }
0x47: {  	_ =	shalt  }
0x48: {  	_ =	shalt  }
0x49: {  	_ =	shalt  }
0x4a: {  	_ =	shalt  }
0x4b: {  	_ =	shalt  }
0x4c: {  	_ =	shalt  }
0x4d: {  	_ =	shalt  }
0x4e: {  	_ =	shalt  }
0x4f: {  	_ =	shalt  }
0x50: {  	_ =	shalt  }
0x51: {  	_ =	shalt  }
0x52: {  	_ =	shalt  }
0x53: {  	_ =	shalt  }
0x54: {  	_ =	shalt  }
0x55: {  	_ =	shalt  }
0x56: {  	_ =	shalt  }
0x57: {  	_ =	shalt  }
0x58: {  	_ =	shalt  }
0x59: {  	_ =	shalt  }
0x5a: {  	_ =	shalt  }
0x5b: {  	_ =	shalt  }
0x5c: {  	_ =	shalt  }
0x5d: {  	_ =	shalt  }
0x5e: {  	_ =	shalt  }
0x5f: {  	_ =	shalt  }
0x60: {  	_ =	shalt  }
0x61: {  	_ =	shalt  }
0x62: {  	_ =	shalt  }
0x63: {  	_ =	shalt  }
0x64: {  	_ =	shalt  }
0x65: {  	_ =	shalt  }
0x66: {  	_ =	shalt  }
0x67: {  	_ =	shalt  }
0x68: {  	_ =	shalt  }
0x69: {  	_ =	shalt  }
0x6a: {  	_ =	shalt  }
0x6b: {  	_ =	shalt  }
0x6c: {  	_ =	shalt  }
0x6d: {  	_ =	shalt  }
0x6e: {  	_ =	shalt  }
0x6f: {  	_ =	shalt  }
0x70: {  	_ =	shalt  }
0x71: {  	_ =	shalt  }
0x72: {  	_ =	shalt  }
0x73: {  	_ =	shalt  }
0x74: {  	_ =	shalt  }
0x75: {  	_ =	shalt  }
0x76: {  	_ =	shalt  }
0x77: {  	_ =	shalt  }
0x78: {  	_ =	shalt  }
0x79: {  	_ =	shalt  }
0x7a: {  	_ =	shalt  }
0x7b: {  	_ =	shalt  }
0x7c: {  	_ =	shalt  }
0x7d: {  	_ =	shalt  }
0x7e: {  	_ =	shalt  }
0x7f: {  	_ =	shalt  }
0x80: {  	_ =	shalt  }
0x81: {  	_ =	shalt  }
0x82: {  	_ =	shalt  }
0x83: {  	_ =	shalt  }
0x84: {  	_ =	shalt  }
0x85: {  	_ =	shalt  }
0x86: {  	_ =	shalt  }
0x87: {  	_ =	shalt  }
.Lfunc_end0:
.L_simem_size_0:
called_computation.3_lowered:
.L_overlay_start_0:
0x88: {  	s2 =	sld [smem:$0x3FD9]  }
0x89: {  	s3 =	sld [smem:$0x3FFE];
	_ =	sdelay $0x1  }
0x8a: {  	s1 =	srdreg.scid  }
0x8b: {  	s0 =	sand.u32 $0x1, s1  }
0x8c: {  	s16 =	sshll.u32 s0, $0xA;
	s2 =	sadd.s32 s3, s2  }
0x8d: {  	s2 =	sadd.s32 s2, s16  }
0x8e: {  	[smem:$0x3FB6] =	sst s2  }
0x8f: {  	_ = 	snop  }
0x90: {  	(tm) =	ssettm $0x1  }
0x91: {  	s17 =	sld [smem:$0x3FFB];
	_ =	sdelay $0x3  }
0x92: {  	_ =	strace s17  }
0x93: {  	s2 =	sld [smem:$0x3FFC];
	_ =	sdelay $0x3  }
0x94: {  	_ =	strace s2  }
0x95: {  	s2 =	sld [smem:$0x3FFD];
	_ =	sdelay $0x3  }
0x96: {  	_ =	strace s2  }
0x97: {  	_ =	strace $0x8FFFFFFF  }
0x98: {  	s18 =	sld [smem:$0x3FDB];
	_ =	sdelay $0x1  }
0x99: {  	s19 =	simm.s32 $_scs_section_size  }
0x9a: {  	s4 =	simm.s32 $_size__tile_overlayer_lowered;
	s5 =	simm.s32 $_tile_overlayer_lowered  }
0x9b: {  	s22 =	simm.s32 $0x1BFF;
	s21 =	sshll.u32 s5, $0x1;
	s2 =	sadd.s32 s19, s18  }
0x9c: {  	s6 =	simm.s32 $0x0;
	s20 =	sshll.u32 s4, $0x1;
	s4 =	sadd.s32 s21, s2  }
0x9d: {  	[timem:s6], [sflag:s22] =	dma.local [hbm:s4], s20  }
0x9e: {  	_ =	swait.ge [sflag:s22], s20  }
0x9f: {  	s3 =	ssub.s32 $0x0, s20;
	[sflag:s22] =	ssyncset.done $0x0  }
0xa0: {  	[sflag:s22] =	ssyncadd.s32 s3;
	_ =	sdelay $0x1  }
0xa1: {  	s23 =	simm.s32 $0x1B8B  }
0xa2: {  	_ =	swait.ge [sflag:s23], $0x1  }
0xa3: {  	[sflag:s23] =	ssyncset.done $0x0  }
0xa4: {  	s25 =	simm.s32 $0x1B8E;
	s24 =	sld [smem:$0x3FFE];
	[sflag:s23] =	ssyncadd.s32 $0xFFFFFFFF  }
0xa5: {  	s26 =	simm.s32 $execute0_lowered;
	[smem:$0x3FD2] =	sst s25  }
0xa6: {  	s4 =	sshll.u32 s26, $0x1;
	_ =	strace $0x8000004F;
	[dreg:$0x1] =	wrdreg $0xFFFFFFFF  }
0xa7: {  	s28 =	simm.s32 $_size_execute0_lowered;
	s2 =	sadd.s32 s2, s4;
	[dreg:$0x0] =	wrdreg $0x0  }
0xa8: {  	s4 =	sshll.u32 s28, $0x1;
	[dreg:$0x2] =	wrdreg s2  }
0xa9: {  	[dreg:$0x3] =	wrdreg s4  }
0xaa: {  	[dreg:$0x4] =	wrdreg $0xC0  }
0xab: {  	_ =	task [dreg:s6], $0x5FFFF  }
0xac: {  	[dreg:$0x1] =	wrdreg $0xFFFFFFFF  }
0xad: {  	[dreg:$0x0] =	wrdreg $0x60  }
0xae: {  	[dreg:$0x2] =	wrdreg s24  }
0xaf: {  	[dreg:$0x3] =	wrdreg $0x66800  }
0xb0: {  	[dreg:$0x4] =	wrdreg $0x9  }
0xb1: {  	_ =	task.clear_ibuf [dreg:s6], $0x5FFFF;
	_ =	strace $0x9000004F  }
0xb2: {  	s29 =	simm.s32 $0x9;
	_ =	strace $0x80000051  }
0xb3: {  	_ =	swait.ge [sflag:s29], $0x1  }
0xb4: {  	[sflag:s29] =	ssyncadd.s32 $0xFFFFFFFF  }
0xb5: {  	_ =	strace $0x90000051  }
0xb6: {  	_ =	sfence  }
0xb7: {  	s30 =	sld [smem:$0x0];
	_ =	sdelay $0x2  }
0xb8: {  	s31 =	sshll.u32 s1, $0xD;
	s1 =	sshrl.u32 s1, $0x2  }
0xb9: {  	s3 =	sand.u32 $0x4000, s31;
	s1 =	sadd.s32 s1, s30  }
0xba: {  	s0 =	sor.u32 s3, s0;
	s1 =	sshll.u32 s1, $0x11  }
0xbb: {  	s0 =	sor.u32 s1, s0  }
0xbc: {  	s0 =	sadd.s32 $0x8F2B, s0  }
0xbd: {  	[sflag:s0] =	ssyncadd.remote.s32 $0x1  }
0xbe: {  	_ =	sfence.sel $0xFFFF  }
0xbf: {  	[dreg:$0x0] =	wrdreg $0xFFFFFFFF;
	(pc) =	sbr.abs _section_cstart, $3  }
0xc0: {  	[dreg:$0x1] =	wrdreg $0xFFFFFFFF  }
0xc1: {  	_ =	task.clear_ibuf [dreg:s6], $0x2FFFF;
	_ =	strace $0x9FFFFFFF  }
0xc2: {  	(tm) =	ssettm $0x7FFFFFFF  }
0xc3: {  	_ =	shalt  }
tec
execute0_lowered:
.L_overlay_start_1:
0x0: {  	(tag) =	ssettag $0x1  }
0x1: {  	s0 =	rddreg [dreg:$0x0]  }
0x2: {  	s2 =	rddreg [dreg:$0x1];
	s11 =	stileid.u32  }
0x3: {  	s4 =	srdreg.scid;
	s1 =	smul.u32 $0x4E200, s11  }
0x4: {  	s3 =	simm.s32 $0x0;
	s15 =	simm.s32 $0x3;
	s5 =	smul.u32 $0x13C00, s11  }
0x5: {  	s16 =	simm.s32 $0x280;
	s28 =	simm.s32 $0x2;
	s8 =	smul.u32 $0x4F000, s11  }
0x6: {  	s29 =	simm.s32 $0x0;
	s4 =	sand.u32 $0x1, s4;
	s10 =	smul.u32 $0x4E20, s11  }
0x7: {  	[smem:$0x7FF] =	sst s3;
	s9 =	sadd.s32 $0x12600, s0;
	s6 =	smul.u32 $0x13C000, s4  }
0x8: {  	s22 =	sshll.u32 s11, $0x6;
	_ =	strace $0x80000050;
	s20 =	smul.u32 $0x2710, s4  }
0x9: {  	s17 =	ssub.s32 $0x2, s4;
	s4 =	smul.u32 $0x27100, s4;
	s1 =	sadd.s32 s1, s0  }
0xa: {  	s7 =	sshrl.u32 s5, $0x3;
	s18 =	sshrl.u32 s17, $0x1;
	s19 =	sshrl.u32 s8, $0x2  }
0xb: {  	s7 =	sadd.s32 s7, s0;
	s5 =	sadd.s32 s5, s6;
	s6 =	ssub.s32 s17, s18  }
0xc: {  	s14 =	sadd.s32 s19, s2;
	s10 =	sadd.s32 s20, s10;
	s1 =	sadd.s32 s4, s1  }
0xd: {  	s17 =	simm.s32 $0x80;
	s18 =	simm.s32 $0x1680;
	s19 =	simm.s32 $0x100  }
0xe: {  	s20 =	simm.s32 $0x2A80;
	s5 =	sshrl.u32 s5, $0x3;
	s21 =	sadd.s32 $0x43600, s7  }
0xf: {  	s23 =	smax.u32 s6, $0x1;
	s24 =	sadd.s32 $0xA0, s10;
	s25 =	sshrl.u32 s10, $0x3  }
0x10: {  	s8 =	sadd.s32 $0x13CFA00, s1;
	s30 =	sadd.s32 $0x78, s10;
	s31 =	sadd.s32 $0x50, s10  }
0x11: {  	s10 =	sadd.s32 $0x28, s10;
	s14 =	sshrl.u32 s14, $0x3;
	[dreg:$0x3] =	wrdreg s21  }
0x12: {  	s0 =	sadd.s32 s5, s0;
	s5 =	sor.u32 $0x1C03, s22;
	[dreg:$0x5] =	wrdreg s23  }
0x13: {  	s26 =	sadd.s32 s25, s9;
	s1 =	sshrl.u32 s31, $0x3;
	s10 =	sshrl.u32 s10, $0x3  }
0x14: {  	s21 =	simm.s32 $0x180;
	s22 =	simm.s32 $0x3E80;
	s23 =	simm.s32 $0x200  }
0x15: {  	s25 =	simm.s32 $0x1;
	s0 =	sadd.s32 $0x6AE00, s0;
	[dreg:$0x6] =	wrdreg s26  }
0x16: {  	s12 =	sadd.s32 s1, s9;
	[dreg:$0x4] =	wrdreg s0;
	s0 =	sshrl.u32 s24, $0x3  }
0x17: {  	s13 =	sadd.s32 s10, s9;
	s6 =	sadd.s32 s0, s9;
	s0 =	sshrl.u32 s30, $0x3  }
0x18: {  	s26 =	simm.s32 $0x28;
	s24 =	simm.s32 $0x5280;
	s11 =	sadd.s32 s0, s9  }
.LBB2_1:
0x19: {  	s0 =	rddreg [dreg:$0x3]  }
0x1a: {  	[spmem:s14], [sflag:s5] =	dma.local [hbm:s0], $0x2780  }
0x1b: {  	_ =	swait.ge [sflag:s15], $0x2780  }
0x1c: {  	[sflag:s15] =	ssyncset.done $0x0  }
0x1d: {  	[sflag:s15] =	ssyncadd.s32 $0xFFFFD880  }
0x1e: {  	[bflag:$0x0] =	sbarrier.arrive $0xFFFF  }
0x1f: {  	s9 =	rddreg [dreg:$0x6]  }
0x20: {  	[tilespmem:s3], [sflag:$0x1] =	stream.linear.gather [hbm4b:s9+s3], $0x28, $0x38;
	[tilespmem:$0x1A280] =	vst v63  }
0x21: {  	s4 =	smov.u32 s5;
	s5 =	sadd.s32 $0x0, s8  }
0x22: {  	[tilespmem:s16], [sflag:$0x1] =	stream.linear.gather [hbm4b:s5+s3], $0x1400, $0x38;
	[tilespmem:$0x1A280] =	vst v63  }
0x23: {  	_ = 	snop  }
0x24: {  	[tilespmem:s17], [sflag:$0x1] =	stream.linear.gather [hbm4b:s13+s3], $0x28, $0x38;
	[tilespmem:$0x1A280] =	vst v63  }
0x25: {  	s1 =	sadd.s32 $0x280, s5  }
0x26: {  	[tilespmem:s18], [sflag:$0x1] =	stream.linear.gather [hbm4b:s1+s3], $0x1400, $0x38;
	[tilespmem:$0x1A280] =	vst v63  }
0x27: {  	_ = 	snop  }
0x28: {  	[tilespmem:s19], [sflag:$0x1] =	stream.linear.gather [hbm4b:s12+s3], $0x28, $0x38;
	[tilespmem:$0x1A280] =	vst v63  }
0x29: {  	s7 =	sadd.s32 $0x500, s5  }
0x2a: {  	[tilespmem:s20], [sflag:$0x1] =	stream.linear.gather [hbm4b:s7+s3], $0x1400, $0x38;
	[tilespmem:$0x1A280] =	vst v63  }
0x2b: {  	_ = 	snop  }
0x2c: {  	[tilespmem:s21], [sflag:$0x1] =	stream.linear.gather [hbm4b:s11+s3], $0x28, $0x38;
	[tilespmem:$0x1A280] =	vst v63  }
0x2d: {  	s10 =	sadd.s32 $0x780, s5  }
0x2e: {  	[tilespmem:s22], [sflag:$0x1] =	stream.linear.gather [hbm4b:s10+s3], $0x1400, $0x38;
	[tilespmem:$0x1A280] =	vst v63  }
0x2f: {  	_ = 	snop  }
0x30: {  	[tilespmem:s23], [sflag:$0x1] =	stream.linear.gather [hbm4b:s6+s3], $0x28, $0x38;
	[tilespmem:$0x1A280] =	vst v63  }
0x31: {  	s0 =	sadd.s32 $0xA00, s5  }
0x32: {  	[tilespmem:s24], [sflag:$0x1] =	stream.linear.gather [hbm4b:s0+s3], $0x1400, $0x38;
	[tilespmem:$0x1A280] =	vst v63  }
0x33: {  	_ =	swait.ge [sflag:s25], $0x28  }
0x34: {  	[sflag:s25] =	ssyncset.done $0x0  }
0x35: {  	[sflag:s25] =	ssyncadd.s32 $0xFFFFFFD8  }
0x36: {  	_ =	swait.ge [sflag:s25], $0x1400  }
0x37: {  	[sflag:s25] =	ssyncset.done $0x0  }
0x38: {  	[sflag:s25] =	ssyncadd.s32 $0xFFFFEC00  }
0x39: {  	[spmem:s2] =	stream.indirect.scatter.add.f32 [tilespmem:s16], [sflag:$0x2], $0x80, s3, s26, $0xb8;
	[tilespmem:$0x1A280] =	vst v63  }
0x3a: {  	_ =	swait.ge [sflag:s25], $0x28  }
0x3b: {  	[sflag:s25] =	ssyncset.done $0x0  }
0x3c: {  	[sflag:s25] =	ssyncadd.s32 $0xFFFFFFD8  }
0x3d: {  	_ =	swait.ge [sflag:s25], $0x1400  }
0x3e: {  	[sflag:s25] =	ssyncset.done $0x0  }
0x3f: {  	[sflag:s25] =	ssyncadd.s32 $0xFFFFEC00  }
0x40: {  	[spmem:s2] =	stream.indirect.scatter.add.f32 [tilespmem:s18], [sflag:$0x2], $0x80, s17, s26, $0xb8;
	[tilespmem:$0x1A280] =	vst v63  }
0x41: {  	_ =	swait.ge [sflag:s25], $0x28  }
0x42: {  	[sflag:s25] =	ssyncset.done $0x0  }
0x43: {  	[sflag:s25] =	ssyncadd.s32 $0xFFFFFFD8  }
0x44: {  	_ =	swait.ge [sflag:s25], $0x1400  }
0x45: {  	[sflag:s25] =	ssyncset.done $0x0  }
0x46: {  	[sflag:s25] =	ssyncadd.s32 $0xFFFFEC00  }
0x47: {  	[spmem:s2] =	stream.indirect.scatter.add.f32 [tilespmem:s20], [sflag:$0x2], $0x80, s19, s26, $0xb8;
	[tilespmem:$0x1A280] =	vst v63  }
0x48: {  	_ =	swait.ge [sflag:s25], $0x28  }
0x49: {  	[sflag:s25] =	ssyncset.done $0x0  }
0x4a: {  	[sflag:s25] =	ssyncadd.s32 $0xFFFFFFD8  }
0x4b: {  	_ =	swait.ge [sflag:s25], $0x1400  }
0x4c: {  	[sflag:s25] =	ssyncset.done $0x0  }
0x4d: {  	[sflag:s25] =	ssyncadd.s32 $0xFFFFEC00  }
0x4e: {  	[spmem:s2] =	stream.indirect.scatter.add.f32 [tilespmem:s22], [sflag:$0x2], $0x80, s21, s26, $0xb8;
	[tilespmem:$0x1A280] =	vst v63  }
0x4f: {  	_ =	swait.ge [sflag:s25], $0x28  }
0x50: {  	[sflag:s25] =	ssyncset.done $0x0  }
0x51: {  	[sflag:s25] =	ssyncadd.s32 $0xFFFFFFD8  }
0x52: {  	_ =	swait.ge [sflag:s25], $0x1400  }
0x53: {  	[sflag:s25] =	ssyncset.done $0x0  }
0x54: {  	[sflag:s25] =	ssyncadd.s32 $0xFFFFEC00  }
0x55: {  	[spmem:s2] =	stream.indirect.scatter.add.f32 [tilespmem:s24], [sflag:$0x2], $0x80, s23, s26, $0xb8;
	[tilespmem:$0x1A280] =	vst v63  }
0x56: {  	_ =	swait.ge [sflag:s28], $0x1400  }
0x57: {  	[sflag:s28] =	ssyncset.done $0x0  }
0x58: {  	[sflag:s28] =	ssyncadd.s32 $0xFFFFEC00  }
0x59: {  	_ =	swait.ge [sflag:s28], $0x1400  }
0x5a: {  	[sflag:s28] =	ssyncset.done $0x0  }
0x5b: {  	[sflag:s28] =	ssyncadd.s32 $0xFFFFEC00  }
0x5c: {  	_ =	swait.ge [sflag:s28], $0x1400  }
0x5d: {  	[sflag:s28] =	ssyncset.done $0x0  }
0x5e: {  	[sflag:s28] =	ssyncadd.s32 $0xFFFFEC00  }
0x5f: {  	_ =	swait.ge [sflag:s28], $0x1400  }
0x60: {  	[sflag:s28] =	ssyncset.done $0x0  }
0x61: {  	s30 =	simm.s32 $0xC80;
	[sflag:s28] =	ssyncadd.s32 $0xFFFFEC00  }
0x62: {  	s31 =	sadd.s32 $0x19, s13;
	s1 =	sadd.s32 $0x19, s12;
	_ =	swait.ge [sflag:s28], $0x1400  }
0x63: {  	s10 =	smov.u32 s6;
	s0 =	sadd.s32 $0x19, s11;
	[sflag:s28] =	ssyncset.done $0x0  }
.LBB2_2:
0x64: {  	[sflag:s28] =	ssyncadd.s32 $0xFFFFEC00;
	s9 =	sadd.s32 $0x19, s9;
	s10 =	sadd.s32 $0x19, s10  }
0x65: {  	[tilespmem:s3], [sflag:$0x1] =	stream.linear.gather [hbm4b:s9+s3], $0x28, $0x38;
	[tilespmem:$0x1A280] =	vst v63  }
0x66: {  	s7 =	sadd.s32 s30, s8;
	p0 =	sne.s32 s30, $0x26480;
	s30 =	sadd.s32 $0xC80, s30  }
0x67: {  	[tilespmem:s16], [sflag:$0x1] =	stream.linear.gather [hbm4b:s7+s3], $0x1400, $0x38;
	[tilespmem:$0x1A280] =	vst v63  }
0x68: {  	_ = 	snop  }
0x69: {  	[tilespmem:s17], [sflag:$0x1] =	stream.linear.gather [hbm4b:s31+s3], $0x28, $0x38;
	[tilespmem:$0x1A280] =	vst v63  }
0x6a: {  	s5 =	sadd.s32 $0x280, s7  }
0x6b: {  	[tilespmem:s18], [sflag:$0x1] =	stream.linear.gather [hbm4b:s5+s3], $0x1400, $0x38;
	[tilespmem:$0x1A280] =	vst v63  }
0x6c: {  	_ = 	snop  }
0x6d: {  	[tilespmem:s19], [sflag:$0x1] =	stream.linear.gather [hbm4b:s1+s3], $0x28, $0x38;
	[tilespmem:$0x1A280] =	vst v63  }
0x6e: {  	s5 =	sadd.s32 $0x500, s7  }
0x6f: {  	[tilespmem:s20], [sflag:$0x1] =	stream.linear.gather [hbm4b:s5+s3], $0x1400, $0x38;
	[tilespmem:$0x1A280] =	vst v63  }
0x70: {  	_ = 	snop  }
0x71: {  	[tilespmem:s21], [sflag:$0x1] =	stream.linear.gather [hbm4b:s0+s3], $0x28, $0x38;
	[tilespmem:$0x1A280] =	vst v63  }
0x72: {  	s5 =	sadd.s32 $0x780, s7  }
0x73: {  	[tilespmem:s22], [sflag:$0x1] =	stream.linear.gather [hbm4b:s5+s3], $0x1400, $0x38;
	[tilespmem:$0x1A280] =	vst v63  }
0x74: {  	_ = 	snop  }
0x75: {  	[tilespmem:s23], [sflag:$0x1] =	stream.linear.gather [hbm4b:s10+s3], $0x28, $0x38;
	[tilespmem:$0x1A280] =	vst v63  }
0x76: {  	s5 =	sadd.s32 $0xA00, s7  }
0x77: {  	[tilespmem:s24], [sflag:$0x1] =	stream.linear.gather [hbm4b:s5+s3], $0x1400, $0x38;
	[tilespmem:$0x1A280] =	vst v63  }
0x78: {  	_ =	swait.ge [sflag:s25], $0x28  }
0x79: {  	[sflag:s25] =	ssyncset.done $0x0  }
0x7a: {  	[sflag:s25] =	ssyncadd.s32 $0xFFFFFFD8  }
0x7b: {  	_ =	swait.ge [sflag:s25], $0x1400  }
0x7c: {  	[sflag:s25] =	ssyncset.done $0x0  }
0x7d: {  	[sflag:s25] =	ssyncadd.s32 $0xFFFFEC00  }
0x7e: {  	[spmem:s2] =	stream.indirect.scatter.add.f32 [tilespmem:s16], [sflag:$0x2], $0x80, s3, s26, $0xb8;
	[tilespmem:$0x1A280] =	vst v63  }
0x7f: {  	_ =	swait.ge [sflag:s25], $0x28  }
0x80: {  	[sflag:s25] =	ssyncset.done $0x0  }
0x81: {  	[sflag:s25] =	ssyncadd.s32 $0xFFFFFFD8  }
0x82: {  	_ =	swait.ge [sflag:s25], $0x1400  }
0x83: {  	[sflag:s25] =	ssyncset.done $0x0  }
0x84: {  	[sflag:s25] =	ssyncadd.s32 $0xFFFFEC00  }
0x85: {  	[spmem:s2] =	stream.indirect.scatter.add.f32 [tilespmem:s18], [sflag:$0x2], $0x80, s17, s26, $0xb8;
	[tilespmem:$0x1A280] =	vst v63  }
0x86: {  	_ =	swait.ge [sflag:s25], $0x28  }
0x87: {  	[sflag:s25] =	ssyncset.done $0x0  }
0x88: {  	[sflag:s25] =	ssyncadd.s32 $0xFFFFFFD8  }
0x89: {  	_ =	swait.ge [sflag:s25], $0x1400  }
0x8a: {  	[sflag:s25] =	ssyncset.done $0x0  }
0x8b: {  	[sflag:s25] =	ssyncadd.s32 $0xFFFFEC00  }
0x8c: {  	[spmem:s2] =	stream.indirect.scatter.add.f32 [tilespmem:s20], [sflag:$0x2], $0x80, s19, s26, $0xb8;
	[tilespmem:$0x1A280] =	vst v63  }
0x8d: {  	_ =	swait.ge [sflag:s25], $0x28  }
0x8e: {  	[sflag:s25] =	ssyncset.done $0x0  }
0x8f: {  	[sflag:s25] =	ssyncadd.s32 $0xFFFFFFD8  }
0x90: {  	_ =	swait.ge [sflag:s25], $0x1400  }
0x91: {  	[sflag:s25] =	ssyncset.done $0x0  }
0x92: {  	[sflag:s25] =	ssyncadd.s32 $0xFFFFEC00  }
0x93: {  	[spmem:s2] =	stream.indirect.scatter.add.f32 [tilespmem:s22], [sflag:$0x2], $0x80, s21, s26, $0xb8;
	[tilespmem:$0x1A280] =	vst v63  }
0x94: {  	_ =	swait.ge [sflag:s25], $0x28  }
0x95: {  	[sflag:s25] =	ssyncset.done $0x0  }
0x96: {  	[sflag:s25] =	ssyncadd.s32 $0xFFFFFFD8  }
0x97: {  	_ =	swait.ge [sflag:s25], $0x1400  }
0x98: {  	[sflag:s25] =	ssyncset.done $0x0  }
0x99: {  	[sflag:s25] =	ssyncadd.s32 $0xFFFFEC00  }
0x9a: {  	[spmem:s2] =	stream.indirect.scatter.add.f32 [tilespmem:s24], [sflag:$0x2], $0x80, s23, s26, $0xb8;
	[tilespmem:$0x1A280] =	vst v63  }
0x9b: {  	_ =	swait.ge [sflag:s28], $0x1400  }
0x9c: {  	[sflag:s28] =	ssyncset.done $0x0  }
0x9d: {  	[sflag:s28] =	ssyncadd.s32 $0xFFFFEC00  }
0x9e: {  	_ =	swait.ge [sflag:s28], $0x1400  }
0x9f: {  	[sflag:s28] =	ssyncset.done $0x0  }
0xa0: {  	[sflag:s28] =	ssyncadd.s32 $0xFFFFEC00  }
0xa1: {  	_ =	swait.ge [sflag:s28], $0x1400  }
0xa2: {  	[sflag:s28] =	ssyncset.done $0x0  }
0xa3: {  	[sflag:s28] =	ssyncadd.s32 $0xFFFFEC00  }
.Ltmp0:
0xa4: {  	_ =	swait.ge [sflag:s28], $0x1400;
	(pc) =	sbr.rel @p0 .LBB2_2-.Ltmp0, $4  }
0xa5: {  	[sflag:s28] =	ssyncset.done $0x0  }
0xa6: {  	[sflag:s28] =	ssyncadd.s32 $0xFFFFEC00  }
0xa7: {  	s31 =	sadd.s32 $0x19, s31;
	_ =	swait.ge [sflag:s28], $0x1400  }
0xa8: {  	s1 =	sadd.s32 $0x19, s1;
	s0 =	sadd.s32 $0x19, s0;
	[sflag:s28] =	ssyncset.done $0x0  }
0xa9: {  	[sflag:s28] =	ssyncadd.s32 $0xFFFFEC00  }
0xaa: {  	[bflag:$0x0] =	sbarrier.arrive $0xFFFF  }
0xab: {  	s0 =	rddreg [dreg:$0x4]  }
0xac: {  	[hbm:s0], [sflag:s4] =	dma.local [spmem:s14], $0x2780  }
0xad: {  	_ =	swait.ge [sflag:s15], $0x2780  }
0xae: {  	s29 =	sadd.s32 $0x1, s29;
	s31 =	rddreg [dreg:$0x5]  }
0xaf: {  	p0 =	sne.s32 s29, s31  }
.Ltmp1:
0xb0: {  	_ = 	snop;
	(pc) =	sbr.rel @p0 .LBB2_1-.Ltmp1, $3  }
0xb1: {  	_ =	sdelay $0x1  }
0xb2: {  	[sflag:s15] =	ssyncset.done $0x0  }
0xb3: {  	s5 =	smov.u32 s4;
	[sflag:s15] =	ssyncadd.s32 $0xFFFFD880  }
0xb4: {  	_ =	sfence.sel $0x180000  }
0xb5: {  	[bflag:$0x0] =	sbarrier.arrive $0xFFFF  }
0xb6: {  	_ =	strace $0x90000050  }
0xb7: {  	s0 =	stileid.u32;
	[bflag:$0x2] =	sbarrier.arrive $0xFFFF  }
0xb8: {  	p0 =	sne.s32 s0, $0x0;
	s0 =	rddreg [dreg:$0x2]  }
0xb9: {  	s0 =	sadd.s32 @!p0 $0x100000, s0  }
0xba: {  	[sflag:s0] =	ssyncadd.tile.s32 @!p0 $0x1;
	_ =	shalt  }
.Lfunc_end2:
_tile_overlayer_lowered:
.L_overlay_start_2:
0xbb: {  	(tag) =	ssettag $0x2  }
0xbc: {  	s0 =	rddreg [dreg:$0x0];
	s2 =	stileid.u32  }
0xbd: {  	s1 =	rddreg [dreg:$0x1];
	p0 =	sne.s32 s2, $0x0  }
0xbe: {  	s3 =	rddreg [dreg:$0x2];
	[bflag:$0x3] =	sbarrier.arrive $0xFFFF;
	s2 =	simm.s32 @!p0 $0x1C03  }
0xbf: {  	[timem:s3], [sflag:s2] =	dma.local @!p0 [hbm:s0], s1  }
0xc0: {  	s0 =	simm.s32 @!p0 $0x3  }
0xc1: {  	_ =	swait.ge @!p0 [sflag:s0], s1  }
0xc2: {  	s1 =	ssub.s32 @!p0 $0x0, s1;
	[sflag:s0] =	ssyncset.done @!p0 $0x0  }
0xc3: {  	[sflag:s0] =	ssyncadd.s32 @!p0 s1  }
0xc4: {  	[bflag:$0x3] =	sbarrier.arrive $0xFFFF  }
0xc5: {  	_ =	shalt  }

</sc_bundles>
